<compile_context>
chip_gen: v7x
topology: tpu7x:2x2x1
jax: 0.10.2.dev20260603
libtpu: 0.0.44.dev20260713+nightly
codegen_flags: <defaults>
</compile_context>

<pallas_src>
import functools

import jax
import jax.numpy as jnp
from jax import lax
from jax.experimental import pallas as pl
from jax.experimental.pallas import tpu as pltpu
from jax.experimental.pallas import tpu_sc as plsc

N_NODES = 10000
N_PAD = 10240
D_IN = 128
D_HID = 128
D_OUT = 64
N_EDGES = 320000
NC, NS = 2, 16
NW = NC * NS
EDGES_PER_W = 10240
E_PAD = EDGES_PER_W * NW
ROWS_PER_TILE = N_PAD // NS

KG = 80
CHUNKS_G = EDGES_PER_W // KG
KC = 128
CHUNKS_C = EDGES_PER_W // KC
IDX_BLK = 8

CH0_G, CH1_G = 208, 48
CH0_C, CH1_C = 136, 24


def _tc1_body(x_ref, w1_ref, asv_ref, adv_ref, h_ref, as_ref, ad_ref):
    h = jnp.dot(x_ref[...], w1_ref[...], preferred_element_type=jnp.float32)
    h_ref[...] = h
    as_ref[...] = jnp.dot(h, asv_ref[...], preferred_element_type=jnp.float32)
    ad_ref[...] = jnp.dot(h, adv_ref[...], preferred_element_type=jnp.float32)


def _tc1(x_pad, W1, att_src, att_dst):
    grid = (N_PAD // 128,)
    return pl.pallas_call(
        _tc1_body,
        grid=grid,
        in_specs=[
            pl.BlockSpec((128, D_IN), lambda i: (i, 0)),
            pl.BlockSpec((D_IN, D_HID), lambda i: (0, 0)),
            pl.BlockSpec((D_HID, 1), lambda i: (0, 0)),
            pl.BlockSpec((D_HID, 1), lambda i: (0, 0)),
        ],
        out_specs=[
            pl.BlockSpec((128, D_HID), lambda i: (i, 0)),
            pl.BlockSpec((128, 1), lambda i: (i, 0)),
            pl.BlockSpec((128, 1), lambda i: (i, 0)),
        ],
        out_shape=[
            jax.ShapeDtypeStruct((N_PAD, D_HID), jnp.float32),
            jax.ShapeDtypeStruct((N_PAD, 1), jnp.float32),
            jax.ShapeDtypeStruct((N_PAD, 1), jnp.float32),
        ],
    )(x_pad, W1, att_src.reshape(D_HID, 1), att_dst.reshape(D_HID, 1))


def _sc_gat_body(src2d, dst2d, asrc_hbm, adst_hbm, h_hbm,
                 out1_hbm, den_hbm, deg_hbm,
                 sidx_v, didx_v, asrc_t, adst_t, ev0, ev1, ones_v,
                 rb0, rb1, acc1, accden, accdeg, sem0, sem1, ss0, ss1):
    c = lax.axis_index("c")
    s = lax.axis_index("s")
    wid = c * NS + s

    def zrow(i, _):
        for f in range(D_HID // 16):
            rb0[i, pl.ds(f * 16, 16)] = jnp.zeros((16,), jnp.float32)
        return 0
    lax.fori_loop(0, KG, zrow, 0)
    for j in range(KG // 16):
        ev0[pl.ds(j * 16, 16)] = jnp.zeros((16,), jnp.float32)
        ones_v[pl.ds(j * 16, 16)] = jnp.ones((16,), jnp.float32)
    for t in range(ROWS_PER_TILE // KG):
        pltpu.sync_copy(rb0, acc1.at[pl.ds(s * ROWS_PER_TILE + t * KG, KG)])
        pltpu.sync_copy(ev0, accden.at[pl.ds(s * ROWS_PER_TILE + t * KG, KG)])
        pltpu.sync_copy(ev0, accdeg.at[pl.ds(s * ROWS_PER_TILE + t * KG, KG)])
    plsc.subcore_barrier()

    pltpu.sync_copy(asrc_hbm, asrc_t)
    pltpu.sync_copy(adst_hbm, adst_t)

    def compute_e(g, ev):
        def ebody(j, _):
            sv = sidx_v[g, pl.ds(j * 16, 16)]
            dv = didx_v[g, pl.ds(j * 16, 16)]
            va = plsc.load_gather(asrc_t, [sv])
            vb = plsc.load_gather(adst_t, [dv])
            al = va + vb
            al = jnp.where(al > 0, al, 0.2 * al)
            ev[pl.ds(j * 16, 16)] = jnp.exp(al)
            return 0
        lax.fori_loop(0, KG // 16, ebody, 0, unroll=KG // 16)

    def scale(rb, ev):
        def sbody(i, _):
            ii = jax.lax.broadcast(i, (16,)).astype(jnp.int32)
            eb = plsc.load_gather(ev, [ii])
            for f in range(D_HID // 16):
                rb[i, pl.ds(f * 16, 16)] = rb[i, pl.ds(f * 16, 16)] * eb
            return 0
        lax.fori_loop(0, KG, sbody, 0, unroll=2)

    chunk0 = jnp.where(c == 0, s * CH0_G, NS * CH0_G + s * CH1_G)
    nblk = jnp.where(c == 0, CH0_G // IDX_BLK, CH1_G // IDX_BLK)

    def blk_body(b, _):
        base = chunk0 + b * IDX_BLK
        pltpu.sync_copy(src2d.at[pl.ds(base, IDX_BLK)], sidx_v)
        pltpu.sync_copy(dst2d.at[pl.ds(base, IDX_BLK)], didx_v)

        pltpu.async_copy(h_hbm.at[sidx_v.at[0]], rb0, sem0)

        def pair_body(p, _):
            g0 = 2 * p
            g1 = 2 * p + 1

            @pl.when(p > 0)
            def _():
                pltpu.make_async_copy(rb1, acc1.at[didx_v.at[g1]], ss1).wait()

            pltpu.async_copy(h_hbm.at[sidx_v.at[g1]], rb1, sem1)

            compute_e(g0, ev0)
            pltpu.sync_copy(ev0, accden.at[didx_v.at[g0]], add=True)
            pltpu.sync_copy(ones_v, accdeg.at[didx_v.at[g0]], add=True)

            pltpu.make_async_copy(h_hbm.at[sidx_v.at[g0]], rb0, sem0).wait()
            scale(rb0, ev0)
            pltpu.async_copy(rb0, acc1.at[didx_v.at[g0]], ss0, add=True)

            compute_e(g1, ev1)
            pltpu.sync_copy(ev1, accden.at[didx_v.at[g1]], add=True)
            pltpu.sync_copy(ones_v, accdeg.at[didx_v.at[g1]], add=True)

            @pl.when(p < IDX_BLK // 2 - 1)
            def _():
                pltpu.make_async_copy(rb0, acc1.at[didx_v.at[g0]], ss0).wait()
                pltpu.async_copy(h_hbm.at[sidx_v.at[g0 + 2]], rb0, sem0)

            pltpu.make_async_copy(h_hbm.at[sidx_v.at[g1]], rb1, sem1).wait()
            scale(rb1, ev1)
            pltpu.async_copy(rb1, acc1.at[didx_v.at[g1]], ss1, add=True)
            return 0

        lax.fori_loop(0, IDX_BLK // 2, pair_body, 0)
        pltpu.make_async_copy(rb0, acc1.at[didx_v.at[0]], ss0).wait()
        pltpu.make_async_copy(rb1, acc1.at[didx_v.at[0]], ss1).wait()
        return 0

    lax.fori_loop(0, nblk, blk_body, 0)
    plsc.subcore_barrier()

    off = c * N_PAD + s * ROWS_PER_TILE
    pltpu.sync_copy(acc1.at[pl.ds(s * ROWS_PER_TILE, ROWS_PER_TILE)],
                    out1_hbm.at[pl.ds(off, ROWS_PER_TILE)])
    pltpu.sync_copy(accden.at[pl.ds(s * ROWS_PER_TILE, ROWS_PER_TILE)],
                    den_hbm.at[pl.ds(off, ROWS_PER_TILE)])
    pltpu.sync_copy(accdeg.at[pl.ds(s * ROWS_PER_TILE, ROWS_PER_TILE)],
                    deg_hbm.at[pl.ds(off, ROWS_PER_TILE)])


def _sc_gat(src2d, dst2d, a_src, a_dst, h):
    mesh = plsc.VectorSubcoreMesh(core_axis_name="c", subcore_axis_name="s",
                                  num_cores=NC, num_subcores=NS)
    f = pl.kernel(
        _sc_gat_body,
        out_type=[
            jax.ShapeDtypeStruct((NC * N_PAD, D_HID), jnp.float32),
            jax.ShapeDtypeStruct((NC * N_PAD,), jnp.float32),
            jax.ShapeDtypeStruct((NC * N_PAD,), jnp.float32),
        ],
        mesh=mesh,
        scratch_types=[
            pltpu.VMEM((IDX_BLK, KG), jnp.int32),
            pltpu.VMEM((IDX_BLK, KG), jnp.int32),
            pltpu.VMEM((N_PAD,), jnp.float32),
            pltpu.VMEM((N_PAD,), jnp.float32),
            pltpu.VMEM((KG,), jnp.float32),
            pltpu.VMEM((KG,), jnp.float32),
            pltpu.VMEM((KG,), jnp.float32),
            pltpu.VMEM((KG, D_HID), jnp.float32),
            pltpu.VMEM((KG, D_HID), jnp.float32),
            pltpu.VMEM_SHARED((N_PAD, D_HID), jnp.float32),
            pltpu.VMEM_SHARED((N_PAD,), jnp.float32),
            pltpu.VMEM_SHARED((N_PAD,), jnp.float32),
            pltpu.SemaphoreType.DMA,
            pltpu.SemaphoreType.DMA,
            pltpu.SemaphoreType.DMA,
            pltpu.SemaphoreType.DMA,
        ],
        compiler_params=pltpu.CompilerParams(needs_layout_passes=False),
    )
    return f(src2d, dst2d, a_src, a_dst, h)


def _tc2_body(p0_ref, p1_ref, h_ref, as_ref, ad_ref, d0_ref, d1_ref,
              g0_ref, g1_ref, b1_ref, w2_ref, h2p_ref, dinv_ref):
    al = as_ref[...] + ad_ref[...]
    al = jnp.where(al > 0, al, 0.2 * al)
    eself = jnp.exp(al)
    num = p0_ref[0] + p1_ref[0] + eself * h_ref[...]
    den = d0_ref[0] + d1_ref[0] + eself + 1e-16
    out1 = num / den + b1_ref[...]
    h1 = jnp.maximum(out1, 0.0)
    h2 = jnp.dot(h1, w2_ref[...], preferred_element_type=jnp.float32)
    deg = g0_ref[0] + g1_ref[0] + 1.0
    dinv = lax.rsqrt(deg)
    h2p_ref[...] = jnp.concatenate(
        [h2 * dinv, jnp.zeros((128, D_HID - D_OUT), jnp.float32)], axis=1)
    dinv_ref[...] = dinv


def _tc2(out1p, h, a_s, a_d, denp, degp, b1, W2):
    grid = (N_PAD // 128,)
    return pl.pallas_call(
        _tc2_body,
        grid=grid,
        in_specs=[
            pl.BlockSpec((1, 128, D_HID), lambda i: (0, i, 0)),
            pl.BlockSpec((1, 128, D_HID), lambda i: (1, i, 0)),
            pl.BlockSpec((128, D_HID), lambda i: (i, 0)),
            pl.BlockSpec((128, 1), lambda i: (i, 0)),
            pl.BlockSpec((128, 1), lambda i: (i, 0)),
            pl.BlockSpec((1, 128, 1), lambda i: (0, i, 0)),
            pl.BlockSpec((1, 128, 1), lambda i: (1, i, 0)),
            pl.BlockSpec((1, 128, 1), lambda i: (0, i, 0)),
            pl.BlockSpec((1, 128, 1), lambda i: (1, i, 0)),
            pl.BlockSpec((1, D_HID), lambda i: (0, 0)),
            pl.BlockSpec((D_HID, D_OUT), lambda i: (0, 0)),
        ],
        out_specs=[
            pl.BlockSpec((128, D_HID), lambda i: (i, 0)),
            pl.BlockSpec((128, 1), lambda i: (i, 0)),
        ],
        out_shape=[
            jax.ShapeDtypeStruct((N_PAD, D_HID), jnp.float32),
            jax.ShapeDtypeStruct((N_PAD, 1), jnp.float32),
        ],
    )(out1p.reshape(NC, N_PAD, D_HID), out1p.reshape(NC, N_PAD, D_HID),
      h, a_s, a_d,
      denp.reshape(NC, N_PAD, 1), denp.reshape(NC, N_PAD, 1),
      degp.reshape(NC, N_PAD, 1), degp.reshape(NC, N_PAD, 1),
      b1.reshape(1, D_HID), W2)


def _sc_gcn_body(src2d, dst2d, h2p_hbm, out2_hbm,
                 sidx_v, didx_v, rb0, rb1, acc2, sem0, sem1, ss0, ss1):
    c = lax.axis_index("c")
    s = lax.axis_index("s")

    def zrow(i, _):
        for f in range(D_HID // 16):
            rb0[i, pl.ds(f * 16, 16)] = jnp.zeros((16,), jnp.float32)
        return 0
    lax.fori_loop(0, KC, zrow, 0)
    for t in range(ROWS_PER_TILE // KC):
        pltpu.sync_copy(rb0, acc2.at[pl.ds(s * ROWS_PER_TILE + t * KC, KC)])
    plsc.subcore_barrier()

    chunk0 = jnp.where(c == 0, s * CH0_C, NS * CH0_C + s * CH1_C)
    nblk = jnp.where(c == 0, CH0_C // IDX_BLK, CH1_C // IDX_BLK)

    def blk_body(b, _):
        base = chunk0 + b * IDX_BLK
        pltpu.sync_copy(src2d.at[pl.ds(base, IDX_BLK)], sidx_v)
        pltpu.sync_copy(dst2d.at[pl.ds(base, IDX_BLK)], didx_v)

        pltpu.async_copy(h2p_hbm.at[sidx_v.at[0]], rb0, sem0)

        def pair_body(p, _):
            g0 = 2 * p
            g1 = 2 * p + 1

            @pl.when(p > 0)
            def _():
                pltpu.make_async_copy(rb1, acc2.at[didx_v.at[g1]], ss1).wait()

            pltpu.async_copy(h2p_hbm.at[sidx_v.at[g1]], rb1, sem1)
            pltpu.make_async_copy(h2p_hbm.at[sidx_v.at[g0]], rb0, sem0).wait()
            pltpu.async_copy(rb0, acc2.at[didx_v.at[g0]], ss0, add=True)

            @pl.when(p < IDX_BLK // 2 - 1)
            def _():
                pltpu.make_async_copy(rb0, acc2.at[didx_v.at[g0]], ss0).wait()
                pltpu.async_copy(h2p_hbm.at[sidx_v.at[g0 + 2]], rb0, sem0)

            pltpu.make_async_copy(h2p_hbm.at[sidx_v.at[g1]], rb1, sem1).wait()
            pltpu.async_copy(rb1, acc2.at[didx_v.at[g1]], ss1, add=True)
            return 0

        lax.fori_loop(0, IDX_BLK // 2, pair_body, 0)
        pltpu.make_async_copy(rb0, acc2.at[didx_v.at[0]], ss0).wait()
        pltpu.make_async_copy(rb1, acc2.at[didx_v.at[0]], ss1).wait()
        return 0

    lax.fori_loop(0, nblk, blk_body, 0)
    plsc.subcore_barrier()

    off = c * N_PAD + s * ROWS_PER_TILE
    pltpu.sync_copy(acc2.at[pl.ds(s * ROWS_PER_TILE, ROWS_PER_TILE)],
                    out2_hbm.at[pl.ds(off, ROWS_PER_TILE)])


def _sc_gcn(src2d, dst2d, h2p):
    mesh = plsc.VectorSubcoreMesh(core_axis_name="c", subcore_axis_name="s",
                                  num_cores=NC, num_subcores=NS)
    f = pl.kernel(
        _sc_gcn_body,
        out_type=jax.ShapeDtypeStruct((NC * N_PAD, D_HID), jnp.float32),
        mesh=mesh,
        scratch_types=[
            pltpu.VMEM((IDX_BLK, KC), jnp.int32),
            pltpu.VMEM((IDX_BLK, KC), jnp.int32),
            pltpu.VMEM((KC, D_HID), jnp.float32),
            pltpu.VMEM((KC, D_HID), jnp.float32),
            pltpu.VMEM_SHARED((N_PAD, D_HID), jnp.float32),
            pltpu.SemaphoreType.DMA,
            pltpu.SemaphoreType.DMA,
            pltpu.SemaphoreType.DMA,
            pltpu.SemaphoreType.DMA,
        ],
        compiler_params=pltpu.CompilerParams(needs_layout_passes=False),
    )
    return f(src2d, dst2d, h2p)


def _tc3_body(q0_ref, q1_ref, h2p_ref, dinv_ref, b2_ref, out_ref):
    acc = (q0_ref[0] + q1_ref[0] + h2p_ref[...])[:, :D_OUT]
    out_ref[...] = dinv_ref[...] * acc + b2_ref[...]


def _tc3(out2p, h2p, dinv, b2):
    grid = (N_PAD // 128,)
    return pl.pallas_call(
        _tc3_body,
        grid=grid,
        in_specs=[
            pl.BlockSpec((1, 128, D_HID), lambda i: (0, i, 0)),
            pl.BlockSpec((1, 128, D_HID), lambda i: (1, i, 0)),
            pl.BlockSpec((128, D_HID), lambda i: (i, 0)),
            pl.BlockSpec((128, 1), lambda i: (i, 0)),
            pl.BlockSpec((1, D_OUT), lambda i: (0, 0)),
        ],
        out_specs=pl.BlockSpec((128, D_OUT), lambda i: (i, 0)),
        out_shape=jax.ShapeDtypeStruct((N_PAD, D_OUT), jnp.float32),
    )(out2p.reshape(NC, N_PAD, D_HID), out2p.reshape(NC, N_PAD, D_HID),
      h2p, dinv, b2.reshape(1, D_OUT))


def kernel(x, edge_index, W1, att_src, att_dst, b1, W2, b2):
    x_pad = jnp.pad(x, ((0, N_PAD - N_NODES), (0, 0)))
    src = edge_index[0].astype(jnp.int32)
    dst = edge_index[1].astype(jnp.int32)
    pad = jnp.full((E_PAD - N_EDGES,), N_PAD - 1, jnp.int32)
    src_flat = jnp.concatenate([src, pad])
    dst_flat = jnp.concatenate([dst, pad])
    src_g = src_flat.reshape(NW * CHUNKS_G, KG)
    dst_g = dst_flat.reshape(NW * CHUNKS_G, KG)
    src_c = src_flat.reshape(NW * CHUNKS_C, KC)
    dst_c = dst_flat.reshape(NW * CHUNKS_C, KC)

    h, a_s, a_d = _tc1(x_pad, W1, att_src, att_dst)
    out1p, denp, degp = _sc_gat(src_g, dst_g,
                                a_s.reshape(N_PAD), a_d.reshape(N_PAD), h)
    h2p, dinv = _tc2(out1p, h, a_s, a_d, denp, degp, b1, W2)
    out2p = _sc_gcn(src_c, dst_c, h2p)
    out2 = _tc3(out2p, h2p, dinv, b2)
    return out2[:N_NODES]

# --- scband reference (transcript-rebuilt; emitter-appended) ---
"""Pipeline reference for scband-gatgcn-5858335392234 (READ-ONLY COPY).

The authoritative reference and input builder live on the scoring server;
editing this copy changes nothing except your own understanding.
"""

import jax, jax.numpy as jnp
import numpy as np

N_NODES = 10000
N_EDGES = 320000
D_IN = 128
D_HID = 128
D_OUT = 64


def setup_inputs(seed: int = 0) -> dict:
    key = jax.random.key(seed)
    ks = jax.random.split(key, 8)
    x = jax.random.normal(ks[0], (N_NODES, D_IN), dtype=jnp.float32)
    edge_index = jax.random.randint(ks[1], (2, N_EDGES), 0, N_NODES, dtype=jnp.int64)
    W1 = jax.random.normal(ks[2], (D_IN, D_HID), dtype=jnp.float32) * (1.0 / np.sqrt(D_IN))
    att_src = jax.random.normal(ks[3], (D_HID,), dtype=jnp.float32) * 0.1
    att_dst = jax.random.normal(ks[4], (D_HID,), dtype=jnp.float32) * 0.1
    b1 = jnp.zeros((D_HID,), dtype=jnp.float32)
    W2 = jax.random.normal(ks[5], (D_HID, D_OUT), dtype=jnp.float32) * (1.0 / np.sqrt(D_HID))
    b2 = jnp.zeros((D_OUT,), dtype=jnp.float32)
    return {"x": x, "edge_index": edge_index, "W1": W1, "att_src": att_src, "att_dst": att_dst, "b1": b1, "W2": W2, "b2": b2}


def reference(x, edge_index, W1, att_src, att_dst, b1, W2, b2):
    N = x.shape[0]
    src, dst = edge_index[0], edge_index[1]
    loops = jnp.arange(N, dtype=edge_index.dtype)
    src_sl = jnp.concatenate([src, loops])
    dst_sl = jnp.concatenate([dst, loops])

    # ---- GATConv (heads=1, add_self_loops=True, negative_slope=0.2); eval mode so attention dropout is identity ----
    h = x @ W1                      # [N, D_HID]
    a_src = h @ att_src             # [N]
    a_dst = h @ att_dst             # [N]
    alpha = a_src[src_sl] + a_dst[dst_sl]
    alpha = jnp.where(alpha > 0, alpha, 0.2 * alpha)  # leaky_relu(0.2)
    m = jax.ops.segment_max(alpha, dst_sl, num_segments=N)  # every node has a self-loop -> finite
    e = jnp.exp(alpha - m[dst_sl])
    denom = jax.ops.segment_sum(e, dst_sl, num_segments=N)
    coef = e / (denom[dst_sl] + 1e-16)
    msg = h[src_sl] * coef[:, None]
    out1 = jax.ops.segment_sum(msg, dst_sl, num_segments=N) + b1

    h1 = jax.nn.relu(out1)
    # feature dropout is identity in eval mode

    # ---- GCNConv (add_self_loops=True, normalize=True) ----
    h2 = h1 @ W2                    # [N, D_OUT]
    deg = jax.ops.segment_sum(jnp.ones(src_sl.shape[0], dtype=h2.dtype), dst_sl, num_segments=N)
    dinv = jnp.where(deg > 0, 1.0 / jnp.sqrt(deg), 0.0)
    norm = dinv[src_sl] * dinv[dst_sl]
    out2 = jax.ops.segment_sum(h2[src_sl] * norm[:, None], dst_sl, num_segments=N) + b2
    return out2

if __name__ == "__main__":
    import jax
    _d = setup_inputs()
    print(jax.jit(kernel)(*tuple(_d.values())))

</pallas_src>

<mosaic_0001>
#map = affine_map<(d0, d1) -> (0, 0)>
#map1 = affine_map<(d0, d1) -> (0)>
module attributes {stable_mosaic.version = 14 : i64} {
  func.func @_sc_gat_body(%arg0: i32, %arg1: i32, %arg2: memref<4096x80xi32, #tpu.memory_space<hbm>>, %arg3: memref<4096x80xi32, #tpu.memory_space<hbm>>, %arg4: memref<10240xf32, #tpu.memory_space<hbm>>, %arg5: memref<10240xf32, #tpu.memory_space<hbm>>, %arg6: memref<10240x128xf32, #tpu.memory_space<hbm>>, %arg7: memref<20480x128xf32, #tpu.memory_space<hbm>>, %arg8: memref<20480xf32, #tpu.memory_space<hbm>>, %arg9: memref<20480xf32, #tpu.memory_space<hbm>>, %arg10: memref<8x80xi32, #tpu.memory_space<vmem>>, %arg11: memref<8x80xi32, #tpu.memory_space<vmem>>, %arg12: memref<10240xf32, #tpu.memory_space<vmem>>, %arg13: memref<10240xf32, #tpu.memory_space<vmem>>, %arg14: memref<80xf32, #tpu.memory_space<vmem>>, %arg15: memref<80xf32, #tpu.memory_space<vmem>>, %arg16: memref<80xf32, #tpu.memory_space<vmem>>, %arg17: memref<80x128xf32, #tpu.memory_space<vmem>>, %arg18: memref<80x128xf32, #tpu.memory_space<vmem>>, %arg19: memref<10240x128xf32, #tpu.memory_space<vmem_shared>>, %arg20: memref<10240xf32, #tpu.memory_space<vmem_shared>>, %arg21: memref<10240xf32, #tpu.memory_space<vmem_shared>>, %arg22: memref<!tpu.dma_semaphore, #tpu.memory_space<semaphore_mem>>, %arg23: memref<!tpu.dma_semaphore, #tpu.memory_space<semaphore_mem>>, %arg24: memref<!tpu.dma_semaphore, #tpu.memory_space<semaphore_mem>>, %arg25: memref<!tpu.dma_semaphore, #tpu.memory_space<semaphore_mem>>) attributes {dimension_semantics = [#tpu.dimension_semantics<core_parallel>, #tpu.dimension_semantics<subcore_parallel>], iteration_bounds = array<i64: 2, 16>, scalar_prefetch = 0 : i64, scratch_operands = 16 : i64, tpu.core_type = #tpu.core_type<sc_vector_subcore>, window_params = [{transform_indices = #map}, {transform_indices = #map}, {transform_indices = #map1}, {transform_indices = #map1}, {transform_indices = #map}, {transform_indices = #map}, {transform_indices = #map1}, {transform_indices = #map1}]} {
    %mul3A = arith.constant 16 : i32
    %mul3A_0 = arith.muli %arg0, %mul3A : i32
    %add3A = arith.addi %mul3A_0, %arg1 : i32
    %scan3A = arith.constant 0 : i32
    %scan3A_1 = arith.constant 0 : i32
    %scan3A_2 = arith.constant 80 : i32
    %scan3A_3 = arith.addi %scan3A_1, %scan3A_2 : i32
    %scan3A_4 = arith.constant 1 : i32
    %scan3A_5 = scf.for %scan3A_175 = %scan3A_1 to %scan3A_3 step %scan3A_4 iter_args(%scan3A_176 = %scan3A) -> (i32)  : i32 {
      %broadcast_in_dim3A_177 = arith.constant 0.000000e+00 : f32
      %broadcast_in_dim3A_178 = vector.broadcast %broadcast_in_dim3A_177 : f32 to vector<16xf32>
      %swap3A_179 = arith.index_cast %scan3A_175 : i32 to index
      %swap3A_180 = arith.constant 0 : index
      %swap3A_181 = tpu.vector_load %arg17[%swap3A_179, %swap3A_180] {strides = array<i32>} : memref<80x128xf32, #tpu.memory_space<vmem>>, vector<16xf32>,
      tpu.vector_store %arg17[%swap3A_179, %swap3A_180], %broadcast_in_dim3A_178 {strides = array<i32>} : memref<80x128xf32, #tpu.memory_space<vmem>>, vector<16xf32>,
      %broadcast_in_dim3A_182 = arith.constant 0.000000e+00 : f32
      %broadcast_in_dim3A_183 = vector.broadcast %broadcast_in_dim3A_182 : f32 to vector<16xf32>
      %swap3A_184 = arith.index_cast %scan3A_175 : i32 to index
      %swap3A_185 = arith.constant 16 : index
      %swap3A_186 = tpu.vector_load %arg17[%swap3A_184, %swap3A_185] {strides = array<i32>} : memref<80x128xf32, #tpu.memory_space<vmem>>, vector<16xf32>,
      tpu.vector_store %arg17[%swap3A_184, %swap3A_185], %broadcast_in_dim3A_183 {strides = array<i32>} : memref<80x128xf32, #tpu.memory_space<vmem>>, vector<16xf32>,
      %broadcast_in_dim3A_187 = arith.constant 0.000000e+00 : f32
      %broadcast_in_dim3A_188 = vector.broadcast %broadcast_in_dim3A_187 : f32 to vector<16xf32>
      %swap3A_189 = arith.index_cast %scan3A_175 : i32 to index
      %swap3A_190 = arith.constant 32 : index
      %swap3A_191 = tpu.vector_load %arg17[%swap3A_189, %swap3A_190] {strides = array<i32>} : memref<80x128xf32, #tpu.memory_space<vmem>>, vector<16xf32>,
      tpu.vector_store %arg17[%swap3A_189, %swap3A_190], %broadcast_in_dim3A_188 {strides = array<i32>} : memref<80x128xf32, #tpu.memory_space<vmem>>, vector<16xf32>,
      %broadcast_in_dim3A_192 = arith.constant 0.000000e+00 : f32
      %broadcast_in_dim3A_193 = vector.broadcast %broadcast_in_dim3A_192 : f32 to vector<16xf32>
      %swap3A_194 = arith.index_cast %scan3A_175 : i32 to index
      %swap3A_195 = arith.constant 48 : index
      %swap3A_196 = tpu.vector_load %arg17[%swap3A_194, %swap3A_195] {strides = array<i32>} : memref<80x128xf32, #tpu.memory_space<vmem>>, vector<16xf32>,
      tpu.vector_store %arg17[%swap3A_194, %swap3A_195], %broadcast_in_dim3A_193 {strides = array<i32>} : memref<80x128xf32, #tpu.memory_space<vmem>>, vector<16xf32>,
      %broadcast_in_dim3A_197 = arith.constant 0.000000e+00 : f32
      %broadcast_in_dim3A_198 = vector.broadcast %broadcast_in_dim3A_197 : f32 to vector<16xf32>
      %swap3A_199 = arith.index_cast %scan3A_175 : i32 to index
      %swap3A_200 = arith.constant 64 : index
      %swap3A_201 = tpu.vector_load %arg17[%swap3A_199, %swap3A_200] {strides = array<i32>} : memref<80x128xf32, #tpu.memory_space<vmem>>, vector<16xf32>,
      tpu.vector_store %arg17[%swap3A_199, %swap3A_200], %broadcast_in_dim3A_198 {strides = array<i32>} : memref<80x128xf32, #tpu.memory_space<vmem>>, vector<16xf32>,
      %broadcast_in_dim3A_202 = arith.constant 0.000000e+00 : f32
      %broadcast_in_dim3A_203 = vector.broadcast %broadcast_in_dim3A_202 : f32 to vector<16xf32>
      %swap3A_204 = arith.index_cast %scan3A_175 : i32 to index
      %swap3A_205 = arith.constant 80 : index
      %swap3A_206 = tpu.vector_load %arg17[%swap3A_204, %swap3A_205] {strides = array<i32>} : memref<80x128xf32, #tpu.memory_space<vmem>>, vector<16xf32>,
      tpu.vector_store %arg17[%swap3A_204, %swap3A_205], %broadcast_in_dim3A_203 {strides = array<i32>} : memref<80x128xf32, #tpu.memory_space<vmem>>, vector<16xf32>,
      %broadcast_in_dim3A_207 = arith.constant 0.000000e+00 : f32
      %broadcast_in_dim3A_208 = vector.broadcast %broadcast_in_dim3A_207 : f32 to vector<16xf32>
      %swap3A_209 = arith.index_cast %scan3A_175 : i32 to index
      %swap3A_210 = arith.constant 96 : index
      %swap3A_211 = tpu.vector_load %arg17[%swap3A_209, %swap3A_210] {strides = array<i32>} : memref<80x128xf32, #tpu.memory_space<vmem>>, vector<16xf32>,
      tpu.vector_store %arg17[%swap3A_209, %swap3A_210], %broadcast_in_dim3A_208 {strides = array<i32>} : memref<80x128xf32, #tpu.memory_space<vmem>>, vector<16xf32>,
      %broadcast_in_dim3A_212 = arith.constant 0.000000e+00 : f32
      %broadcast_in_dim3A_213 = vector.broadcast %broadcast_in_dim3A_212 : f32 to vector<16xf32>
      %swap3A_214 = arith.index_cast %scan3A_175 : i32 to index
      %swap3A_215 = arith.constant 112 : index
      %swap3A_216 = tpu.vector_load %arg17[%swap3A_214, %swap3A_215] {strides = array<i32>} : memref<80x128xf32, #tpu.memory_space<vmem>>, vector<16xf32>,
      tpu.vector_store %arg17[%swap3A_214, %swap3A_215], %broadcast_in_dim3A_213 {strides = array<i32>} : memref<80x128xf32, #tpu.memory_space<vmem>>, vector<16xf32>,
      %scan3A_217 = arith.constant 0 : i32
      scf.yield %scan3A_217 : i32
    }
    %scan3A_6 = arith.constant 80 : i32
    %broadcast_in_dim3A = arith.constant 0.000000e+00 : f32
    %broadcast_in_dim3A_7 = vector.broadcast %broadcast_in_dim3A : f32 to vector<16xf32>
    %swap3A = arith.constant 0 : index
    %swap3A_8 = tpu.vector_load %arg14[%swap3A] {strides = array<i32>} : memref<80xf32, #tpu.memory_space<vmem>>, vector<16xf32>,
    tpu.vector_store %arg14[%swap3A], %broadcast_in_dim3A_7 {strides = array<i32>} : memref<80xf32, #tpu.memory_space<vmem>>, vector<16xf32>,
    %broadcast_in_dim3A_9 = arith.constant 1.000000e+00 : f32
    %broadcast_in_dim3A_10 = vector.broadcast %broadcast_in_dim3A_9 : f32 to vector<16xf32>
    %swap3A_11 = arith.constant 0 : index
    %swap3A_12 = tpu.vector_load %arg16[%swap3A_11] {strides = array<i32>} : memref<80xf32, #tpu.memory_space<vmem>>, vector<16xf32>,
    tpu.vector_store %arg16[%swap3A_11], %broadcast_in_dim3A_10 {strides = array<i32>} : memref<80xf32, #tpu.memory_space<vmem>>, vector<16xf32>,
    %broadcast_in_dim3A_13 = arith.constant 0.000000e+00 : f32
    %broadcast_in_dim3A_14 = vector.broadcast %broadcast_in_dim3A_13 : f32 to vector<16xf32>
    %swap3A_15 = arith.constant 16 : index
    %swap3A_16 = tpu.vector_load %arg14[%swap3A_15] {strides = array<i32>} : memref<80xf32, #tpu.memory_space<vmem>>, vector<16xf32>,
    tpu.vector_store %arg14[%swap3A_15], %broadcast_in_dim3A_14 {strides = array<i32>} : memref<80xf32, #tpu.memory_space<vmem>>, vector<16xf32>,
    %broadcast_in_dim3A_17 = arith.constant 1.000000e+00 : f32
    %broadcast_in_dim3A_18 = vector.broadcast %broadcast_in_dim3A_17 : f32 to vector<16xf32>
    %swap3A_19 = arith.constant 16 : index
    %swap3A_20 = tpu.vector_load %arg16[%swap3A_19] {strides = array<i32>} : memref<80xf32, #tpu.memory_space<vmem>>, vector<16xf32>,
    tpu.vector_store %arg16[%swap3A_19], %broadcast_in_dim3A_18 {strides = array<i32>} : memref<80xf32, #tpu.memory_space<vmem>>, vector<16xf32>,
    %broadcast_in_dim3A_21 = arith.constant 0.000000e+00 : f32
    %broadcast_in_dim3A_22 = vector.broadcast %broadcast_in_dim3A_21 : f32 to vector<16xf32>
    %swap3A_23 = arith.constant 32 : index
    %swap3A_24 = tpu.vector_load %arg14[%swap3A_23] {strides = array<i32>} : memref<80xf32, #tpu.memory_space<vmem>>, vector<16xf32>,
    tpu.vector_store %arg14[%swap3A_23], %broadcast_in_dim3A_22 {strides = array<i32>} : memref<80xf32, #tpu.memory_space<vmem>>, vector<16xf32>,
    %broadcast_in_dim3A_25 = arith.constant 1.000000e+00 : f32
    %broadcast_in_dim3A_26 = vector.broadcast %broadcast_in_dim3A_25 : f32 to vector<16xf32>
    %swap3A_27 = arith.constant 32 : index
    %swap3A_28 = tpu.vector_load %arg16[%swap3A_27] {strides = array<i32>} : memref<80xf32, #tpu.memory_space<vmem>>, vector<16xf32>,
    tpu.vector_store %arg16[%swap3A_27], %broadcast_in_dim3A_26 {strides = array<i32>} : memref<80xf32, #tpu.memory_space<vmem>>, vector<16xf32>,
    %broadcast_in_dim3A_29 = arith.constant 0.000000e+00 : f32
    %broadcast_in_dim3A_30 = vector.broadcast %broadcast_in_dim3A_29 : f32 to vector<16xf32>
    %swap3A_31 = arith.constant 48 : index
    %swap3A_32 = tpu.vector_load %arg14[%swap3A_31] {strides = array<i32>} : memref<80xf32, #tpu.memory_space<vmem>>, vector<16xf32>,
    tpu.vector_store %arg14[%swap3A_31], %broadcast_in_dim3A_30 {strides = array<i32>} : memref<80xf32, #tpu.memory_space<vmem>>, vector<16xf32>,
    %broadcast_in_dim3A_33 = arith.constant 1.000000e+00 : f32
    %broadcast_in_dim3A_34 = vector.broadcast %broadcast_in_dim3A_33 : f32 to vector<16xf32>
    %swap3A_35 = arith.constant 48 : index
    %swap3A_36 = tpu.vector_load %arg16[%swap3A_35] {strides = array<i32>} : memref<80xf32, #tpu.memory_space<vmem>>, vector<16xf32>,
    tpu.vector_store %arg16[%swap3A_35], %broadcast_in_dim3A_34 {strides = array<i32>} : memref<80xf32, #tpu.memory_space<vmem>>, vector<16xf32>,
    %broadcast_in_dim3A_37 = arith.constant 0.000000e+00 : f32
    %broadcast_in_dim3A_38 = vector.broadcast %broadcast_in_dim3A_37 : f32 to vector<16xf32>
    %swap3A_39 = arith.constant 64 : index
    %swap3A_40 = tpu.vector_load %arg14[%swap3A_39] {strides = array<i32>} : memref<80xf32, #tpu.memory_space<vmem>>, vector<16xf32>,
    tpu.vector_store %arg14[%swap3A_39], %broadcast_in_dim3A_38 {strides = array<i32>} : memref<80xf32, #tpu.memory_space<vmem>>, vector<16xf32>,
    %broadcast_in_dim3A_41 = arith.constant 1.000000e+00 : f32
    %broadcast_in_dim3A_42 = vector.broadcast %broadcast_in_dim3A_41 : f32 to vector<16xf32>
    %swap3A_43 = arith.constant 64 : index
    %swap3A_44 = tpu.vector_load %arg16[%swap3A_43] {strides = array<i32>} : memref<80xf32, #tpu.memory_space<vmem>>, vector<16xf32>,
    tpu.vector_store %arg16[%swap3A_43], %broadcast_in_dim3A_42 {strides = array<i32>} : memref<80xf32, #tpu.memory_space<vmem>>, vector<16xf32>,
    %mul3A_45 = arith.constant 640 : i32
    %mul3A_46 = arith.muli %arg1, %mul3A_45 : i32
    %add3A_47 = arith.constant 0 : i32
    %add3A_48 = arith.addi %mul3A_46, %add3A_47 : i32
    "tpu.region"() ({
      %run_scoped3A = tpu.sem_alloc : memref<!tpu.dma_semaphore, #tpu.memory_space<semaphore_mem>>
      %dma_start3A = arith.constant 0 : i32
      %dma_start3A_175 = tpu.memref_slice %arg19[%add3A_48, %dma_start3A] : memref<10240x128xf32, #tpu.memory_space<vmem_shared>> -> memref<80x128xf32, #tpu.memory_space<vmem_shared>>
      %dma_start3A_176 = arith.constant 0 : i32
      %dma_start3A_177 = tpu.memref_slice %arg19[%add3A_48, %dma_start3A_176] : memref<10240x128xf32, #tpu.memory_space<vmem_shared>> -> memref<80x128xf32, #tpu.memory_space<vmem_shared>>
      tpu.enqueue_dma source(%arg17 : memref<80x128xf32, #tpu.memory_space<vmem>>) target(%dma_start3A_177 : memref<80x128xf32, #tpu.memory_space<vmem_shared>>) target_semaphore(%run_scoped3A : memref<!tpu.dma_semaphore, #tpu.memory_space<semaphore_mem>>)
      %dma_wait3A = arith.constant 0 : i32
      %dma_wait3A_178 = tpu.memref_slice %arg19[%add3A_48, %dma_wait3A] : memref<10240x128xf32, #tpu.memory_space<vmem_shared>> -> memref<80x128xf32, #tpu.memory_space<vmem_shared>>
      %dma_wait3A_179 = arith.constant 0 : i32
      %dma_wait3A_180 = tpu.memref_slice %arg19[%add3A_48, %dma_wait3A_179] : memref<10240x128xf32, #tpu.memory_space<vmem_shared>> -> memref<80x128xf32, #tpu.memory_space<vmem_shared>>
      tpu.wait_dma2 semaphore(%run_scoped3A : memref<!tpu.dma_semaphore, #tpu.memory_space<semaphore_mem>>) src(%arg17 : memref<80x128xf32, #tpu.memory_space<vmem>>) dst(%dma_wait3A_180 : memref<80x128xf32, #tpu.memory_space<vmem_shared>>)
      tpu.yield
    }) : () -> ()
    %mul3A_49 = arith.constant 640 : i32
    %mul3A_50 = arith.muli %arg1, %mul3A_49 : i32
    %add3A_51 = arith.constant 0 : i32
    %add3A_52 = arith.addi %mul3A_50, %add3A_51 : i32
    "tpu.region"() ({
      %run_scoped3A = tpu.sem_alloc : memref<!tpu.dma_semaphore, #tpu.memory_space<semaphore_mem>>
      %dma_start3A = tpu.memref_slice %arg20[%add3A_52] : memref<10240xf32, #tpu.memory_space<vmem_shared>> -> memref<80xf32, #tpu.memory_space<vmem_shared>>
      %dma_start3A_175 = tpu.memref_slice %arg20[%add3A_52] : memref<10240xf32, #tpu.memory_space<vmem_shared>> -> memref<80xf32, #tpu.memory_space<vmem_shared>>
      tpu.enqueue_dma source(%arg14 : memref<80xf32, #tpu.memory_space<vmem>>) target(%dma_start3A_175 : memref<80xf32, #tpu.memory_space<vmem_shared>>) target_semaphore(%run_scoped3A : memref<!tpu.dma_semaphore, #tpu.memory_space<semaphore_mem>>)
      %dma_wait3A = tpu.memref_slice %arg20[%add3A_52] : memref<10240xf32, #tpu.memory_space<vmem_shared>> -> memref<80xf32, #tpu.memory_space<vmem_shared>>
      %dma_wait3A_176 = tpu.memref_slice %arg20[%add3A_52] : memref<10240xf32, #tpu.memory_space<vmem_shared>> -> memref<80xf32, #tpu.memory_space<vmem_shared>>
      tpu.wait_dma2 semaphore(%run_scoped3A : memref<!tpu.dma_semaphore, #tpu.memory_space<semaphore_mem>>) src(%arg14 : memref<80xf32, #tpu.memory_space<vmem>>) dst(%dma_wait3A_176 : memref<80xf32, #tpu.memory_space<vmem_shared>>)
      tpu.yield
    }) : () -> ()
    %mul3A_53 = arith.constant 640 : i32
    %mul3A_54 = arith.muli %arg1, %mul3A_53 : i32
    %add3A_55 = arith.constant 0 : i32
    %add3A_56 = arith.addi %mul3A_54, %add3A_55 : i32
    "tpu.region"() ({
      %run_scoped3A = tpu.sem_alloc : memref<!tpu.dma_semaphore, #tpu.memory_space<semaphore_mem>>
      %dma_start3A = tpu.memref_slice %arg21[%add3A_56] : memref<10240xf32, #tpu.memory_space<vmem_shared>> -> memref<80xf32, #tpu.memory_space<vmem_shared>>
      %dma_start3A_175 = tpu.memref_slice %arg21[%add3A_56] : memref<10240xf32, #tpu.memory_space<vmem_shared>> -> memref<80xf32, #tpu.memory_space<vmem_shared>>
      tpu.enqueue_dma source(%arg14 : memref<80xf32, #tpu.memory_space<vmem>>) target(%dma_start3A_175 : memref<80xf32, #tpu.memory_space<vmem_shared>>) target_semaphore(%run_scoped3A : memref<!tpu.dma_semaphore, #tpu.memory_space<semaphore_mem>>)
      %dma_wait3A = tpu.memref_slice %arg21[%add3A_56] : memref<10240xf32, #tpu.memory_space<vmem_shared>> -> memref<80xf32, #tpu.memory_space<vmem_shared>>
      %dma_wait3A_176 = tpu.memref_slice %arg21[%add3A_56] : memref<10240xf32, #tpu.memory_space<vmem_shared>> -> memref<80xf32, #tpu.memory_space<vmem_shared>>
      tpu.wait_dma2 semaphore(%run_scoped3A : memref<!tpu.dma_semaphore, #tpu.memory_space<semaphore_mem>>) src(%arg14 : memref<80xf32, #tpu.memory_space<vmem>>) dst(%dma_wait3A_176 : memref<80xf32, #tpu.memory_space<vmem_shared>>)
      tpu.yield
    }) : () -> ()
    %mul3A_57 = arith.constant 640 : i32
    %mul3A_58 = arith.muli %arg1, %mul3A_57 : i32
    %add3A_59 = arith.constant 80 : i32
    %add3A_60 = arith.addi %mul3A_58, %add3A_59 : i32
    "tpu.region"() ({
      %run_scoped3A = tpu.sem_alloc : memref<!tpu.dma_semaphore, #tpu.memory_space<semaphore_mem>>
      %dma_start3A = arith.constant 0 : i32
      %dma_start3A_175 = tpu.memref_slice %arg19[%add3A_60, %dma_start3A] : memref<10240x128xf32, #tpu.memory_space<vmem_shared>> -> memref<80x128xf32, #tpu.memory_space<vmem_shared>>
      %dma_start3A_176 = arith.constant 0 : i32
      %dma_start3A_177 = tpu.memref_slice %arg19[%add3A_60, %dma_start3A_176] : memref<10240x128xf32, #tpu.memory_space<vmem_shared>> -> memref<80x128xf32, #tpu.memory_space<vmem_shared>>
      tpu.enqueue_dma source(%arg17 : memref<80x128xf32, #tpu.memory_space<vmem>>) target(%dma_start3A_177 : memref<80x128xf32, #tpu.memory_space<vmem_shared>>) target_semaphore(%run_scoped3A : memref<!tpu.dma_semaphore, #tpu.memory_space<semaphore_mem>>)
      %dma_wait3A = arith.constant 0 : i32
      %dma_wait3A_178 = tpu.memref_slice %arg19[%add3A_60, %dma_wait3A] : memref<10240x128xf32, #tpu.memory_space<vmem_shared>> -> memref<80x128xf32, #tpu.memory_space<vmem_shared>>
      %dma_wait3A_179 = arith.constant 0 : i32
      %dma_wait3A_180 = tpu.memref_slice %arg19[%add3A_60, %dma_wait3A_179] : memref<10240x128xf32, #tpu.memory_space<vmem_shared>> -> memref<80x128xf32, #tpu.memory_space<vmem_shared>>
      tpu.wait_dma2 semaphore(%run_scoped3A : memref<!tpu.dma_semaphore, #tpu.memory_space<semaphore_mem>>) src(%arg17 : memref<80x128xf32, #tpu.memory_space<vmem>>) dst(%dma_wait3A_180 : memref<80x128xf32, #tpu.memory_space<vmem_shared>>)
      tpu.yield
    }) : () -> ()
    %mul3A_61 = arith.constant 640 : i32
    %mul3A_62 = arith.muli %arg1, %mul3A_61 : i32
    %add3A_63 = arith.constant 80 : i32
    %add3A_64 = arith.addi %mul3A_62, %add3A_63 : i32
    "tpu.region"() ({
      %run_scoped3A = tpu.sem_alloc : memref<!tpu.dma_semaphore, #tpu.memory_space<semaphore_mem>>
      %dma_start3A = tpu.memref_slice %arg20[%add3A_64] : memref<10240xf32, #tpu.memory_space<vmem_shared>> -> memref<80xf32, #tpu.memory_space<vmem_shared>>
      %dma_start3A_175 = tpu.memref_slice %arg20[%add3A_64] : memref<10240xf32, #tpu.memory_space<vmem_shared>> -> memref<80xf32, #tpu.memory_space<vmem_shared>>
      tpu.enqueue_dma source(%arg14 : memref<80xf32, #tpu.memory_space<vmem>>) target(%dma_start3A_175 : memref<80xf32, #tpu.memory_space<vmem_shared>>) target_semaphore(%run_scoped3A : memref<!tpu.dma_semaphore, #tpu.memory_space<semaphore_mem>>)
      %dma_wait3A = tpu.memref_slice %arg20[%add3A_64] : memref<10240xf32, #tpu.memory_space<vmem_shared>> -> memref<80xf32, #tpu.memory_space<vmem_shared>>
      %dma_wait3A_176 = tpu.memref_slice %arg20[%add3A_64] : memref<10240xf32, #tpu.memory_space<vmem_shared>> -> memref<80xf32, #tpu.memory_space<vmem_shared>>
      tpu.wait_dma2 semaphore(%run_scoped3A : memref<!tpu.dma_semaphore, #tpu.memory_space<semaphore_mem>>) src(%arg14 : memref<80xf32, #tpu.memory_space<vmem>>) dst(%dma_wait3A_176 : memref<80xf32, #tpu.memory_space<vmem_shared>>)
      tpu.yield
    }) : () -> ()
    %mul3A_65 = arith.constant 640 : i32
    %mul3A_66 = arith.muli %arg1, %mul3A_65 : i32
    %add3A_67 = arith.constant 80 : i32
    %add3A_68 = arith.addi %mul3A_66, %add3A_67 : i32
    "tpu.region"() ({
      %run_scoped3A = tpu.sem_alloc : memref<!tpu.dma_semaphore, #tpu.memory_space<semaphore_mem>>
      %dma_start3A = tpu.memref_slice %arg21[%add3A_68] : memref<10240xf32, #tpu.memory_space<vmem_shared>> -> memref<80xf32, #tpu.memory_space<vmem_shared>>
      %dma_start3A_175 = tpu.memref_slice %arg21[%add3A_68] : memref<10240xf32, #tpu.memory_space<vmem_shared>> -> memref<80xf32, #tpu.memory_space<vmem_shared>>
      tpu.enqueue_dma source(%arg14 : memref<80xf32, #tpu.memory_space<vmem>>) target(%dma_start3A_175 : memref<80xf32, #tpu.memory_space<vmem_shared>>) target_semaphore(%run_scoped3A : memref<!tpu.dma_semaphore, #tpu.memory_space<semaphore_mem>>)
      %dma_wait3A = tpu.memref_slice %arg21[%add3A_68] : memref<10240xf32, #tpu.memory_space<vmem_shared>> -> memref<80xf32, #tpu.memory_space<vmem_shared>>
      %dma_wait3A_176 = tpu.memref_slice %arg21[%add3A_68] : memref<10240xf32, #tpu.memory_space<vmem_shared>> -> memref<80xf32, #tpu.memory_space<vmem_shared>>
      tpu.wait_dma2 semaphore(%run_scoped3A : memref<!tpu.dma_semaphore, #tpu.memory_space<semaphore_mem>>) src(%arg14 : memref<80xf32, #tpu.memory_space<vmem>>) dst(%dma_wait3A_176 : memref<80xf32, #tpu.memory_space<vmem_shared>>)
      tpu.yield
    }) : () -> ()
    %mul3A_69 = arith.constant 640 : i32
    %mul3A_70 = arith.muli %arg1, %mul3A_69 : i32
    %add3A_71 = arith.constant 160 : i32
    %add3A_72 = arith.addi %mul3A_70, %add3A_71 : i32
    "tpu.region"() ({
      %run_scoped3A = tpu.sem_alloc : memref<!tpu.dma_semaphore, #tpu.memory_space<semaphore_mem>>
      %dma_start3A = arith.constant 0 : i32
      %dma_start3A_175 = tpu.memref_slice %arg19[%add3A_72, %dma_start3A] : memref<10240x128xf32, #tpu.memory_space<vmem_shared>> -> memref<80x128xf32, #tpu.memory_space<vmem_shared>>
      %dma_start3A_176 = arith.constant 0 : i32
      %dma_start3A_177 = tpu.memref_slice %arg19[%add3A_72, %dma_start3A_176] : memref<10240x128xf32, #tpu.memory_space<vmem_shared>> -> memref<80x128xf32, #tpu.memory_space<vmem_shared>>
      tpu.enqueue_dma source(%arg17 : memref<80x128xf32, #tpu.memory_space<vmem>>) target(%dma_start3A_177 : memref<80x128xf32, #tpu.memory_space<vmem_shared>>) target_semaphore(%run_scoped3A : memref<!tpu.dma_semaphore, #tpu.memory_space<semaphore_mem>>)
      %dma_wait3A = arith.constant 0 : i32
      %dma_wait3A_178 = tpu.memref_slice %arg19[%add3A_72, %dma_wait3A] : memref<10240x128xf32, #tpu.memory_space<vmem_shared>> -> memref<80x128xf32, #tpu.memory_space<vmem_shared>>
      %dma_wait3A_179 = arith.constant 0 : i32
      %dma_wait3A_180 = tpu.memref_slice %arg19[%add3A_72, %dma_wait3A_179] : memref<10240x128xf32, #tpu.memory_space<vmem_shared>> -> memref<80x128xf32, #tpu.memory_space<vmem_shared>>
      tpu.wait_dma2 semaphore(%run_scoped3A : memref<!tpu.dma_semaphore, #tpu.memory_space<semaphore_mem>>) src(%arg17 : memref<80x128xf32, #tpu.memory_space<vmem>>) dst(%dma_wait3A_180 : memref<80x128xf32, #tpu.memory_space<vmem_shared>>)
      tpu.yield
    }) : () -> ()
    %mul3A_73 = arith.constant 640 : i32
    %mul3A_74 = arith.muli %arg1, %mul3A_73 : i32
    %add3A_75 = arith.constant 160 : i32
    %add3A_76 = arith.addi %mul3A_74, %add3A_75 : i32
    "tpu.region"() ({
      %run_scoped3A = tpu.sem_alloc : memref<!tpu.dma_semaphore, #tpu.memory_space<semaphore_mem>>
      %dma_start3A = tpu.memref_slice %arg20[%add3A_76] : memref<10240xf32, #tpu.memory_space<vmem_shared>> -> memref<80xf32, #tpu.memory_space<vmem_shared>>
      %dma_start3A_175 = tpu.memref_slice %arg20[%add3A_76] : memref<10240xf32, #tpu.memory_space<vmem_shared>> -> memref<80xf32, #tpu.memory_space<vmem_shared>>
      tpu.enqueue_dma source(%arg14 : memref<80xf32, #tpu.memory_space<vmem>>) target(%dma_start3A_175 : memref<80xf32, #tpu.memory_space<vmem_shared>>) target_semaphore(%run_scoped3A : memref<!tpu.dma_semaphore, #tpu.memory_space<semaphore_mem>>)
      %dma_wait3A = tpu.memref_slice %arg20[%add3A_76] : memref<10240xf32, #tpu.memory_space<vmem_shared>> -> memref<80xf32, #tpu.memory_space<vmem_shared>>
      %dma_wait3A_176 = tpu.memref_slice %arg20[%add3A_76] : memref<10240xf32, #tpu.memory_space<vmem_shared>> -> memref<80xf32, #tpu.memory_space<vmem_shared>>
      tpu.wait_dma2 semaphore(%run_scoped3A : memref<!tpu.dma_semaphore, #tpu.memory_space<semaphore_mem>>) src(%arg14 : memref<80xf32, #tpu.memory_space<vmem>>) dst(%dma_wait3A_176 : memref<80xf32, #tpu.memory_space<vmem_shared>>)
      tpu.yield
    }) : () -> ()
    %mul3A_77 = arith.constant 640 : i32
    %mul3A_78 = arith.muli %arg1, %mul3A_77 : i32
    %add3A_79 = arith.constant 160 : i32
    %add3A_80 = arith.addi %mul3A_78, %add3A_79 : i32
    "tpu.region"() ({
      %run_scoped3A = tpu.sem_alloc : memref<!tpu.dma_semaphore, #tpu.memory_space<semaphore_mem>>
      %dma_start3A = tpu.memref_slice %arg21[%add3A_80] : memref<10240xf32, #tpu.memory_space<vmem_shared>> -> memref<80xf32, #tpu.memory_space<vmem_shared>>
      %dma_start3A_175 = tpu.memref_slice %arg21[%add3A_80] : memref<10240xf32, #tpu.memory_space<vmem_shared>> -> memref<80xf32, #tpu.memory_space<vmem_shared>>
      tpu.enqueue_dma source(%arg14 : memref<80xf32, #tpu.memory_space<vmem>>) target(%dma_start3A_175 : memref<80xf32, #tpu.memory_space<vmem_shared>>) target_semaphore(%run_scoped3A : memref<!tpu.dma_semaphore, #tpu.memory_space<semaphore_mem>>)
      %dma_wait3A = tpu.memref_slice %arg21[%add3A_80] : memref<10240xf32, #tpu.memory_space<vmem_shared>> -> memref<80xf32, #tpu.memory_space<vmem_shared>>
      %dma_wait3A_176 = tpu.memref_slice %arg21[%add3A_80] : memref<10240xf32, #tpu.memory_space<vmem_shared>> -> memref<80xf32, #tpu.memory_space<vmem_shared>>
      tpu.wait_dma2 semaphore(%run_scoped3A : memref<!tpu.dma_semaphore, #tpu.memory_space<semaphore_mem>>) src(%arg14 : memref<80xf32, #tpu.memory_space<vmem>>) dst(%dma_wait3A_176 : memref<80xf32, #tpu.memory_space<vmem_shared>>)
      tpu.yield
    }) : () -> ()
    %mul3A_81 = arith.constant 640 : i32
    %mul3A_82 = arith.muli %arg1, %mul3A_81 : i32
    %add3A_83 = arith.constant 240 : i32
    %add3A_84 = arith.addi %mul3A_82, %add3A_83 : i32
    "tpu.region"() ({
      %run_scoped3A = tpu.sem_alloc : memref<!tpu.dma_semaphore, #tpu.memory_space<semaphore_mem>>
      %dma_start3A = arith.constant 0 : i32
      %dma_start3A_175 = tpu.memref_slice %arg19[%add3A_84, %dma_start3A] : memref<10240x128xf32, #tpu.memory_space<vmem_shared>> -> memref<80x128xf32, #tpu.memory_space<vmem_shared>>
      %dma_start3A_176 = arith.constant 0 : i32
      %dma_start3A_177 = tpu.memref_slice %arg19[%add3A_84, %dma_start3A_176] : memref<10240x128xf32, #tpu.memory_space<vmem_shared>> -> memref<80x128xf32, #tpu.memory_space<vmem_shared>>
      tpu.enqueue_dma source(%arg17 : memref<80x128xf32, #tpu.memory_space<vmem>>) target(%dma_start3A_177 : memref<80x128xf32, #tpu.memory_space<vmem_shared>>) target_semaphore(%run_scoped3A : memref<!tpu.dma_semaphore, #tpu.memory_space<semaphore_mem>>)
      %dma_wait3A = arith.constant 0 : i32
      %dma_wait3A_178 = tpu.memref_slice %arg19[%add3A_84, %dma_wait3A] : memref<10240x128xf32, #tpu.memory_space<vmem_shared>> -> memref<80x128xf32, #tpu.memory_space<vmem_shared>>
      %dma_wait3A_179 = arith.constant 0 : i32
      %dma_wait3A_180 = tpu.memref_slice %arg19[%add3A_84, %dma_wait3A_179] : memref<10240x128xf32, #tpu.memory_space<vmem_shared>> -> memref<80x128xf32, #tpu.memory_space<vmem_shared>>
      tpu.wait_dma2 semaphore(%run_scoped3A : memref<!tpu.dma_semaphore, #tpu.memory_space<semaphore_mem>>) src(%arg17 : memref<80x128xf32, #tpu.memory_space<vmem>>) dst(%dma_wait3A_180 : memref<80x128xf32, #tpu.memory_space<vmem_shared>>)
      tpu.yield
    }) : () -> ()
    %mul3A_85 = arith.constant 640 : i32
    %mul3A_86 = arith.muli %arg1, %mul3A_85 : i32
    %add3A_87 = arith.constant 240 : i32
    %add3A_88 = arith.addi %mul3A_86, %add3A_87 : i32
    "tpu.region"() ({
      %run_scoped3A = tpu.sem_alloc : memref<!tpu.dma_semaphore, #tpu.memory_space<semaphore_mem>>
      %dma_start3A = tpu.memref_slice %arg20[%add3A_88] : memref<10240xf32, #tpu.memory_space<vmem_shared>> -> memref<80xf32, #tpu.memory_space<vmem_shared>>
      %dma_start3A_175 = tpu.memref_slice %arg20[%add3A_88] : memref<10240xf32, #tpu.memory_space<vmem_shared>> -> memref<80xf32, #tpu.memory_space<vmem_shared>>
      tpu.enqueue_dma source(%arg14 : memref<80xf32, #tpu.memory_space<vmem>>) target(%dma_start3A_175 : memref<80xf32, #tpu.memory_space<vmem_shared>>) target_semaphore(%run_scoped3A : memref<!tpu.dma_semaphore, #tpu.memory_space<semaphore_mem>>)
      %dma_wait3A = tpu.memref_slice %arg20[%add3A_88] : memref<10240xf32, #tpu.memory_space<vmem_shared>> -> memref<80xf32, #tpu.memory_space<vmem_shared>>
      %dma_wait3A_176 = tpu.memref_slice %arg20[%add3A_88] : memref<10240xf32, #tpu.memory_space<vmem_shared>> -> memref<80xf32, #tpu.memory_space<vmem_shared>>
      tpu.wait_dma2 semaphore(%run_scoped3A : memref<!tpu.dma_semaphore, #tpu.memory_space<semaphore_mem>>) src(%arg14 : memref<80xf32, #tpu.memory_space<vmem>>) dst(%dma_wait3A_176 : memref<80xf32, #tpu.memory_space<vmem_shared>>)
      tpu.yield
    }) : () -> ()
    %mul3A_89 = arith.constant 640 : i32
    %mul3A_90 = arith.muli %arg1, %mul3A_89 : i32
    %add3A_91 = arith.constant 240 : i32
    %add3A_92 = arith.addi %mul3A_90, %add3A_91 : i32
    "tpu.region"() ({
      %run_scoped3A = tpu.sem_alloc : memref<!tpu.dma_semaphore, #tpu.memory_space<semaphore_mem>>
      %dma_start3A = tpu.memref_slice %arg21[%add3A_92] : memref<10240xf32, #tpu.memory_space<vmem_shared>> -> memref<80xf32, #tpu.memory_space<vmem_shared>>
      %dma_start3A_175 = tpu.memref_slice %arg21[%add3A_92] : memref<10240xf32, #tpu.memory_space<vmem_shared>> -> memref<80xf32, #tpu.memory_space<vmem_shared>>
      tpu.enqueue_dma source(%arg14 : memref<80xf32, #tpu.memory_space<vmem>>) target(%dma_start3A_175 : memref<80xf32, #tpu.memory_space<vmem_shared>>) target_semaphore(%run_scoped3A : memref<!tpu.dma_semaphore, #tpu.memory_space<semaphore_mem>>)
      %dma_wait3A = tpu.memref_slice %arg21[%add3A_92] : memref<10240xf32, #tpu.memory_space<vmem_shared>> -> memref<80xf32, #tpu.memory_space<vmem_shared>>
      %dma_wait3A_176 = tpu.memref_slice %arg21[%add3A_92] : memref<10240xf32, #tpu.memory_space<vmem_shared>> -> memref<80xf32, #tpu.memory_space<vmem_shared>>
      tpu.wait_dma2 semaphore(%run_scoped3A : memref<!tpu.dma_semaphore, #tpu.memory_space<semaphore_mem>>) src(%arg14 : memref<80xf32, #tpu.memory_space<vmem>>) dst(%dma_wait3A_176 : memref<80xf32, #tpu.memory_space<vmem_shared>>)
      tpu.yield
    }) : () -> ()
    %mul3A_93 = arith.constant 640 : i32
    %mul3A_94 = arith.muli %arg1, %mul3A_93 : i32
    %add3A_95 = arith.constant 320 : i32
    %add3A_96 = arith.addi %mul3A_94, %add3A_95 : i32
    "tpu.region"() ({
      %run_scoped3A = tpu.sem_alloc : memref<!tpu.dma_semaphore, #tpu.memory_space<semaphore_mem>>
      %dma_start3A = arith.constant 0 : i32
      %dma_start3A_175 = tpu.memref_slice %arg19[%add3A_96, %dma_start3A] : memref<10240x128xf32, #tpu.memory_space<vmem_shared>> -> memref<80x128xf32, #tpu.memory_space<vmem_shared>>
      %dma_start3A_176 = arith.constant 0 : i32
      %dma_start3A_177 = tpu.memref_slice %arg19[%add3A_96, %dma_start3A_176] : memref<10240x128xf32, #tpu.memory_space<vmem_shared>> -> memref<80x128xf32, #tpu.memory_space<vmem_shared>>
      tpu.enqueue_dma source(%arg17 : memref<80x128xf32, #tpu.memory_space<vmem>>) target(%dma_start3A_177 : memref<80x128xf32, #tpu.memory_space<vmem_shared>>) target_semaphore(%run_scoped3A : memref<!tpu.dma_semaphore, #tpu.memory_space<semaphore_mem>>)
      %dma_wait3A = arith.constant 0 : i32
      %dma_wait3A_178 = tpu.memref_slice %arg19[%add3A_96, %dma_wait3A] : memref<10240x128xf32, #tpu.memory_space<vmem_shared>> -> memref<80x128xf32, #tpu.memory_space<vmem_shared>>
      %dma_wait3A_179 = arith.constant 0 : i32
      %dma_wait3A_180 = tpu.memref_slice %arg19[%add3A_96, %dma_wait3A_179] : memref<10240x128xf32, #tpu.memory_space<vmem_shared>> -> memref<80x128xf32, #tpu.memory_space<vmem_shared>>
      tpu.wait_dma2 semaphore(%run_scoped3A : memref<!tpu.dma_semaphore, #tpu.memory_space<semaphore_mem>>) src(%arg17 : memref<80x128xf32, #tpu.memory_space<vmem>>) dst(%dma_wait3A_180 : memref<80x128xf32, #tpu.memory_space<vmem_shared>>)
      tpu.yield
    }) : () -> ()
    %mul3A_97 = arith.constant 640 : i32
    %mul3A_98 = arith.muli %arg1, %mul3A_97 : i32
    %add3A_99 = arith.constant 320 : i32
    %add3A_100 = arith.addi %mul3A_98, %add3A_99 : i32
    "tpu.region"() ({
      %run_scoped3A = tpu.sem_alloc : memref<!tpu.dma_semaphore, #tpu.memory_space<semaphore_mem>>
      %dma_start3A = tpu.memref_slice %arg20[%add3A_100] : memref<10240xf32, #tpu.memory_space<vmem_shared>> -> memref<80xf32, #tpu.memory_space<vmem_shared>>
      %dma_start3A_175 = tpu.memref_slice %arg20[%add3A_100] : memref<10240xf32, #tpu.memory_space<vmem_shared>> -> memref<80xf32, #tpu.memory_space<vmem_shared>>
      tpu.enqueue_dma source(%arg14 : memref<80xf32, #tpu.memory_space<vmem>>) target(%dma_start3A_175 : memref<80xf32, #tpu.memory_space<vmem_shared>>) target_semaphore(%run_scoped3A : memref<!tpu.dma_semaphore, #tpu.memory_space<semaphore_mem>>)
      %dma_wait3A = tpu.memref_slice %arg20[%add3A_100] : memref<10240xf32, #tpu.memory_space<vmem_shared>> -> memref<80xf32, #tpu.memory_space<vmem_shared>>
      %dma_wait3A_176 = tpu.memref_slice %arg20[%add3A_100] : memref<10240xf32, #tpu.memory_space<vmem_shared>> -> memref<80xf32, #tpu.memory_space<vmem_shared>>
      tpu.wait_dma2 semaphore(%run_scoped3A : memref<!tpu.dma_semaphore, #tpu.memory_space<semaphore_mem>>) src(%arg14 : memref<80xf32, #tpu.memory_space<vmem>>) dst(%dma_wait3A_176 : memref<80xf32, #tpu.memory_space<vmem_shared>>)
      tpu.yield
    }) : () -> ()
    %mul3A_101 = arith.constant 640 : i32
    %mul3A_102 = arith.muli %arg1, %mul3A_101 : i32
    %add3A_103 = arith.constant 320 : i32
    %add3A_104 = arith.addi %mul3A_102, %add3A_103 : i32
    "tpu.region"() ({
      %run_scoped3A = tpu.sem_alloc : memref<!tpu.dma_semaphore, #tpu.memory_space<semaphore_mem>>
      %dma_start3A = tpu.memref_slice %arg21[%add3A_104] : memref<10240xf32, #tpu.memory_space<vmem_shared>> -> memref<80xf32, #tpu.memory_space<vmem_shared>>
      %dma_start3A_175 = tpu.memref_slice %arg21[%add3A_104] : memref<10240xf32, #tpu.memory_space<vmem_shared>> -> memref<80xf32, #tpu.memory_space<vmem_shared>>
      tpu.enqueue_dma source(%arg14 : memref<80xf32, #tpu.memory_space<vmem>>) target(%dma_start3A_175 : memref<80xf32, #tpu.memory_space<vmem_shared>>) target_semaphore(%run_scoped3A : memref<!tpu.dma_semaphore, #tpu.memory_space<semaphore_mem>>)
      %dma_wait3A = tpu.memref_slice %arg21[%add3A_104] : memref<10240xf32, #tpu.memory_space<vmem_shared>> -> memref<80xf32, #tpu.memory_space<vmem_shared>>
      %dma_wait3A_176 = tpu.memref_slice %arg21[%add3A_104] : memref<10240xf32, #tpu.memory_space<vmem_shared>> -> memref<80xf32, #tpu.memory_space<vmem_shared>>
      tpu.wait_dma2 semaphore(%run_scoped3A : memref<!tpu.dma_semaphore, #tpu.memory_space<semaphore_mem>>) src(%arg14 : memref<80xf32, #tpu.memory_space<vmem>>) dst(%dma_wait3A_176 : memref<80xf32, #tpu.memory_space<vmem_shared>>)
      tpu.yield
    }) : () -> ()
    %mul3A_105 = arith.constant 640 : i32
    %mul3A_106 = arith.muli %arg1, %mul3A_105 : i32
    %add3A_107 = arith.constant 400 : i32
    %add3A_108 = arith.addi %mul3A_106, %add3A_107 : i32
    "tpu.region"() ({
      %run_scoped3A = tpu.sem_alloc : memref<!tpu.dma_semaphore, #tpu.memory_space<semaphore_mem>>
      %dma_start3A = arith.constant 0 : i32
      %dma_start3A_175 = tpu.memref_slice %arg19[%add3A_108, %dma_start3A] : memref<10240x128xf32, #tpu.memory_space<vmem_shared>> -> memref<80x128xf32, #tpu.memory_space<vmem_shared>>
      %dma_start3A_176 = arith.constant 0 : i32
      %dma_start3A_177 = tpu.memref_slice %arg19[%add3A_108, %dma_start3A_176] : memref<10240x128xf32, #tpu.memory_space<vmem_shared>> -> memref<80x128xf32, #tpu.memory_space<vmem_shared>>
      tpu.enqueue_dma source(%arg17 : memref<80x128xf32, #tpu.memory_space<vmem>>) target(%dma_start3A_177 : memref<80x128xf32, #tpu.memory_space<vmem_shared>>) target_semaphore(%run_scoped3A : memref<!tpu.dma_semaphore, #tpu.memory_space<semaphore_mem>>)
      %dma_wait3A = arith.constant 0 : i32
      %dma_wait3A_178 = tpu.memref_slice %arg19[%add3A_108, %dma_wait3A] : memref<10240x128xf32, #tpu.memory_space<vmem_shared>> -> memref<80x128xf32, #tpu.memory_space<vmem_shared>>
      %dma_wait3A_179 = arith.constant 0 : i32
      %dma_wait3A_180 = tpu.memref_slice %arg19[%add3A_108, %dma_wait3A_179] : memref<10240x128xf32, #tpu.memory_space<vmem_shared>> -> memref<80x128xf32, #tpu.memory_space<vmem_shared>>
      tpu.wait_dma2 semaphore(%run_scoped3A : memref<!tpu.dma_semaphore, #tpu.memory_space<semaphore_mem>>) src(%arg17 : memref<80x128xf32, #tpu.memory_space<vmem>>) dst(%dma_wait3A_180 : memref<80x128xf32, #tpu.memory_space<vmem_shared>>)
      tpu.yield
    }) : () -> ()
    %mul3A_109 = arith.constant 640 : i32
    %mul3A_110 = arith.muli %arg1, %mul3A_109 : i32
    %add3A_111 = arith.constant 400 : i32
    %add3A_112 = arith.addi %mul3A_110, %add3A_111 : i32
    "tpu.region"() ({
      %run_scoped3A = tpu.sem_alloc : memref<!tpu.dma_semaphore, #tpu.memory_space<semaphore_mem>>
      %dma_start3A = tpu.memref_slice %arg20[%add3A_112] : memref<10240xf32, #tpu.memory_space<vmem_shared>> -> memref<80xf32, #tpu.memory_space<vmem_shared>>
      %dma_start3A_175 = tpu.memref_slice %arg20[%add3A_112] : memref<10240xf32, #tpu.memory_space<vmem_shared>> -> memref<80xf32, #tpu.memory_space<vmem_shared>>
      tpu.enqueue_dma source(%arg14 : memref<80xf32, #tpu.memory_space<vmem>>) target(%dma_start3A_175 : memref<80xf32, #tpu.memory_space<vmem_shared>>) target_semaphore(%run_scoped3A : memref<!tpu.dma_semaphore, #tpu.memory_space<semaphore_mem>>)
      %dma_wait3A = tpu.memref_slice %arg20[%add3A_112] : memref<10240xf32, #tpu.memory_space<vmem_shared>> -> memref<80xf32, #tpu.memory_space<vmem_shared>>
      %dma_wait3A_176 = tpu.memref_slice %arg20[%add3A_112] : memref<10240xf32, #tpu.memory_space<vmem_shared>> -> memref<80xf32, #tpu.memory_space<vmem_shared>>
      tpu.wait_dma2 semaphore(%run_scoped3A : memref<!tpu.dma_semaphore, #tpu.memory_space<semaphore_mem>>) src(%arg14 : memref<80xf32, #tpu.memory_space<vmem>>) dst(%dma_wait3A_176 : memref<80xf32, #tpu.memory_space<vmem_shared>>)
      tpu.yield
    }) : () -> ()
    %mul3A_113 = arith.constant 640 : i32
    %mul3A_114 = arith.muli %arg1, %mul3A_113 : i32
    %add3A_115 = arith.constant 400 : i32
    %add3A_116 = arith.addi %mul3A_114, %add3A_115 : i32
    "tpu.region"() ({
      %run_scoped3A = tpu.sem_alloc : memref<!tpu.dma_semaphore, #tpu.memory_space<semaphore_mem>>
      %dma_start3A = tpu.memref_slice %arg21[%add3A_116] : memref<10240xf32, #tpu.memory_space<vmem_shared>> -> memref<80xf32, #tpu.memory_space<vmem_shared>>
      %dma_start3A_175 = tpu.memref_slice %arg21[%add3A_116] : memref<10240xf32, #tpu.memory_space<vmem_shared>> -> memref<80xf32, #tpu.memory_space<vmem_shared>>
      tpu.enqueue_dma source(%arg14 : memref<80xf32, #tpu.memory_space<vmem>>) target(%dma_start3A_175 : memref<80xf32, #tpu.memory_space<vmem_shared>>) target_semaphore(%run_scoped3A : memref<!tpu.dma_semaphore, #tpu.memory_space<semaphore_mem>>)
      %dma_wait3A = tpu.memref_slice %arg21[%add3A_116] : memref<10240xf32, #tpu.memory_space<vmem_shared>> -> memref<80xf32, #tpu.memory_space<vmem_shared>>
      %dma_wait3A_176 = tpu.memref_slice %arg21[%add3A_116] : memref<10240xf32, #tpu.memory_space<vmem_shared>> -> memref<80xf32, #tpu.memory_space<vmem_shared>>
      tpu.wait_dma2 semaphore(%run_scoped3A : memref<!tpu.dma_semaphore, #tpu.memory_space<semaphore_mem>>) src(%arg14 : memref<80xf32, #tpu.memory_space<vmem>>) dst(%dma_wait3A_176 : memref<80xf32, #tpu.memory_space<vmem_shared>>)
      tpu.yield
    }) : () -> ()
    %mul3A_117 = arith.constant 640 : i32
    %mul3A_118 = arith.muli %arg1, %mul3A_117 : i32
    %add3A_119 = arith.constant 480 : i32
    %add3A_120 = arith.addi %mul3A_118, %add3A_119 : i32
    "tpu.region"() ({
      %run_scoped3A = tpu.sem_alloc : memref<!tpu.dma_semaphore, #tpu.memory_space<semaphore_mem>>
      %dma_start3A = arith.constant 0 : i32
      %dma_start3A_175 = tpu.memref_slice %arg19[%add3A_120, %dma_start3A] : memref<10240x128xf32, #tpu.memory_space<vmem_shared>> -> memref<80x128xf32, #tpu.memory_space<vmem_shared>>
      %dma_start3A_176 = arith.constant 0 : i32
      %dma_start3A_177 = tpu.memref_slice %arg19[%add3A_120, %dma_start3A_176] : memref<10240x128xf32, #tpu.memory_space<vmem_shared>> -> memref<80x128xf32, #tpu.memory_space<vmem_shared>>
      tpu.enqueue_dma source(%arg17 : memref<80x128xf32, #tpu.memory_space<vmem>>) target(%dma_start3A_177 : memref<80x128xf32, #tpu.memory_space<vmem_shared>>) target_semaphore(%run_scoped3A : memref<!tpu.dma_semaphore, #tpu.memory_space<semaphore_mem>>)
      %dma_wait3A = arith.constant 0 : i32
      %dma_wait3A_178 = tpu.memref_slice %arg19[%add3A_120, %dma_wait3A] : memref<10240x128xf32, #tpu.memory_space<vmem_shared>> -> memref<80x128xf32, #tpu.memory_space<vmem_shared>>
      %dma_wait3A_179 = arith.constant 0 : i32
      %dma_wait3A_180 = tpu.memref_slice %arg19[%add3A_120, %dma_wait3A_179] : memref<10240x128xf32, #tpu.memory_space<vmem_shared>> -> memref<80x128xf32, #tpu.memory_space<vmem_shared>>
      tpu.wait_dma2 semaphore(%run_scoped3A : memref<!tpu.dma_semaphore, #tpu.memory_space<semaphore_mem>>) src(%arg17 : memref<80x128xf32, #tpu.memory_space<vmem>>) dst(%dma_wait3A_180 : memref<80x128xf32, #tpu.memory_space<vmem_shared>>)
      tpu.yield
    }) : () -> ()
    %mul3A_121 = arith.constant 640 : i32
    %mul3A_122 = arith.muli %arg1, %mul3A_121 : i32
    %add3A_123 = arith.constant 480 : i32
    %add3A_124 = arith.addi %mul3A_122, %add3A_123 : i32
    "tpu.region"() ({
      %run_scoped3A = tpu.sem_alloc : memref<!tpu.dma_semaphore, #tpu.memory_space<semaphore_mem>>
      %dma_start3A = tpu.memref_slice %arg20[%add3A_124] : memref<10240xf32, #tpu.memory_space<vmem_shared>> -> memref<80xf32, #tpu.memory_space<vmem_shared>>
      %dma_start3A_175 = tpu.memref_slice %arg20[%add3A_124] : memref<10240xf32, #tpu.memory_space<vmem_shared>> -> memref<80xf32, #tpu.memory_space<vmem_shared>>
      tpu.enqueue_dma source(%arg14 : memref<80xf32, #tpu.memory_space<vmem>>) target(%dma_start3A_175 : memref<80xf32, #tpu.memory_space<vmem_shared>>) target_semaphore(%run_scoped3A : memref<!tpu.dma_semaphore, #tpu.memory_space<semaphore_mem>>)
      %dma_wait3A = tpu.memref_slice %arg20[%add3A_124] : memref<10240xf32, #tpu.memory_space<vmem_shared>> -> memref<80xf32, #tpu.memory_space<vmem_shared>>
      %dma_wait3A_176 = tpu.memref_slice %arg20[%add3A_124] : memref<10240xf32, #tpu.memory_space<vmem_shared>> -> memref<80xf32, #tpu.memory_space<vmem_shared>>
      tpu.wait_dma2 semaphore(%run_scoped3A : memref<!tpu.dma_semaphore, #tpu.memory_space<semaphore_mem>>) src(%arg14 : memref<80xf32, #tpu.memory_space<vmem>>) dst(%dma_wait3A_176 : memref<80xf32, #tpu.memory_space<vmem_shared>>)
      tpu.yield
    }) : () -> ()
    %mul3A_125 = arith.constant 640 : i32
    %mul3A_126 = arith.muli %arg1, %mul3A_125 : i32
    %add3A_127 = arith.constant 480 : i32
    %add3A_128 = arith.addi %mul3A_126, %add3A_127 : i32
    "tpu.region"() ({
      %run_scoped3A = tpu.sem_alloc : memref<!tpu.dma_semaphore, #tpu.memory_space<semaphore_mem>>
      %dma_start3A = tpu.memref_slice %arg21[%add3A_128] : memref<10240xf32, #tpu.memory_space<vmem_shared>> -> memref<80xf32, #tpu.memory_space<vmem_shared>>
      %dma_start3A_175 = tpu.memref_slice %arg21[%add3A_128] : memref<10240xf32, #tpu.memory_space<vmem_shared>> -> memref<80xf32, #tpu.memory_space<vmem_shared>>
      tpu.enqueue_dma source(%arg14 : memref<80xf32, #tpu.memory_space<vmem>>) target(%dma_start3A_175 : memref<80xf32, #tpu.memory_space<vmem_shared>>) target_semaphore(%run_scoped3A : memref<!tpu.dma_semaphore, #tpu.memory_space<semaphore_mem>>)
      %dma_wait3A = tpu.memref_slice %arg21[%add3A_128] : memref<10240xf32, #tpu.memory_space<vmem_shared>> -> memref<80xf32, #tpu.memory_space<vmem_shared>>
      %dma_wait3A_176 = tpu.memref_slice %arg21[%add3A_128] : memref<10240xf32, #tpu.memory_space<vmem_shared>> -> memref<80xf32, #tpu.memory_space<vmem_shared>>
      tpu.wait_dma2 semaphore(%run_scoped3A : memref<!tpu.dma_semaphore, #tpu.memory_space<semaphore_mem>>) src(%arg14 : memref<80xf32, #tpu.memory_space<vmem>>) dst(%dma_wait3A_176 : memref<80xf32, #tpu.memory_space<vmem_shared>>)
      tpu.yield
    }) : () -> ()
    %mul3A_129 = arith.constant 640 : i32
    %mul3A_130 = arith.muli %arg1, %mul3A_129 : i32
    %add3A_131 = arith.constant 560 : i32
    %add3A_132 = arith.addi %mul3A_130, %add3A_131 : i32
    "tpu.region"() ({
      %run_scoped3A = tpu.sem_alloc : memref<!tpu.dma_semaphore, #tpu.memory_space<semaphore_mem>>
      %dma_start3A = arith.constant 0 : i32
      %dma_start3A_175 = tpu.memref_slice %arg19[%add3A_132, %dma_start3A] : memref<10240x128xf32, #tpu.memory_space<vmem_shared>> -> memref<80x128xf32, #tpu.memory_space<vmem_shared>>
      %dma_start3A_176 = arith.constant 0 : i32
      %dma_start3A_177 = tpu.memref_slice %arg19[%add3A_132, %dma_start3A_176] : memref<10240x128xf32, #tpu.memory_space<vmem_shared>> -> memref<80x128xf32, #tpu.memory_space<vmem_shared>>
      tpu.enqueue_dma source(%arg17 : memref<80x128xf32, #tpu.memory_space<vmem>>) target(%dma_start3A_177 : memref<80x128xf32, #tpu.memory_space<vmem_shared>>) target_semaphore(%run_scoped3A : memref<!tpu.dma_semaphore, #tpu.memory_space<semaphore_mem>>)
      %dma_wait3A = arith.constant 0 : i32
      %dma_wait3A_178 = tpu.memref_slice %arg19[%add3A_132, %dma_wait3A] : memref<10240x128xf32, #tpu.memory_space<vmem_shared>> -> memref<80x128xf32, #tpu.memory_space<vmem_shared>>
      %dma_wait3A_179 = arith.constant 0 : i32
      %dma_wait3A_180 = tpu.memref_slice %arg19[%add3A_132, %dma_wait3A_179] : memref<10240x128xf32, #tpu.memory_space<vmem_shared>> -> memref<80x128xf32, #tpu.memory_space<vmem_shared>>
      tpu.wait_dma2 semaphore(%run_scoped3A : memref<!tpu.dma_semaphore, #tpu.memory_space<semaphore_mem>>) src(%arg17 : memref<80x128xf32, #tpu.memory_space<vmem>>) dst(%dma_wait3A_180 : memref<80x128xf32, #tpu.memory_space<vmem_shared>>)
      tpu.yield
    }) : () -> ()
    %mul3A_133 = arith.constant 640 : i32
    %mul3A_134 = arith.muli %arg1, %mul3A_133 : i32
    %add3A_135 = arith.constant 560 : i32
    %add3A_136 = arith.addi %mul3A_134, %add3A_135 : i32
    "tpu.region"() ({
      %run_scoped3A = tpu.sem_alloc : memref<!tpu.dma_semaphore, #tpu.memory_space<semaphore_mem>>
      %dma_start3A = tpu.memref_slice %arg20[%add3A_136] : memref<10240xf32, #tpu.memory_space<vmem_shared>> -> memref<80xf32, #tpu.memory_space<vmem_shared>>
      %dma_start3A_175 = tpu.memref_slice %arg20[%add3A_136] : memref<10240xf32, #tpu.memory_space<vmem_shared>> -> memref<80xf32, #tpu.memory_space<vmem_shared>>
      tpu.enqueue_dma source(%arg14 : memref<80xf32, #tpu.memory_space<vmem>>) target(%dma_start3A_175 : memref<80xf32, #tpu.memory_space<vmem_shared>>) target_semaphore(%run_scoped3A : memref<!tpu.dma_semaphore, #tpu.memory_space<semaphore_mem>>)
      %dma_wait3A = tpu.memref_slice %arg20[%add3A_136] : memref<10240xf32, #tpu.memory_space<vmem_shared>> -> memref<80xf32, #tpu.memory_space<vmem_shared>>
      %dma_wait3A_176 = tpu.memref_slice %arg20[%add3A_136] : memref<10240xf32, #tpu.memory_space<vmem_shared>> -> memref<80xf32, #tpu.memory_space<vmem_shared>>
      tpu.wait_dma2 semaphore(%run_scoped3A : memref<!tpu.dma_semaphore, #tpu.memory_space<semaphore_mem>>) src(%arg14 : memref<80xf32, #tpu.memory_space<vmem>>) dst(%dma_wait3A_176 : memref<80xf32, #tpu.memory_space<vmem_shared>>)
      tpu.yield
    }) : () -> ()
    %mul3A_137 = arith.constant 640 : i32
    %mul3A_138 = arith.muli %arg1, %mul3A_137 : i32
    %add3A_139 = arith.constant 560 : i32
    %add3A_140 = arith.addi %mul3A_138, %add3A_139 : i32
    "tpu.region"() ({
      %run_scoped3A = tpu.sem_alloc : memref<!tpu.dma_semaphore, #tpu.memory_space<semaphore_mem>>
      %dma_start3A = tpu.memref_slice %arg21[%add3A_140] : memref<10240xf32, #tpu.memory_space<vmem_shared>> -> memref<80xf32, #tpu.memory_space<vmem_shared>>
      %dma_start3A_175 = tpu.memref_slice %arg21[%add3A_140] : memref<10240xf32, #tpu.memory_space<vmem_shared>> -> memref<80xf32, #tpu.memory_space<vmem_shared>>
      tpu.enqueue_dma source(%arg14 : memref<80xf32, #tpu.memory_space<vmem>>) target(%dma_start3A_175 : memref<80xf32, #tpu.memory_space<vmem_shared>>) target_semaphore(%run_scoped3A : memref<!tpu.dma_semaphore, #tpu.memory_space<semaphore_mem>>)
      %dma_wait3A = tpu.memref_slice %arg21[%add3A_140] : memref<10240xf32, #tpu.memory_space<vmem_shared>> -> memref<80xf32, #tpu.memory_space<vmem_shared>>
      %dma_wait3A_176 = tpu.memref_slice %arg21[%add3A_140] : memref<10240xf32, #tpu.memory_space<vmem_shared>> -> memref<80xf32, #tpu.memory_space<vmem_shared>>
      tpu.wait_dma2 semaphore(%run_scoped3A : memref<!tpu.dma_semaphore, #tpu.memory_space<semaphore_mem>>) src(%arg14 : memref<80xf32, #tpu.memory_space<vmem>>) dst(%dma_wait3A_176 : memref<80xf32, #tpu.memory_space<vmem_shared>>)
      tpu.yield
    }) : () -> ()
    %barrier3A = arith.constant 0 : index
    tpu.barrier barrier_id(%barrier3A)
    "tpu.region"() ({
      %run_scoped3A = tpu.sem_alloc : memref<!tpu.dma_semaphore, #tpu.memory_space<semaphore_mem>>
      tpu.enqueue_dma source(%arg4 : memref<10240xf32, #tpu.memory_space<hbm>>) target(%arg12 : memref<10240xf32, #tpu.memory_space<vmem>>) target_semaphore(%run_scoped3A : memref<!tpu.dma_semaphore, #tpu.memory_space<semaphore_mem>>)
      tpu.wait_dma2 semaphore(%run_scoped3A : memref<!tpu.dma_semaphore, #tpu.memory_space<semaphore_mem>>) src(%arg4 : memref<10240xf32, #tpu.memory_space<hbm>>) dst(%arg12 : memref<10240xf32, #tpu.memory_space<vmem>>)
      tpu.yield
    }) : () -> ()
    "tpu.region"() ({
      %run_scoped3A = tpu.sem_alloc : memref<!tpu.dma_semaphore, #tpu.memory_space<semaphore_mem>>
      tpu.enqueue_dma source(%arg5 : memref<10240xf32, #tpu.memory_space<hbm>>) target(%arg13 : memref<10240xf32, #tpu.memory_space<vmem>>) target_semaphore(%run_scoped3A : memref<!tpu.dma_semaphore, #tpu.memory_space<semaphore_mem>>)
      tpu.wait_dma2 semaphore(%run_scoped3A : memref<!tpu.dma_semaphore, #tpu.memory_space<semaphore_mem>>) src(%arg5 : memref<10240xf32, #tpu.memory_space<hbm>>) dst(%arg13 : memref<10240xf32, #tpu.memory_space<vmem>>)
      tpu.yield
    }) : () -> ()
    %eq3A = arith.constant 0 : i32
    %eq3A_141 = arith.cmpi eq, %arg0, %eq3A : i32
    %mul3A_142 = arith.constant 208 : i32
    %mul3A_143 = arith.muli %arg1, %mul3A_142 : i32
    %mul3A_144 = arith.constant 48 : i32
    %mul3A_145 = arith.muli %arg1, %mul3A_144 : i32
    %add3A_146 = arith.constant 3328 : i32
    %add3A_147 = arith.addi %add3A_146, %mul3A_145 : i32
    %select_n3A = arith.select %eq3A_141, %mul3A_143, %add3A_147 : i32
    %eq3A_148 = arith.constant 0 : i32
    %eq3A_149 = arith.cmpi eq, %arg0, %eq3A_148 : i32
    %jit3A = arith.constant 26 : i32
    %jit3A_150 = arith.constant 6 : i32
    %select_n3A_151 = arith.select %eq3A_149, %jit3A, %jit3A_150 : i32
    %while3A = arith.constant 0 : i32
    %while3A_152 = arith.constant 0 : i32
    %while3A_153 = arith.subi %select_n3A_151, %while3A : i32
    %while3A_154 = arith.addi %while3A, %while3A_153 : i32
    %while3A_155 = arith.constant 1 : i32
    %while3A_156 = arith.divsi %while3A_153, %while3A_155 : i32
    %while3A_157 = arith.muli %while3A_156, %while3A_155 : i32
    %while3A_158 = arith.addi %while3A, %while3A_157 : i32
    %while3A_159 = arith.constant 1 : i32
    %while3A_160 = scf.for %while3A_175 = %while3A to %while3A_158 step %while3A_159 iter_args(%while3A_176 = %while3A_152) -> (i32)  : i32 {
      %mul3A_177 = arith.constant 8 : i32
      %mul3A_178 = arith.muli %while3A_175, %mul3A_177 : i32
      %add3A_179 = arith.addi %select_n3A, %mul3A_178 : i32
      "tpu.region"() ({
        %run_scoped3A = tpu.sem_alloc : memref<!tpu.dma_semaphore, #tpu.memory_space<semaphore_mem>>
        %dma_start3A_207 = arith.constant 0 : i32
        %dma_start3A_208 = tpu.memref_slice %arg2[%add3A_179, %dma_start3A_207] : memref<4096x80xi32, #tpu.memory_space<hbm>> -> memref<8x80xi32, #tpu.memory_space<hbm>>
        %dma_start3A_209 = arith.constant 0 : i32
        %dma_start3A_210 = tpu.memref_slice %arg2[%add3A_179, %dma_start3A_209] : memref<4096x80xi32, #tpu.memory_space<hbm>> -> memref<8x80xi32, #tpu.memory_space<hbm>>
        tpu.enqueue_dma source(%dma_start3A_210 : memref<8x80xi32, #tpu.memory_space<hbm>>) target(%arg10 : memref<8x80xi32, #tpu.memory_space<vmem>>) target_semaphore(%run_scoped3A : memref<!tpu.dma_semaphore, #tpu.memory_space<semaphore_mem>>)
        %dma_wait3A_211 = arith.constant 0 : i32
        %dma_wait3A_212 = tpu.memref_slice %arg2[%add3A_179, %dma_wait3A_211] : memref<4096x80xi32, #tpu.memory_space<hbm>> -> memref<8x80xi32, #tpu.memory_space<hbm>>
        %dma_wait3A_213 = arith.constant 0 : i32
        %dma_wait3A_214 = tpu.memref_slice %arg2[%add3A_179, %dma_wait3A_213] : memref<4096x80xi32, #tpu.memory_space<hbm>> -> memref<8x80xi32, #tpu.memory_space<hbm>>
        tpu.wait_dma2 semaphore(%run_scoped3A : memref<!tpu.dma_semaphore, #tpu.memory_space<semaphore_mem>>) src(%dma_wait3A_214 : memref<8x80xi32, #tpu.memory_space<hbm>>) dst(%arg10 : memref<8x80xi32, #tpu.memory_space<vmem>>)
        tpu.yield
      }) : () -> ()
      "tpu.region"() ({
        %run_scoped3A = tpu.sem_alloc : memref<!tpu.dma_semaphore, #tpu.memory_space<semaphore_mem>>
        %dma_start3A_207 = arith.constant 0 : i32
        %dma_start3A_208 = tpu.memref_slice %arg3[%add3A_179, %dma_start3A_207] : memref<4096x80xi32, #tpu.memory_space<hbm>> -> memref<8x80xi32, #tpu.memory_space<hbm>>
        %dma_start3A_209 = arith.constant 0 : i32
        %dma_start3A_210 = tpu.memref_slice %arg3[%add3A_179, %dma_start3A_209] : memref<4096x80xi32, #tpu.memory_space<hbm>> -> memref<8x80xi32, #tpu.memory_space<hbm>>
        tpu.enqueue_dma source(%dma_start3A_210 : memref<8x80xi32, #tpu.memory_space<hbm>>) target(%arg11 : memref<8x80xi32, #tpu.memory_space<vmem>>) target_semaphore(%run_scoped3A : memref<!tpu.dma_semaphore, #tpu.memory_space<semaphore_mem>>)
        %dma_wait3A_211 = arith.constant 0 : i32
        %dma_wait3A_212 = tpu.memref_slice %arg3[%add3A_179, %dma_wait3A_211] : memref<4096x80xi32, #tpu.memory_space<hbm>> -> memref<8x80xi32, #tpu.memory_space<hbm>>
        %dma_wait3A_213 = arith.constant 0 : i32
        %dma_wait3A_214 = tpu.memref_slice %arg3[%add3A_179, %dma_wait3A_213] : memref<4096x80xi32, #tpu.memory_space<hbm>> -> memref<8x80xi32, #tpu.memory_space<hbm>>
        tpu.wait_dma2 semaphore(%run_scoped3A : memref<!tpu.dma_semaphore, #tpu.memory_space<semaphore_mem>>) src(%dma_wait3A_214 : memref<8x80xi32, #tpu.memory_space<hbm>>) dst(%arg11 : memref<8x80xi32, #tpu.memory_space<vmem>>)
        tpu.yield
      }) : () -> ()
      %dma_start3A = arith.constant 0 : i32
      %dma_start3A_180 = arith.constant 0 : i32
      %dma_start3A_181 = tpu.memref_slice %arg10[%dma_start3A, %dma_start3A_180] : memref<8x80xi32, #tpu.memory_space<vmem>> -> memref<1x80xi32, #tpu.memory_space<vmem>>
      %dma_start3A_182 = tpu.memref_squeeze %dma_start3A_181 : memref<1x80xi32, #tpu.memory_space<vmem>> -> memref<80xi32, #tpu.memory_space<vmem>>
      %dma_start3A_183 = arith.constant 0 : i32
      %dma_start3A_184 = arith.constant 0 : i32
      %dma_start3A_185 = tpu.memref_slice %arg6[%dma_start3A_183, %dma_start3A_184] : memref<10240x128xf32, #tpu.memory_space<hbm>> -> memref<10240x128xf32, #tpu.memory_space<hbm>>
      tpu.enqueue_indirect_dma source(%dma_start3A_185 : memref<10240x128xf32, #tpu.memory_space<hbm>>) target(%arg17 : memref<80x128xf32, #tpu.memory_space<vmem>>) offsets(%dma_start3A_182 : memref<80xi32, #tpu.memory_space<vmem>>) semaphore(%arg22 : memref<!tpu.dma_semaphore, #tpu.memory_space<semaphore_mem>>)
      %scan3A_186 = arith.constant 0 : i32
      %scan3A_187 = arith.constant 0 : i32
      %scan3A_188 = arith.constant 4 : i32
      %scan3A_189 = arith.addi %scan3A_187, %scan3A_188 : i32
      %scan3A_190 = arith.constant 1 : i32
      %scan3A_191 = scf.for %scan3A_207 = %scan3A_187 to %scan3A_189 step %scan3A_190 iter_args(%scan3A_208 = %scan3A_186) -> (i32)  : i32 {
        %mul3A_209 = arith.constant 2 : i32
        %mul3A_210 = arith.muli %mul3A_209, %scan3A_207 : i32
        %mul3A_211 = arith.constant 2 : i32
        %mul3A_212 = arith.muli %mul3A_211, %scan3A_207 : i32
        %add3A_213 = arith.constant 1 : i32
        %add3A_214 = arith.addi %mul3A_212, %add3A_213 : i32
        %gt3A = arith.constant 0 : i32
        %gt3A_215 = arith.cmpi sgt, %scan3A_207, %gt3A : i32
        %convert_element_type3A = arith.extui %gt3A_215 : i1 to i32
        %cond3A = arith.constant 0 : i32
        %cond3A_216 = arith.cmpi ne, %convert_element_type3A, %cond3A : i32
        scf.if %cond3A_216 {
          %dma_wait3A_537 = arith.constant 0 : i32
          %dma_wait3A_538 = tpu.memref_slice %arg11[%add3A_214, %dma_wait3A_537] : memref<8x80xi32, #tpu.memory_space<vmem>> -> memref<1x80xi32, #tpu.memory_space<vmem>>
          %dma_wait3A_539 = tpu.memref_squeeze %dma_wait3A_538 : memref<1x80xi32, #tpu.memory_space<vmem>> -> memref<80xi32, #tpu.memory_space<vmem>>
          %dma_wait3A_540 = arith.constant 0 : i32
          %dma_wait3A_541 = arith.constant 0 : i32
          %dma_wait3A_542 = tpu.memref_slice %arg19[%dma_wait3A_540, %dma_wait3A_541] : memref<10240x128xf32, #tpu.memory_space<vmem_shared>> -> memref<10240x128xf32, #tpu.memory_space<vmem_shared>>
          tpu.wait_indirect_dma semaphore(%arg25 : memref<!tpu.dma_semaphore, #tpu.memory_space<semaphore_mem>>) src(%arg18 : memref<80x128xf32, #tpu.memory_space<vmem>>) dst(%dma_wait3A_542 : memref<10240x128xf32, #tpu.memory_space<vmem_shared>>)
        } else {
        }
        %dma_start3A_217 = arith.constant 0 : i32
        %dma_start3A_218 = tpu.memref_slice %arg10[%add3A_214, %dma_start3A_217] : memref<8x80xi32, #tpu.memory_space<vmem>> -> memref<1x80xi32, #tpu.memory_space<vmem>>
        %dma_start3A_219 = tpu.memref_squeeze %dma_start3A_218 : memref<1x80xi32, #tpu.memory_space<vmem>> -> memref<80xi32, #tpu.memory_space<vmem>>
        %dma_start3A_220 = arith.constant 0 : i32
        %dma_start3A_221 = arith.constant 0 : i32
        %dma_start3A_222 = tpu.memref_slice %arg6[%dma_start3A_220, %dma_start3A_221] : memref<10240x128xf32, #tpu.memory_space<hbm>> -> memref<10240x128xf32, #tpu.memory_space<hbm>>
        tpu.enqueue_indirect_dma source(%dma_start3A_222 : memref<10240x128xf32, #tpu.memory_space<hbm>>) target(%arg18 : memref<80x128xf32, #tpu.memory_space<vmem>>) offsets(%dma_start3A_219 : memref<80xi32, #tpu.memory_space<vmem>>) semaphore(%arg23 : memref<!tpu.dma_semaphore, #tpu.memory_space<semaphore_mem>>)
        %scan3A_223 = arith.constant 0 : i32
        %scan3A_224 = arith.constant 0 : i32
        %mul3A_225 = arith.constant 16 : i32
        %mul3A_226 = arith.muli %scan3A_224, %mul3A_225 : i32
        %get3A = arith.index_cast %mul3A_210 : i32 to index
        %get3A_227 = arith.index_cast %mul3A_226 : i32 to index
        %get3A_228 = tpu.vector_load %arg10[%get3A, %get3A_227] {strides = array<i32>} : memref<8x80xi32, #tpu.memory_space<vmem>>, vector<16xi32>,
        %mul3A_229 = arith.constant 16 : i32
        %mul3A_230 = arith.muli %scan3A_224, %mul3A_229 : i32
        %get3A_231 = arith.index_cast %mul3A_210 : i32 to index
        %get3A_232 = arith.index_cast %mul3A_230 : i32 to index
        %get3A_233 = tpu.vector_load %arg11[%get3A_231, %get3A_232] {strides = array<i32>} : memref<8x80xi32, #tpu.memory_space<vmem>>, vector<16xi32>,
        %gather3A = tpu.vector_load_idx %arg12[%get3A_228] : memref<10240xf32, #tpu.memory_space<vmem>>[vector<16xi32>], vector<16xf32>,
        %gather3A_234 = tpu.vector_load_idx %arg13[%get3A_233] : memref<10240xf32, #tpu.memory_space<vmem>>[vector<16xi32>], vector<16xf32>,
        %add3A_235 = arith.addf %gather3A, %gather3A_234 : vector<16xf32>
        %gt3A_236 = arith.constant 0.000000e+00 : f32
        %gt3A_237 = vector.broadcast %gt3A_236 : f32 to vector<16xf32>
        %gt3A_238 = arith.cmpf ogt, %add3A_235, %gt3A_237 : vector<16xf32>
        %mul3A_239 = arith.constant 2.000000e-01 : f32
        %mul3A_240 = vector.broadcast %mul3A_239 : f32 to vector<16xf32>
        %mul3A_241 = arith.mulf %mul3A_240, %add3A_235 : vector<16xf32>
        %select_n3A_242 = arith.select %gt3A_238, %add3A_235, %mul3A_241 : vector<16xi1>, vector<16xf32>
        %exp3A = math.exp %select_n3A_242 : vector<16xf32>
        %mul3A_243 = arith.constant 16 : i32
        %mul3A_244 = arith.muli %scan3A_224, %mul3A_243 : i32
        %swap3A_245 = arith.index_cast %mul3A_244 : i32 to index
        %swap3A_246 = tpu.vector_load %arg14[%swap3A_245] {strides = array<i32>} : memref<80xf32, #tpu.memory_space<vmem>>, vector<16xf32>,
        tpu.vector_store %arg14[%swap3A_245], %exp3A {strides = array<i32>} : memref<80xf32, #tpu.memory_space<vmem>>, vector<16xf32>,
        %scan3A_247 = arith.constant 0 : i32
        %scan3A_248 = arith.constant 1 : i32
        %mul3A_249 = arith.constant 16 : i32
        %mul3A_250 = arith.muli %scan3A_248, %mul3A_249 : i32
        %get3A_251 = arith.index_cast %mul3A_210 : i32 to index
        %get3A_252 = arith.index_cast %mul3A_250 : i32 to index
        %get3A_253 = tpu.vector_load %arg10[%get3A_251, %get3A_252] {strides = array<i32>} : memref<8x80xi32, #tpu.memory_space<vmem>>, vector<16xi32>,
        %mul3A_254 = arith.constant 16 : i32
        %mul3A_255 = arith.muli %scan3A_248, %mul3A_254 : i32
        %get3A_256 = arith.index_cast %mul3A_210 : i32 to index
        %get3A_257 = arith.index_cast %mul3A_255 : i32 to index
        %get3A_258 = tpu.vector_load %arg11[%get3A_256, %get3A_257] {strides = array<i32>} : memref<8x80xi32, #tpu.memory_space<vmem>>, vector<16xi32>,
        %gather3A_259 = tpu.vector_load_idx %arg12[%get3A_253] : memref<10240xf32, #tpu.memory_space<vmem>>[vector<16xi32>], vector<16xf32>,
        %gather3A_260 = tpu.vector_load_idx %arg13[%get3A_258] : memref<10240xf32, #tpu.memory_space<vmem>>[vector<16xi32>], vector<16xf32>,
        %add3A_261 = arith.addf %gather3A_259, %gather3A_260 : vector<16xf32>
        %gt3A_262 = arith.constant 0.000000e+00 : f32
        %gt3A_263 = vector.broadcast %gt3A_262 : f32 to vector<16xf32>
        %gt3A_264 = arith.cmpf ogt, %add3A_261, %gt3A_263 : vector<16xf32>
        %mul3A_265 = arith.constant 2.000000e-01 : f32
        %mul3A_266 = vector.broadcast %mul3A_265 : f32 to vector<16xf32>
        %mul3A_267 = arith.mulf %mul3A_266, %add3A_261 : vector<16xf32>
        %select_n3A_268 = arith.select %gt3A_264, %add3A_261, %mul3A_267 : vector<16xi1>, vector<16xf32>
        %exp3A_269 = math.exp %select_n3A_268 : vector<16xf32>
        %mul3A_270 = arith.constant 16 : i32
        %mul3A_271 = arith.muli %scan3A_248, %mul3A_270 : i32
        %swap3A_272 = arith.index_cast %mul3A_271 : i32 to index
        %swap3A_273 = tpu.vector_load %arg14[%swap3A_272] {strides = array<i32>} : memref<80xf32, #tpu.memory_space<vmem>>, vector<16xf32>,
        tpu.vector_store %arg14[%swap3A_272], %exp3A_269 {strides = array<i32>} : memref<80xf32, #tpu.memory_space<vmem>>, vector<16xf32>,
        %scan3A_274 = arith.constant 0 : i32
        %scan3A_275 = arith.constant 2 : i32
        %mul3A_276 = arith.constant 16 : i32
        %mul3A_277 = arith.muli %scan3A_275, %mul3A_276 : i32
        %get3A_278 = arith.index_cast %mul3A_210 : i32 to index
        %get3A_279 = arith.index_cast %mul3A_277 : i32 to index
        %get3A_280 = tpu.vector_load %arg10[%get3A_278, %get3A_279] {strides = array<i32>} : memref<8x80xi32, #tpu.memory_space<vmem>>, vector<16xi32>,
        %mul3A_281 = arith.constant 16 : i32
        %mul3A_282 = arith.muli %scan3A_275, %mul3A_281 : i32
        %get3A_283 = arith.index_cast %mul3A_210 : i32 to index
        %get3A_284 = arith.index_cast %mul3A_282 : i32 to index
        %get3A_285 = tpu.vector_load %arg11[%get3A_283, %get3A_284] {strides = array<i32>} : memref<8x80xi32, #tpu.memory_space<vmem>>, vector<16xi32>,
        %gather3A_286 = tpu.vector_load_idx %arg12[%get3A_280] : memref<10240xf32, #tpu.memory_space<vmem>>[vector<16xi32>], vector<16xf32>,
        %gather3A_287 = tpu.vector_load_idx %arg13[%get3A_285] : memref<10240xf32, #tpu.memory_space<vmem>>[vector<16xi32>], vector<16xf32>,
        %add3A_288 = arith.addf %gather3A_286, %gather3A_287 : vector<16xf32>
        %gt3A_289 = arith.constant 0.000000e+00 : f32
        %gt3A_290 = vector.broadcast %gt3A_289 : f32 to vector<16xf32>
        %gt3A_291 = arith.cmpf ogt, %add3A_288, %gt3A_290 : vector<16xf32>
        %mul3A_292 = arith.constant 2.000000e-01 : f32
        %mul3A_293 = vector.broadcast %mul3A_292 : f32 to vector<16xf32>
        %mul3A_294 = arith.mulf %mul3A_293, %add3A_288 : vector<16xf32>
        %select_n3A_295 = arith.select %gt3A_291, %add3A_288, %mul3A_294 : vector<16xi1>, vector<16xf32>
        %exp3A_296 = math.exp %select_n3A_295 : vector<16xf32>
        %mul3A_297 = arith.constant 16 : i32
        %mul3A_298 = arith.muli %scan3A_275, %mul3A_297 : i32
        %swap3A_299 = arith.index_cast %mul3A_298 : i32 to index
        %swap3A_300 = tpu.vector_load %arg14[%swap3A_299] {strides = array<i32>} : memref<80xf32, #tpu.memory_space<vmem>>, vector<16xf32>,
        tpu.vector_store %arg14[%swap3A_299], %exp3A_296 {strides = array<i32>} : memref<80xf32, #tpu.memory_space<vmem>>, vector<16xf32>,
        %scan3A_301 = arith.constant 0 : i32
        %scan3A_302 = arith.constant 3 : i32
        %mul3A_303 = arith.constant 16 : i32
        %mul3A_304 = arith.muli %scan3A_302, %mul3A_303 : i32
        %get3A_305 = arith.index_cast %mul3A_210 : i32 to index
        %get3A_306 = arith.index_cast %mul3A_304 : i32 to index
        %get3A_307 = tpu.vector_load %arg10[%get3A_305, %get3A_306] {strides = array<i32>} : memref<8x80xi32, #tpu.memory_space<vmem>>, vector<16xi32>,
        %mul3A_308 = arith.constant 16 : i32
        %mul3A_309 = arith.muli %scan3A_302, %mul3A_308 : i32
        %get3A_310 = arith.index_cast %mul3A_210 : i32 to index
        %get3A_311 = arith.index_cast %mul3A_309 : i32 to index
        %get3A_312 = tpu.vector_load %arg11[%get3A_310, %get3A_311] {strides = array<i32>} : memref<8x80xi32, #tpu.memory_space<vmem>>, vector<16xi32>,
        %gather3A_313 = tpu.vector_load_idx %arg12[%get3A_307] : memref<10240xf32, #tpu.memory_space<vmem>>[vector<16xi32>], vector<16xf32>,
        %gather3A_314 = tpu.vector_load_idx %arg13[%get3A_312] : memref<10240xf32, #tpu.memory_space<vmem>>[vector<16xi32>], vector<16xf32>,
        %add3A_315 = arith.addf %gather3A_313, %gather3A_314 : vector<16xf32>
        %gt3A_316 = arith.constant 0.000000e+00 : f32
        %gt3A_317 = vector.broadcast %gt3A_316 : f32 to vector<16xf32>
        %gt3A_318 = arith.cmpf ogt, %add3A_315, %gt3A_317 : vector<16xf32>
        %mul3A_319 = arith.constant 2.000000e-01 : f32
        %mul3A_320 = vector.broadcast %mul3A_319 : f32 to vector<16xf32>
        %mul3A_321 = arith.mulf %mul3A_320, %add3A_315 : vector<16xf32>
        %select_n3A_322 = arith.select %gt3A_318, %add3A_315, %mul3A_321 : vector<16xi1>, vector<16xf32>
        %exp3A_323 = math.exp %select_n3A_322 : vector<16xf32>
        %mul3A_324 = arith.constant 16 : i32
        %mul3A_325 = arith.muli %scan3A_302, %mul3A_324 : i32
        %swap3A_326 = arith.index_cast %mul3A_325 : i32 to index
        %swap3A_327 = tpu.vector_load %arg14[%swap3A_326] {strides = array<i32>} : memref<80xf32, #tpu.memory_space<vmem>>, vector<16xf32>,
        tpu.vector_store %arg14[%swap3A_326], %exp3A_323 {strides = array<i32>} : memref<80xf32, #tpu.memory_space<vmem>>, vector<16xf32>,
        %scan3A_328 = arith.constant 0 : i32
        %scan3A_329 = arith.constant 4 : i32
        %mul3A_330 = arith.constant 16 : i32
        %mul3A_331 = arith.muli %scan3A_329, %mul3A_330 : i32
        %get3A_332 = arith.index_cast %mul3A_210 : i32 to index
        %get3A_333 = arith.index_cast %mul3A_331 : i32 to index
        %get3A_334 = tpu.vector_load %arg10[%get3A_332, %get3A_333] {strides = array<i32>} : memref<8x80xi32, #tpu.memory_space<vmem>>, vector<16xi32>,
        %mul3A_335 = arith.constant 16 : i32
        %mul3A_336 = arith.muli %scan3A_329, %mul3A_335 : i32
        %get3A_337 = arith.index_cast %mul3A_210 : i32 to index
        %get3A_338 = arith.index_cast %mul3A_336 : i32 to index
        %get3A_339 = tpu.vector_load %arg11[%get3A_337, %get3A_338] {strides = array<i32>} : memref<8x80xi32, #tpu.memory_space<vmem>>, vector<16xi32>,
        %gather3A_340 = tpu.vector_load_idx %arg12[%get3A_334] : memref<10240xf32, #tpu.memory_space<vmem>>[vector<16xi32>], vector<16xf32>,
        %gather3A_341 = tpu.vector_load_idx %arg13[%get3A_339] : memref<10240xf32, #tpu.memory_space<vmem>>[vector<16xi32>], vector<16xf32>,
        %add3A_342 = arith.addf %gather3A_340, %gather3A_341 : vector<16xf32>
        %gt3A_343 = arith.constant 0.000000e+00 : f32
        %gt3A_344 = vector.broadcast %gt3A_343 : f32 to vector<16xf32>
        %gt3A_345 = arith.cmpf ogt, %add3A_342, %gt3A_344 : vector<16xf32>
        %mul3A_346 = arith.constant 2.000000e-01 : f32
        %mul3A_347 = vector.broadcast %mul3A_346 : f32 to vector<16xf32>
        %mul3A_348 = arith.mulf %mul3A_347, %add3A_342 : vector<16xf32>
        %select_n3A_349 = arith.select %gt3A_345, %add3A_342, %mul3A_348 : vector<16xi1>, vector<16xf32>
        %exp3A_350 = math.exp %select_n3A_349 : vector<16xf32>
        %mul3A_351 = arith.constant 16 : i32
        %mul3A_352 = arith.muli %scan3A_329, %mul3A_351 : i32
        %swap3A_353 = arith.index_cast %mul3A_352 : i32 to index
        %swap3A_354 = tpu.vector_load %arg14[%swap3A_353] {strides = array<i32>} : memref<80xf32, #tpu.memory_space<vmem>>, vector<16xf32>,
        tpu.vector_store %arg14[%swap3A_353], %exp3A_350 {strides = array<i32>} : memref<80xf32, #tpu.memory_space<vmem>>, vector<16xf32>,
        %scan3A_355 = arith.constant 0 : i32
        %scan3A_356 = arith.constant 5 : i32
        "tpu.region"() ({
          %run_scoped3A = tpu.sem_alloc : memref<!tpu.dma_semaphore, #tpu.memory_space<semaphore_mem>>
          %dma_start3A_537 = arith.constant 0 : i32
          %dma_start3A_538 = tpu.memref_slice %arg11[%mul3A_210, %dma_start3A_537] : memref<8x80xi32, #tpu.memory_space<vmem>> -> memref<1x80xi32, #tpu.memory_space<vmem>>
          %dma_start3A_539 = tpu.memref_squeeze %dma_start3A_538 : memref<1x80xi32, #tpu.memory_space<vmem>> -> memref<80xi32, #tpu.memory_space<vmem>>
          %dma_start3A_540 = arith.constant 0 : i32
          %dma_start3A_541 = tpu.memref_slice %arg20[%dma_start3A_540] : memref<10240xf32, #tpu.memory_space<vmem_shared>> -> memref<10240xf32, #tpu.memory_space<vmem_shared>>
          tpu.enqueue_indirect_dma source(%arg14 : memref<80xf32, #tpu.memory_space<vmem>>) target(%dma_start3A_541 : memref<10240xf32, #tpu.memory_space<vmem_shared>>) offsets(%dma_start3A_539 : memref<80xi32, #tpu.memory_space<vmem>>) semaphore(%run_scoped3A : memref<!tpu.dma_semaphore, #tpu.memory_space<semaphore_mem>>) {add = true}
          %dma_wait3A_542 = arith.constant 0 : i32
          %dma_wait3A_543 = tpu.memref_slice %arg11[%mul3A_210, %dma_wait3A_542] : memref<8x80xi32, #tpu.memory_space<vmem>> -> memref<1x80xi32, #tpu.memory_space<vmem>>
          %dma_wait3A_544 = tpu.memref_squeeze %dma_wait3A_543 : memref<1x80xi32, #tpu.memory_space<vmem>> -> memref<80xi32, #tpu.memory_space<vmem>>
          %dma_wait3A_545 = arith.constant 0 : i32
          %dma_wait3A_546 = tpu.memref_slice %arg20[%dma_wait3A_545] : memref<10240xf32, #tpu.memory_space<vmem_shared>> -> memref<10240xf32, #tpu.memory_space<vmem_shared>>
          tpu.wait_indirect_dma semaphore(%run_scoped3A : memref<!tpu.dma_semaphore, #tpu.memory_space<semaphore_mem>>) src(%arg14 : memref<80xf32, #tpu.memory_space<vmem>>) dst(%dma_wait3A_546 : memref<10240xf32, #tpu.memory_space<vmem_shared>>)
          tpu.yield
        }) : () -> ()
        "tpu.region"() ({
          %run_scoped3A = tpu.sem_alloc : memref<!tpu.dma_semaphore, #tpu.memory_space<semaphore_mem>>
          %dma_start3A_537 = arith.constant 0 : i32
          %dma_start3A_538 = tpu.memref_slice %arg11[%mul3A_210, %dma_start3A_537] : memref<8x80xi32, #tpu.memory_space<vmem>> -> memref<1x80xi32, #tpu.memory_space<vmem>>
          %dma_start3A_539 = tpu.memref_squeeze %dma_start3A_538 : memref<1x80xi32, #tpu.memory_space<vmem>> -> memref<80xi32, #tpu.memory_space<vmem>>
          %dma_start3A_540 = arith.constant 0 : i32
          %dma_start3A_541 = tpu.memref_slice %arg21[%dma_start3A_540] : memref<10240xf32, #tpu.memory_space<vmem_shared>> -> memref<10240xf32, #tpu.memory_space<vmem_shared>>
          tpu.enqueue_indirect_dma source(%arg16 : memref<80xf32, #tpu.memory_space<vmem>>) target(%dma_start3A_541 : memref<10240xf32, #tpu.memory_space<vmem_shared>>) offsets(%dma_start3A_539 : memref<80xi32, #tpu.memory_space<vmem>>) semaphore(%run_scoped3A : memref<!tpu.dma_semaphore, #tpu.memory_space<semaphore_mem>>) {add = true}
          %dma_wait3A_542 = arith.constant 0 : i32
          %dma_wait3A_543 = tpu.memref_slice %arg11[%mul3A_210, %dma_wait3A_542] : memref<8x80xi32, #tpu.memory_space<vmem>> -> memref<1x80xi32, #tpu.memory_space<vmem>>
          %dma_wait3A_544 = tpu.memref_squeeze %dma_wait3A_543 : memref<1x80xi32, #tpu.memory_space<vmem>> -> memref<80xi32, #tpu.memory_space<vmem>>
          %dma_wait3A_545 = arith.constant 0 : i32
          %dma_wait3A_546 = tpu.memref_slice %arg21[%dma_wait3A_545] : memref<10240xf32, #tpu.memory_space<vmem_shared>> -> memref<10240xf32, #tpu.memory_space<vmem_shared>>
          tpu.wait_indirect_dma semaphore(%run_scoped3A : memref<!tpu.dma_semaphore, #tpu.memory_space<semaphore_mem>>) src(%arg16 : memref<80xf32, #tpu.memory_space<vmem>>) dst(%dma_wait3A_546 : memref<10240xf32, #tpu.memory_space<vmem_shared>>)
          tpu.yield
        }) : () -> ()
        %dma_wait3A_357 = arith.constant 0 : i32
        %dma_wait3A_358 = tpu.memref_slice %arg10[%mul3A_210, %dma_wait3A_357] : memref<8x80xi32, #tpu.memory_space<vmem>> -> memref<1x80xi32, #tpu.memory_space<vmem>>
        %dma_wait3A_359 = tpu.memref_squeeze %dma_wait3A_358 : memref<1x80xi32, #tpu.memory_space<vmem>> -> memref<80xi32, #tpu.memory_space<vmem>>
        %dma_wait3A_360 = arith.constant 0 : i32
        %dma_wait3A_361 = arith.constant 0 : i32
        %dma_wait3A_362 = tpu.memref_slice %arg6[%dma_wait3A_360, %dma_wait3A_361] : memref<10240x128xf32, #tpu.memory_space<hbm>> -> memref<10240x128xf32, #tpu.memory_space<hbm>>
        tpu.wait_indirect_dma semaphore(%arg22 : memref<!tpu.dma_semaphore, #tpu.memory_space<semaphore_mem>>) src(%dma_wait3A_362 : memref<10240x128xf32, #tpu.memory_space<hbm>>) dst(%arg17 : memref<80x128xf32, #tpu.memory_space<vmem>>)
        %scan3A_363 = arith.constant 0 : i32
        %scan3A_364 = arith.constant 0 : i32
        %scan3A_365 = arith.constant 80 : i32
        %scan3A_366 = arith.addi %scan3A_364, %scan3A_365 : i32
        %scan3A_367 = arith.constant 2 : i32
        %scan3A_368 = scf.for %scan3A_537 = %scan3A_364 to %scan3A_366 step %scan3A_367 iter_args(%scan3A_538 = %scan3A_363) -> (i32)  : i32 {
          %broadcast_in_dim3A_539 = vector.broadcast %scan3A_537 : i32 to vector<16xi32>
          %gather3A_540 = tpu.vector_load_idx %arg14[%broadcast_in_dim3A_539] : memref<80xf32, #tpu.memory_space<vmem>>[vector<16xi32>], vector<16xf32>,
          %get3A_541 = arith.index_cast %scan3A_537 : i32 to index
          %get3A_542 = arith.constant 0 : index
          %get3A_543 = tpu.vector_load %arg17[%get3A_541, %get3A_542] {strides = array<i32>} : memref<80x128xf32, #tpu.memory_space<vmem>>, vector<16xf32>,
          %mul3A_544 = arith.mulf %get3A_543, %gather3A_540 : vector<16xf32>
          %swap3A_545 = arith.index_cast %scan3A_537 : i32 to index
          %swap3A_546 = arith.constant 0 : index
          %swap3A_547 = tpu.vector_load %arg17[%swap3A_545, %swap3A_546] {strides = array<i32>} : memref<80x128xf32, #tpu.memory_space<vmem>>, vector<16xf32>,
          tpu.vector_store %arg17[%swap3A_545, %swap3A_546], %mul3A_544 {strides = array<i32>} : memref<80x128xf32, #tpu.memory_space<vmem>>, vector<16xf32>,
          %get3A_548 = arith.index_cast %scan3A_537 : i32 to index
          %get3A_549 = arith.constant 16 : index
          %get3A_550 = tpu.vector_load %arg17[%get3A_548, %get3A_549] {strides = array<i32>} : memref<80x128xf32, #tpu.memory_space<vmem>>, vector<16xf32>,
          %mul3A_551 = arith.mulf %get3A_550, %gather3A_540 : vector<16xf32>
          %swap3A_552 = arith.index_cast %scan3A_537 : i32 to index
          %swap3A_553 = arith.constant 16 : index
          %swap3A_554 = tpu.vector_load %arg17[%swap3A_552, %swap3A_553] {strides = array<i32>} : memref<80x128xf32, #tpu.memory_space<vmem>>, vector<16xf32>,
          tpu.vector_store %arg17[%swap3A_552, %swap3A_553], %mul3A_551 {strides = array<i32>} : memref<80x128xf32, #tpu.memory_space<vmem>>, vector<16xf32>,
          %get3A_555 = arith.index_cast %scan3A_537 : i32 to index
          %get3A_556 = arith.constant 32 : index
          %get3A_557 = tpu.vector_load %arg17[%get3A_555, %get3A_556] {strides = array<i32>} : memref<80x128xf32, #tpu.memory_space<vmem>>, vector<16xf32>,
          %mul3A_558 = arith.mulf %get3A_557, %gather3A_540 : vector<16xf32>
          %swap3A_559 = arith.index_cast %scan3A_537 : i32 to index
          %swap3A_560 = arith.constant 32 : index
          %swap3A_561 = tpu.vector_load %arg17[%swap3A_559, %swap3A_560] {strides = array<i32>} : memref<80x128xf32, #tpu.memory_space<vmem>>, vector<16xf32>,
          tpu.vector_store %arg17[%swap3A_559, %swap3A_560], %mul3A_558 {strides = array<i32>} : memref<80x128xf32, #tpu.memory_space<vmem>>, vector<16xf32>,
          %get3A_562 = arith.index_cast %scan3A_537 : i32 to index
          %get3A_563 = arith.constant 48 : index
          %get3A_564 = tpu.vector_load %arg17[%get3A_562, %get3A_563] {strides = array<i32>} : memref<80x128xf32, #tpu.memory_space<vmem>>, vector<16xf32>,
          %mul3A_565 = arith.mulf %get3A_564, %gather3A_540 : vector<16xf32>
          %swap3A_566 = arith.index_cast %scan3A_537 : i32 to index
          %swap3A_567 = arith.constant 48 : index
          %swap3A_568 = tpu.vector_load %arg17[%swap3A_566, %swap3A_567] {strides = array<i32>} : memref<80x128xf32, #tpu.memory_space<vmem>>, vector<16xf32>,
          tpu.vector_store %arg17[%swap3A_566, %swap3A_567], %mul3A_565 {strides = array<i32>} : memref<80x128xf32, #tpu.memory_space<vmem>>, vector<16xf32>,
          %get3A_569 = arith.index_cast %scan3A_537 : i32 to index
          %get3A_570 = arith.constant 64 : index
          %get3A_571 = tpu.vector_load %arg17[%get3A_569, %get3A_570] {strides = array<i32>} : memref<80x128xf32, #tpu.memory_space<vmem>>, vector<16xf32>,
          %mul3A_572 = arith.mulf %get3A_571, %gather3A_540 : vector<16xf32>
          %swap3A_573 = arith.index_cast %scan3A_537 : i32 to index
          %swap3A_574 = arith.constant 64 : index
          %swap3A_575 = tpu.vector_load %arg17[%swap3A_573, %swap3A_574] {strides = array<i32>} : memref<80x128xf32, #tpu.memory_space<vmem>>, vector<16xf32>,
          tpu.vector_store %arg17[%swap3A_573, %swap3A_574], %mul3A_572 {strides = array<i32>} : memref<80x128xf32, #tpu.memory_space<vmem>>, vector<16xf32>,
          %get3A_576 = arith.index_cast %scan3A_537 : i32 to index
          %get3A_577 = arith.constant 80 : index
          %get3A_578 = tpu.vector_load %arg17[%get3A_576, %get3A_577] {strides = array<i32>} : memref<80x128xf32, #tpu.memory_space<vmem>>, vector<16xf32>,
          %mul3A_579 = arith.mulf %get3A_578, %gather3A_540 : vector<16xf32>
          %swap3A_580 = arith.index_cast %scan3A_537 : i32 to index
          %swap3A_581 = arith.constant 80 : index
          %swap3A_582 = tpu.vector_load %arg17[%swap3A_580, %swap3A_581] {strides = array<i32>} : memref<80x128xf32, #tpu.memory_space<vmem>>, vector<16xf32>,
          tpu.vector_store %arg17[%swap3A_580, %swap3A_581], %mul3A_579 {strides = array<i32>} : memref<80x128xf32, #tpu.memory_space<vmem>>, vector<16xf32>,
          %get3A_583 = arith.index_cast %scan3A_537 : i32 to index
          %get3A_584 = arith.constant 96 : index
          %get3A_585 = tpu.vector_load %arg17[%get3A_583, %get3A_584] {strides = array<i32>} : memref<80x128xf32, #tpu.memory_space<vmem>>, vector<16xf32>,
          %mul3A_586 = arith.mulf %get3A_585, %gather3A_540 : vector<16xf32>
          %swap3A_587 = arith.index_cast %scan3A_537 : i32 to index
          %swap3A_588 = arith.constant 96 : index
          %swap3A_589 = tpu.vector_load %arg17[%swap3A_587, %swap3A_588] {strides = array<i32>} : memref<80x128xf32, #tpu.memory_space<vmem>>, vector<16xf32>,
          tpu.vector_store %arg17[%swap3A_587, %swap3A_588], %mul3A_586 {strides = array<i32>} : memref<80x128xf32, #tpu.memory_space<vmem>>, vector<16xf32>,
          %get3A_590 = arith.index_cast %scan3A_537 : i32 to index
          %get3A_591 = arith.constant 112 : index
          %get3A_592 = tpu.vector_load %arg17[%get3A_590, %get3A_591] {strides = array<i32>} : memref<80x128xf32, #tpu.memory_space<vmem>>, vector<16xf32>,
          %mul3A_593 = arith.mulf %get3A_592, %gather3A_540 : vector<16xf32>
          %swap3A_594 = arith.index_cast %scan3A_537 : i32 to index
          %swap3A_595 = arith.constant 112 : index
          %swap3A_596 = tpu.vector_load %arg17[%swap3A_594, %swap3A_595] {strides = array<i32>} : memref<80x128xf32, #tpu.memory_space<vmem>>, vector<16xf32>,
          tpu.vector_store %arg17[%swap3A_594, %swap3A_595], %mul3A_593 {strides = array<i32>} : memref<80x128xf32, #tpu.memory_space<vmem>>, vector<16xf32>,
          %scan3A_597 = arith.constant 0 : i32
          %scan3A_598 = arith.constant 1 : i32
          %scan3A_599 = arith.addi %scan3A_537, %scan3A_598 : i32
          %broadcast_in_dim3A_600 = vector.broadcast %scan3A_599 : i32 to vector<16xi32>
          %gather3A_601 = tpu.vector_load_idx %arg14[%broadcast_in_dim3A_600] : memref<80xf32, #tpu.memory_space<vmem>>[vector<16xi32>], vector<16xf32>,
          %get3A_602 = arith.index_cast %scan3A_599 : i32 to index
          %get3A_603 = arith.constant 0 : index
          %get3A_604 = tpu.vector_load %arg17[%get3A_602, %get3A_603] {strides = array<i32>} : memref<80x128xf32, #tpu.memory_space<vmem>>, vector<16xf32>,
          %mul3A_605 = arith.mulf %get3A_604, %gather3A_601 : vector<16xf32>
          %swap3A_606 = arith.index_cast %scan3A_599 : i32 to index
          %swap3A_607 = arith.constant 0 : index
          %swap3A_608 = tpu.vector_load %arg17[%swap3A_606, %swap3A_607] {strides = array<i32>} : memref<80x128xf32, #tpu.memory_space<vmem>>, vector<16xf32>,
          tpu.vector_store %arg17[%swap3A_606, %swap3A_607], %mul3A_605 {strides = array<i32>} : memref<80x128xf32, #tpu.memory_space<vmem>>, vector<16xf32>,
          %get3A_609 = arith.index_cast %scan3A_599 : i32 to index
          %get3A_610 = arith.constant 16 : index
          %get3A_611 = tpu.vector_load %arg17[%get3A_609, %get3A_610] {strides = array<i32>} : memref<80x128xf32, #tpu.memory_space<vmem>>, vector<16xf32>,
          %mul3A_612 = arith.mulf %get3A_611, %gather3A_601 : vector<16xf32>
          %swap3A_613 = arith.index_cast %scan3A_599 : i32 to index
          %swap3A_614 = arith.constant 16 : index
          %swap3A_615 = tpu.vector_load %arg17[%swap3A_613, %swap3A_614] {strides = array<i32>} : memref<80x128xf32, #tpu.memory_space<vmem>>, vector<16xf32>,
          tpu.vector_store %arg17[%swap3A_613, %swap3A_614], %mul3A_612 {strides = array<i32>} : memref<80x128xf32, #tpu.memory_space<vmem>>, vector<16xf32>,
          %get3A_616 = arith.index_cast %scan3A_599 : i32 to index
          %get3A_617 = arith.constant 32 : index
          %get3A_618 = tpu.vector_load %arg17[%get3A_616, %get3A_617] {strides = array<i32>} : memref<80x128xf32, #tpu.memory_space<vmem>>, vector<16xf32>,
          %mul3A_619 = arith.mulf %get3A_618, %gather3A_601 : vector<16xf32>
          %swap3A_620 = arith.index_cast %scan3A_599 : i32 to index
          %swap3A_621 = arith.constant 32 : index
          %swap3A_622 = tpu.vector_load %arg17[%swap3A_620, %swap3A_621] {strides = array<i32>} : memref<80x128xf32, #tpu.memory_space<vmem>>, vector<16xf32>,
          tpu.vector_store %arg17[%swap3A_620, %swap3A_621], %mul3A_619 {strides = array<i32>} : memref<80x128xf32, #tpu.memory_space<vmem>>, vector<16xf32>,
          %get3A_623 = arith.index_cast %scan3A_599 : i32 to index
          %get3A_624 = arith.constant 48 : index
          %get3A_625 = tpu.vector_load %arg17[%get3A_623, %get3A_624] {strides = array<i32>} : memref<80x128xf32, #tpu.memory_space<vmem>>, vector<16xf32>,
          %mul3A_626 = arith.mulf %get3A_625, %gather3A_601 : vector<16xf32>
          %swap3A_627 = arith.index_cast %scan3A_599 : i32 to index
          %swap3A_628 = arith.constant 48 : index
          %swap3A_629 = tpu.vector_load %arg17[%swap3A_627, %swap3A_628] {strides = array<i32>} : memref<80x128xf32, #tpu.memory_space<vmem>>, vector<16xf32>,
          tpu.vector_store %arg17[%swap3A_627, %swap3A_628], %mul3A_626 {strides = array<i32>} : memref<80x128xf32, #tpu.memory_space<vmem>>, vector<16xf32>,
          %get3A_630 = arith.index_cast %scan3A_599 : i32 to index
          %get3A_631 = arith.constant 64 : index
          %get3A_632 = tpu.vector_load %arg17[%get3A_630, %get3A_631] {strides = array<i32>} : memref<80x128xf32, #tpu.memory_space<vmem>>, vector<16xf32>,
          %mul3A_633 = arith.mulf %get3A_632, %gather3A_601 : vector<16xf32>
          %swap3A_634 = arith.index_cast %scan3A_599 : i32 to index
          %swap3A_635 = arith.constant 64 : index
          %swap3A_636 = tpu.vector_load %arg17[%swap3A_634, %swap3A_635] {strides = array<i32>} : memref<80x128xf32, #tpu.memory_space<vmem>>, vector<16xf32>,
          tpu.vector_store %arg17[%swap3A_634, %swap3A_635], %mul3A_633 {strides = array<i32>} : memref<80x128xf32, #tpu.memory_space<vmem>>, vector<16xf32>,
          %get3A_637 = arith.index_cast %scan3A_599 : i32 to index
          %get3A_638 = arith.constant 80 : index
          %get3A_639 = tpu.vector_load %arg17[%get3A_637, %get3A_638] {strides = array<i32>} : memref<80x128xf32, #tpu.memory_space<vmem>>, vector<16xf32>,
          %mul3A_640 = arith.mulf %get3A_639, %gather3A_601 : vector<16xf32>
          %swap3A_641 = arith.index_cast %scan3A_599 : i32 to index
          %swap3A_642 = arith.constant 80 : index
          %swap3A_643 = tpu.vector_load %arg17[%swap3A_641, %swap3A_642] {strides = array<i32>} : memref<80x128xf32, #tpu.memory_space<vmem>>, vector<16xf32>,
          tpu.vector_store %arg17[%swap3A_641, %swap3A_642], %mul3A_640 {strides = array<i32>} : memref<80x128xf32, #tpu.memory_space<vmem>>, vector<16xf32>,
          %get3A_644 = arith.index_cast %scan3A_599 : i32 to index
          %get3A_645 = arith.constant 96 : index
          %get3A_646 = tpu.vector_load %arg17[%get3A_644, %get3A_645] {strides = array<i32>} : memref<80x128xf32, #tpu.memory_space<vmem>>, vector<16xf32>,
          %mul3A_647 = arith.mulf %get3A_646, %gather3A_601 : vector<16xf32>
          %swap3A_648 = arith.index_cast %scan3A_599 : i32 to index
          %swap3A_649 = arith.constant 96 : index
          %swap3A_650 = tpu.vector_load %arg17[%swap3A_648, %swap3A_649] {strides = array<i32>} : memref<80x128xf32, #tpu.memory_space<vmem>>, vector<16xf32>,
          tpu.vector_store %arg17[%swap3A_648, %swap3A_649], %mul3A_647 {strides = array<i32>} : memref<80x128xf32, #tpu.memory_space<vmem>>, vector<16xf32>,
          %get3A_651 = arith.index_cast %scan3A_599 : i32 to index
          %get3A_652 = arith.constant 112 : index
          %get3A_653 = tpu.vector_load %arg17[%get3A_651, %get3A_652] {strides = array<i32>} : memref<80x128xf32, #tpu.memory_space<vmem>>, vector<16xf32>,
          %mul3A_654 = arith.mulf %get3A_653, %gather3A_601 : vector<16xf32>
          %swap3A_655 = arith.index_cast %scan3A_599 : i32 to index
          %swap3A_656 = arith.constant 112 : index
          %swap3A_657 = tpu.vector_load %arg17[%swap3A_655, %swap3A_656] {strides = array<i32>} : memref<80x128xf32, #tpu.memory_space<vmem>>, vector<16xf32>,
          tpu.vector_store %arg17[%swap3A_655, %swap3A_656], %mul3A_654 {strides = array<i32>} : memref<80x128xf32, #tpu.memory_space<vmem>>, vector<16xf32>,
          %scan3A_658 = arith.constant 0 : i32
          scf.yield %scan3A_658 : i32
        }
        %scan3A_369 = arith.constant 80 : i32
        %dma_start3A_370 = arith.constant 0 : i32
        %dma_start3A_371 = tpu.memref_slice %arg11[%mul3A_210, %dma_start3A_370] : memref<8x80xi32, #tpu.memory_space<vmem>> -> memref<1x80xi32, #tpu.memory_space<vmem>>
        %dma_start3A_372 = tpu.memref_squeeze %dma_start3A_371 : memref<1x80xi32, #tpu.memory_space<vmem>> -> memref<80xi32, #tpu.memory_space<vmem>>
        %dma_start3A_373 = arith.constant 0 : i32
        %dma_start3A_374 = arith.constant 0 : i32
        %dma_start3A_375 = tpu.memref_slice %arg19[%dma_start3A_373, %dma_start3A_374] : memref<10240x128xf32, #tpu.memory_space<vmem_shared>> -> memref<10240x128xf32, #tpu.memory_space<vmem_shared>>
        tpu.enqueue_indirect_dma source(%arg17 : memref<80x128xf32, #tpu.memory_space<vmem>>) target(%dma_start3A_375 : memref<10240x128xf32, #tpu.memory_space<vmem_shared>>) offsets(%dma_start3A_372 : memref<80xi32, #tpu.memory_space<vmem>>) semaphore(%arg24 : memref<!tpu.dma_semaphore, #tpu.memory_space<semaphore_mem>>) {add = true}
        %scan3A_376 = arith.constant 0 : i32
        %scan3A_377 = arith.constant 0 : i32
        %mul3A_378 = arith.constant 16 : i32
        %mul3A_379 = arith.muli %scan3A_377, %mul3A_378 : i32
        %get3A_380 = arith.index_cast %add3A_214 : i32 to index
        %get3A_381 = arith.index_cast %mul3A_379 : i32 to index
        %get3A_382 = tpu.vector_load %arg10[%get3A_380, %get3A_381] {strides = array<i32>} : memref<8x80xi32, #tpu.memory_space<vmem>>, vector<16xi32>,
        %mul3A_383 = arith.constant 16 : i32
        %mul3A_384 = arith.muli %scan3A_377, %mul3A_383 : i32
        %get3A_385 = arith.index_cast %add3A_214 : i32 to index
        %get3A_386 = arith.index_cast %mul3A_384 : i32 to index
        %get3A_387 = tpu.vector_load %arg11[%get3A_385, %get3A_386] {strides = array<i32>} : memref<8x80xi32, #tpu.memory_space<vmem>>, vector<16xi32>,
        %gather3A_388 = tpu.vector_load_idx %arg12[%get3A_382] : memref<10240xf32, #tpu.memory_space<vmem>>[vector<16xi32>], vector<16xf32>,
        %gather3A_389 = tpu.vector_load_idx %arg13[%get3A_387] : memref<10240xf32, #tpu.memory_space<vmem>>[vector<16xi32>], vector<16xf32>,
        %add3A_390 = arith.addf %gather3A_388, %gather3A_389 : vector<16xf32>
        %gt3A_391 = arith.constant 0.000000e+00 : f32
        %gt3A_392 = vector.broadcast %gt3A_391 : f32 to vector<16xf32>
        %gt3A_393 = arith.cmpf ogt, %add3A_390, %gt3A_392 : vector<16xf32>
        %mul3A_394 = arith.constant 2.000000e-01 : f32
        %mul3A_395 = vector.broadcast %mul3A_394 : f32 to vector<16xf32>
        %mul3A_396 = arith.mulf %mul3A_395, %add3A_390 : vector<16xf32>
        %select_n3A_397 = arith.select %gt3A_393, %add3A_390, %mul3A_396 : vector<16xi1>, vector<16xf32>
        %exp3A_398 = math.exp %select_n3A_397 : vector<16xf32>
        %mul3A_399 = arith.constant 16 : i32
        %mul3A_400 = arith.muli %scan3A_377, %mul3A_399 : i32
        %swap3A_401 = arith.index_cast %mul3A_400 : i32 to index
        %swap3A_402 = tpu.vector_load %arg15[%swap3A_401] {strides = array<i32>} : memref<80xf32, #tpu.memory_space<vmem>>, vector<16xf32>,
        tpu.vector_store %arg15[%swap3A_401], %exp3A_398 {strides = array<i32>} : memref<80xf32, #tpu.memory_space<vmem>>, vector<16xf32>,
        %scan3A_403 = arith.constant 0 : i32
        %scan3A_404 = arith.constant 1 : i32
        %mul3A_405 = arith.constant 16 : i32
        %mul3A_406 = arith.muli %scan3A_404, %mul3A_405 : i32
        %get3A_407 = arith.index_cast %add3A_214 : i32 to index
        %get3A_408 = arith.index_cast %mul3A_406 : i32 to index
        %get3A_409 = tpu.vector_load %arg10[%get3A_407, %get3A_408] {strides = array<i32>} : memref<8x80xi32, #tpu.memory_space<vmem>>, vector<16xi32>,
        %mul3A_410 = arith.constant 16 : i32
        %mul3A_411 = arith.muli %scan3A_404, %mul3A_410 : i32
        %get3A_412 = arith.index_cast %add3A_214 : i32 to index
        %get3A_413 = arith.index_cast %mul3A_411 : i32 to index
        %get3A_414 = tpu.vector_load %arg11[%get3A_412, %get3A_413] {strides = array<i32>} : memref<8x80xi32, #tpu.memory_space<vmem>>, vector<16xi32>,
        %gather3A_415 = tpu.vector_load_idx %arg12[%get3A_409] : memref<10240xf32, #tpu.memory_space<vmem>>[vector<16xi32>], vector<16xf32>,
        %gather3A_416 = tpu.vector_load_idx %arg13[%get3A_414] : memref<10240xf32, #tpu.memory_space<vmem>>[vector<16xi32>], vector<16xf32>,
        %add3A_417 = arith.addf %gather3A_415, %gather3A_416 : vector<16xf32>
        %gt3A_418 = arith.constant 0.000000e+00 : f32
        %gt3A_419 = vector.broadcast %gt3A_418 : f32 to vector<16xf32>
        %gt3A_420 = arith.cmpf ogt, %add3A_417, %gt3A_419 : vector<16xf32>
        %mul3A_421 = arith.constant 2.000000e-01 : f32
        %mul3A_422 = vector.broadcast %mul3A_421 : f32 to vector<16xf32>
        %mul3A_423 = arith.mulf %mul3A_422, %add3A_417 : vector<16xf32>
        %select_n3A_424 = arith.select %gt3A_420, %add3A_417, %mul3A_423 : vector<16xi1>, vector<16xf32>
        %exp3A_425 = math.exp %select_n3A_424 : vector<16xf32>
        %mul3A_426 = arith.constant 16 : i32
        %mul3A_427 = arith.muli %scan3A_404, %mul3A_426 : i32
        %swap3A_428 = arith.index_cast %mul3A_427 : i32 to index
        %swap3A_429 = tpu.vector_load %arg15[%swap3A_428] {strides = array<i32>} : memref<80xf32, #tpu.memory_space<vmem>>, vector<16xf32>,
        tpu.vector_store %arg15[%swap3A_428], %exp3A_425 {strides = array<i32>} : memref<80xf32, #tpu.memory_space<vmem>>, vector<16xf32>,
        %scan3A_430 = arith.constant 0 : i32
        %scan3A_431 = arith.constant 2 : i32
        %mul3A_432 = arith.constant 16 : i32
        %mul3A_433 = arith.muli %scan3A_431, %mul3A_432 : i32
        %get3A_434 = arith.index_cast %add3A_214 : i32 to index
        %get3A_435 = arith.index_cast %mul3A_433 : i32 to index
        %get3A_436 = tpu.vector_load %arg10[%get3A_434, %get3A_435] {strides = array<i32>} : memref<8x80xi32, #tpu.memory_space<vmem>>, vector<16xi32>,
        %mul3A_437 = arith.constant 16 : i32
        %mul3A_438 = arith.muli %scan3A_431, %mul3A_437 : i32
        %get3A_439 = arith.index_cast %add3A_214 : i32 to index
        %get3A_440 = arith.index_cast %mul3A_438 : i32 to index
        %get3A_441 = tpu.vector_load %arg11[%get3A_439, %get3A_440] {strides = array<i32>} : memref<8x80xi32, #tpu.memory_space<vmem>>, vector<16xi32>,
        %gather3A_442 = tpu.vector_load_idx %arg12[%get3A_436] : memref<10240xf32, #tpu.memory_space<vmem>>[vector<16xi32>], vector<16xf32>,
        %gather3A_443 = tpu.vector_load_idx %arg13[%get3A_441] : memref<10240xf32, #tpu.memory_space<vmem>>[vector<16xi32>], vector<16xf32>,
        %add3A_444 = arith.addf %gather3A_442, %gather3A_443 : vector<16xf32>
        %gt3A_445 = arith.constant 0.000000e+00 : f32
        %gt3A_446 = vector.broadcast %gt3A_445 : f32 to vector<16xf32>
        %gt3A_447 = arith.cmpf ogt, %add3A_444, %gt3A_446 : vector<16xf32>
        %mul3A_448 = arith.constant 2.000000e-01 : f32
        %mul3A_449 = vector.broadcast %mul3A_448 : f32 to vector<16xf32>
        %mul3A_450 = arith.mulf %mul3A_449, %add3A_444 : vector<16xf32>
        %select_n3A_451 = arith.select %gt3A_447, %add3A_444, %mul3A_450 : vector<16xi1>, vector<16xf32>
        %exp3A_452 = math.exp %select_n3A_451 : vector<16xf32>
        %mul3A_453 = arith.constant 16 : i32
        %mul3A_454 = arith.muli %scan3A_431, %mul3A_453 : i32
        %swap3A_455 = arith.index_cast %mul3A_454 : i32 to index
        %swap3A_456 = tpu.vector_load %arg15[%swap3A_455] {strides = array<i32>} : memref<80xf32, #tpu.memory_space<vmem>>, vector<16xf32>,
        tpu.vector_store %arg15[%swap3A_455], %exp3A_452 {strides = array<i32>} : memref<80xf32, #tpu.memory_space<vmem>>, vector<16xf32>,
        %scan3A_457 = arith.constant 0 : i32
        %scan3A_458 = arith.constant 3 : i32
        %mul3A_459 = arith.constant 16 : i32
        %mul3A_460 = arith.muli %scan3A_458, %mul3A_459 : i32
        %get3A_461 = arith.index_cast %add3A_214 : i32 to index
        %get3A_462 = arith.index_cast %mul3A_460 : i32 to index
        %get3A_463 = tpu.vector_load %arg10[%get3A_461, %get3A_462] {strides = array<i32>} : memref<8x80xi32, #tpu.memory_space<vmem>>, vector<16xi32>,
        %mul3A_464 = arith.constant 16 : i32
        %mul3A_465 = arith.muli %scan3A_458, %mul3A_464 : i32
        %get3A_466 = arith.index_cast %add3A_214 : i32 to index
        %get3A_467 = arith.index_cast %mul3A_465 : i32 to index
        %get3A_468 = tpu.vector_load %arg11[%get3A_466, %get3A_467] {strides = array<i32>} : memref<8x80xi32, #tpu.memory_space<vmem>>, vector<16xi32>,
        %gather3A_469 = tpu.vector_load_idx %arg12[%get3A_463] : memref<10240xf32, #tpu.memory_space<vmem>>[vector<16xi32>], vector<16xf32>,
        %gather3A_470 = tpu.vector_load_idx %arg13[%get3A_468] : memref<10240xf32, #tpu.memory_space<vmem>>[vector<16xi32>], vector<16xf32>,
        %add3A_471 = arith.addf %gather3A_469, %gather3A_470 : vector<16xf32>
        %gt3A_472 = arith.constant 0.000000e+00 : f32
        %gt3A_473 = vector.broadcast %gt3A_472 : f32 to vector<16xf32>
        %gt3A_474 = arith.cmpf ogt, %add3A_471, %gt3A_473 : vector<16xf32>
        %mul3A_475 = arith.constant 2.000000e-01 : f32
        %mul3A_476 = vector.broadcast %mul3A_475 : f32 to vector<16xf32>
        %mul3A_477 = arith.mulf %mul3A_476, %add3A_471 : vector<16xf32>
        %select_n3A_478 = arith.select %gt3A_474, %add3A_471, %mul3A_477 : vector<16xi1>, vector<16xf32>
        %exp3A_479 = math.exp %select_n3A_478 : vector<16xf32>
        %mul3A_480 = arith.constant 16 : i32
        %mul3A_481 = arith.muli %scan3A_458, %mul3A_480 : i32
        %swap3A_482 = arith.index_cast %mul3A_481 : i32 to index
        %swap3A_483 = tpu.vector_load %arg15[%swap3A_482] {strides = array<i32>} : memref<80xf32, #tpu.memory_space<vmem>>, vector<16xf32>,
        tpu.vector_store %arg15[%swap3A_482], %exp3A_479 {strides = array<i32>} : memref<80xf32, #tpu.memory_space<vmem>>, vector<16xf32>,
        %scan3A_484 = arith.constant 0 : i32
        %scan3A_485 = arith.constant 4 : i32
        %mul3A_486 = arith.constant 16 : i32
        %mul3A_487 = arith.muli %scan3A_485, %mul3A_486 : i32
        %get3A_488 = arith.index_cast %add3A_214 : i32 to index
        %get3A_489 = arith.index_cast %mul3A_487 : i32 to index
        %get3A_490 = tpu.vector_load %arg10[%get3A_488, %get3A_489] {strides = array<i32>} : memref<8x80xi32, #tpu.memory_space<vmem>>, vector<16xi32>,
        %mul3A_491 = arith.constant 16 : i32
        %mul3A_492 = arith.muli %scan3A_485, %mul3A_491 : i32
        %get3A_493 = arith.index_cast %add3A_214 : i32 to index
        %get3A_494 = arith.index_cast %mul3A_492 : i32 to index
        %get3A_495 = tpu.vector_load %arg11[%get3A_493, %get3A_494] {strides = array<i32>} : memref<8x80xi32, #tpu.memory_space<vmem>>, vector<16xi32>,
        %gather3A_496 = tpu.vector_load_idx %arg12[%get3A_490] : memref<10240xf32, #tpu.memory_space<vmem>>[vector<16xi32>], vector<16xf32>,
        %gather3A_497 = tpu.vector_load_idx %arg13[%get3A_495] : memref<10240xf32, #tpu.memory_space<vmem>>[vector<16xi32>], vector<16xf32>,
        %add3A_498 = arith.addf %gather3A_496, %gather3A_497 : vector<16xf32>
        %gt3A_499 = arith.constant 0.000000e+00 : f32
        %gt3A_500 = vector.broadcast %gt3A_499 : f32 to vector<16xf32>
        %gt3A_501 = arith.cmpf ogt, %add3A_498, %gt3A_500 : vector<16xf32>
        %mul3A_502 = arith.constant 2.000000e-01 : f32
        %mul3A_503 = vector.broadcast %mul3A_502 : f32 to vector<16xf32>
        %mul3A_504 = arith.mulf %mul3A_503, %add3A_498 : vector<16xf32>
        %select_n3A_505 = arith.select %gt3A_501, %add3A_498, %mul3A_504 : vector<16xi1>, vector<16xf32>
        %exp3A_506 = math.exp %select_n3A_505 : vector<16xf32>
        %mul3A_507 = arith.constant 16 : i32
        %mul3A_508 = arith.muli %scan3A_485, %mul3A_507 : i32
        %swap3A_509 = arith.index_cast %mul3A_508 : i32 to index
        %swap3A_510 = tpu.vector_load %arg15[%swap3A_509] {strides = array<i32>} : memref<80xf32, #tpu.memory_space<vmem>>, vector<16xf32>,
        tpu.vector_store %arg15[%swap3A_509], %exp3A_506 {strides = array<i32>} : memref<80xf32, #tpu.memory_space<vmem>>, vector<16xf32>,
        %scan3A_511 = arith.constant 0 : i32
        %scan3A_512 = arith.constant 5 : i32
        "tpu.region"() ({
          %run_scoped3A = tpu.sem_alloc : memref<!tpu.dma_semaphore, #tpu.memory_space<semaphore_mem>>
          %dma_start3A_537 = arith.constant 0 : i32
          %dma_start3A_538 = tpu.memref_slice %arg11[%add3A_214, %dma_start3A_537] : memref<8x80xi32, #tpu.memory_space<vmem>> -> memref<1x80xi32, #tpu.memory_space<vmem>>
          %dma_start3A_539 = tpu.memref_squeeze %dma_start3A_538 : memref<1x80xi32, #tpu.memory_space<vmem>> -> memref<80xi32, #tpu.memory_space<vmem>>
          %dma_start3A_540 = arith.constant 0 : i32
          %dma_start3A_541 = tpu.memref_slice %arg20[%dma_start3A_540] : memref<10240xf32, #tpu.memory_space<vmem_shared>> -> memref<10240xf32, #tpu.memory_space<vmem_shared>>
          tpu.enqueue_indirect_dma source(%arg15 : memref<80xf32, #tpu.memory_space<vmem>>) target(%dma_start3A_541 : memref<10240xf32, #tpu.memory_space<vmem_shared>>) offsets(%dma_start3A_539 : memref<80xi32, #tpu.memory_space<vmem>>) semaphore(%run_scoped3A : memref<!tpu.dma_semaphore, #tpu.memory_space<semaphore_mem>>) {add = true}
          %dma_wait3A_542 = arith.constant 0 : i32
          %dma_wait3A_543 = tpu.memref_slice %arg11[%add3A_214, %dma_wait3A_542] : memref<8x80xi32, #tpu.memory_space<vmem>> -> memref<1x80xi32, #tpu.memory_space<vmem>>
          %dma_wait3A_544 = tpu.memref_squeeze %dma_wait3A_543 : memref<1x80xi32, #tpu.memory_space<vmem>> -> memref<80xi32, #tpu.memory_space<vmem>>
          %dma_wait3A_545 = arith.constant 0 : i32
          %dma_wait3A_546 = tpu.memref_slice %arg20[%dma_wait3A_545] : memref<10240xf32, #tpu.memory_space<vmem_shared>> -> memref<10240xf32, #tpu.memory_space<vmem_shared>>
          tpu.wait_indirect_dma semaphore(%run_scoped3A : memref<!tpu.dma_semaphore, #tpu.memory_space<semaphore_mem>>) src(%arg15 : memref<80xf32, #tpu.memory_space<vmem>>) dst(%dma_wait3A_546 : memref<10240xf32, #tpu.memory_space<vmem_shared>>)
          tpu.yield
        }) : () -> ()
        "tpu.region"() ({
          %run_scoped3A = tpu.sem_alloc : memref<!tpu.dma_semaphore, #tpu.memory_space<semaphore_mem>>
          %dma_start3A_537 = arith.constant 0 : i32
          %dma_start3A_538 = tpu.memref_slice %arg11[%add3A_214, %dma_start3A_537] : memref<8x80xi32, #tpu.memory_space<vmem>> -> memref<1x80xi32, #tpu.memory_space<vmem>>
          %dma_start3A_539 = tpu.memref_squeeze %dma_start3A_538 : memref<1x80xi32, #tpu.memory_space<vmem>> -> memref<80xi32, #tpu.memory_space<vmem>>
          %dma_start3A_540 = arith.constant 0 : i32
          %dma_start3A_541 = tpu.memref_slice %arg21[%dma_start3A_540] : memref<10240xf32, #tpu.memory_space<vmem_shared>> -> memref<10240xf32, #tpu.memory_space<vmem_shared>>
          tpu.enqueue_indirect_dma source(%arg16 : memref<80xf32, #tpu.memory_space<vmem>>) target(%dma_start3A_541 : memref<10240xf32, #tpu.memory_space<vmem_shared>>) offsets(%dma_start3A_539 : memref<80xi32, #tpu.memory_space<vmem>>) semaphore(%run_scoped3A : memref<!tpu.dma_semaphore, #tpu.memory_space<semaphore_mem>>) {add = true}
          %dma_wait3A_542 = arith.constant 0 : i32
          %dma_wait3A_543 = tpu.memref_slice %arg11[%add3A_214, %dma_wait3A_542] : memref<8x80xi32, #tpu.memory_space<vmem>> -> memref<1x80xi32, #tpu.memory_space<vmem>>
          %dma_wait3A_544 = tpu.memref_squeeze %dma_wait3A_543 : memref<1x80xi32, #tpu.memory_space<vmem>> -> memref<80xi32, #tpu.memory_space<vmem>>
          %dma_wait3A_545 = arith.constant 0 : i32
          %dma_wait3A_546 = tpu.memref_slice %arg21[%dma_wait3A_545] : memref<10240xf32, #tpu.memory_space<vmem_shared>> -> memref<10240xf32, #tpu.memory_space<vmem_shared>>
          tpu.wait_indirect_dma semaphore(%run_scoped3A : memref<!tpu.dma_semaphore, #tpu.memory_space<semaphore_mem>>) src(%arg16 : memref<80xf32, #tpu.memory_space<vmem>>) dst(%dma_wait3A_546 : memref<10240xf32, #tpu.memory_space<vmem_shared>>)
          tpu.yield
        }) : () -> ()
        %lt3A = arith.constant 3 : i32
        %lt3A_513 = arith.cmpi slt, %scan3A_207, %lt3A : i32
        %convert_element_type3A_514 = arith.extui %lt3A_513 : i1 to i32
        %cond3A_515 = arith.constant 0 : i32
        %cond3A_516 = arith.cmpi ne, %convert_element_type3A_514, %cond3A_515 : i32
        scf.if %cond3A_516 {
          %dma_wait3A_537 = arith.constant 0 : i32
          %dma_wait3A_538 = tpu.memref_slice %arg11[%mul3A_210, %dma_wait3A_537] : memref<8x80xi32, #tpu.memory_space<vmem>> -> memref<1x80xi32, #tpu.memory_space<vmem>>
          %dma_wait3A_539 = tpu.memref_squeeze %dma_wait3A_538 : memref<1x80xi32, #tpu.memory_space<vmem>> -> memref<80xi32, #tpu.memory_space<vmem>>
          %dma_wait3A_540 = arith.constant 0 : i32
          %dma_wait3A_541 = arith.constant 0 : i32
          %dma_wait3A_542 = tpu.memref_slice %arg19[%dma_wait3A_540, %dma_wait3A_541] : memref<10240x128xf32, #tpu.memory_space<vmem_shared>> -> memref<10240x128xf32, #tpu.memory_space<vmem_shared>>
          tpu.wait_indirect_dma semaphore(%arg24 : memref<!tpu.dma_semaphore, #tpu.memory_space<semaphore_mem>>) src(%arg17 : memref<80x128xf32, #tpu.memory_space<vmem>>) dst(%dma_wait3A_542 : memref<10240x128xf32, #tpu.memory_space<vmem_shared>>)
          %add3A_543 = arith.constant 2 : i32
          %add3A_544 = arith.addi %mul3A_210, %add3A_543 : i32
          %dma_start3A_545 = arith.constant 0 : i32
          %dma_start3A_546 = tpu.memref_slice %arg10[%add3A_544, %dma_start3A_545] : memref<8x80xi32, #tpu.memory_space<vmem>> -> memref<1x80xi32, #tpu.memory_space<vmem>>
          %dma_start3A_547 = tpu.memref_squeeze %dma_start3A_546 : memref<1x80xi32, #tpu.memory_space<vmem>> -> memref<80xi32, #tpu.memory_space<vmem>>
          %dma_start3A_548 = arith.constant 0 : i32
          %dma_start3A_549 = arith.constant 0 : i32
          %dma_start3A_550 = tpu.memref_slice %arg6[%dma_start3A_548, %dma_start3A_549] : memref<10240x128xf32, #tpu.memory_space<hbm>> -> memref<10240x128xf32, #tpu.memory_space<hbm>>
          tpu.enqueue_indirect_dma source(%dma_start3A_550 : memref<10240x128xf32, #tpu.memory_space<hbm>>) target(%arg17 : memref<80x128xf32, #tpu.memory_space<vmem>>) offsets(%dma_start3A_547 : memref<80xi32, #tpu.memory_space<vmem>>) semaphore(%arg22 : memref<!tpu.dma_semaphore, #tpu.memory_space<semaphore_mem>>)
        } else {
        }
        %dma_wait3A_517 = arith.constant 0 : i32
        %dma_wait3A_518 = tpu.memref_slice %arg10[%add3A_214, %dma_wait3A_517] : memref<8x80xi32, #tpu.memory_space<vmem>> -> memref<1x80xi32, #tpu.memory_space<vmem>>
        %dma_wait3A_519 = tpu.memref_squeeze %dma_wait3A_518 : memref<1x80xi32, #tpu.memory_space<vmem>> -> memref<80xi32, #tpu.memory_space<vmem>>
        %dma_wait3A_520 = arith.constant 0 : i32
        %dma_wait3A_521 = arith.constant 0 : i32
        %dma_wait3A_522 = tpu.memref_slice %arg6[%dma_wait3A_520, %dma_wait3A_521] : memref<10240x128xf32, #tpu.memory_space<hbm>> -> memref<10240x128xf32, #tpu.memory_space<hbm>>
        tpu.wait_indirect_dma semaphore(%arg23 : memref<!tpu.dma_semaphore, #tpu.memory_space<semaphore_mem>>) src(%dma_wait3A_522 : memref<10240x128xf32, #tpu.memory_space<hbm>>) dst(%arg18 : memref<80x128xf32, #tpu.memory_space<vmem>>)
        %scan3A_523 = arith.constant 0 : i32
        %scan3A_524 = arith.constant 0 : i32
        %scan3A_525 = arith.constant 80 : i32
        %scan3A_526 = arith.addi %scan3A_524, %scan3A_525 : i32
        %scan3A_527 = arith.constant 2 : i32
        %scan3A_528 = scf.for %scan3A_537 = %scan3A_524 to %scan3A_526 step %scan3A_527 iter_args(%scan3A_538 = %scan3A_523) -> (i32)  : i32 {
          %broadcast_in_dim3A_539 = vector.broadcast %scan3A_537 : i32 to vector<16xi32>
          %gather3A_540 = tpu.vector_load_idx %arg15[%broadcast_in_dim3A_539] : memref<80xf32, #tpu.memory_space<vmem>>[vector<16xi32>], vector<16xf32>,
          %get3A_541 = arith.index_cast %scan3A_537 : i32 to index
          %get3A_542 = arith.constant 0 : index
          %get3A_543 = tpu.vector_load %arg18[%get3A_541, %get3A_542] {strides = array<i32>} : memref<80x128xf32, #tpu.memory_space<vmem>>, vector<16xf32>,
          %mul3A_544 = arith.mulf %get3A_543, %gather3A_540 : vector<16xf32>
          %swap3A_545 = arith.index_cast %scan3A_537 : i32 to index
          %swap3A_546 = arith.constant 0 : index
          %swap3A_547 = tpu.vector_load %arg18[%swap3A_545, %swap3A_546] {strides = array<i32>} : memref<80x128xf32, #tpu.memory_space<vmem>>, vector<16xf32>,
          tpu.vector_store %arg18[%swap3A_545, %swap3A_546], %mul3A_544 {strides = array<i32>} : memref<80x128xf32, #tpu.memory_space<vmem>>, vector<16xf32>,
          %get3A_548 = arith.index_cast %scan3A_537 : i32 to index
          %get3A_549 = arith.constant 16 : index
          %get3A_550 = tpu.vector_load %arg18[%get3A_548, %get3A_549] {strides = array<i32>} : memref<80x128xf32, #tpu.memory_space<vmem>>, vector<16xf32>,
          %mul3A_551 = arith.mulf %get3A_550, %gather3A_540 : vector<16xf32>
          %swap3A_552 = arith.index_cast %scan3A_537 : i32 to index
          %swap3A_553 = arith.constant 16 : index
          %swap3A_554 = tpu.vector_load %arg18[%swap3A_552, %swap3A_553] {strides = array<i32>} : memref<80x128xf32, #tpu.memory_space<vmem>>, vector<16xf32>,
          tpu.vector_store %arg18[%swap3A_552, %swap3A_553], %mul3A_551 {strides = array<i32>} : memref<80x128xf32, #tpu.memory_space<vmem>>, vector<16xf32>,
          %get3A_555 = arith.index_cast %scan3A_537 : i32 to index
          %get3A_556 = arith.constant 32 : index
          %get3A_557 = tpu.vector_load %arg18[%get3A_555, %get3A_556] {strides = array<i32>} : memref<80x128xf32, #tpu.memory_space<vmem>>, vector<16xf32>,
          %mul3A_558 = arith.mulf %get3A_557, %gather3A_540 : vector<16xf32>
          %swap3A_559 = arith.index_cast %scan3A_537 : i32 to index
          %swap3A_560 = arith.constant 32 : index
          %swap3A_561 = tpu.vector_load %arg18[%swap3A_559, %swap3A_560] {strides = array<i32>} : memref<80x128xf32, #tpu.memory_space<vmem>>, vector<16xf32>,
          tpu.vector_store %arg18[%swap3A_559, %swap3A_560], %mul3A_558 {strides = array<i32>} : memref<80x128xf32, #tpu.memory_space<vmem>>, vector<16xf32>,
          %get3A_562 = arith.index_cast %scan3A_537 : i32 to index
          %get3A_563 = arith.constant 48 : index
          %get3A_564 = tpu.vector_load %arg18[%get3A_562, %get3A_563] {strides = array<i32>} : memref<80x128xf32, #tpu.memory_space<vmem>>, vector<16xf32>,
          %mul3A_565 = arith.mulf %get3A_564, %gather3A_540 : vector<16xf32>
          %swap3A_566 = arith.index_cast %scan3A_537 : i32 to index
          %swap3A_567 = arith.constant 48 : index
          %swap3A_568 = tpu.vector_load %arg18[%swap3A_566, %swap3A_567] {strides = array<i32>} : memref<80x128xf32, #tpu.memory_space<vmem>>, vector<16xf32>,
          tpu.vector_store %arg18[%swap3A_566, %swap3A_567], %mul3A_565 {strides = array<i32>} : memref<80x128xf32, #tpu.memory_space<vmem>>, vector<16xf32>,
          %get3A_569 = arith.index_cast %scan3A_537 : i32 to index
          %get3A_570 = arith.constant 64 : index
          %get3A_571 = tpu.vector_load %arg18[%get3A_569, %get3A_570] {strides = array<i32>} : memref<80x128xf32, #tpu.memory_space<vmem>>, vector<16xf32>,
          %mul3A_572 = arith.mulf %get3A_571, %gather3A_540 : vector<16xf32>
          %swap3A_573 = arith.index_cast %scan3A_537 : i32 to index
          %swap3A_574 = arith.constant 64 : index
          %swap3A_575 = tpu.vector_load %arg18[%swap3A_573, %swap3A_574] {strides = array<i32>} : memref<80x128xf32, #tpu.memory_space<vmem>>, vector<16xf32>,
          tpu.vector_store %arg18[%swap3A_573, %swap3A_574], %mul3A_572 {strides = array<i32>} : memref<80x128xf32, #tpu.memory_space<vmem>>, vector<16xf32>,
          %get3A_576 = arith.index_cast %scan3A_537 : i32 to index
          %get3A_577 = arith.constant 80 : index
          %get3A_578 = tpu.vector_load %arg18[%get3A_576, %get3A_577] {strides = array<i32>} : memref<80x128xf32, #tpu.memory_space<vmem>>, vector<16xf32>,
          %mul3A_579 = arith.mulf %get3A_578, %gather3A_540 : vector<16xf32>
          %swap3A_580 = arith.index_cast %scan3A_537 : i32 to index
          %swap3A_581 = arith.constant 80 : index
          %swap3A_582 = tpu.vector_load %arg18[%swap3A_580, %swap3A_581] {strides = array<i32>} : memref<80x128xf32, #tpu.memory_space<vmem>>, vector<16xf32>,
          tpu.vector_store %arg18[%swap3A_580, %swap3A_581], %mul3A_579 {strides = array<i32>} : memref<80x128xf32, #tpu.memory_space<vmem>>, vector<16xf32>,
          %get3A_583 = arith.index_cast %scan3A_537 : i32 to index
          %get3A_584 = arith.constant 96 : index
          %get3A_585 = tpu.vector_load %arg18[%get3A_583, %get3A_584] {strides = array<i32>} : memref<80x128xf32, #tpu.memory_space<vmem>>, vector<16xf32>,
          %mul3A_586 = arith.mulf %get3A_585, %gather3A_540 : vector<16xf32>
          %swap3A_587 = arith.index_cast %scan3A_537 : i32 to index
          %swap3A_588 = arith.constant 96 : index
          %swap3A_589 = tpu.vector_load %arg18[%swap3A_587, %swap3A_588] {strides = array<i32>} : memref<80x128xf32, #tpu.memory_space<vmem>>, vector<16xf32>,
          tpu.vector_store %arg18[%swap3A_587, %swap3A_588], %mul3A_586 {strides = array<i32>} : memref<80x128xf32, #tpu.memory_space<vmem>>, vector<16xf32>,
          %get3A_590 = arith.index_cast %scan3A_537 : i32 to index
          %get3A_591 = arith.constant 112 : index
          %get3A_592 = tpu.vector_load %arg18[%get3A_590, %get3A_591] {strides = array<i32>} : memref<80x128xf32, #tpu.memory_space<vmem>>, vector<16xf32>,
          %mul3A_593 = arith.mulf %get3A_592, %gather3A_540 : vector<16xf32>
          %swap3A_594 = arith.index_cast %scan3A_537 : i32 to index
          %swap3A_595 = arith.constant 112 : index
          %swap3A_596 = tpu.vector_load %arg18[%swap3A_594, %swap3A_595] {strides = array<i32>} : memref<80x128xf32, #tpu.memory_space<vmem>>, vector<16xf32>,
          tpu.vector_store %arg18[%swap3A_594, %swap3A_595], %mul3A_593 {strides = array<i32>} : memref<80x128xf32, #tpu.memory_space<vmem>>, vector<16xf32>,
          %scan3A_597 = arith.constant 0 : i32
          %scan3A_598 = arith.constant 1 : i32
          %scan3A_599 = arith.addi %scan3A_537, %scan3A_598 : i32
          %broadcast_in_dim3A_600 = vector.broadcast %scan3A_599 : i32 to vector<16xi32>
          %gather3A_601 = tpu.vector_load_idx %arg15[%broadcast_in_dim3A_600] : memref<80xf32, #tpu.memory_space<vmem>>[vector<16xi32>], vector<16xf32>,
          %get3A_602 = arith.index_cast %scan3A_599 : i32 to index
          %get3A_603 = arith.constant 0 : index
          %get3A_604 = tpu.vector_load %arg18[%get3A_602, %get3A_603] {strides = array<i32>} : memref<80x128xf32, #tpu.memory_space<vmem>>, vector<16xf32>,
          %mul3A_605 = arith.mulf %get3A_604, %gather3A_601 : vector<16xf32>
          %swap3A_606 = arith.index_cast %scan3A_599 : i32 to index
          %swap3A_607 = arith.constant 0 : index
          %swap3A_608 = tpu.vector_load %arg18[%swap3A_606, %swap3A_607] {strides = array<i32>} : memref<80x128xf32, #tpu.memory_space<vmem>>, vector<16xf32>,
          tpu.vector_store %arg18[%swap3A_606, %swap3A_607], %mul3A_605 {strides = array<i32>} : memref<80x128xf32, #tpu.memory_space<vmem>>, vector<16xf32>,
          %get3A_609 = arith.index_cast %scan3A_599 : i32 to index
          %get3A_610 = arith.constant 16 : index
          %get3A_611 = tpu.vector_load %arg18[%get3A_609, %get3A_610] {strides = array<i32>} : memref<80x128xf32, #tpu.memory_space<vmem>>, vector<16xf32>,
          %mul3A_612 = arith.mulf %get3A_611, %gather3A_601 : vector<16xf32>
          %swap3A_613 = arith.index_cast %scan3A_599 : i32 to index
          %swap3A_614 = arith.constant 16 : index
          %swap3A_615 = tpu.vector_load %arg18[%swap3A_613, %swap3A_614] {strides = array<i32>} : memref<80x128xf32, #tpu.memory_space<vmem>>, vector<16xf32>,
          tpu.vector_store %arg18[%swap3A_613, %swap3A_614], %mul3A_612 {strides = array<i32>} : memref<80x128xf32, #tpu.memory_space<vmem>>, vector<16xf32>,
          %get3A_616 = arith.index_cast %scan3A_599 : i32 to index
          %get3A_617 = arith.constant 32 : index
          %get3A_618 = tpu.vector_load %arg18[%get3A_616, %get3A_617] {strides = array<i32>} : memref<80x128xf32, #tpu.memory_space<vmem>>, vector<16xf32>,
          %mul3A_619 = arith.mulf %get3A_618, %gather3A_601 : vector<16xf32>
          %swap3A_620 = arith.index_cast %scan3A_599 : i32 to index
          %swap3A_621 = arith.constant 32 : index
          %swap3A_622 = tpu.vector_load %arg18[%swap3A_620, %swap3A_621] {strides = array<i32>} : memref<80x128xf32, #tpu.memory_space<vmem>>, vector<16xf32>,
          tpu.vector_store %arg18[%swap3A_620, %swap3A_621], %mul3A_619 {strides = array<i32>} : memref<80x128xf32, #tpu.memory_space<vmem>>, vector<16xf32>,
          %get3A_623 = arith.index_cast %scan3A_599 : i32 to index
          %get3A_624 = arith.constant 48 : index
          %get3A_625 = tpu.vector_load %arg18[%get3A_623, %get3A_624] {strides = array<i32>} : memref<80x128xf32, #tpu.memory_space<vmem>>, vector<16xf32>,
          %mul3A_626 = arith.mulf %get3A_625, %gather3A_601 : vector<16xf32>
          %swap3A_627 = arith.index_cast %scan3A_599 : i32 to index
          %swap3A_628 = arith.constant 48 : index
          %swap3A_629 = tpu.vector_load %arg18[%swap3A_627, %swap3A_628] {strides = array<i32>} : memref<80x128xf32, #tpu.memory_space<vmem>>, vector<16xf32>,
          tpu.vector_store %arg18[%swap3A_627, %swap3A_628], %mul3A_626 {strides = array<i32>} : memref<80x128xf32, #tpu.memory_space<vmem>>, vector<16xf32>,
          %get3A_630 = arith.index_cast %scan3A_599 : i32 to index
          %get3A_631 = arith.constant 64 : index
          %get3A_632 = tpu.vector_load %arg18[%get3A_630, %get3A_631] {strides = array<i32>} : memref<80x128xf32, #tpu.memory_space<vmem>>, vector<16xf32>,
          %mul3A_633 = arith.mulf %get3A_632, %gather3A_601 : vector<16xf32>
          %swap3A_634 = arith.index_cast %scan3A_599 : i32 to index
          %swap3A_635 = arith.constant 64 : index
          %swap3A_636 = tpu.vector_load %arg18[%swap3A_634, %swap3A_635] {strides = array<i32>} : memref<80x128xf32, #tpu.memory_space<vmem>>, vector<16xf32>,
          tpu.vector_store %arg18[%swap3A_634, %swap3A_635], %mul3A_633 {strides = array<i32>} : memref<80x128xf32, #tpu.memory_space<vmem>>, vector<16xf32>,
          %get3A_637 = arith.index_cast %scan3A_599 : i32 to index
          %get3A_638 = arith.constant 80 : index
          %get3A_639 = tpu.vector_load %arg18[%get3A_637, %get3A_638] {strides = array<i32>} : memref<80x128xf32, #tpu.memory_space<vmem>>, vector<16xf32>,
          %mul3A_640 = arith.mulf %get3A_639, %gather3A_601 : vector<16xf32>
          %swap3A_641 = arith.index_cast %scan3A_599 : i32 to index
          %swap3A_642 = arith.constant 80 : index
          %swap3A_643 = tpu.vector_load %arg18[%swap3A_641, %swap3A_642] {strides = array<i32>} : memref<80x128xf32, #tpu.memory_space<vmem>>, vector<16xf32>,
          tpu.vector_store %arg18[%swap3A_641, %swap3A_642], %mul3A_640 {strides = array<i32>} : memref<80x128xf32, #tpu.memory_space<vmem>>, vector<16xf32>,
          %get3A_644 = arith.index_cast %scan3A_599 : i32 to index
          %get3A_645 = arith.constant 96 : index
          %get3A_646 = tpu.vector_load %arg18[%get3A_644, %get3A_645] {strides = array<i32>} : memref<80x128xf32, #tpu.memory_space<vmem>>, vector<16xf32>,
          %mul3A_647 = arith.mulf %get3A_646, %gather3A_601 : vector<16xf32>
          %swap3A_648 = arith.index_cast %scan3A_599 : i32 to index
          %swap3A_649 = arith.constant 96 : index
          %swap3A_650 = tpu.vector_load %arg18[%swap3A_648, %swap3A_649] {strides = array<i32>} : memref<80x128xf32, #tpu.memory_space<vmem>>, vector<16xf32>,
          tpu.vector_store %arg18[%swap3A_648, %swap3A_649], %mul3A_647 {strides = array<i32>} : memref<80x128xf32, #tpu.memory_space<vmem>>, vector<16xf32>,
          %get3A_651 = arith.index_cast %scan3A_599 : i32 to index
          %get3A_652 = arith.constant 112 : index
          %get3A_653 = tpu.vector_load %arg18[%get3A_651, %get3A_652] {strides = array<i32>} : memref<80x128xf32, #tpu.memory_space<vmem>>, vector<16xf32>,
          %mul3A_654 = arith.mulf %get3A_653, %gather3A_601 : vector<16xf32>
          %swap3A_655 = arith.index_cast %scan3A_599 : i32 to index
          %swap3A_656 = arith.constant 112 : index
          %swap3A_657 = tpu.vector_load %arg18[%swap3A_655, %swap3A_656] {strides = array<i32>} : memref<80x128xf32, #tpu.memory_space<vmem>>, vector<16xf32>,
          tpu.vector_store %arg18[%swap3A_655, %swap3A_656], %mul3A_654 {strides = array<i32>} : memref<80x128xf32, #tpu.memory_space<vmem>>, vector<16xf32>,
          %scan3A_658 = arith.constant 0 : i32
          scf.yield %scan3A_658 : i32
        }
        %scan3A_529 = arith.constant 80 : i32
        %dma_start3A_530 = arith.constant 0 : i32
        %dma_start3A_531 = tpu.memref_slice %arg11[%add3A_214, %dma_start3A_530] : memref<8x80xi32, #tpu.memory_space<vmem>> -> memref<1x80xi32, #tpu.memory_space<vmem>>
        %dma_start3A_532 = tpu.memref_squeeze %dma_start3A_531 : memref<1x80xi32, #tpu.memory_space<vmem>> -> memref<80xi32, #tpu.memory_space<vmem>>
        %dma_start3A_533 = arith.constant 0 : i32
        %dma_start3A_534 = arith.constant 0 : i32
        %dma_start3A_535 = tpu.memref_slice %arg19[%dma_start3A_533, %dma_start3A_534] : memref<10240x128xf32, #tpu.memory_space<vmem_shared>> -> memref<10240x128xf32, #tpu.memory_space<vmem_shared>>
        tpu.enqueue_indirect_dma source(%arg18 : memref<80x128xf32, #tpu.memory_space<vmem>>) target(%dma_start3A_535 : memref<10240x128xf32, #tpu.memory_space<vmem_shared>>) offsets(%dma_start3A_532 : memref<80xi32, #tpu.memory_space<vmem>>) semaphore(%arg25 : memref<!tpu.dma_semaphore, #tpu.memory_space<semaphore_mem>>) {add = true}
        %scan3A_536 = arith.constant 0 : i32
        scf.yield %scan3A_536 : i32
      }
      %scan3A_192 = arith.constant 4 : i32
      %dma_wait3A = arith.constant 0 : i32
      %dma_wait3A_193 = arith.constant 0 : i32
      %dma_wait3A_194 = tpu.memref_slice %arg11[%dma_wait3A, %dma_wait3A_193] : memref<8x80xi32, #tpu.memory_space<vmem>> -> memref<1x80xi32, #tpu.memory_space<vmem>>
      %dma_wait3A_195 = tpu.memref_squeeze %dma_wait3A_194 : memref<1x80xi32, #tpu.memory_space<vmem>> -> memref<80xi32, #tpu.memory_space<vmem>>
      %dma_wait3A_196 = arith.constant 0 : i32
      %dma_wait3A_197 = arith.constant 0 : i32
      %dma_wait3A_198 = tpu.memref_slice %arg19[%dma_wait3A_196, %dma_wait3A_197] : memref<10240x128xf32, #tpu.memory_space<vmem_shared>> -> memref<10240x128xf32, #tpu.memory_space<vmem_shared>>
      tpu.wait_indirect_dma semaphore(%arg24 : memref<!tpu.dma_semaphore, #tpu.memory_space<semaphore_mem>>) src(%arg17 : memref<80x128xf32, #tpu.memory_space<vmem>>) dst(%dma_wait3A_198 : memref<10240x128xf32, #tpu.memory_space<vmem_shared>>)
      %dma_wait3A_199 = arith.constant 0 : i32
      %dma_wait3A_200 = arith.constant 0 : i32
      %dma_wait3A_201 = tpu.memref_slice %arg11[%dma_wait3A_199, %dma_wait3A_200] : memref<8x80xi32, #tpu.memory_space<vmem>> -> memref<1x80xi32, #tpu.memory_space<vmem>>
      %dma_wait3A_202 = tpu.memref_squeeze %dma_wait3A_201 : memref<1x80xi32, #tpu.memory_space<vmem>> -> memref<80xi32, #tpu.memory_space<vmem>>
      %dma_wait3A_203 = arith.constant 0 : i32
      %dma_wait3A_204 = arith.constant 0 : i32
      %dma_wait3A_205 = tpu.memref_slice %arg19[%dma_wait3A_203, %dma_wait3A_204] : memref<10240x128xf32, #tpu.memory_space<vmem_shared>> -> memref<10240x128xf32, #tpu.memory_space<vmem_shared>>
      tpu.wait_indirect_dma semaphore(%arg25 : memref<!tpu.dma_semaphore, #tpu.memory_space<semaphore_mem>>) src(%arg18 : memref<80x128xf32, #tpu.memory_space<vmem>>) dst(%dma_wait3A_205 : memref<10240x128xf32, #tpu.memory_space<vmem_shared>>)
      %while3A_206 = arith.constant 0 : i32
      scf.yield %while3A_206 : i32
    }
    %while3A_161 = arith.constant 1 : i32
    %while3A_162 = scf.for %while3A_175 = %while3A_158 to %while3A_154 step %while3A_161 iter_args(%while3A_176 = %while3A_160) -> (i32)  : i32 {
      %mul3A_177 = arith.constant 8 : i32
      %mul3A_178 = arith.muli %while3A_175, %mul3A_177 : i32
      %add3A_179 = arith.addi %select_n3A, %mul3A_178 : i32
      "tpu.region"() ({
        %run_scoped3A = tpu.sem_alloc : memref<!tpu.dma_semaphore, #tpu.memory_space<semaphore_mem>>
        %dma_start3A_207 = arith.constant 0 : i32
        %dma_start3A_208 = tpu.memref_slice %arg2[%add3A_179, %dma_start3A_207] : memref<4096x80xi32, #tpu.memory_space<hbm>> -> memref<8x80xi32, #tpu.memory_space<hbm>>
        %dma_start3A_209 = arith.constant 0 : i32
        %dma_start3A_210 = tpu.memref_slice %arg2[%add3A_179, %dma_start3A_209] : memref<4096x80xi32, #tpu.memory_space<hbm>> -> memref<8x80xi32, #tpu.memory_space<hbm>>
        tpu.enqueue_dma source(%dma_start3A_210 : memref<8x80xi32, #tpu.memory_space<hbm>>) target(%arg10 : memref<8x80xi32, #tpu.memory_space<vmem>>) target_semaphore(%run_scoped3A : memref<!tpu.dma_semaphore, #tpu.memory_space<semaphore_mem>>)
        %dma_wait3A_211 = arith.constant 0 : i32
        %dma_wait3A_212 = tpu.memref_slice %arg2[%add3A_179, %dma_wait3A_211] : memref<4096x80xi32, #tpu.memory_space<hbm>> -> memref<8x80xi32, #tpu.memory_space<hbm>>
        %dma_wait3A_213 = arith.constant 0 : i32
        %dma_wait3A_214 = tpu.memref_slice %arg2[%add3A_179, %dma_wait3A_213] : memref<4096x80xi32, #tpu.memory_space<hbm>> -> memref<8x80xi32, #tpu.memory_space<hbm>>
        tpu.wait_dma2 semaphore(%run_scoped3A : memref<!tpu.dma_semaphore, #tpu.memory_space<semaphore_mem>>) src(%dma_wait3A_214 : memref<8x80xi32, #tpu.memory_space<hbm>>) dst(%arg10 : memref<8x80xi32, #tpu.memory_space<vmem>>)
        tpu.yield
      }) : () -> ()
      "tpu.region"() ({
        %run_scoped3A = tpu.sem_alloc : memref<!tpu.dma_semaphore, #tpu.memory_space<semaphore_mem>>
        %dma_start3A_207 = arith.constant 0 : i32
        %dma_start3A_208 = tpu.memref_slice %arg3[%add3A_179, %dma_start3A_207] : memref<4096x80xi32, #tpu.memory_space<hbm>> -> memref<8x80xi32, #tpu.memory_space<hbm>>
        %dma_start3A_209 = arith.constant 0 : i32
        %dma_start3A_210 = tpu.memref_slice %arg3[%add3A_179, %dma_start3A_209] : memref<4096x80xi32, #tpu.memory_space<hbm>> -> memref<8x80xi32, #tpu.memory_space<hbm>>
        tpu.enqueue_dma source(%dma_start3A_210 : memref<8x80xi32, #tpu.memory_space<hbm>>) target(%arg11 : memref<8x80xi32, #tpu.memory_space<vmem>>) target_semaphore(%run_scoped3A : memref<!tpu.dma_semaphore, #tpu.memory_space<semaphore_mem>>)
        %dma_wait3A_211 = arith.constant 0 : i32
        %dma_wait3A_212 = tpu.memref_slice %arg3[%add3A_179, %dma_wait3A_211] : memref<4096x80xi32, #tpu.memory_space<hbm>> -> memref<8x80xi32, #tpu.memory_space<hbm>>
        %dma_wait3A_213 = arith.constant 0 : i32
        %dma_wait3A_214 = tpu.memref_slice %arg3[%add3A_179, %dma_wait3A_213] : memref<4096x80xi32, #tpu.memory_space<hbm>> -> memref<8x80xi32, #tpu.memory_space<hbm>>
        tpu.wait_dma2 semaphore(%run_scoped3A : memref<!tpu.dma_semaphore, #tpu.memory_space<semaphore_mem>>) src(%dma_wait3A_214 : memref<8x80xi32, #tpu.memory_space<hbm>>) dst(%arg11 : memref<8x80xi32, #tpu.memory_space<vmem>>)
        tpu.yield
      }) : () -> ()
      %dma_start3A = arith.constant 0 : i32
      %dma_start3A_180 = arith.constant 0 : i32
      %dma_start3A_181 = tpu.memref_slice %arg10[%dma_start3A, %dma_start3A_180] : memref<8x80xi32, #tpu.memory_space<vmem>> -> memref<1x80xi32, #tpu.memory_space<vmem>>
      %dma_start3A_182 = tpu.memref_squeeze %dma_start3A_181 : memref<1x80xi32, #tpu.memory_space<vmem>> -> memref<80xi32, #tpu.memory_space<vmem>>
      %dma_start3A_183 = arith.constant 0 : i32
      %dma_start3A_184 = arith.constant 0 : i32
      %dma_start3A_185 = tpu.memref_slice %arg6[%dma_start3A_183, %dma_start3A_184] : memref<10240x128xf32, #tpu.memory_space<hbm>> -> memref<10240x128xf32, #tpu.memory_space<hbm>>
      tpu.enqueue_indirect_dma source(%dma_start3A_185 : memref<10240x128xf32, #tpu.memory_space<hbm>>) target(%arg17 : memref<80x128xf32, #tpu.memory_space<vmem>>) offsets(%dma_start3A_182 : memref<80xi32, #tpu.memory_space<vmem>>) semaphore(%arg22 : memref<!tpu.dma_semaphore, #tpu.memory_space<semaphore_mem>>)
      %scan3A_186 = arith.constant 0 : i32
      %scan3A_187 = arith.constant 0 : i32
      %scan3A_188 = arith.constant 4 : i32
      %scan3A_189 = arith.addi %scan3A_187, %scan3A_188 : i32
      %scan3A_190 = arith.constant 1 : i32
      %scan3A_191 = scf.for %scan3A_207 = %scan3A_187 to %scan3A_189 step %scan3A_190 iter_args(%scan3A_208 = %scan3A_186) -> (i32)  : i32 {
        %mul3A_209 = arith.constant 2 : i32
        %mul3A_210 = arith.muli %mul3A_209, %scan3A_207 : i32
        %mul3A_211 = arith.constant 2 : i32
        %mul3A_212 = arith.muli %mul3A_211, %scan3A_207 : i32
        %add3A_213 = arith.constant 1 : i32
        %add3A_214 = arith.addi %mul3A_212, %add3A_213 : i32
        %gt3A = arith.constant 0 : i32
        %gt3A_215 = arith.cmpi sgt, %scan3A_207, %gt3A : i32
        %convert_element_type3A = arith.extui %gt3A_215 : i1 to i32
        %cond3A = arith.constant 0 : i32
        %cond3A_216 = arith.cmpi ne, %convert_element_type3A, %cond3A : i32
        scf.if %cond3A_216 {
          %dma_wait3A_537 = arith.constant 0 : i32
          %dma_wait3A_538 = tpu.memref_slice %arg11[%add3A_214, %dma_wait3A_537] : memref<8x80xi32, #tpu.memory_space<vmem>> -> memref<1x80xi32, #tpu.memory_space<vmem>>
          %dma_wait3A_539 = tpu.memref_squeeze %dma_wait3A_538 : memref<1x80xi32, #tpu.memory_space<vmem>> -> memref<80xi32, #tpu.memory_space<vmem>>
          %dma_wait3A_540 = arith.constant 0 : i32
          %dma_wait3A_541 = arith.constant 0 : i32
          %dma_wait3A_542 = tpu.memref_slice %arg19[%dma_wait3A_540, %dma_wait3A_541] : memref<10240x128xf32, #tpu.memory_space<vmem_shared>> -> memref<10240x128xf32, #tpu.memory_space<vmem_shared>>
          tpu.wait_indirect_dma semaphore(%arg25 : memref<!tpu.dma_semaphore, #tpu.memory_space<semaphore_mem>>) src(%arg18 : memref<80x128xf32, #tpu.memory_space<vmem>>) dst(%dma_wait3A_542 : memref<10240x128xf32, #tpu.memory_space<vmem_shared>>)
        } else {
        }
        %dma_start3A_217 = arith.constant 0 : i32
        %dma_start3A_218 = tpu.memref_slice %arg10[%add3A_214, %dma_start3A_217] : memref<8x80xi32, #tpu.memory_space<vmem>> -> memref<1x80xi32, #tpu.memory_space<vmem>>
        %dma_start3A_219 = tpu.memref_squeeze %dma_start3A_218 : memref<1x80xi32, #tpu.memory_space<vmem>> -> memref<80xi32, #tpu.memory_space<vmem>>
        %dma_start3A_220 = arith.constant 0 : i32
        %dma_start3A_221 = arith.constant 0 : i32
        %dma_start3A_222 = tpu.memref_slice %arg6[%dma_start3A_220, %dma_start3A_221] : memref<10240x128xf32, #tpu.memory_space<hbm>> -> memref<10240x128xf32, #tpu.memory_space<hbm>>
        tpu.enqueue_indirect_dma source(%dma_start3A_222 : memref<10240x128xf32, #tpu.memory_space<hbm>>) target(%arg18 : memref<80x128xf32, #tpu.memory_space<vmem>>) offsets(%dma_start3A_219 : memref<80xi32, #tpu.memory_space<vmem>>) semaphore(%arg23 : memref<!tpu.dma_semaphore, #tpu.memory_space<semaphore_mem>>)
        %scan3A_223 = arith.constant 0 : i32
        %scan3A_224 = arith.constant 0 : i32
        %mul3A_225 = arith.constant 16 : i32
        %mul3A_226 = arith.muli %scan3A_224, %mul3A_225 : i32
        %get3A = arith.index_cast %mul3A_210 : i32 to index
        %get3A_227 = arith.index_cast %mul3A_226 : i32 to index
        %get3A_228 = tpu.vector_load %arg10[%get3A, %get3A_227] {strides = array<i32>} : memref<8x80xi32, #tpu.memory_space<vmem>>, vector<16xi32>,
        %mul3A_229 = arith.constant 16 : i32
        %mul3A_230 = arith.muli %scan3A_224, %mul3A_229 : i32
        %get3A_231 = arith.index_cast %mul3A_210 : i32 to index
        %get3A_232 = arith.index_cast %mul3A_230 : i32 to index
        %get3A_233 = tpu.vector_load %arg11[%get3A_231, %get3A_232] {strides = array<i32>} : memref<8x80xi32, #tpu.memory_space<vmem>>, vector<16xi32>,
        %gather3A = tpu.vector_load_idx %arg12[%get3A_228] : memref<10240xf32, #tpu.memory_space<vmem>>[vector<16xi32>], vector<16xf32>,
        %gather3A_234 = tpu.vector_load_idx %arg13[%get3A_233] : memref<10240xf32, #tpu.memory_space<vmem>>[vector<16xi32>], vector<16xf32>,
        %add3A_235 = arith.addf %gather3A, %gather3A_234 : vector<16xf32>
        %gt3A_236 = arith.constant 0.000000e+00 : f32
        %gt3A_237 = vector.broadcast %gt3A_236 : f32 to vector<16xf32>
        %gt3A_238 = arith.cmpf ogt, %add3A_235, %gt3A_237 : vector<16xf32>
        %mul3A_239 = arith.constant 2.000000e-01 : f32
        %mul3A_240 = vector.broadcast %mul3A_239 : f32 to vector<16xf32>
        %mul3A_241 = arith.mulf %mul3A_240, %add3A_235 : vector<16xf32>
        %select_n3A_242 = arith.select %gt3A_238, %add3A_235, %mul3A_241 : vector<16xi1>, vector<16xf32>
        %exp3A = math.exp %select_n3A_242 : vector<16xf32>
        %mul3A_243 = arith.constant 16 : i32
        %mul3A_244 = arith.muli %scan3A_224, %mul3A_243 : i32
        %swap3A_245 = arith.index_cast %mul3A_244 : i32 to index
        %swap3A_246 = tpu.vector_load %arg14[%swap3A_245] {strides = array<i32>} : memref<80xf32, #tpu.memory_space<vmem>>, vector<16xf32>,
        tpu.vector_store %arg14[%swap3A_245], %exp3A {strides = array<i32>} : memref<80xf32, #tpu.memory_space<vmem>>, vector<16xf32>,
        %scan3A_247 = arith.constant 0 : i32
        %scan3A_248 = arith.constant 1 : i32
        %mul3A_249 = arith.constant 16 : i32
        %mul3A_250 = arith.muli %scan3A_248, %mul3A_249 : i32
        %get3A_251 = arith.index_cast %mul3A_210 : i32 to index
        %get3A_252 = arith.index_cast %mul3A_250 : i32 to index
        %get3A_253 = tpu.vector_load %arg10[%get3A_251, %get3A_252] {strides = array<i32>} : memref<8x80xi32, #tpu.memory_space<vmem>>, vector<16xi32>,
        %mul3A_254 = arith.constant 16 : i32
        %mul3A_255 = arith.muli %scan3A_248, %mul3A_254 : i32
        %get3A_256 = arith.index_cast %mul3A_210 : i32 to index
        %get3A_257 = arith.index_cast %mul3A_255 : i32 to index
        %get3A_258 = tpu.vector_load %arg11[%get3A_256, %get3A_257] {strides = array<i32>} : memref<8x80xi32, #tpu.memory_space<vmem>>, vector<16xi32>,
        %gather3A_259 = tpu.vector_load_idx %arg12[%get3A_253] : memref<10240xf32, #tpu.memory_space<vmem>>[vector<16xi32>], vector<16xf32>,
        %gather3A_260 = tpu.vector_load_idx %arg13[%get3A_258] : memref<10240xf32, #tpu.memory_space<vmem>>[vector<16xi32>], vector<16xf32>,
        %add3A_261 = arith.addf %gather3A_259, %gather3A_260 : vector<16xf32>
        %gt3A_262 = arith.constant 0.000000e+00 : f32
        %gt3A_263 = vector.broadcast %gt3A_262 : f32 to vector<16xf32>
        %gt3A_264 = arith.cmpf ogt, %add3A_261, %gt3A_263 : vector<16xf32>
        %mul3A_265 = arith.constant 2.000000e-01 : f32
        %mul3A_266 = vector.broadcast %mul3A_265 : f32 to vector<16xf32>
        %mul3A_267 = arith.mulf %mul3A_266, %add3A_261 : vector<16xf32>
        %select_n3A_268 = arith.select %gt3A_264, %add3A_261, %mul3A_267 : vector<16xi1>, vector<16xf32>
        %exp3A_269 = math.exp %select_n3A_268 : vector<16xf32>
        %mul3A_270 = arith.constant 16 : i32
        %mul3A_271 = arith.muli %scan3A_248, %mul3A_270 : i32
        %swap3A_272 = arith.index_cast %mul3A_271 : i32 to index
        %swap3A_273 = tpu.vector_load %arg14[%swap3A_272] {strides = array<i32>} : memref<80xf32, #tpu.memory_space<vmem>>, vector<16xf32>,
        tpu.vector_store %arg14[%swap3A_272], %exp3A_269 {strides = array<i32>} : memref<80xf32, #tpu.memory_space<vmem>>, vector<16xf32>,
        %scan3A_274 = arith.constant 0 : i32
        %scan3A_275 = arith.constant 2 : i32
        %mul3A_276 = arith.constant 16 : i32
        %mul3A_277 = arith.muli %scan3A_275, %mul3A_276 : i32
        %get3A_278 = arith.index_cast %mul3A_210 : i32 to index
        %get3A_279 = arith.index_cast %mul3A_277 : i32 to index
        %get3A_280 = tpu.vector_load %arg10[%get3A_278, %get3A_279] {strides = array<i32>} : memref<8x80xi32, #tpu.memory_space<vmem>>, vector<16xi32>,
        %mul3A_281 = arith.constant 16 : i32
        %mul3A_282 = arith.muli %scan3A_275, %mul3A_281 : i32
        %get3A_283 = arith.index_cast %mul3A_210 : i32 to index
        %get3A_284 = arith.index_cast %mul3A_282 : i32 to index
        %get3A_285 = tpu.vector_load %arg11[%get3A_283, %get3A_284] {strides = array<i32>} : memref<8x80xi32, #tpu.memory_space<vmem>>, vector<16xi32>,
        %gather3A_286 = tpu.vector_load_idx %arg12[%get3A_280] : memref<10240xf32, #tpu.memory_space<vmem>>[vector<16xi32>], vector<16xf32>,
        %gather3A_287 = tpu.vector_load_idx %arg13[%get3A_285] : memref<10240xf32, #tpu.memory_space<vmem>>[vector<16xi32>], vector<16xf32>,
        %add3A_288 = arith.addf %gather3A_286, %gather3A_287 : vector<16xf32>
        %gt3A_289 = arith.constant 0.000000e+00 : f32
        %gt3A_290 = vector.broadcast %gt3A_289 : f32 to vector<16xf32>
        %gt3A_291 = arith.cmpf ogt, %add3A_288, %gt3A_290 : vector<16xf32>
        %mul3A_292 = arith.constant 2.000000e-01 : f32
        %mul3A_293 = vector.broadcast %mul3A_292 : f32 to vector<16xf32>
        %mul3A_294 = arith.mulf %mul3A_293, %add3A_288 : vector<16xf32>
        %select_n3A_295 = arith.select %gt3A_291, %add3A_288, %mul3A_294 : vector<16xi1>, vector<16xf32>
        %exp3A_296 = math.exp %select_n3A_295 : vector<16xf32>
        %mul3A_297 = arith.constant 16 : i32
        %mul3A_298 = arith.muli %scan3A_275, %mul3A_297 : i32
        %swap3A_299 = arith.index_cast %mul3A_298 : i32 to index
        %swap3A_300 = tpu.vector_load %arg14[%swap3A_299] {strides = array<i32>} : memref<80xf32, #tpu.memory_space<vmem>>, vector<16xf32>,
        tpu.vector_store %arg14[%swap3A_299], %exp3A_296 {strides = array<i32>} : memref<80xf32, #tpu.memory_space<vmem>>, vector<16xf32>,
        %scan3A_301 = arith.constant 0 : i32
        %scan3A_302 = arith.constant 3 : i32
        %mul3A_303 = arith.constant 16 : i32
        %mul3A_304 = arith.muli %scan3A_302, %mul3A_303 : i32
        %get3A_305 = arith.index_cast %mul3A_210 : i32 to index
        %get3A_306 = arith.index_cast %mul3A_304 : i32 to index
        %get3A_307 = tpu.vector_load %arg10[%get3A_305, %get3A_306] {strides = array<i32>} : memref<8x80xi32, #tpu.memory_space<vmem>>, vector<16xi32>,
        %mul3A_308 = arith.constant 16 : i32
        %mul3A_309 = arith.muli %scan3A_302, %mul3A_308 : i32
        %get3A_310 = arith.index_cast %mul3A_210 : i32 to index
        %get3A_311 = arith.index_cast %mul3A_309 : i32 to index
        %get3A_312 = tpu.vector_load %arg11[%get3A_310, %get3A_311] {strides = array<i32>} : memref<8x80xi32, #tpu.memory_space<vmem>>, vector<16xi32>,
        %gather3A_313 = tpu.vector_load_idx %arg12[%get3A_307] : memref<10240xf32, #tpu.memory_space<vmem>>[vector<16xi32>], vector<16xf32>,
        %gather3A_314 = tpu.vector_load_idx %arg13[%get3A_312] : memref<10240xf32, #tpu.memory_space<vmem>>[vector<16xi32>], vector<16xf32>,
        %add3A_315 = arith.addf %gather3A_313, %gather3A_314 : vector<16xf32>
        %gt3A_316 = arith.constant 0.000000e+00 : f32
        %gt3A_317 = vector.broadcast %gt3A_316 : f32 to vector<16xf32>
        %gt3A_318 = arith.cmpf ogt, %add3A_315, %gt3A_317 : vector<16xf32>
        %mul3A_319 = arith.constant 2.000000e-01 : f32
        %mul3A_320 = vector.broadcast %mul3A_319 : f32 to vector<16xf32>
        %mul3A_321 = arith.mulf %mul3A_320, %add3A_315 : vector<16xf32>
        %select_n3A_322 = arith.select %gt3A_318, %add3A_315, %mul3A_321 : vector<16xi1>, vector<16xf32>
        %exp3A_323 = math.exp %select_n3A_322 : vector<16xf32>
        %mul3A_324 = arith.constant 16 : i32
        %mul3A_325 = arith.muli %scan3A_302, %mul3A_324 : i32
        %swap3A_326 = arith.index_cast %mul3A_325 : i32 to index
        %swap3A_327 = tpu.vector_load %arg14[%swap3A_326] {strides = array<i32>} : memref<80xf32, #tpu.memory_space<vmem>>, vector<16xf32>,
        tpu.vector_store %arg14[%swap3A_326], %exp3A_323 {strides = array<i32>} : memref<80xf32, #tpu.memory_space<vmem>>, vector<16xf32>,
        %scan3A_328 = arith.constant 0 : i32
        %scan3A_329 = arith.constant 4 : i32
        %mul3A_330 = arith.constant 16 : i32
        %mul3A_331 = arith.muli %scan3A_329, %mul3A_330 : i32
        %get3A_332 = arith.index_cast %mul3A_210 : i32 to index
        %get3A_333 = arith.index_cast %mul3A_331 : i32 to index
        %get3A_334 = tpu.vector_load %arg10[%get3A_332, %get3A_333] {strides = array<i32>} : memref<8x80xi32, #tpu.memory_space<vmem>>, vector<16xi32>,
        %mul3A_335 = arith.constant 16 : i32
        %mul3A_336 = arith.muli %scan3A_329, %mul3A_335 : i32
        %get3A_337 = arith.index_cast %mul3A_210 : i32 to index
        %get3A_338 = arith.index_cast %mul3A_336 : i32 to index
        %get3A_339 = tpu.vector_load %arg11[%get3A_337, %get3A_338] {strides = array<i32>} : memref<8x80xi32, #tpu.memory_space<vmem>>, vector<16xi32>,
        %gather3A_340 = tpu.vector_load_idx %arg12[%get3A_334] : memref<10240xf32, #tpu.memory_space<vmem>>[vector<16xi32>], vector<16xf32>,
        %gather3A_341 = tpu.vector_load_idx %arg13[%get3A_339] : memref<10240xf32, #tpu.memory_space<vmem>>[vector<16xi32>], vector<16xf32>,
        %add3A_342 = arith.addf %gather3A_340, %gather3A_341 : vector<16xf32>
        %gt3A_343 = arith.constant 0.000000e+00 : f32
        %gt3A_344 = vector.broadcast %gt3A_343 : f32 to vector<16xf32>
        %gt3A_345 = arith.cmpf ogt, %add3A_342, %gt3A_344 : vector<16xf32>
        %mul3A_346 = arith.constant 2.000000e-01 : f32
        %mul3A_347 = vector.broadcast %mul3A_346 : f32 to vector<16xf32>
        %mul3A_348 = arith.mulf %mul3A_347, %add3A_342 : vector<16xf32>
        %select_n3A_349 = arith.select %gt3A_345, %add3A_342, %mul3A_348 : vector<16xi1>, vector<16xf32>
        %exp3A_350 = math.exp %select_n3A_349 : vector<16xf32>
        %mul3A_351 = arith.constant 16 : i32
        %mul3A_352 = arith.muli %scan3A_329, %mul3A_351 : i32
        %swap3A_353 = arith.index_cast %mul3A_352 : i32 to index
        %swap3A_354 = tpu.vector_load %arg14[%swap3A_353] {strides = array<i32>} : memref<80xf32, #tpu.memory_space<vmem>>, vector<16xf32>,
        tpu.vector_store %arg14[%swap3A_353], %exp3A_350 {strides = array<i32>} : memref<80xf32, #tpu.memory_space<vmem>>, vector<16xf32>,
        %scan3A_355 = arith.constant 0 : i32
        %scan3A_356 = arith.constant 5 : i32
        "tpu.region"() ({
          %run_scoped3A = tpu.sem_alloc : memref<!tpu.dma_semaphore, #tpu.memory_space<semaphore_mem>>
          %dma_start3A_537 = arith.constant 0 : i32
          %dma_start3A_538 = tpu.memref_slice %arg11[%mul3A_210, %dma_start3A_537] : memref<8x80xi32, #tpu.memory_space<vmem>> -> memref<1x80xi32, #tpu.memory_space<vmem>>
          %dma_start3A_539 = tpu.memref_squeeze %dma_start3A_538 : memref<1x80xi32, #tpu.memory_space<vmem>> -> memref<80xi32, #tpu.memory_space<vmem>>
          %dma_start3A_540 = arith.constant 0 : i32
          %dma_start3A_541 = tpu.memref_slice %arg20[%dma_start3A_540] : memref<10240xf32, #tpu.memory_space<vmem_shared>> -> memref<10240xf32, #tpu.memory_space<vmem_shared>>
          tpu.enqueue_indirect_dma source(%arg14 : memref<80xf32, #tpu.memory_space<vmem>>) target(%dma_start3A_541 : memref<10240xf32, #tpu.memory_space<vmem_shared>>) offsets(%dma_start3A_539 : memref<80xi32, #tpu.memory_space<vmem>>) semaphore(%run_scoped3A : memref<!tpu.dma_semaphore, #tpu.memory_space<semaphore_mem>>) {add = true}
          %dma_wait3A_542 = arith.constant 0 : i32
          %dma_wait3A_543 = tpu.memref_slice %arg11[%mul3A_210, %dma_wait3A_542] : memref<8x80xi32, #tpu.memory_space<vmem>> -> memref<1x80xi32, #tpu.memory_space<vmem>>
          %dma_wait3A_544 = tpu.memref_squeeze %dma_wait3A_543 : memref<1x80xi32, #tpu.memory_space<vmem>> -> memref<80xi32, #tpu.memory_space<vmem>>
          %dma_wait3A_545 = arith.constant 0 : i32
          %dma_wait3A_546 = tpu.memref_slice %arg20[%dma_wait3A_545] : memref<10240xf32, #tpu.memory_space<vmem_shared>> -> memref<10240xf32, #tpu.memory_space<vmem_shared>>
          tpu.wait_indirect_dma semaphore(%run_scoped3A : memref<!tpu.dma_semaphore, #tpu.memory_space<semaphore_mem>>) src(%arg14 : memref<80xf32, #tpu.memory_space<vmem>>) dst(%dma_wait3A_546 : memref<10240xf32, #tpu.memory_space<vmem_shared>>)
          tpu.yield
        }) : () -> ()
        "tpu.region"() ({
          %run_scoped3A = tpu.sem_alloc : memref<!tpu.dma_semaphore, #tpu.memory_space<semaphore_mem>>
          %dma_start3A_537 = arith.constant 0 : i32
          %dma_start3A_538 = tpu.memref_slice %arg11[%mul3A_210, %dma_start3A_537] : memref<8x80xi32, #tpu.memory_space<vmem>> -> memref<1x80xi32, #tpu.memory_space<vmem>>
          %dma_start3A_539 = tpu.memref_squeeze %dma_start3A_538 : memref<1x80xi32, #tpu.memory_space<vmem>> -> memref<80xi32, #tpu.memory_space<vmem>>
          %dma_start3A_540 = arith.constant 0 : i32
          %dma_start3A_541 = tpu.memref_slice %arg21[%dma_start3A_540] : memref<10240xf32, #tpu.memory_space<vmem_shared>> -> memref<10240xf32, #tpu.memory_space<vmem_shared>>
          tpu.enqueue_indirect_dma source(%arg16 : memref<80xf32, #tpu.memory_space<vmem>>) target(%dma_start3A_541 : memref<10240xf32, #tpu.memory_space<vmem_shared>>) offsets(%dma_start3A_539 : memref<80xi32, #tpu.memory_space<vmem>>) semaphore(%run_scoped3A : memref<!tpu.dma_semaphore, #tpu.memory_space<semaphore_mem>>) {add = true}
          %dma_wait3A_542 = arith.constant 0 : i32
          %dma_wait3A_543 = tpu.memref_slice %arg11[%mul3A_210, %dma_wait3A_542] : memref<8x80xi32, #tpu.memory_space<vmem>> -> memref<1x80xi32, #tpu.memory_space<vmem>>
          %dma_wait3A_544 = tpu.memref_squeeze %dma_wait3A_543 : memref<1x80xi32, #tpu.memory_space<vmem>> -> memref<80xi32, #tpu.memory_space<vmem>>
          %dma_wait3A_545 = arith.constant 0 : i32
          %dma_wait3A_546 = tpu.memref_slice %arg21[%dma_wait3A_545] : memref<10240xf32, #tpu.memory_space<vmem_shared>> -> memref<10240xf32, #tpu.memory_space<vmem_shared>>
          tpu.wait_indirect_dma semaphore(%run_scoped3A : memref<!tpu.dma_semaphore, #tpu.memory_space<semaphore_mem>>) src(%arg16 : memref<80xf32, #tpu.memory_space<vmem>>) dst(%dma_wait3A_546 : memref<10240xf32, #tpu.memory_space<vmem_shared>>)
          tpu.yield
        }) : () -> ()
        %dma_wait3A_357 = arith.constant 0 : i32
        %dma_wait3A_358 = tpu.memref_slice %arg10[%mul3A_210, %dma_wait3A_357] : memref<8x80xi32, #tpu.memory_space<vmem>> -> memref<1x80xi32, #tpu.memory_space<vmem>>
        %dma_wait3A_359 = tpu.memref_squeeze %dma_wait3A_358 : memref<1x80xi32, #tpu.memory_space<vmem>> -> memref<80xi32, #tpu.memory_space<vmem>>
        %dma_wait3A_360 = arith.constant 0 : i32
        %dma_wait3A_361 = arith.constant 0 : i32
        %dma_wait3A_362 = tpu.memref_slice %arg6[%dma_wait3A_360, %dma_wait3A_361] : memref<10240x128xf32, #tpu.memory_space<hbm>> -> memref<10240x128xf32, #tpu.memory_space<hbm>>
        tpu.wait_indirect_dma semaphore(%arg22 : memref<!tpu.dma_semaphore, #tpu.memory_space<semaphore_mem>>) src(%dma_wait3A_362 : memref<10240x128xf32, #tpu.memory_space<hbm>>) dst(%arg17 : memref<80x128xf32, #tpu.memory_space<vmem>>)
        %scan3A_363 = arith.constant 0 : i32
        %scan3A_364 = arith.constant 0 : i32
        %scan3A_365 = arith.constant 80 : i32
        %scan3A_366 = arith.addi %scan3A_364, %scan3A_365 : i32
        %scan3A_367 = arith.constant 2 : i32
        %scan3A_368 = scf.for %scan3A_537 = %scan3A_364 to %scan3A_366 step %scan3A_367 iter_args(%scan3A_538 = %scan3A_363) -> (i32)  : i32 {
          %broadcast_in_dim3A_539 = vector.broadcast %scan3A_537 : i32 to vector<16xi32>
          %gather3A_540 = tpu.vector_load_idx %arg14[%broadcast_in_dim3A_539] : memref<80xf32, #tpu.memory_space<vmem>>[vector<16xi32>], vector<16xf32>,
          %get3A_541 = arith.index_cast %scan3A_537 : i32 to index
          %get3A_542 = arith.constant 0 : index
          %get3A_543 = tpu.vector_load %arg17[%get3A_541, %get3A_542] {strides = array<i32>} : memref<80x128xf32, #tpu.memory_space<vmem>>, vector<16xf32>,
          %mul3A_544 = arith.mulf %get3A_543, %gather3A_540 : vector<16xf32>
          %swap3A_545 = arith.index_cast %scan3A_537 : i32 to index
          %swap3A_546 = arith.constant 0 : index
          %swap3A_547 = tpu.vector_load %arg17[%swap3A_545, %swap3A_546] {strides = array<i32>} : memref<80x128xf32, #tpu.memory_space<vmem>>, vector<16xf32>,
          tpu.vector_store %arg17[%swap3A_545, %swap3A_546], %mul3A_544 {strides = array<i32>} : memref<80x128xf32, #tpu.memory_space<vmem>>, vector<16xf32>,
          %get3A_548 = arith.index_cast %scan3A_537 : i32 to index
          %get3A_549 = arith.constant 16 : index
          %get3A_550 = tpu.vector_load %arg17[%get3A_548, %get3A_549] {strides = array<i32>} : memref<80x128xf32, #tpu.memory_space<vmem>>, vector<16xf32>,
          %mul3A_551 = arith.mulf %get3A_550, %gather3A_540 : vector<16xf32>
          %swap3A_552 = arith.index_cast %scan3A_537 : i32 to index
          %swap3A_553 = arith.constant 16 : index
          %swap3A_554 = tpu.vector_load %arg17[%swap3A_552, %swap3A_553] {strides = array<i32>} : memref<80x128xf32, #tpu.memory_space<vmem>>, vector<16xf32>,
          tpu.vector_store %arg17[%swap3A_552, %swap3A_553], %mul3A_551 {strides = array<i32>} : memref<80x128xf32, #tpu.memory_space<vmem>>, vector<16xf32>,
          %get3A_555 = arith.index_cast %scan3A_537 : i32 to index
          %get3A_556 = arith.constant 32 : index
          %get3A_557 = tpu.vector_load %arg17[%get3A_555, %get3A_556] {strides = array<i32>} : memref<80x128xf32, #tpu.memory_space<vmem>>, vector<16xf32>,
          %mul3A_558 = arith.mulf %get3A_557, %gather3A_540 : vector<16xf32>
          %swap3A_559 = arith.index_cast %scan3A_537 : i32 to index
          %swap3A_560 = arith.constant 32 : index
          %swap3A_561 = tpu.vector_load %arg17[%swap3A_559, %swap3A_560] {strides = array<i32>} : memref<80x128xf32, #tpu.memory_space<vmem>>, vector<16xf32>,
          tpu.vector_store %arg17[%swap3A_559, %swap3A_560], %mul3A_558 {strides = array<i32>} : memref<80x128xf32, #tpu.memory_space<vmem>>, vector<16xf32>,
          %get3A_562 = arith.index_cast %scan3A_537 : i32 to index
          %get3A_563 = arith.constant 48 : index
          %get3A_564 = tpu.vector_load %arg17[%get3A_562, %get3A_563] {strides = array<i32>} : memref<80x128xf32, #tpu.memory_space<vmem>>, vector<16xf32>,
          %mul3A_565 = arith.mulf %get3A_564, %gather3A_540 : vector<16xf32>
          %swap3A_566 = arith.index_cast %scan3A_537 : i32 to index
          %swap3A_567 = arith.constant 48 : index
          %swap3A_568 = tpu.vector_load %arg17[%swap3A_566, %swap3A_567] {strides = array<i32>} : memref<80x128xf32, #tpu.memory_space<vmem>>, vector<16xf32>,
          tpu.vector_store %arg17[%swap3A_566, %swap3A_567], %mul3A_565 {strides = array<i32>} : memref<80x128xf32, #tpu.memory_space<vmem>>, vector<16xf32>,
          %get3A_569 = arith.index_cast %scan3A_537 : i32 to index
          %get3A_570 = arith.constant 64 : index
          %get3A_571 = tpu.vector_load %arg17[%get3A_569, %get3A_570] {strides = array<i32>} : memref<80x128xf32, #tpu.memory_space<vmem>>, vector<16xf32>,
          %mul3A_572 = arith.mulf %get3A_571, %gather3A_540 : vector<16xf32>
          %swap3A_573 = arith.index_cast %scan3A_537 : i32 to index
          %swap3A_574 = arith.constant 64 : index
          %swap3A_575 = tpu.vector_load %arg17[%swap3A_573, %swap3A_574] {strides = array<i32>} : memref<80x128xf32, #tpu.memory_space<vmem>>, vector<16xf32>,
          tpu.vector_store %arg17[%swap3A_573, %swap3A_574], %mul3A_572 {strides = array<i32>} : memref<80x128xf32, #tpu.memory_space<vmem>>, vector<16xf32>,
          %get3A_576 = arith.index_cast %scan3A_537 : i32 to index
          %get3A_577 = arith.constant 80 : index
          %get3A_578 = tpu.vector_load %arg17[%get3A_576, %get3A_577] {strides = array<i32>} : memref<80x128xf32, #tpu.memory_space<vmem>>, vector<16xf32>,
          %mul3A_579 = arith.mulf %get3A_578, %gather3A_540 : vector<16xf32>
          %swap3A_580 = arith.index_cast %scan3A_537 : i32 to index
          %swap3A_581 = arith.constant 80 : index
          %swap3A_582 = tpu.vector_load %arg17[%swap3A_580, %swap3A_581] {strides = array<i32>} : memref<80x128xf32, #tpu.memory_space<vmem>>, vector<16xf32>,
          tpu.vector_store %arg17[%swap3A_580, %swap3A_581], %mul3A_579 {strides = array<i32>} : memref<80x128xf32, #tpu.memory_space<vmem>>, vector<16xf32>,
          %get3A_583 = arith.index_cast %scan3A_537 : i32 to index
          %get3A_584 = arith.constant 96 : index
          %get3A_585 = tpu.vector_load %arg17[%get3A_583, %get3A_584] {strides = array<i32>} : memref<80x128xf32, #tpu.memory_space<vmem>>, vector<16xf32>,
          %mul3A_586 = arith.mulf %get3A_585, %gather3A_540 : vector<16xf32>
          %swap3A_587 = arith.index_cast %scan3A_537 : i32 to index
          %swap3A_588 = arith.constant 96 : index
          %swap3A_589 = tpu.vector_load %arg17[%swap3A_587, %swap3A_588] {strides = array<i32>} : memref<80x128xf32, #tpu.memory_space<vmem>>, vector<16xf32>,
          tpu.vector_store %arg17[%swap3A_587, %swap3A_588], %mul3A_586 {strides = array<i32>} : memref<80x128xf32, #tpu.memory_space<vmem>>, vector<16xf32>,
          %get3A_590 = arith.index_cast %scan3A_537 : i32 to index
          %get3A_591 = arith.constant 112 : index
          %get3A_592 = tpu.vector_load %arg17[%get3A_590, %get3A_591] {strides = array<i32>} : memref<80x128xf32, #tpu.memory_space<vmem>>, vector<16xf32>,
          %mul3A_593 = arith.mulf %get3A_592, %gather3A_540 : vector<16xf32>
          %swap3A_594 = arith.index_cast %scan3A_537 : i32 to index
          %swap3A_595 = arith.constant 112 : index
          %swap3A_596 = tpu.vector_load %arg17[%swap3A_594, %swap3A_595] {strides = array<i32>} : memref<80x128xf32, #tpu.memory_space<vmem>>, vector<16xf32>,
          tpu.vector_store %arg17[%swap3A_594, %swap3A_595], %mul3A_593 {strides = array<i32>} : memref<80x128xf32, #tpu.memory_space<vmem>>, vector<16xf32>,
          %scan3A_597 = arith.constant 0 : i32
          %scan3A_598 = arith.constant 1 : i32
          %scan3A_599 = arith.addi %scan3A_537, %scan3A_598 : i32
          %broadcast_in_dim3A_600 = vector.broadcast %scan3A_599 : i32 to vector<16xi32>
          %gather3A_601 = tpu.vector_load_idx %arg14[%broadcast_in_dim3A_600] : memref<80xf32, #tpu.memory_space<vmem>>[vector<16xi32>], vector<16xf32>,
          %get3A_602 = arith.index_cast %scan3A_599 : i32 to index
          %get3A_603 = arith.constant 0 : index
          %get3A_604 = tpu.vector_load %arg17[%get3A_602, %get3A_603] {strides = array<i32>} : memref<80x128xf32, #tpu.memory_space<vmem>>, vector<16xf32>,
          %mul3A_605 = arith.mulf %get3A_604, %gather3A_601 : vector<16xf32>
          %swap3A_606 = arith.index_cast %scan3A_599 : i32 to index
          %swap3A_607 = arith.constant 0 : index
          %swap3A_608 = tpu.vector_load %arg17[%swap3A_606, %swap3A_607] {strides = array<i32>} : memref<80x128xf32, #tpu.memory_space<vmem>>, vector<16xf32>,
          tpu.vector_store %arg17[%swap3A_606, %swap3A_607], %mul3A_605 {strides = array<i32>} : memref<80x128xf32, #tpu.memory_space<vmem>>, vector<16xf32>,
          %get3A_609 = arith.index_cast %scan3A_599 : i32 to index
          %get3A_610 = arith.constant 16 : index
          %get3A_611 = tpu.vector_load %arg17[%get3A_609, %get3A_610] {strides = array<i32>} : memref<80x128xf32, #tpu.memory_space<vmem>>, vector<16xf32>,
          %mul3A_612 = arith.mulf %get3A_611, %gather3A_601 : vector<16xf32>
          %swap3A_613 = arith.index_cast %scan3A_599 : i32 to index
          %swap3A_614 = arith.constant 16 : index
          %swap3A_615 = tpu.vector_load %arg17[%swap3A_613, %swap3A_614] {strides = array<i32>} : memref<80x128xf32, #tpu.memory_space<vmem>>, vector<16xf32>,
          tpu.vector_store %arg17[%swap3A_613, %swap3A_614], %mul3A_612 {strides = array<i32>} : memref<80x128xf32, #tpu.memory_space<vmem>>, vector<16xf32>,
          %get3A_616 = arith.index_cast %scan3A_599 : i32 to index
          %get3A_617 = arith.constant 32 : index
          %get3A_618 = tpu.vector_load %arg17[%get3A_616, %get3A_617] {strides = array<i32>} : memref<80x128xf32, #tpu.memory_space<vmem>>, vector<16xf32>,
          %mul3A_619 = arith.mulf %get3A_618, %gather3A_601 : vector<16xf32>
          %swap3A_620 = arith.index_cast %scan3A_599 : i32 to index
          %swap3A_621 = arith.constant 32 : index
          %swap3A_622 = tpu.vector_load %arg17[%swap3A_620, %swap3A_621] {strides = array<i32>} : memref<80x128xf32, #tpu.memory_space<vmem>>, vector<16xf32>,
          tpu.vector_store %arg17[%swap3A_620, %swap3A_621], %mul3A_619 {strides = array<i32>} : memref<80x128xf32, #tpu.memory_space<vmem>>, vector<16xf32>,
          %get3A_623 = arith.index_cast %scan3A_599 : i32 to index
          %get3A_624 = arith.constant 48 : index
          %get3A_625 = tpu.vector_load %arg17[%get3A_623, %get3A_624] {strides = array<i32>} : memref<80x128xf32, #tpu.memory_space<vmem>>, vector<16xf32>,
          %mul3A_626 = arith.mulf %get3A_625, %gather3A_601 : vector<16xf32>
          %swap3A_627 = arith.index_cast %scan3A_599 : i32 to index
          %swap3A_628 = arith.constant 48 : index
          %swap3A_629 = tpu.vector_load %arg17[%swap3A_627, %swap3A_628] {strides = array<i32>} : memref<80x128xf32, #tpu.memory_space<vmem>>, vector<16xf32>,
          tpu.vector_store %arg17[%swap3A_627, %swap3A_628], %mul3A_626 {strides = array<i32>} : memref<80x128xf32, #tpu.memory_space<vmem>>, vector<16xf32>,
          %get3A_630 = arith.index_cast %scan3A_599 : i32 to index
          %get3A_631 = arith.constant 64 : index
          %get3A_632 = tpu.vector_load %arg17[%get3A_630, %get3A_631] {strides = array<i32>} : memref<80x128xf32, #tpu.memory_space<vmem>>, vector<16xf32>,
          %mul3A_633 = arith.mulf %get3A_632, %gather3A_601 : vector<16xf32>
          %swap3A_634 = arith.index_cast %scan3A_599 : i32 to index
          %swap3A_635 = arith.constant 64 : index
          %swap3A_636 = tpu.vector_load %arg17[%swap3A_634, %swap3A_635] {strides = array<i32>} : memref<80x128xf32, #tpu.memory_space<vmem>>, vector<16xf32>,
          tpu.vector_store %arg17[%swap3A_634, %swap3A_635], %mul3A_633 {strides = array<i32>} : memref<80x128xf32, #tpu.memory_space<vmem>>, vector<16xf32>,
          %get3A_637 = arith.index_cast %scan3A_599 : i32 to index
          %get3A_638 = arith.constant 80 : index
          %get3A_639 = tpu.vector_load %arg17[%get3A_637, %get3A_638] {strides = array<i32>} : memref<80x128xf32, #tpu.memory_space<vmem>>, vector<16xf32>,
          %mul3A_640 = arith.mulf %get3A_639, %gather3A_601 : vector<16xf32>
          %swap3A_641 = arith.index_cast %scan3A_599 : i32 to index
          %swap3A_642 = arith.constant 80 : index
          %swap3A_643 = tpu.vector_load %arg17[%swap3A_641, %swap3A_642] {strides = array<i32>} : memref<80x128xf32, #tpu.memory_space<vmem>>, vector<16xf32>,
          tpu.vector_store %arg17[%swap3A_641, %swap3A_642], %mul3A_640 {strides = array<i32>} : memref<80x128xf32, #tpu.memory_space<vmem>>, vector<16xf32>,
          %get3A_644 = arith.index_cast %scan3A_599 : i32 to index
          %get3A_645 = arith.constant 96 : index
          %get3A_646 = tpu.vector_load %arg17[%get3A_644, %get3A_645] {strides = array<i32>} : memref<80x128xf32, #tpu.memory_space<vmem>>, vector<16xf32>,
          %mul3A_647 = arith.mulf %get3A_646, %gather3A_601 : vector<16xf32>
          %swap3A_648 = arith.index_cast %scan3A_599 : i32 to index
          %swap3A_649 = arith.constant 96 : index
          %swap3A_650 = tpu.vector_load %arg17[%swap3A_648, %swap3A_649] {strides = array<i32>} : memref<80x128xf32, #tpu.memory_space<vmem>>, vector<16xf32>,
          tpu.vector_store %arg17[%swap3A_648, %swap3A_649], %mul3A_647 {strides = array<i32>} : memref<80x128xf32, #tpu.memory_space<vmem>>, vector<16xf32>,
          %get3A_651 = arith.index_cast %scan3A_599 : i32 to index
          %get3A_652 = arith.constant 112 : index
          %get3A_653 = tpu.vector_load %arg17[%get3A_651, %get3A_652] {strides = array<i32>} : memref<80x128xf32, #tpu.memory_space<vmem>>, vector<16xf32>,
          %mul3A_654 = arith.mulf %get3A_653, %gather3A_601 : vector<16xf32>
          %swap3A_655 = arith.index_cast %scan3A_599 : i32 to index
          %swap3A_656 = arith.constant 112 : index
          %swap3A_657 = tpu.vector_load %arg17[%swap3A_655, %swap3A_656] {strides = array<i32>} : memref<80x128xf32, #tpu.memory_space<vmem>>, vector<16xf32>,
          tpu.vector_store %arg17[%swap3A_655, %swap3A_656], %mul3A_654 {strides = array<i32>} : memref<80x128xf32, #tpu.memory_space<vmem>>, vector<16xf32>,
          %scan3A_658 = arith.constant 0 : i32
          scf.yield %scan3A_658 : i32
        }
        %scan3A_369 = arith.constant 80 : i32
        %dma_start3A_370 = arith.constant 0 : i32
        %dma_start3A_371 = tpu.memref_slice %arg11[%mul3A_210, %dma_start3A_370] : memref<8x80xi32, #tpu.memory_space<vmem>> -> memref<1x80xi32, #tpu.memory_space<vmem>>
        %dma_start3A_372 = tpu.memref_squeeze %dma_start3A_371 : memref<1x80xi32, #tpu.memory_space<vmem>> -> memref<80xi32, #tpu.memory_space<vmem>>
        %dma_start3A_373 = arith.constant 0 : i32
        %dma_start3A_374 = arith.constant 0 : i32
        %dma_start3A_375 = tpu.memref_slice %arg19[%dma_start3A_373, %dma_start3A_374] : memref<10240x128xf32, #tpu.memory_space<vmem_shared>> -> memref<10240x128xf32, #tpu.memory_space<vmem_shared>>
        tpu.enqueue_indirect_dma source(%arg17 : memref<80x128xf32, #tpu.memory_space<vmem>>) target(%dma_start3A_375 : memref<10240x128xf32, #tpu.memory_space<vmem_shared>>) offsets(%dma_start3A_372 : memref<80xi32, #tpu.memory_space<vmem>>) semaphore(%arg24 : memref<!tpu.dma_semaphore, #tpu.memory_space<semaphore_mem>>) {add = true}
        %scan3A_376 = arith.constant 0 : i32
        %scan3A_377 = arith.constant 0 : i32
        %mul3A_378 = arith.constant 16 : i32
        %mul3A_379 = arith.muli %scan3A_377, %mul3A_378 : i32
        %get3A_380 = arith.index_cast %add3A_214 : i32 to index
        %get3A_381 = arith.index_cast %mul3A_379 : i32 to index
        %get3A_382 = tpu.vector_load %arg10[%get3A_380, %get3A_381] {strides = array<i32>} : memref<8x80xi32, #tpu.memory_space<vmem>>, vector<16xi32>,
        %mul3A_383 = arith.constant 16 : i32
        %mul3A_384 = arith.muli %scan3A_377, %mul3A_383 : i32
        %get3A_385 = arith.index_cast %add3A_214 : i32 to index
        %get3A_386 = arith.index_cast %mul3A_384 : i32 to index
        %get3A_387 = tpu.vector_load %arg11[%get3A_385, %get3A_386] {strides = array<i32>} : memref<8x80xi32, #tpu.memory_space<vmem>>, vector<16xi32>,
        %gather3A_388 = tpu.vector_load_idx %arg12[%get3A_382] : memref<10240xf32, #tpu.memory_space<vmem>>[vector<16xi32>], vector<16xf32>,
        %gather3A_389 = tpu.vector_load_idx %arg13[%get3A_387] : memref<10240xf32, #tpu.memory_space<vmem>>[vector<16xi32>], vector<16xf32>,
        %add3A_390 = arith.addf %gather3A_388, %gather3A_389 : vector<16xf32>
        %gt3A_391 = arith.constant 0.000000e+00 : f32
        %gt3A_392 = vector.broadcast %gt3A_391 : f32 to vector<16xf32>
        %gt3A_393 = arith.cmpf ogt, %add3A_390, %gt3A_392 : vector<16xf32>
        %mul3A_394 = arith.constant 2.000000e-01 : f32
        %mul3A_395 = vector.broadcast %mul3A_394 : f32 to vector<16xf32>
        %mul3A_396 = arith.mulf %mul3A_395, %add3A_390 : vector<16xf32>
        %select_n3A_397 = arith.select %gt3A_393, %add3A_390, %mul3A_396 : vector<16xi1>, vector<16xf32>
        %exp3A_398 = math.exp %select_n3A_397 : vector<16xf32>
        %mul3A_399 = arith.constant 16 : i32
        %mul3A_400 = arith.muli %scan3A_377, %mul3A_399 : i32
        %swap3A_401 = arith.index_cast %mul3A_400 : i32 to index
        %swap3A_402 = tpu.vector_load %arg15[%swap3A_401] {strides = array<i32>} : memref<80xf32, #tpu.memory_space<vmem>>, vector<16xf32>,
        tpu.vector_store %arg15[%swap3A_401], %exp3A_398 {strides = array<i32>} : memref<80xf32, #tpu.memory_space<vmem>>, vector<16xf32>,
        %scan3A_403 = arith.constant 0 : i32
        %scan3A_404 = arith.constant 1 : i32
        %mul3A_405 = arith.constant 16 : i32
        %mul3A_406 = arith.muli %scan3A_404, %mul3A_405 : i32
        %get3A_407 = arith.index_cast %add3A_214 : i32 to index
        %get3A_408 = arith.index_cast %mul3A_406 : i32 to index
        %get3A_409 = tpu.vector_load %arg10[%get3A_407, %get3A_408] {strides = array<i32>} : memref<8x80xi32, #tpu.memory_space<vmem>>, vector<16xi32>,
        %mul3A_410 = arith.constant 16 : i32
        %mul3A_411 = arith.muli %scan3A_404, %mul3A_410 : i32
        %get3A_412 = arith.index_cast %add3A_214 : i32 to index
        %get3A_413 = arith.index_cast %mul3A_411 : i32 to index
        %get3A_414 = tpu.vector_load %arg11[%get3A_412, %get3A_413] {strides = array<i32>} : memref<8x80xi32, #tpu.memory_space<vmem>>, vector<16xi32>,
        %gather3A_415 = tpu.vector_load_idx %arg12[%get3A_409] : memref<10240xf32, #tpu.memory_space<vmem>>[vector<16xi32>], vector<16xf32>,
        %gather3A_416 = tpu.vector_load_idx %arg13[%get3A_414] : memref<10240xf32, #tpu.memory_space<vmem>>[vector<16xi32>], vector<16xf32>,
        %add3A_417 = arith.addf %gather3A_415, %gather3A_416 : vector<16xf32>
        %gt3A_418 = arith.constant 0.000000e+00 : f32
        %gt3A_419 = vector.broadcast %gt3A_418 : f32 to vector<16xf32>
        %gt3A_420 = arith.cmpf ogt, %add3A_417, %gt3A_419 : vector<16xf32>
        %mul3A_421 = arith.constant 2.000000e-01 : f32
        %mul3A_422 = vector.broadcast %mul3A_421 : f32 to vector<16xf32>
        %mul3A_423 = arith.mulf %mul3A_422, %add3A_417 : vector<16xf32>
        %select_n3A_424 = arith.select %gt3A_420, %add3A_417, %mul3A_423 : vector<16xi1>, vector<16xf32>
        %exp3A_425 = math.exp %select_n3A_424 : vector<16xf32>
        %mul3A_426 = arith.constant 16 : i32
        %mul3A_427 = arith.muli %scan3A_404, %mul3A_426 : i32
        %swap3A_428 = arith.index_cast %mul3A_427 : i32 to index
        %swap3A_429 = tpu.vector_load %arg15[%swap3A_428] {strides = array<i32>} : memref<80xf32, #tpu.memory_space<vmem>>, vector<16xf32>,
        tpu.vector_store %arg15[%swap3A_428], %exp3A_425 {strides = array<i32>} : memref<80xf32, #tpu.memory_space<vmem>>, vector<16xf32>,
        %scan3A_430 = arith.constant 0 : i32
        %scan3A_431 = arith.constant 2 : i32
        %mul3A_432 = arith.constant 16 : i32
        %mul3A_433 = arith.muli %scan3A_431, %mul3A_432 : i32
        %get3A_434 = arith.index_cast %add3A_214 : i32 to index
        %get3A_435 = arith.index_cast %mul3A_433 : i32 to index
        %get3A_436 = tpu.vector_load %arg10[%get3A_434, %get3A_435] {strides = array<i32>} : memref<8x80xi32, #tpu.memory_space<vmem>>, vector<16xi32>,
        %mul3A_437 = arith.constant 16 : i32
        %mul3A_438 = arith.muli %scan3A_431, %mul3A_437 : i32
        %get3A_439 = arith.index_cast %add3A_214 : i32 to index
        %get3A_440 = arith.index_cast %mul3A_438 : i32 to index
        %get3A_441 = tpu.vector_load %arg11[%get3A_439, %get3A_440] {strides = array<i32>} : memref<8x80xi32, #tpu.memory_space<vmem>>, vector<16xi32>,
        %gather3A_442 = tpu.vector_load_idx %arg12[%get3A_436] : memref<10240xf32, #tpu.memory_space<vmem>>[vector<16xi32>], vector<16xf32>,
        %gather3A_443 = tpu.vector_load_idx %arg13[%get3A_441] : memref<10240xf32, #tpu.memory_space<vmem>>[vector<16xi32>], vector<16xf32>,
        %add3A_444 = arith.addf %gather3A_442, %gather3A_443 : vector<16xf32>
        %gt3A_445 = arith.constant 0.000000e+00 : f32
        %gt3A_446 = vector.broadcast %gt3A_445 : f32 to vector<16xf32>
        %gt3A_447 = arith.cmpf ogt, %add3A_444, %gt3A_446 : vector<16xf32>
        %mul3A_448 = arith.constant 2.000000e-01 : f32
        %mul3A_449 = vector.broadcast %mul3A_448 : f32 to vector<16xf32>
        %mul3A_450 = arith.mulf %mul3A_449, %add3A_444 : vector<16xf32>
        %select_n3A_451 = arith.select %gt3A_447, %add3A_444, %mul3A_450 : vector<16xi1>, vector<16xf32>
        %exp3A_452 = math.exp %select_n3A_451 : vector<16xf32>
        %mul3A_453 = arith.constant 16 : i32
        %mul3A_454 = arith.muli %scan3A_431, %mul3A_453 : i32
        %swap3A_455 = arith.index_cast %mul3A_454 : i32 to index
        %swap3A_456 = tpu.vector_load %arg15[%swap3A_455] {strides = array<i32>} : memref<80xf32, #tpu.memory_space<vmem>>, vector<16xf32>,
        tpu.vector_store %arg15[%swap3A_455], %exp3A_452 {strides = array<i32>} : memref<80xf32, #tpu.memory_space<vmem>>, vector<16xf32>,
        %scan3A_457 = arith.constant 0 : i32
        %scan3A_458 = arith.constant 3 : i32
        %mul3A_459 = arith.constant 16 : i32
        %mul3A_460 = arith.muli %scan3A_458, %mul3A_459 : i32
        %get3A_461 = arith.index_cast %add3A_214 : i32 to index
        %get3A_462 = arith.index_cast %mul3A_460 : i32 to index
        %get3A_463 = tpu.vector_load %arg10[%get3A_461, %get3A_462] {strides = array<i32>} : memref<8x80xi32, #tpu.memory_space<vmem>>, vector<16xi32>,
        %mul3A_464 = arith.constant 16 : i32
        %mul3A_465 = arith.muli %scan3A_458, %mul3A_464 : i32
        %get3A_466 = arith.index_cast %add3A_214 : i32 to index
        %get3A_467 = arith.index_cast %mul3A_465 : i32 to index
        %get3A_468 = tpu.vector_load %arg11[%get3A_466, %get3A_467] {strides = array<i32>} : memref<8x80xi32, #tpu.memory_space<vmem>>, vector<16xi32>,
        %gather3A_469 = tpu.vector_load_idx %arg12[%get3A_463] : memref<10240xf32, #tpu.memory_space<vmem>>[vector<16xi32>], vector<16xf32>,
        %gather3A_470 = tpu.vector_load_idx %arg13[%get3A_468] : memref<10240xf32, #tpu.memory_space<vmem>>[vector<16xi32>], vector<16xf32>,
        %add3A_471 = arith.addf %gather3A_469, %gather3A_470 : vector<16xf32>
        %gt3A_472 = arith.constant 0.000000e+00 : f32
        %gt3A_473 = vector.broadcast %gt3A_472 : f32 to vector<16xf32>
        %gt3A_474 = arith.cmpf ogt, %add3A_471, %gt3A_473 : vector<16xf32>
        %mul3A_475 = arith.constant 2.000000e-01 : f32
        %mul3A_476 = vector.broadcast %mul3A_475 : f32 to vector<16xf32>
        %mul3A_477 = arith.mulf %mul3A_476, %add3A_471 : vector<16xf32>
        %select_n3A_478 = arith.select %gt3A_474, %add3A_471, %mul3A_477 : vector<16xi1>, vector<16xf32>
        %exp3A_479 = math.exp %select_n3A_478 : vector<16xf32>
        %mul3A_480 = arith.constant 16 : i32
        %mul3A_481 = arith.muli %scan3A_458, %mul3A_480 : i32
        %swap3A_482 = arith.index_cast %mul3A_481 : i32 to index
        %swap3A_483 = tpu.vector_load %arg15[%swap3A_482] {strides = array<i32>} : memref<80xf32, #tpu.memory_space<vmem>>, vector<16xf32>,
        tpu.vector_store %arg15[%swap3A_482], %exp3A_479 {strides = array<i32>} : memref<80xf32, #tpu.memory_space<vmem>>, vector<16xf32>,
        %scan3A_484 = arith.constant 0 : i32
        %scan3A_485 = arith.constant 4 : i32
        %mul3A_486 = arith.constant 16 : i32
        %mul3A_487 = arith.muli %scan3A_485, %mul3A_486 : i32
        %get3A_488 = arith.index_cast %add3A_214 : i32 to index
        %get3A_489 = arith.index_cast %mul3A_487 : i32 to index
        %get3A_490 = tpu.vector_load %arg10[%get3A_488, %get3A_489] {strides = array<i32>} : memref<8x80xi32, #tpu.memory_space<vmem>>, vector<16xi32>,
        %mul3A_491 = arith.constant 16 : i32
        %mul3A_492 = arith.muli %scan3A_485, %mul3A_491 : i32
        %get3A_493 = arith.index_cast %add3A_214 : i32 to index
        %get3A_494 = arith.index_cast %mul3A_492 : i32 to index
        %get3A_495 = tpu.vector_load %arg11[%get3A_493, %get3A_494] {strides = array<i32>} : memref<8x80xi32, #tpu.memory_space<vmem>>, vector<16xi32>,
        %gather3A_496 = tpu.vector_load_idx %arg12[%get3A_490] : memref<10240xf32, #tpu.memory_space<vmem>>[vector<16xi32>], vector<16xf32>,
        %gather3A_497 = tpu.vector_load_idx %arg13[%get3A_495] : memref<10240xf32, #tpu.memory_space<vmem>>[vector<16xi32>], vector<16xf32>,
        %add3A_498 = arith.addf %gather3A_496, %gather3A_497 : vector<16xf32>
        %gt3A_499 = arith.constant 0.000000e+00 : f32
        %gt3A_500 = vector.broadcast %gt3A_499 : f32 to vector<16xf32>
        %gt3A_501 = arith.cmpf ogt, %add3A_498, %gt3A_500 : vector<16xf32>
        %mul3A_502 = arith.constant 2.000000e-01 : f32
        %mul3A_503 = vector.broadcast %mul3A_502 : f32 to vector<16xf32>
        %mul3A_504 = arith.mulf %mul3A_503, %add3A_498 : vector<16xf32>
        %select_n3A_505 = arith.select %gt3A_501, %add3A_498, %mul3A_504 : vector<16xi1>, vector<16xf32>
        %exp3A_506 = math.exp %select_n3A_505 : vector<16xf32>
        %mul3A_507 = arith.constant 16 : i32
        %mul3A_508 = arith.muli %scan3A_485, %mul3A_507 : i32
        %swap3A_509 = arith.index_cast %mul3A_508 : i32 to index
        %swap3A_510 = tpu.vector_load %arg15[%swap3A_509] {strides = array<i32>} : memref<80xf32, #tpu.memory_space<vmem>>, vector<16xf32>,
        tpu.vector_store %arg15[%swap3A_509], %exp3A_506 {strides = array<i32>} : memref<80xf32, #tpu.memory_space<vmem>>, vector<16xf32>,
        %scan3A_511 = arith.constant 0 : i32
        %scan3A_512 = arith.constant 5 : i32
        "tpu.region"() ({
          %run_scoped3A = tpu.sem_alloc : memref<!tpu.dma_semaphore, #tpu.memory_space<semaphore_mem>>
          %dma_start3A_537 = arith.constant 0 : i32
          %dma_start3A_538 = tpu.memref_slice %arg11[%add3A_214, %dma_start3A_537] : memref<8x80xi32, #tpu.memory_space<vmem>> -> memref<1x80xi32, #tpu.memory_space<vmem>>
          %dma_start3A_539 = tpu.memref_squeeze %dma_start3A_538 : memref<1x80xi32, #tpu.memory_space<vmem>> -> memref<80xi32, #tpu.memory_space<vmem>>
          %dma_start3A_540 = arith.constant 0 : i32
          %dma_start3A_541 = tpu.memref_slice %arg20[%dma_start3A_540] : memref<10240xf32, #tpu.memory_space<vmem_shared>> -> memref<10240xf32, #tpu.memory_space<vmem_shared>>
          tpu.enqueue_indirect_dma source(%arg15 : memref<80xf32, #tpu.memory_space<vmem>>) target(%dma_start3A_541 : memref<10240xf32, #tpu.memory_space<vmem_shared>>) offsets(%dma_start3A_539 : memref<80xi32, #tpu.memory_space<vmem>>) semaphore(%run_scoped3A : memref<!tpu.dma_semaphore, #tpu.memory_space<semaphore_mem>>) {add = true}
          %dma_wait3A_542 = arith.constant 0 : i32
          %dma_wait3A_543 = tpu.memref_slice %arg11[%add3A_214, %dma_wait3A_542] : memref<8x80xi32, #tpu.memory_space<vmem>> -> memref<1x80xi32, #tpu.memory_space<vmem>>
          %dma_wait3A_544 = tpu.memref_squeeze %dma_wait3A_543 : memref<1x80xi32, #tpu.memory_space<vmem>> -> memref<80xi32, #tpu.memory_space<vmem>>
          %dma_wait3A_545 = arith.constant 0 : i32
          %dma_wait3A_546 = tpu.memref_slice %arg20[%dma_wait3A_545] : memref<10240xf32, #tpu.memory_space<vmem_shared>> -> memref<10240xf32, #tpu.memory_space<vmem_shared>>
          tpu.wait_indirect_dma semaphore(%run_scoped3A : memref<!tpu.dma_semaphore, #tpu.memory_space<semaphore_mem>>) src(%arg15 : memref<80xf32, #tpu.memory_space<vmem>>) dst(%dma_wait3A_546 : memref<10240xf32, #tpu.memory_space<vmem_shared>>)
          tpu.yield
        }) : () -> ()
        "tpu.region"() ({
          %run_scoped3A = tpu.sem_alloc : memref<!tpu.dma_semaphore, #tpu.memory_space<semaphore_mem>>
          %dma_start3A_537 = arith.constant 0 : i32
          %dma_start3A_538 = tpu.memref_slice %arg11[%add3A_214, %dma_start3A_537] : memref<8x80xi32, #tpu.memory_space<vmem>> -> memref<1x80xi32, #tpu.memory_space<vmem>>
          %dma_start3A_539 = tpu.memref_squeeze %dma_start3A_538 : memref<1x80xi32, #tpu.memory_space<vmem>> -> memref<80xi32, #tpu.memory_space<vmem>>
          %dma_start3A_540 = arith.constant 0 : i32
          %dma_start3A_541 = tpu.memref_slice %arg21[%dma_start3A_540] : memref<10240xf32, #tpu.memory_space<vmem_shared>> -> memref<10240xf32, #tpu.memory_space<vmem_shared>>
          tpu.enqueue_indirect_dma source(%arg16 : memref<80xf32, #tpu.memory_space<vmem>>) target(%dma_start3A_541 : memref<10240xf32, #tpu.memory_space<vmem_shared>>) offsets(%dma_start3A_539 : memref<80xi32, #tpu.memory_space<vmem>>) semaphore(%run_scoped3A : memref<!tpu.dma_semaphore, #tpu.memory_space<semaphore_mem>>) {add = true}
          %dma_wait3A_542 = arith.constant 0 : i32
          %dma_wait3A_543 = tpu.memref_slice %arg11[%add3A_214, %dma_wait3A_542] : memref<8x80xi32, #tpu.memory_space<vmem>> -> memref<1x80xi32, #tpu.memory_space<vmem>>
          %dma_wait3A_544 = tpu.memref_squeeze %dma_wait3A_543 : memref<1x80xi32, #tpu.memory_space<vmem>> -> memref<80xi32, #tpu.memory_space<vmem>>
          %dma_wait3A_545 = arith.constant 0 : i32
          %dma_wait3A_546 = tpu.memref_slice %arg21[%dma_wait3A_545] : memref<10240xf32, #tpu.memory_space<vmem_shared>> -> memref<10240xf32, #tpu.memory_space<vmem_shared>>
          tpu.wait_indirect_dma semaphore(%run_scoped3A : memref<!tpu.dma_semaphore, #tpu.memory_space<semaphore_mem>>) src(%arg16 : memref<80xf32, #tpu.memory_space<vmem>>) dst(%dma_wait3A_546 : memref<10240xf32, #tpu.memory_space<vmem_shared>>)
          tpu.yield
        }) : () -> ()
        %lt3A = arith.constant 3 : i32
        %lt3A_513 = arith.cmpi slt, %scan3A_207, %lt3A : i32
        %convert_element_type3A_514 = arith.extui %lt3A_513 : i1 to i32
        %cond3A_515 = arith.constant 0 : i32
        %cond3A_516 = arith.cmpi ne, %convert_element_type3A_514, %cond3A_515 : i32
        scf.if %cond3A_516 {
          %dma_wait3A_537 = arith.constant 0 : i32
          %dma_wait3A_538 = tpu.memref_slice %arg11[%mul3A_210, %dma_wait3A_537] : memref<8x80xi32, #tpu.memory_space<vmem>> -> memref<1x80xi32, #tpu.memory_space<vmem>>
          %dma_wait3A_539 = tpu.memref_squeeze %dma_wait3A_538 : memref<1x80xi32, #tpu.memory_space<vmem>> -> memref<80xi32, #tpu.memory_space<vmem>>
          %dma_wait3A_540 = arith.constant 0 : i32
          %dma_wait3A_541 = arith.constant 0 : i32
          %dma_wait3A_542 = tpu.memref_slice %arg19[%dma_wait3A_540, %dma_wait3A_541] : memref<10240x128xf32, #tpu.memory_space<vmem_shared>> -> memref<10240x128xf32, #tpu.memory_space<vmem_shared>>
          tpu.wait_indirect_dma semaphore(%arg24 : memref<!tpu.dma_semaphore, #tpu.memory_space<semaphore_mem>>) src(%arg17 : memref<80x128xf32, #tpu.memory_space<vmem>>) dst(%dma_wait3A_542 : memref<10240x128xf32, #tpu.memory_space<vmem_shared>>)
          %add3A_543 = arith.constant 2 : i32
          %add3A_544 = arith.addi %mul3A_210, %add3A_543 : i32
          %dma_start3A_545 = arith.constant 0 : i32
          %dma_start3A_546 = tpu.memref_slice %arg10[%add3A_544, %dma_start3A_545] : memref<8x80xi32, #tpu.memory_space<vmem>> -> memref<1x80xi32, #tpu.memory_space<vmem>>
          %dma_start3A_547 = tpu.memref_squeeze %dma_start3A_546 : memref<1x80xi32, #tpu.memory_space<vmem>> -> memref<80xi32, #tpu.memory_space<vmem>>
          %dma_start3A_548 = arith.constant 0 : i32
          %dma_start3A_549 = arith.constant 0 : i32
          %dma_start3A_550 = tpu.memref_slice %arg6[%dma_start3A_548, %dma_start3A_549] : memref<10240x128xf32, #tpu.memory_space<hbm>> -> memref<10240x128xf32, #tpu.memory_space<hbm>>
          tpu.enqueue_indirect_dma source(%dma_start3A_550 : memref<10240x128xf32, #tpu.memory_space<hbm>>) target(%arg17 : memref<80x128xf32, #tpu.memory_space<vmem>>) offsets(%dma_start3A_547 : memref<80xi32, #tpu.memory_space<vmem>>) semaphore(%arg22 : memref<!tpu.dma_semaphore, #tpu.memory_space<semaphore_mem>>)
        } else {
        }
        %dma_wait3A_517 = arith.constant 0 : i32
        %dma_wait3A_518 = tpu.memref_slice %arg10[%add3A_214, %dma_wait3A_517] : memref<8x80xi32, #tpu.memory_space<vmem>> -> memref<1x80xi32, #tpu.memory_space<vmem>>
        %dma_wait3A_519 = tpu.memref_squeeze %dma_wait3A_518 : memref<1x80xi32, #tpu.memory_space<vmem>> -> memref<80xi32, #tpu.memory_space<vmem>>
        %dma_wait3A_520 = arith.constant 0 : i32
        %dma_wait3A_521 = arith.constant 0 : i32
        %dma_wait3A_522 = tpu.memref_slice %arg6[%dma_wait3A_520, %dma_wait3A_521] : memref<10240x128xf32, #tpu.memory_space<hbm>> -> memref<10240x128xf32, #tpu.memory_space<hbm>>
        tpu.wait_indirect_dma semaphore(%arg23 : memref<!tpu.dma_semaphore, #tpu.memory_space<semaphore_mem>>) src(%dma_wait3A_522 : memref<10240x128xf32, #tpu.memory_space<hbm>>) dst(%arg18 : memref<80x128xf32, #tpu.memory_space<vmem>>)
        %scan3A_523 = arith.constant 0 : i32
        %scan3A_524 = arith.constant 0 : i32
        %scan3A_525 = arith.constant 80 : i32
        %scan3A_526 = arith.addi %scan3A_524, %scan3A_525 : i32
        %scan3A_527 = arith.constant 2 : i32
        %scan3A_528 = scf.for %scan3A_537 = %scan3A_524 to %scan3A_526 step %scan3A_527 iter_args(%scan3A_538 = %scan3A_523) -> (i32)  : i32 {
          %broadcast_in_dim3A_539 = vector.broadcast %scan3A_537 : i32 to vector<16xi32>
          %gather3A_540 = tpu.vector_load_idx %arg15[%broadcast_in_dim3A_539] : memref<80xf32, #tpu.memory_space<vmem>>[vector<16xi32>], vector<16xf32>,
          %get3A_541 = arith.index_cast %scan3A_537 : i32 to index
          %get3A_542 = arith.constant 0 : index
          %get3A_543 = tpu.vector_load %arg18[%get3A_541, %get3A_542] {strides = array<i32>} : memref<80x128xf32, #tpu.memory_space<vmem>>, vector<16xf32>,
          %mul3A_544 = arith.mulf %get3A_543, %gather3A_540 : vector<16xf32>
          %swap3A_545 = arith.index_cast %scan3A_537 : i32 to index
          %swap3A_546 = arith.constant 0 : index
          %swap3A_547 = tpu.vector_load %arg18[%swap3A_545, %swap3A_546] {strides = array<i32>} : memref<80x128xf32, #tpu.memory_space<vmem>>, vector<16xf32>,
          tpu.vector_store %arg18[%swap3A_545, %swap3A_546], %mul3A_544 {strides = array<i32>} : memref<80x128xf32, #tpu.memory_space<vmem>>, vector<16xf32>,
          %get3A_548 = arith.index_cast %scan3A_537 : i32 to index
          %get3A_549 = arith.constant 16 : index
          %get3A_550 = tpu.vector_load %arg18[%get3A_548, %get3A_549] {strides = array<i32>} : memref<80x128xf32, #tpu.memory_space<vmem>>, vector<16xf32>,
          %mul3A_551 = arith.mulf %get3A_550, %gather3A_540 : vector<16xf32>
          %swap3A_552 = arith.index_cast %scan3A_537 : i32 to index
          %swap3A_553 = arith.constant 16 : index
          %swap3A_554 = tpu.vector_load %arg18[%swap3A_552, %swap3A_553] {strides = array<i32>} : memref<80x128xf32, #tpu.memory_space<vmem>>, vector<16xf32>,
          tpu.vector_store %arg18[%swap3A_552, %swap3A_553], %mul3A_551 {strides = array<i32>} : memref<80x128xf32, #tpu.memory_space<vmem>>, vector<16xf32>,
          %get3A_555 = arith.index_cast %scan3A_537 : i32 to index
          %get3A_556 = arith.constant 32 : index
          %get3A_557 = tpu.vector_load %arg18[%get3A_555, %get3A_556] {strides = array<i32>} : memref<80x128xf32, #tpu.memory_space<vmem>>, vector<16xf32>,
          %mul3A_558 = arith.mulf %get3A_557, %gather3A_540 : vector<16xf32>
          %swap3A_559 = arith.index_cast %scan3A_537 : i32 to index
          %swap3A_560 = arith.constant 32 : index
          %swap3A_561 = tpu.vector_load %arg18[%swap3A_559, %swap3A_560] {strides = array<i32>} : memref<80x128xf32, #tpu.memory_space<vmem>>, vector<16xf32>,
          tpu.vector_store %arg18[%swap3A_559, %swap3A_560], %mul3A_558 {strides = array<i32>} : memref<80x128xf32, #tpu.memory_space<vmem>>, vector<16xf32>,
          %get3A_562 = arith.index_cast %scan3A_537 : i32 to index
          %get3A_563 = arith.constant 48 : index
          %get3A_564 = tpu.vector_load %arg18[%get3A_562, %get3A_563] {strides = array<i32>} : memref<80x128xf32, #tpu.memory_space<vmem>>, vector<16xf32>,
          %mul3A_565 = arith.mulf %get3A_564, %gather3A_540 : vector<16xf32>
          %swap3A_566 = arith.index_cast %scan3A_537 : i32 to index
          %swap3A_567 = arith.constant 48 : index
          %swap3A_568 = tpu.vector_load %arg18[%swap3A_566, %swap3A_567] {strides = array<i32>} : memref<80x128xf32, #tpu.memory_space<vmem>>, vector<16xf32>,
          tpu.vector_store %arg18[%swap3A_566, %swap3A_567], %mul3A_565 {strides = array<i32>} : memref<80x128xf32, #tpu.memory_space<vmem>>, vector<16xf32>,
          %get3A_569 = arith.index_cast %scan3A_537 : i32 to index
          %get3A_570 = arith.constant 64 : index
          %get3A_571 = tpu.vector_load %arg18[%get3A_569, %get3A_570] {strides = array<i32>} : memref<80x128xf32, #tpu.memory_space<vmem>>, vector<16xf32>,
          %mul3A_572 = arith.mulf %get3A_571, %gather3A_540 : vector<16xf32>
          %swap3A_573 = arith.index_cast %scan3A_537 : i32 to index
          %swap3A_574 = arith.constant 64 : index
          %swap3A_575 = tpu.vector_load %arg18[%swap3A_573, %swap3A_574] {strides = array<i32>} : memref<80x128xf32, #tpu.memory_space<vmem>>, vector<16xf32>,
          tpu.vector_store %arg18[%swap3A_573, %swap3A_574], %mul3A_572 {strides = array<i32>} : memref<80x128xf32, #tpu.memory_space<vmem>>, vector<16xf32>,
          %get3A_576 = arith.index_cast %scan3A_537 : i32 to index
          %get3A_577 = arith.constant 80 : index
          %get3A_578 = tpu.vector_load %arg18[%get3A_576, %get3A_577] {strides = array<i32>} : memref<80x128xf32, #tpu.memory_space<vmem>>, vector<16xf32>,
          %mul3A_579 = arith.mulf %get3A_578, %gather3A_540 : vector<16xf32>
          %swap3A_580 = arith.index_cast %scan3A_537 : i32 to index
          %swap3A_581 = arith.constant 80 : index
          %swap3A_582 = tpu.vector_load %arg18[%swap3A_580, %swap3A_581] {strides = array<i32>} : memref<80x128xf32, #tpu.memory_space<vmem>>, vector<16xf32>,
          tpu.vector_store %arg18[%swap3A_580, %swap3A_581], %mul3A_579 {strides = array<i32>} : memref<80x128xf32, #tpu.memory_space<vmem>>, vector<16xf32>,
          %get3A_583 = arith.index_cast %scan3A_537 : i32 to index
          %get3A_584 = arith.constant 96 : index
          %get3A_585 = tpu.vector_load %arg18[%get3A_583, %get3A_584] {strides = array<i32>} : memref<80x128xf32, #tpu.memory_space<vmem>>, vector<16xf32>,
          %mul3A_586 = arith.mulf %get3A_585, %gather3A_540 : vector<16xf32>
          %swap3A_587 = arith.index_cast %scan3A_537 : i32 to index
          %swap3A_588 = arith.constant 96 : index
          %swap3A_589 = tpu.vector_load %arg18[%swap3A_587, %swap3A_588] {strides = array<i32>} : memref<80x128xf32, #tpu.memory_space<vmem>>, vector<16xf32>,
          tpu.vector_store %arg18[%swap3A_587, %swap3A_588], %mul3A_586 {strides = array<i32>} : memref<80x128xf32, #tpu.memory_space<vmem>>, vector<16xf32>,
          %get3A_590 = arith.index_cast %scan3A_537 : i32 to index
          %get3A_591 = arith.constant 112 : index
          %get3A_592 = tpu.vector_load %arg18[%get3A_590, %get3A_591] {strides = array<i32>} : memref<80x128xf32, #tpu.memory_space<vmem>>, vector<16xf32>,
          %mul3A_593 = arith.mulf %get3A_592, %gather3A_540 : vector<16xf32>
          %swap3A_594 = arith.index_cast %scan3A_537 : i32 to index
          %swap3A_595 = arith.constant 112 : index
          %swap3A_596 = tpu.vector_load %arg18[%swap3A_594, %swap3A_595] {strides = array<i32>} : memref<80x128xf32, #tpu.memory_space<vmem>>, vector<16xf32>,
          tpu.vector_store %arg18[%swap3A_594, %swap3A_595], %mul3A_593 {strides = array<i32>} : memref<80x128xf32, #tpu.memory_space<vmem>>, vector<16xf32>,
          %scan3A_597 = arith.constant 0 : i32
          %scan3A_598 = arith.constant 1 : i32
          %scan3A_599 = arith.addi %scan3A_537, %scan3A_598 : i32
          %broadcast_in_dim3A_600 = vector.broadcast %scan3A_599 : i32 to vector<16xi32>
          %gather3A_601 = tpu.vector_load_idx %arg15[%broadcast_in_dim3A_600] : memref<80xf32, #tpu.memory_space<vmem>>[vector<16xi32>], vector<16xf32>,
          %get3A_602 = arith.index_cast %scan3A_599 : i32 to index
          %get3A_603 = arith.constant 0 : index
          %get3A_604 = tpu.vector_load %arg18[%get3A_602, %get3A_603] {strides = array<i32>} : memref<80x128xf32, #tpu.memory_space<vmem>>, vector<16xf32>,
          %mul3A_605 = arith.mulf %get3A_604, %gather3A_601 : vector<16xf32>
          %swap3A_606 = arith.index_cast %scan3A_599 : i32 to index
          %swap3A_607 = arith.constant 0 : index
          %swap3A_608 = tpu.vector_load %arg18[%swap3A_606, %swap3A_607] {strides = array<i32>} : memref<80x128xf32, #tpu.memory_space<vmem>>, vector<16xf32>,
          tpu.vector_store %arg18[%swap3A_606, %swap3A_607], %mul3A_605 {strides = array<i32>} : memref<80x128xf32, #tpu.memory_space<vmem>>, vector<16xf32>,
          %get3A_609 = arith.index_cast %scan3A_599 : i32 to index
          %get3A_610 = arith.constant 16 : index
          %get3A_611 = tpu.vector_load %arg18[%get3A_609, %get3A_610] {strides = array<i32>} : memref<80x128xf32, #tpu.memory_space<vmem>>, vector<16xf32>,
          %mul3A_612 = arith.mulf %get3A_611, %gather3A_601 : vector<16xf32>
          %swap3A_613 = arith.index_cast %scan3A_599 : i32 to index
          %swap3A_614 = arith.constant 16 : index
          %swap3A_615 = tpu.vector_load %arg18[%swap3A_613, %swap3A_614] {strides = array<i32>} : memref<80x128xf32, #tpu.memory_space<vmem>>, vector<16xf32>,
          tpu.vector_store %arg18[%swap3A_613, %swap3A_614], %mul3A_612 {strides = array<i32>} : memref<80x128xf32, #tpu.memory_space<vmem>>, vector<16xf32>,
          %get3A_616 = arith.index_cast %scan3A_599 : i32 to index
          %get3A_617 = arith.constant 32 : index
          %get3A_618 = tpu.vector_load %arg18[%get3A_616, %get3A_617] {strides = array<i32>} : memref<80x128xf32, #tpu.memory_space<vmem>>, vector<16xf32>,
          %mul3A_619 = arith.mulf %get3A_618, %gather3A_601 : vector<16xf32>
          %swap3A_620 = arith.index_cast %scan3A_599 : i32 to index
          %swap3A_621 = arith.constant 32 : index
          %swap3A_622 = tpu.vector_load %arg18[%swap3A_620, %swap3A_621] {strides = array<i32>} : memref<80x128xf32, #tpu.memory_space<vmem>>, vector<16xf32>,
          tpu.vector_store %arg18[%swap3A_620, %swap3A_621], %mul3A_619 {strides = array<i32>} : memref<80x128xf32, #tpu.memory_space<vmem>>, vector<16xf32>,
          %get3A_623 = arith.index_cast %scan3A_599 : i32 to index
          %get3A_624 = arith.constant 48 : index
          %get3A_625 = tpu.vector_load %arg18[%get3A_623, %get3A_624] {strides = array<i32>} : memref<80x128xf32, #tpu.memory_space<vmem>>, vector<16xf32>,
          %mul3A_626 = arith.mulf %get3A_625, %gather3A_601 : vector<16xf32>
          %swap3A_627 = arith.index_cast %scan3A_599 : i32 to index
          %swap3A_628 = arith.constant 48 : index
          %swap3A_629 = tpu.vector_load %arg18[%swap3A_627, %swap3A_628] {strides = array<i32>} : memref<80x128xf32, #tpu.memory_space<vmem>>, vector<16xf32>,
          tpu.vector_store %arg18[%swap3A_627, %swap3A_628], %mul3A_626 {strides = array<i32>} : memref<80x128xf32, #tpu.memory_space<vmem>>, vector<16xf32>,
          %get3A_630 = arith.index_cast %scan3A_599 : i32 to index
          %get3A_631 = arith.constant 64 : index
          %get3A_632 = tpu.vector_load %arg18[%get3A_630, %get3A_631] {strides = array<i32>} : memref<80x128xf32, #tpu.memory_space<vmem>>, vector<16xf32>,
          %mul3A_633 = arith.mulf %get3A_632, %gather3A_601 : vector<16xf32>
          %swap3A_634 = arith.index_cast %scan3A_599 : i32 to index
          %swap3A_635 = arith.constant 64 : index
          %swap3A_636 = tpu.vector_load %arg18[%swap3A_634, %swap3A_635] {strides = array<i32>} : memref<80x128xf32, #tpu.memory_space<vmem>>, vector<16xf32>,
          tpu.vector_store %arg18[%swap3A_634, %swap3A_635], %mul3A_633 {strides = array<i32>} : memref<80x128xf32, #tpu.memory_space<vmem>>, vector<16xf32>,
          %get3A_637 = arith.index_cast %scan3A_599 : i32 to index
          %get3A_638 = arith.constant 80 : index
          %get3A_639 = tpu.vector_load %arg18[%get3A_637, %get3A_638] {strides = array<i32>} : memref<80x128xf32, #tpu.memory_space<vmem>>, vector<16xf32>,
          %mul3A_640 = arith.mulf %get3A_639, %gather3A_601 : vector<16xf32>
          %swap3A_641 = arith.index_cast %scan3A_599 : i32 to index
          %swap3A_642 = arith.constant 80 : index
          %swap3A_643 = tpu.vector_load %arg18[%swap3A_641, %swap3A_642] {strides = array<i32>} : memref<80x128xf32, #tpu.memory_space<vmem>>, vector<16xf32>,
          tpu.vector_store %arg18[%swap3A_641, %swap3A_642], %mul3A_640 {strides = array<i32>} : memref<80x128xf32, #tpu.memory_space<vmem>>, vector<16xf32>,
          %get3A_644 = arith.index_cast %scan3A_599 : i32 to index
          %get3A_645 = arith.constant 96 : index
          %get3A_646 = tpu.vector_load %arg18[%get3A_644, %get3A_645] {strides = array<i32>} : memref<80x128xf32, #tpu.memory_space<vmem>>, vector<16xf32>,
          %mul3A_647 = arith.mulf %get3A_646, %gather3A_601 : vector<16xf32>
          %swap3A_648 = arith.index_cast %scan3A_599 : i32 to index
          %swap3A_649 = arith.constant 96 : index
          %swap3A_650 = tpu.vector_load %arg18[%swap3A_648, %swap3A_649] {strides = array<i32>} : memref<80x128xf32, #tpu.memory_space<vmem>>, vector<16xf32>,
          tpu.vector_store %arg18[%swap3A_648, %swap3A_649], %mul3A_647 {strides = array<i32>} : memref<80x128xf32, #tpu.memory_space<vmem>>, vector<16xf32>,
          %get3A_651 = arith.index_cast %scan3A_599 : i32 to index
          %get3A_652 = arith.constant 112 : index
          %get3A_653 = tpu.vector_load %arg18[%get3A_651, %get3A_652] {strides = array<i32>} : memref<80x128xf32, #tpu.memory_space<vmem>>, vector<16xf32>,
          %mul3A_654 = arith.mulf %get3A_653, %gather3A_601 : vector<16xf32>
          %swap3A_655 = arith.index_cast %scan3A_599 : i32 to index
          %swap3A_656 = arith.constant 112 : index
          %swap3A_657 = tpu.vector_load %arg18[%swap3A_655, %swap3A_656] {strides = array<i32>} : memref<80x128xf32, #tpu.memory_space<vmem>>, vector<16xf32>,
          tpu.vector_store %arg18[%swap3A_655, %swap3A_656], %mul3A_654 {strides = array<i32>} : memref<80x128xf32, #tpu.memory_space<vmem>>, vector<16xf32>,
          %scan3A_658 = arith.constant 0 : i32
          scf.yield %scan3A_658 : i32
        }
        %scan3A_529 = arith.constant 80 : i32
        %dma_start3A_530 = arith.constant 0 : i32
        %dma_start3A_531 = tpu.memref_slice %arg11[%add3A_214, %dma_start3A_530] : memref<8x80xi32, #tpu.memory_space<vmem>> -> memref<1x80xi32, #tpu.memory_space<vmem>>
        %dma_start3A_532 = tpu.memref_squeeze %dma_start3A_531 : memref<1x80xi32, #tpu.memory_space<vmem>> -> memref<80xi32, #tpu.memory_space<vmem>>
        %dma_start3A_533 = arith.constant 0 : i32
        %dma_start3A_534 = arith.constant 0 : i32
        %dma_start3A_535 = tpu.memref_slice %arg19[%dma_start3A_533, %dma_start3A_534] : memref<10240x128xf32, #tpu.memory_space<vmem_shared>> -> memref<10240x128xf32, #tpu.memory_space<vmem_shared>>
        tpu.enqueue_indirect_dma source(%arg18 : memref<80x128xf32, #tpu.memory_space<vmem>>) target(%dma_start3A_535 : memref<10240x128xf32, #tpu.memory_space<vmem_shared>>) offsets(%dma_start3A_532 : memref<80xi32, #tpu.memory_space<vmem>>) semaphore(%arg25 : memref<!tpu.dma_semaphore, #tpu.memory_space<semaphore_mem>>) {add = true}
        %scan3A_536 = arith.constant 0 : i32
        scf.yield %scan3A_536 : i32
      }
      %scan3A_192 = arith.constant 4 : i32
      %dma_wait3A = arith.constant 0 : i32
      %dma_wait3A_193 = arith.constant 0 : i32
      %dma_wait3A_194 = tpu.memref_slice %arg11[%dma_wait3A, %dma_wait3A_193] : memref<8x80xi32, #tpu.memory_space<vmem>> -> memref<1x80xi32, #tpu.memory_space<vmem>>
      %dma_wait3A_195 = tpu.memref_squeeze %dma_wait3A_194 : memref<1x80xi32, #tpu.memory_space<vmem>> -> memref<80xi32, #tpu.memory_space<vmem>>
      %dma_wait3A_196 = arith.constant 0 : i32
      %dma_wait3A_197 = arith.constant 0 : i32
      %dma_wait3A_198 = tpu.memref_slice %arg19[%dma_wait3A_196, %dma_wait3A_197] : memref<10240x128xf32, #tpu.memory_space<vmem_shared>> -> memref<10240x128xf32, #tpu.memory_space<vmem_shared>>
      tpu.wait_indirect_dma semaphore(%arg24 : memref<!tpu.dma_semaphore, #tpu.memory_space<semaphore_mem>>) src(%arg17 : memref<80x128xf32, #tpu.memory_space<vmem>>) dst(%dma_wait3A_198 : memref<10240x128xf32, #tpu.memory_space<vmem_shared>>)
      %dma_wait3A_199 = arith.constant 0 : i32
      %dma_wait3A_200 = arith.constant 0 : i32
      %dma_wait3A_201 = tpu.memref_slice %arg11[%dma_wait3A_199, %dma_wait3A_200] : memref<8x80xi32, #tpu.memory_space<vmem>> -> memref<1x80xi32, #tpu.memory_space<vmem>>
      %dma_wait3A_202 = tpu.memref_squeeze %dma_wait3A_201 : memref<1x80xi32, #tpu.memory_space<vmem>> -> memref<80xi32, #tpu.memory_space<vmem>>
      %dma_wait3A_203 = arith.constant 0 : i32
      %dma_wait3A_204 = arith.constant 0 : i32
      %dma_wait3A_205 = tpu.memref_slice %arg19[%dma_wait3A_203, %dma_wait3A_204] : memref<10240x128xf32, #tpu.memory_space<vmem_shared>> -> memref<10240x128xf32, #tpu.memory_space<vmem_shared>>
      tpu.wait_indirect_dma semaphore(%arg25 : memref<!tpu.dma_semaphore, #tpu.memory_space<semaphore_mem>>) src(%arg18 : memref<80x128xf32, #tpu.memory_space<vmem>>) dst(%dma_wait3A_205 : memref<10240x128xf32, #tpu.memory_space<vmem_shared>>)
      %while3A_206 = arith.constant 0 : i32
      scf.yield %while3A_206 : i32
    }
    %barrier3A_163 = arith.constant 0 : index
    tpu.barrier barrier_id(%barrier3A_163)
    %mul3A_164 = arith.constant 10240 : i32
    %mul3A_165 = arith.muli %arg0, %mul3A_164 : i32
    %mul3A_166 = arith.constant 640 : i32
    %mul3A_167 = arith.muli %arg1, %mul3A_166 : i32
    %add3A_168 = arith.addi %mul3A_165, %mul3A_167 : i32
    %mul3A_169 = arith.constant 640 : i32
    %mul3A_170 = arith.muli %arg1, %mul3A_169 : i32
    "tpu.region"() ({
      %run_scoped3A = tpu.sem_alloc : memref<!tpu.dma_semaphore, #tpu.memory_space<semaphore_mem>>
      %dma_start3A = arith.constant 0 : i32
      %dma_start3A_175 = tpu.memref_slice %arg7[%add3A_168, %dma_start3A] : memref<20480x128xf32, #tpu.memory_space<hbm>> -> memref<640x128xf32, #tpu.memory_space<hbm>>
      %dma_start3A_176 = arith.constant 0 : i32
      %dma_start3A_177 = tpu.memref_slice %arg19[%mul3A_170, %dma_start3A_176] : memref<10240x128xf32, #tpu.memory_space<vmem_shared>> -> memref<640x128xf32, #tpu.memory_space<vmem_shared>>
      tpu.enqueue_dma source(%dma_start3A_177 : memref<640x128xf32, #tpu.memory_space<vmem_shared>>) target(%dma_start3A_175 : memref<640x128xf32, #tpu.memory_space<hbm>>) target_semaphore(%run_scoped3A : memref<!tpu.dma_semaphore, #tpu.memory_space<semaphore_mem>>)
      %dma_wait3A = arith.constant 0 : i32
      %dma_wait3A_178 = tpu.memref_slice %arg7[%add3A_168, %dma_wait3A] : memref<20480x128xf32, #tpu.memory_space<hbm>> -> memref<640x128xf32, #tpu.memory_space<hbm>>
      %dma_wait3A_179 = arith.constant 0 : i32
      %dma_wait3A_180 = tpu.memref_slice %arg19[%mul3A_170, %dma_wait3A_179] : memref<10240x128xf32, #tpu.memory_space<vmem_shared>> -> memref<640x128xf32, #tpu.memory_space<vmem_shared>>
      tpu.wait_dma2 semaphore(%run_scoped3A : memref<!tpu.dma_semaphore, #tpu.memory_space<semaphore_mem>>) src(%dma_wait3A_180 : memref<640x128xf32, #tpu.memory_space<vmem_shared>>) dst(%dma_wait3A_178 : memref<640x128xf32, #tpu.memory_space<hbm>>)
      tpu.yield
    }) : () -> ()
    %mul3A_171 = arith.constant 640 : i32
    %mul3A_172 = arith.muli %arg1, %mul3A_171 : i32
    "tpu.region"() ({
      %run_scoped3A = tpu.sem_alloc : memref<!tpu.dma_semaphore, #tpu.memory_space<semaphore_mem>>
      %dma_start3A = tpu.memref_slice %arg8[%add3A_168] : memref<20480xf32, #tpu.memory_space<hbm>> -> memref<640xf32, #tpu.memory_space<hbm>>
      %dma_start3A_175 = tpu.memref_slice %arg20[%mul3A_172] : memref<10240xf32, #tpu.memory_space<vmem_shared>> -> memref<640xf32, #tpu.memory_space<vmem_shared>>
      tpu.enqueue_dma source(%dma_start3A_175 : memref<640xf32, #tpu.memory_space<vmem_shared>>) target(%dma_start3A : memref<640xf32, #tpu.memory_space<hbm>>) target_semaphore(%run_scoped3A : memref<!tpu.dma_semaphore, #tpu.memory_space<semaphore_mem>>)
      %dma_wait3A = tpu.memref_slice %arg8[%add3A_168] : memref<20480xf32, #tpu.memory_space<hbm>> -> memref<640xf32, #tpu.memory_space<hbm>>
      %dma_wait3A_176 = tpu.memref_slice %arg20[%mul3A_172] : memref<10240xf32, #tpu.memory_space<vmem_shared>> -> memref<640xf32, #tpu.memory_space<vmem_shared>>
      tpu.wait_dma2 semaphore(%run_scoped3A : memref<!tpu.dma_semaphore, #tpu.memory_space<semaphore_mem>>) src(%dma_wait3A_176 : memref<640xf32, #tpu.memory_space<vmem_shared>>) dst(%dma_wait3A : memref<640xf32, #tpu.memory_space<hbm>>)
      tpu.yield
    }) : () -> ()
    %mul3A_173 = arith.constant 640 : i32
    %mul3A_174 = arith.muli %arg1, %mul3A_173 : i32
    "tpu.region"() ({
      %run_scoped3A = tpu.sem_alloc : memref<!tpu.dma_semaphore, #tpu.memory_space<semaphore_mem>>
      %dma_start3A = tpu.memref_slice %arg9[%add3A_168] : memref<20480xf32, #tpu.memory_space<hbm>> -> memref<640xf32, #tpu.memory_space<hbm>>
      %dma_start3A_175 = tpu.memref_slice %arg21[%mul3A_174] : memref<10240xf32, #tpu.memory_space<vmem_shared>> -> memref<640xf32, #tpu.memory_space<vmem_shared>>
      tpu.enqueue_dma source(%dma_start3A_175 : memref<640xf32, #tpu.memory_space<vmem_shared>>) target(%dma_start3A : memref<640xf32, #tpu.memory_space<hbm>>) target_semaphore(%run_scoped3A : memref<!tpu.dma_semaphore, #tpu.memory_space<semaphore_mem>>)
      %dma_wait3A = tpu.memref_slice %arg9[%add3A_168] : memref<20480xf32, #tpu.memory_space<hbm>> -> memref<640xf32, #tpu.memory_space<hbm>>
      %dma_wait3A_176 = tpu.memref_slice %arg21[%mul3A_174] : memref<10240xf32, #tpu.memory_space<vmem_shared>> -> memref<640xf32, #tpu.memory_space<vmem_shared>>
      tpu.wait_dma2 semaphore(%run_scoped3A : memref<!tpu.dma_semaphore, #tpu.memory_space<semaphore_mem>>) src(%dma_wait3A_176 : memref<640xf32, #tpu.memory_space<vmem_shared>>) dst(%dma_wait3A : memref<640xf32, #tpu.memory_space<hbm>>)
      tpu.yield
    }) : () -> ()
    return
  }
}

#map = affine_map<(d0, d1) -> (0, 0)>
module attributes {stable_mosaic.version = 14 : i64} {
  func.func @_sc_gcn_body(%arg0: i32, %arg1: i32, %arg2: memref<2560x128xi32, #tpu.memory_space<hbm>>, %arg3: memref<2560x128xi32, #tpu.memory_space<hbm>>, %arg4: memref<10240x128xf32, #tpu.memory_space<hbm>>, %arg5: memref<20480x128xf32, #tpu.memory_space<hbm>>, %arg6: memref<8x128xi32, #tpu.memory_space<vmem>>, %arg7: memref<8x128xi32, #tpu.memory_space<vmem>>, %arg8: memref<128x128xf32, #tpu.memory_space<vmem>>, %arg9: memref<128x128xf32, #tpu.memory_space<vmem>>, %arg10: memref<10240x128xf32, #tpu.memory_space<vmem_shared>>, %arg11: memref<!tpu.dma_semaphore, #tpu.memory_space<semaphore_mem>>, %arg12: memref<!tpu.dma_semaphore, #tpu.memory_space<semaphore_mem>>, %arg13: memref<!tpu.dma_semaphore, #tpu.memory_space<semaphore_mem>>, %arg14: memref<!tpu.dma_semaphore, #tpu.memory_space<semaphore_mem>>) attributes {dimension_semantics = [#tpu.dimension_semantics<core_parallel>, #tpu.dimension_semantics<subcore_parallel>], iteration_bounds = array<i64: 2, 16>, scalar_prefetch = 0 : i64, scratch_operands = 9 : i64, tpu.core_type = #tpu.core_type<sc_vector_subcore>, window_params = [{transform_indices = #map}, {transform_indices = #map}, {transform_indices = #map}, {transform_indices = #map}]} {
    %scan3A = arith.constant 0 : i32
    %scan3A_0 = arith.constant 0 : i32
    %scan3A_1 = arith.constant 128 : i32
    %scan3A_2 = arith.addi %scan3A_0, %scan3A_1 : i32
    %scan3A_3 = arith.constant 1 : i32
    %scan3A_4 = scf.for %scan3A_54 = %scan3A_0 to %scan3A_2 step %scan3A_3 iter_args(%scan3A_55 = %scan3A) -> (i32)  : i32 {
      %broadcast_in_dim3A = arith.constant 0.000000e+00 : f32
      %broadcast_in_dim3A_56 = vector.broadcast %broadcast_in_dim3A : f32 to vector<16xf32>
      %swap3A = arith.index_cast %scan3A_54 : i32 to index
      %swap3A_57 = arith.constant 0 : index
      %swap3A_58 = tpu.vector_load %arg8[%swap3A, %swap3A_57] {strides = array<i32>} : memref<128x128xf32, #tpu.memory_space<vmem>>, vector<16xf32>,
      tpu.vector_store %arg8[%swap3A, %swap3A_57], %broadcast_in_dim3A_56 {strides = array<i32>} : memref<128x128xf32, #tpu.memory_space<vmem>>, vector<16xf32>,
      %broadcast_in_dim3A_59 = arith.constant 0.000000e+00 : f32
      %broadcast_in_dim3A_60 = vector.broadcast %broadcast_in_dim3A_59 : f32 to vector<16xf32>
      %swap3A_61 = arith.index_cast %scan3A_54 : i32 to index
      %swap3A_62 = arith.constant 16 : index
      %swap3A_63 = tpu.vector_load %arg8[%swap3A_61, %swap3A_62] {strides = array<i32>} : memref<128x128xf32, #tpu.memory_space<vmem>>, vector<16xf32>,
      tpu.vector_store %arg8[%swap3A_61, %swap3A_62], %broadcast_in_dim3A_60 {strides = array<i32>} : memref<128x128xf32, #tpu.memory_space<vmem>>, vector<16xf32>,
      %broadcast_in_dim3A_64 = arith.constant 0.000000e+00 : f32
      %broadcast_in_dim3A_65 = vector.broadcast %broadcast_in_dim3A_64 : f32 to vector<16xf32>
      %swap3A_66 = arith.index_cast %scan3A_54 : i32 to index
      %swap3A_67 = arith.constant 32 : index
      %swap3A_68 = tpu.vector_load %arg8[%swap3A_66, %swap3A_67] {strides = array<i32>} : memref<128x128xf32, #tpu.memory_space<vmem>>, vector<16xf32>,
      tpu.vector_store %arg8[%swap3A_66, %swap3A_67], %broadcast_in_dim3A_65 {strides = array<i32>} : memref<128x128xf32, #tpu.memory_space<vmem>>, vector<16xf32>,
      %broadcast_in_dim3A_69 = arith.constant 0.000000e+00 : f32
      %broadcast_in_dim3A_70 = vector.broadcast %broadcast_in_dim3A_69 : f32 to vector<16xf32>
      %swap3A_71 = arith.index_cast %scan3A_54 : i32 to index
      %swap3A_72 = arith.constant 48 : index
      %swap3A_73 = tpu.vector_load %arg8[%swap3A_71, %swap3A_72] {strides = array<i32>} : memref<128x128xf32, #tpu.memory_space<vmem>>, vector<16xf32>,
      tpu.vector_store %arg8[%swap3A_71, %swap3A_72], %broadcast_in_dim3A_70 {strides = array<i32>} : memref<128x128xf32, #tpu.memory_space<vmem>>, vector<16xf32>,
      %broadcast_in_dim3A_74 = arith.constant 0.000000e+00 : f32
      %broadcast_in_dim3A_75 = vector.broadcast %broadcast_in_dim3A_74 : f32 to vector<16xf32>
      %swap3A_76 = arith.index_cast %scan3A_54 : i32 to index
      %swap3A_77 = arith.constant 64 : index
      %swap3A_78 = tpu.vector_load %arg8[%swap3A_76, %swap3A_77] {strides = array<i32>} : memref<128x128xf32, #tpu.memory_space<vmem>>, vector<16xf32>,
      tpu.vector_store %arg8[%swap3A_76, %swap3A_77], %broadcast_in_dim3A_75 {strides = array<i32>} : memref<128x128xf32, #tpu.memory_space<vmem>>, vector<16xf32>,
      %broadcast_in_dim3A_79 = arith.constant 0.000000e+00 : f32
      %broadcast_in_dim3A_80 = vector.broadcast %broadcast_in_dim3A_79 : f32 to vector<16xf32>
      %swap3A_81 = arith.index_cast %scan3A_54 : i32 to index
      %swap3A_82 = arith.constant 80 : index
      %swap3A_83 = tpu.vector_load %arg8[%swap3A_81, %swap3A_82] {strides = array<i32>} : memref<128x128xf32, #tpu.memory_space<vmem>>, vector<16xf32>,
      tpu.vector_store %arg8[%swap3A_81, %swap3A_82], %broadcast_in_dim3A_80 {strides = array<i32>} : memref<128x128xf32, #tpu.memory_space<vmem>>, vector<16xf32>,
      %broadcast_in_dim3A_84 = arith.constant 0.000000e+00 : f32
      %broadcast_in_dim3A_85 = vector.broadcast %broadcast_in_dim3A_84 : f32 to vector<16xf32>
      %swap3A_86 = arith.index_cast %scan3A_54 : i32 to index
      %swap3A_87 = arith.constant 96 : index
      %swap3A_88 = tpu.vector_load %arg8[%swap3A_86, %swap3A_87] {strides = array<i32>} : memref<128x128xf32, #tpu.memory_space<vmem>>, vector<16xf32>,
      tpu.vector_store %arg8[%swap3A_86, %swap3A_87], %broadcast_in_dim3A_85 {strides = array<i32>} : memref<128x128xf32, #tpu.memory_space<vmem>>, vector<16xf32>,
      %broadcast_in_dim3A_89 = arith.constant 0.000000e+00 : f32
      %broadcast_in_dim3A_90 = vector.broadcast %broadcast_in_dim3A_89 : f32 to vector<16xf32>
      %swap3A_91 = arith.index_cast %scan3A_54 : i32 to index
      %swap3A_92 = arith.constant 112 : index
      %swap3A_93 = tpu.vector_load %arg8[%swap3A_91, %swap3A_92] {strides = array<i32>} : memref<128x128xf32, #tpu.memory_space<vmem>>, vector<16xf32>,
      tpu.vector_store %arg8[%swap3A_91, %swap3A_92], %broadcast_in_dim3A_90 {strides = array<i32>} : memref<128x128xf32, #tpu.memory_space<vmem>>, vector<16xf32>,
      %scan3A_94 = arith.constant 0 : i32
      scf.yield %scan3A_94 : i32
    }
    %scan3A_5 = arith.constant 128 : i32
    %mul3A = arith.constant 640 : i32
    %mul3A_6 = arith.muli %arg1, %mul3A : i32
    %add3A = arith.constant 0 : i32
    %add3A_7 = arith.addi %mul3A_6, %add3A : i32
    "tpu.region"() ({
      %run_scoped3A = tpu.sem_alloc : memref<!tpu.dma_semaphore, #tpu.memory_space<semaphore_mem>>
      %dma_start3A = arith.constant 0 : i32
      %dma_start3A_54 = tpu.memref_slice %arg10[%add3A_7, %dma_start3A] : memref<10240x128xf32, #tpu.memory_space<vmem_shared>> -> memref<128x128xf32, #tpu.memory_space<vmem_shared>>
      %dma_start3A_55 = arith.constant 0 : i32
      %dma_start3A_56 = tpu.memref_slice %arg10[%add3A_7, %dma_start3A_55] : memref<10240x128xf32, #tpu.memory_space<vmem_shared>> -> memref<128x128xf32, #tpu.memory_space<vmem_shared>>
      tpu.enqueue_dma source(%arg8 : memref<128x128xf32, #tpu.memory_space<vmem>>) target(%dma_start3A_56 : memref<128x128xf32, #tpu.memory_space<vmem_shared>>) target_semaphore(%run_scoped3A : memref<!tpu.dma_semaphore, #tpu.memory_space<semaphore_mem>>)
      %dma_wait3A = arith.constant 0 : i32
      %dma_wait3A_57 = tpu.memref_slice %arg10[%add3A_7, %dma_wait3A] : memref<10240x128xf32, #tpu.memory_space<vmem_shared>> -> memref<128x128xf32, #tpu.memory_space<vmem_shared>>
      %dma_wait3A_58 = arith.constant 0 : i32
      %dma_wait3A_59 = tpu.memref_slice %arg10[%add3A_7, %dma_wait3A_58] : memref<10240x128xf32, #tpu.memory_space<vmem_shared>> -> memref<128x128xf32, #tpu.memory_space<vmem_shared>>
      tpu.wait_dma2 semaphore(%run_scoped3A : memref<!tpu.dma_semaphore, #tpu.memory_space<semaphore_mem>>) src(%arg8 : memref<128x128xf32, #tpu.memory_space<vmem>>) dst(%dma_wait3A_59 : memref<128x128xf32, #tpu.memory_space<vmem_shared>>)
      tpu.yield
    }) : () -> ()
    %mul3A_8 = arith.constant 640 : i32
    %mul3A_9 = arith.muli %arg1, %mul3A_8 : i32
    %add3A_10 = arith.constant 128 : i32
    %add3A_11 = arith.addi %mul3A_9, %add3A_10 : i32
    "tpu.region"() ({
      %run_scoped3A = tpu.sem_alloc : memref<!tpu.dma_semaphore, #tpu.memory_space<semaphore_mem>>
      %dma_start3A = arith.constant 0 : i32
      %dma_start3A_54 = tpu.memref_slice %arg10[%add3A_11, %dma_start3A] : memref<10240x128xf32, #tpu.memory_space<vmem_shared>> -> memref<128x128xf32, #tpu.memory_space<vmem_shared>>
      %dma_start3A_55 = arith.constant 0 : i32
      %dma_start3A_56 = tpu.memref_slice %arg10[%add3A_11, %dma_start3A_55] : memref<10240x128xf32, #tpu.memory_space<vmem_shared>> -> memref<128x128xf32, #tpu.memory_space<vmem_shared>>
      tpu.enqueue_dma source(%arg8 : memref<128x128xf32, #tpu.memory_space<vmem>>) target(%dma_start3A_56 : memref<128x128xf32, #tpu.memory_space<vmem_shared>>) target_semaphore(%run_scoped3A : memref<!tpu.dma_semaphore, #tpu.memory_space<semaphore_mem>>)
      %dma_wait3A = arith.constant 0 : i32
      %dma_wait3A_57 = tpu.memref_slice %arg10[%add3A_11, %dma_wait3A] : memref<10240x128xf32, #tpu.memory_space<vmem_shared>> -> memref<128x128xf32, #tpu.memory_space<vmem_shared>>
      %dma_wait3A_58 = arith.constant 0 : i32
      %dma_wait3A_59 = tpu.memref_slice %arg10[%add3A_11, %dma_wait3A_58] : memref<10240x128xf32, #tpu.memory_space<vmem_shared>> -> memref<128x128xf32, #tpu.memory_space<vmem_shared>>
      tpu.wait_dma2 semaphore(%run_scoped3A : memref<!tpu.dma_semaphore, #tpu.memory_space<semaphore_mem>>) src(%arg8 : memref<128x128xf32, #tpu.memory_space<vmem>>) dst(%dma_wait3A_59 : memref<128x128xf32, #tpu.memory_space<vmem_shared>>)
      tpu.yield
    }) : () -> ()
    %mul3A_12 = arith.constant 640 : i32
    %mul3A_13 = arith.muli %arg1, %mul3A_12 : i32
    %add3A_14 = arith.constant 256 : i32
    %add3A_15 = arith.addi %mul3A_13, %add3A_14 : i32
    "tpu.region"() ({
      %run_scoped3A = tpu.sem_alloc : memref<!tpu.dma_semaphore, #tpu.memory_space<semaphore_mem>>
      %dma_start3A = arith.constant 0 : i32
      %dma_start3A_54 = tpu.memref_slice %arg10[%add3A_15, %dma_start3A] : memref<10240x128xf32, #tpu.memory_space<vmem_shared>> -> memref<128x128xf32, #tpu.memory_space<vmem_shared>>
      %dma_start3A_55 = arith.constant 0 : i32
      %dma_start3A_56 = tpu.memref_slice %arg10[%add3A_15, %dma_start3A_55] : memref<10240x128xf32, #tpu.memory_space<vmem_shared>> -> memref<128x128xf32, #tpu.memory_space<vmem_shared>>
      tpu.enqueue_dma source(%arg8 : memref<128x128xf32, #tpu.memory_space<vmem>>) target(%dma_start3A_56 : memref<128x128xf32, #tpu.memory_space<vmem_shared>>) target_semaphore(%run_scoped3A : memref<!tpu.dma_semaphore, #tpu.memory_space<semaphore_mem>>)
      %dma_wait3A = arith.constant 0 : i32
      %dma_wait3A_57 = tpu.memref_slice %arg10[%add3A_15, %dma_wait3A] : memref<10240x128xf32, #tpu.memory_space<vmem_shared>> -> memref<128x128xf32, #tpu.memory_space<vmem_shared>>
      %dma_wait3A_58 = arith.constant 0 : i32
      %dma_wait3A_59 = tpu.memref_slice %arg10[%add3A_15, %dma_wait3A_58] : memref<10240x128xf32, #tpu.memory_space<vmem_shared>> -> memref<128x128xf32, #tpu.memory_space<vmem_shared>>
      tpu.wait_dma2 semaphore(%run_scoped3A : memref<!tpu.dma_semaphore, #tpu.memory_space<semaphore_mem>>) src(%arg8 : memref<128x128xf32, #tpu.memory_space<vmem>>) dst(%dma_wait3A_59 : memref<128x128xf32, #tpu.memory_space<vmem_shared>>)
      tpu.yield
    }) : () -> ()
    %mul3A_16 = arith.constant 640 : i32
    %mul3A_17 = arith.muli %arg1, %mul3A_16 : i32
    %add3A_18 = arith.constant 384 : i32
    %add3A_19 = arith.addi %mul3A_17, %add3A_18 : i32
    "tpu.region"() ({
      %run_scoped3A = tpu.sem_alloc : memref<!tpu.dma_semaphore, #tpu.memory_space<semaphore_mem>>
      %dma_start3A = arith.constant 0 : i32
      %dma_start3A_54 = tpu.memref_slice %arg10[%add3A_19, %dma_start3A] : memref<10240x128xf32, #tpu.memory_space<vmem_shared>> -> memref<128x128xf32, #tpu.memory_space<vmem_shared>>
      %dma_start3A_55 = arith.constant 0 : i32
      %dma_start3A_56 = tpu.memref_slice %arg10[%add3A_19, %dma_start3A_55] : memref<10240x128xf32, #tpu.memory_space<vmem_shared>> -> memref<128x128xf32, #tpu.memory_space<vmem_shared>>
      tpu.enqueue_dma source(%arg8 : memref<128x128xf32, #tpu.memory_space<vmem>>) target(%dma_start3A_56 : memref<128x128xf32, #tpu.memory_space<vmem_shared>>) target_semaphore(%run_scoped3A : memref<!tpu.dma_semaphore, #tpu.memory_space<semaphore_mem>>)
      %dma_wait3A = arith.constant 0 : i32
      %dma_wait3A_57 = tpu.memref_slice %arg10[%add3A_19, %dma_wait3A] : memref<10240x128xf32, #tpu.memory_space<vmem_shared>> -> memref<128x128xf32, #tpu.memory_space<vmem_shared>>
      %dma_wait3A_58 = arith.constant 0 : i32
      %dma_wait3A_59 = tpu.memref_slice %arg10[%add3A_19, %dma_wait3A_58] : memref<10240x128xf32, #tpu.memory_space<vmem_shared>> -> memref<128x128xf32, #tpu.memory_space<vmem_shared>>
      tpu.wait_dma2 semaphore(%run_scoped3A : memref<!tpu.dma_semaphore, #tpu.memory_space<semaphore_mem>>) src(%arg8 : memref<128x128xf32, #tpu.memory_space<vmem>>) dst(%dma_wait3A_59 : memref<128x128xf32, #tpu.memory_space<vmem_shared>>)
      tpu.yield
    }) : () -> ()
    %mul3A_20 = arith.constant 640 : i32
    %mul3A_21 = arith.muli %arg1, %mul3A_20 : i32
    %add3A_22 = arith.constant 512 : i32
    %add3A_23 = arith.addi %mul3A_21, %add3A_22 : i32
    "tpu.region"() ({
      %run_scoped3A = tpu.sem_alloc : memref<!tpu.dma_semaphore, #tpu.memory_space<semaphore_mem>>
      %dma_start3A = arith.constant 0 : i32
      %dma_start3A_54 = tpu.memref_slice %arg10[%add3A_23, %dma_start3A] : memref<10240x128xf32, #tpu.memory_space<vmem_shared>> -> memref<128x128xf32, #tpu.memory_space<vmem_shared>>
      %dma_start3A_55 = arith.constant 0 : i32
      %dma_start3A_56 = tpu.memref_slice %arg10[%add3A_23, %dma_start3A_55] : memref<10240x128xf32, #tpu.memory_space<vmem_shared>> -> memref<128x128xf32, #tpu.memory_space<vmem_shared>>
      tpu.enqueue_dma source(%arg8 : memref<128x128xf32, #tpu.memory_space<vmem>>) target(%dma_start3A_56 : memref<128x128xf32, #tpu.memory_space<vmem_shared>>) target_semaphore(%run_scoped3A : memref<!tpu.dma_semaphore, #tpu.memory_space<semaphore_mem>>)
      %dma_wait3A = arith.constant 0 : i32
      %dma_wait3A_57 = tpu.memref_slice %arg10[%add3A_23, %dma_wait3A] : memref<10240x128xf32, #tpu.memory_space<vmem_shared>> -> memref<128x128xf32, #tpu.memory_space<vmem_shared>>
      %dma_wait3A_58 = arith.constant 0 : i32
      %dma_wait3A_59 = tpu.memref_slice %arg10[%add3A_23, %dma_wait3A_58] : memref<10240x128xf32, #tpu.memory_space<vmem_shared>> -> memref<128x128xf32, #tpu.memory_space<vmem_shared>>
      tpu.wait_dma2 semaphore(%run_scoped3A : memref<!tpu.dma_semaphore, #tpu.memory_space<semaphore_mem>>) src(%arg8 : memref<128x128xf32, #tpu.memory_space<vmem>>) dst(%dma_wait3A_59 : memref<128x128xf32, #tpu.memory_space<vmem_shared>>)
      tpu.yield
    }) : () -> ()
    %barrier3A = arith.constant 0 : index
    tpu.barrier barrier_id(%barrier3A)
    %eq3A = arith.constant 0 : i32
    %eq3A_24 = arith.cmpi eq, %arg0, %eq3A : i32
    %mul3A_25 = arith.constant 136 : i32
    %mul3A_26 = arith.muli %arg1, %mul3A_25 : i32
    %mul3A_27 = arith.constant 24 : i32
    %mul3A_28 = arith.muli %arg1, %mul3A_27 : i32
    %add3A_29 = arith.constant 2176 : i32
    %add3A_30 = arith.addi %add3A_29, %mul3A_28 : i32
    %select_n3A = arith.select %eq3A_24, %mul3A_26, %add3A_30 : i32
    %eq3A_31 = arith.constant 0 : i32
    %eq3A_32 = arith.cmpi eq, %arg0, %eq3A_31 : i32
    %jit3A = arith.constant 17 : i32
    %jit3A_33 = arith.constant 3 : i32
    %select_n3A_34 = arith.select %eq3A_32, %jit3A, %jit3A_33 : i32
    %while3A = arith.constant 0 : i32
    %while3A_35 = arith.constant 0 : i32
    %while3A_36 = arith.subi %select_n3A_34, %while3A : i32
    %while3A_37 = arith.addi %while3A, %while3A_36 : i32
    %while3A_38 = arith.constant 1 : i32
    %while3A_39 = arith.divsi %while3A_36, %while3A_38 : i32
    %while3A_40 = arith.muli %while3A_39, %while3A_38 : i32
    %while3A_41 = arith.addi %while3A, %while3A_40 : i32
    %while3A_42 = arith.constant 1 : i32
    %while3A_43 = scf.for %while3A_54 = %while3A to %while3A_41 step %while3A_42 iter_args(%while3A_55 = %while3A_35) -> (i32)  : i32 {
      %mul3A_56 = arith.constant 8 : i32
      %mul3A_57 = arith.muli %while3A_54, %mul3A_56 : i32
      %add3A_58 = arith.addi %select_n3A, %mul3A_57 : i32
      "tpu.region"() ({
        %run_scoped3A = tpu.sem_alloc : memref<!tpu.dma_semaphore, #tpu.memory_space<semaphore_mem>>
        %dma_start3A_86 = arith.constant 0 : i32
        %dma_start3A_87 = tpu.memref_slice %arg2[%add3A_58, %dma_start3A_86] : memref<2560x128xi32, #tpu.memory_space<hbm>> -> memref<8x128xi32, #tpu.memory_space<hbm>>
        %dma_start3A_88 = arith.constant 0 : i32
        %dma_start3A_89 = tpu.memref_slice %arg2[%add3A_58, %dma_start3A_88] : memref<2560x128xi32, #tpu.memory_space<hbm>> -> memref<8x128xi32, #tpu.memory_space<hbm>>
        tpu.enqueue_dma source(%dma_start3A_89 : memref<8x128xi32, #tpu.memory_space<hbm>>) target(%arg6 : memref<8x128xi32, #tpu.memory_space<vmem>>) target_semaphore(%run_scoped3A : memref<!tpu.dma_semaphore, #tpu.memory_space<semaphore_mem>>)
        %dma_wait3A_90 = arith.constant 0 : i32
        %dma_wait3A_91 = tpu.memref_slice %arg2[%add3A_58, %dma_wait3A_90] : memref<2560x128xi32, #tpu.memory_space<hbm>> -> memref<8x128xi32, #tpu.memory_space<hbm>>
        %dma_wait3A_92 = arith.constant 0 : i32
        %dma_wait3A_93 = tpu.memref_slice %arg2[%add3A_58, %dma_wait3A_92] : memref<2560x128xi32, #tpu.memory_space<hbm>> -> memref<8x128xi32, #tpu.memory_space<hbm>>
        tpu.wait_dma2 semaphore(%run_scoped3A : memref<!tpu.dma_semaphore, #tpu.memory_space<semaphore_mem>>) src(%dma_wait3A_93 : memref<8x128xi32, #tpu.memory_space<hbm>>) dst(%arg6 : memref<8x128xi32, #tpu.memory_space<vmem>>)
        tpu.yield
      }) : () -> ()
      "tpu.region"() ({
        %run_scoped3A = tpu.sem_alloc : memref<!tpu.dma_semaphore, #tpu.memory_space<semaphore_mem>>
        %dma_start3A_86 = arith.constant 0 : i32
        %dma_start3A_87 = tpu.memref_slice %arg3[%add3A_58, %dma_start3A_86] : memref<2560x128xi32, #tpu.memory_space<hbm>> -> memref<8x128xi32, #tpu.memory_space<hbm>>
        %dma_start3A_88 = arith.constant 0 : i32
        %dma_start3A_89 = tpu.memref_slice %arg3[%add3A_58, %dma_start3A_88] : memref<2560x128xi32, #tpu.memory_space<hbm>> -> memref<8x128xi32, #tpu.memory_space<hbm>>
        tpu.enqueue_dma source(%dma_start3A_89 : memref<8x128xi32, #tpu.memory_space<hbm>>) target(%arg7 : memref<8x128xi32, #tpu.memory_space<vmem>>) target_semaphore(%run_scoped3A : memref<!tpu.dma_semaphore, #tpu.memory_space<semaphore_mem>>)
        %dma_wait3A_90 = arith.constant 0 : i32
        %dma_wait3A_91 = tpu.memref_slice %arg3[%add3A_58, %dma_wait3A_90] : memref<2560x128xi32, #tpu.memory_space<hbm>> -> memref<8x128xi32, #tpu.memory_space<hbm>>
        %dma_wait3A_92 = arith.constant 0 : i32
        %dma_wait3A_93 = tpu.memref_slice %arg3[%add3A_58, %dma_wait3A_92] : memref<2560x128xi32, #tpu.memory_space<hbm>> -> memref<8x128xi32, #tpu.memory_space<hbm>>
        tpu.wait_dma2 semaphore(%run_scoped3A : memref<!tpu.dma_semaphore, #tpu.memory_space<semaphore_mem>>) src(%dma_wait3A_93 : memref<8x128xi32, #tpu.memory_space<hbm>>) dst(%arg7 : memref<8x128xi32, #tpu.memory_space<vmem>>)
        tpu.yield
      }) : () -> ()
      %dma_start3A = arith.constant 0 : i32
      %dma_start3A_59 = arith.constant 0 : i32
      %dma_start3A_60 = tpu.memref_slice %arg6[%dma_start3A, %dma_start3A_59] : memref<8x128xi32, #tpu.memory_space<vmem>> -> memref<1x128xi32, #tpu.memory_space<vmem>>
      %dma_start3A_61 = tpu.memref_squeeze %dma_start3A_60 : memref<1x128xi32, #tpu.memory_space<vmem>> -> memref<128xi32, #tpu.memory_space<vmem>>
      %dma_start3A_62 = arith.constant 0 : i32
      %dma_start3A_63 = arith.constant 0 : i32
      %dma_start3A_64 = tpu.memref_slice %arg4[%dma_start3A_62, %dma_start3A_63] : memref<10240x128xf32, #tpu.memory_space<hbm>> -> memref<10240x128xf32, #tpu.memory_space<hbm>>
      tpu.enqueue_indirect_dma source(%dma_start3A_64 : memref<10240x128xf32, #tpu.memory_space<hbm>>) target(%arg8 : memref<128x128xf32, #tpu.memory_space<vmem>>) offsets(%dma_start3A_61 : memref<128xi32, #tpu.memory_space<vmem>>) semaphore(%arg11 : memref<!tpu.dma_semaphore, #tpu.memory_space<semaphore_mem>>)
      %scan3A_65 = arith.constant 0 : i32
      %scan3A_66 = arith.constant 0 : i32
      %scan3A_67 = arith.constant 4 : i32
      %scan3A_68 = arith.addi %scan3A_66, %scan3A_67 : i32
      %scan3A_69 = arith.constant 1 : i32
      %scan3A_70 = scf.for %scan3A_86 = %scan3A_66 to %scan3A_68 step %scan3A_69 iter_args(%scan3A_87 = %scan3A_65) -> (i32)  : i32 {
        %mul3A_88 = arith.constant 2 : i32
        %mul3A_89 = arith.muli %mul3A_88, %scan3A_86 : i32
        %mul3A_90 = arith.constant 2 : i32
        %mul3A_91 = arith.muli %mul3A_90, %scan3A_86 : i32
        %add3A_92 = arith.constant 1 : i32
        %add3A_93 = arith.addi %mul3A_91, %add3A_92 : i32
        %gt3A = arith.constant 0 : i32
        %gt3A_94 = arith.cmpi sgt, %scan3A_86, %gt3A : i32
        %convert_element_type3A = arith.extui %gt3A_94 : i1 to i32
        %cond3A = arith.constant 0 : i32
        %cond3A_95 = arith.cmpi ne, %convert_element_type3A, %cond3A : i32
        scf.if %cond3A_95 {
          %dma_wait3A_131 = arith.constant 0 : i32
          %dma_wait3A_132 = tpu.memref_slice %arg7[%add3A_93, %dma_wait3A_131] : memref<8x128xi32, #tpu.memory_space<vmem>> -> memref<1x128xi32, #tpu.memory_space<vmem>>
          %dma_wait3A_133 = tpu.memref_squeeze %dma_wait3A_132 : memref<1x128xi32, #tpu.memory_space<vmem>> -> memref<128xi32, #tpu.memory_space<vmem>>
          %dma_wait3A_134 = arith.constant 0 : i32
          %dma_wait3A_135 = arith.constant 0 : i32
          %dma_wait3A_136 = tpu.memref_slice %arg10[%dma_wait3A_134, %dma_wait3A_135] : memref<10240x128xf32, #tpu.memory_space<vmem_shared>> -> memref<10240x128xf32, #tpu.memory_space<vmem_shared>>
          tpu.wait_indirect_dma semaphore(%arg14 : memref<!tpu.dma_semaphore, #tpu.memory_space<semaphore_mem>>) src(%arg9 : memref<128x128xf32, #tpu.memory_space<vmem>>) dst(%dma_wait3A_136 : memref<10240x128xf32, #tpu.memory_space<vmem_shared>>)
        } else {
        }
        %dma_start3A_96 = arith.constant 0 : i32
        %dma_start3A_97 = tpu.memref_slice %arg6[%add3A_93, %dma_start3A_96] : memref<8x128xi32, #tpu.memory_space<vmem>> -> memref<1x128xi32, #tpu.memory_space<vmem>>
        %dma_start3A_98 = tpu.memref_squeeze %dma_start3A_97 : memref<1x128xi32, #tpu.memory_space<vmem>> -> memref<128xi32, #tpu.memory_space<vmem>>
        %dma_start3A_99 = arith.constant 0 : i32
        %dma_start3A_100 = arith.constant 0 : i32
        %dma_start3A_101 = tpu.memref_slice %arg4[%dma_start3A_99, %dma_start3A_100] : memref<10240x128xf32, #tpu.memory_space<hbm>> -> memref<10240x128xf32, #tpu.memory_space<hbm>>
        tpu.enqueue_indirect_dma source(%dma_start3A_101 : memref<10240x128xf32, #tpu.memory_space<hbm>>) target(%arg9 : memref<128x128xf32, #tpu.memory_space<vmem>>) offsets(%dma_start3A_98 : memref<128xi32, #tpu.memory_space<vmem>>) semaphore(%arg12 : memref<!tpu.dma_semaphore, #tpu.memory_space<semaphore_mem>>)
        %dma_wait3A_102 = arith.constant 0 : i32
        %dma_wait3A_103 = tpu.memref_slice %arg6[%mul3A_89, %dma_wait3A_102] : memref<8x128xi32, #tpu.memory_space<vmem>> -> memref<1x128xi32, #tpu.memory_space<vmem>>
        %dma_wait3A_104 = tpu.memref_squeeze %dma_wait3A_103 : memref<1x128xi32, #tpu.memory_space<vmem>> -> memref<128xi32, #tpu.memory_space<vmem>>
        %dma_wait3A_105 = arith.constant 0 : i32
        %dma_wait3A_106 = arith.constant 0 : i32
        %dma_wait3A_107 = tpu.memref_slice %arg4[%dma_wait3A_105, %dma_wait3A_106] : memref<10240x128xf32, #tpu.memory_space<hbm>> -> memref<10240x128xf32, #tpu.memory_space<hbm>>
        tpu.wait_indirect_dma semaphore(%arg11 : memref<!tpu.dma_semaphore, #tpu.memory_space<semaphore_mem>>) src(%dma_wait3A_107 : memref<10240x128xf32, #tpu.memory_space<hbm>>) dst(%arg8 : memref<128x128xf32, #tpu.memory_space<vmem>>)
        %dma_start3A_108 = arith.constant 0 : i32
        %dma_start3A_109 = tpu.memref_slice %arg7[%mul3A_89, %dma_start3A_108] : memref<8x128xi32, #tpu.memory_space<vmem>> -> memref<1x128xi32, #tpu.memory_space<vmem>>
        %dma_start3A_110 = tpu.memref_squeeze %dma_start3A_109 : memref<1x128xi32, #tpu.memory_space<vmem>> -> memref<128xi32, #tpu.memory_space<vmem>>
        %dma_start3A_111 = arith.constant 0 : i32
        %dma_start3A_112 = arith.constant 0 : i32
        %dma_start3A_113 = tpu.memref_slice %arg10[%dma_start3A_111, %dma_start3A_112] : memref<10240x128xf32, #tpu.memory_space<vmem_shared>> -> memref<10240x128xf32, #tpu.memory_space<vmem_shared>>
        tpu.enqueue_indirect_dma source(%arg8 : memref<128x128xf32, #tpu.memory_space<vmem>>) target(%dma_start3A_113 : memref<10240x128xf32, #tpu.memory_space<vmem_shared>>) offsets(%dma_start3A_110 : memref<128xi32, #tpu.memory_space<vmem>>) semaphore(%arg13 : memref<!tpu.dma_semaphore, #tpu.memory_space<semaphore_mem>>) {add = true}
        %lt3A = arith.constant 3 : i32
        %lt3A_114 = arith.cmpi slt, %scan3A_86, %lt3A : i32
        %convert_element_type3A_115 = arith.extui %lt3A_114 : i1 to i32
        %cond3A_116 = arith.constant 0 : i32
        %cond3A_117 = arith.cmpi ne, %convert_element_type3A_115, %cond3A_116 : i32
        scf.if %cond3A_117 {
          %dma_wait3A_131 = arith.constant 0 : i32
          %dma_wait3A_132 = tpu.memref_slice %arg7[%mul3A_89, %dma_wait3A_131] : memref<8x128xi32, #tpu.memory_space<vmem>> -> memref<1x128xi32, #tpu.memory_space<vmem>>
          %dma_wait3A_133 = tpu.memref_squeeze %dma_wait3A_132 : memref<1x128xi32, #tpu.memory_space<vmem>> -> memref<128xi32, #tpu.memory_space<vmem>>
          %dma_wait3A_134 = arith.constant 0 : i32
          %dma_wait3A_135 = arith.constant 0 : i32
          %dma_wait3A_136 = tpu.memref_slice %arg10[%dma_wait3A_134, %dma_wait3A_135] : memref<10240x128xf32, #tpu.memory_space<vmem_shared>> -> memref<10240x128xf32, #tpu.memory_space<vmem_shared>>
          tpu.wait_indirect_dma semaphore(%arg13 : memref<!tpu.dma_semaphore, #tpu.memory_space<semaphore_mem>>) src(%arg8 : memref<128x128xf32, #tpu.memory_space<vmem>>) dst(%dma_wait3A_136 : memref<10240x128xf32, #tpu.memory_space<vmem_shared>>)
          %add3A_137 = arith.constant 2 : i32
          %add3A_138 = arith.addi %mul3A_89, %add3A_137 : i32
          %dma_start3A_139 = arith.constant 0 : i32
          %dma_start3A_140 = tpu.memref_slice %arg6[%add3A_138, %dma_start3A_139] : memref<8x128xi32, #tpu.memory_space<vmem>> -> memref<1x128xi32, #tpu.memory_space<vmem>>
          %dma_start3A_141 = tpu.memref_squeeze %dma_start3A_140 : memref<1x128xi32, #tpu.memory_space<vmem>> -> memref<128xi32, #tpu.memory_space<vmem>>
          %dma_start3A_142 = arith.constant 0 : i32
          %dma_start3A_143 = arith.constant 0 : i32
          %dma_start3A_144 = tpu.memref_slice %arg4[%dma_start3A_142, %dma_start3A_143] : memref<10240x128xf32, #tpu.memory_space<hbm>> -> memref<10240x128xf32, #tpu.memory_space<hbm>>
          tpu.enqueue_indirect_dma source(%dma_start3A_144 : memref<10240x128xf32, #tpu.memory_space<hbm>>) target(%arg8 : memref<128x128xf32, #tpu.memory_space<vmem>>) offsets(%dma_start3A_141 : memref<128xi32, #tpu.memory_space<vmem>>) semaphore(%arg11 : memref<!tpu.dma_semaphore, #tpu.memory_space<semaphore_mem>>)
        } else {
        }
        %dma_wait3A_118 = arith.constant 0 : i32
        %dma_wait3A_119 = tpu.memref_slice %arg6[%add3A_93, %dma_wait3A_118] : memref<8x128xi32, #tpu.memory_space<vmem>> -> memref<1x128xi32, #tpu.memory_space<vmem>>
        %dma_wait3A_120 = tpu.memref_squeeze %dma_wait3A_119 : memref<1x128xi32, #tpu.memory_space<vmem>> -> memref<128xi32, #tpu.memory_space<vmem>>
        %dma_wait3A_121 = arith.constant 0 : i32
        %dma_wait3A_122 = arith.constant 0 : i32
        %dma_wait3A_123 = tpu.memref_slice %arg4[%dma_wait3A_121, %dma_wait3A_122] : memref<10240x128xf32, #tpu.memory_space<hbm>> -> memref<10240x128xf32, #tpu.memory_space<hbm>>
        tpu.wait_indirect_dma semaphore(%arg12 : memref<!tpu.dma_semaphore, #tpu.memory_space<semaphore_mem>>) src(%dma_wait3A_123 : memref<10240x128xf32, #tpu.memory_space<hbm>>) dst(%arg9 : memref<128x128xf32, #tpu.memory_space<vmem>>)
        %dma_start3A_124 = arith.constant 0 : i32
        %dma_start3A_125 = tpu.memref_slice %arg7[%add3A_93, %dma_start3A_124] : memref<8x128xi32, #tpu.memory_space<vmem>> -> memref<1x128xi32, #tpu.memory_space<vmem>>
        %dma_start3A_126 = tpu.memref_squeeze %dma_start3A_125 : memref<1x128xi32, #tpu.memory_space<vmem>> -> memref<128xi32, #tpu.memory_space<vmem>>
        %dma_start3A_127 = arith.constant 0 : i32
        %dma_start3A_128 = arith.constant 0 : i32
        %dma_start3A_129 = tpu.memref_slice %arg10[%dma_start3A_127, %dma_start3A_128] : memref<10240x128xf32, #tpu.memory_space<vmem_shared>> -> memref<10240x128xf32, #tpu.memory_space<vmem_shared>>
        tpu.enqueue_indirect_dma source(%arg9 : memref<128x128xf32, #tpu.memory_space<vmem>>) target(%dma_start3A_129 : memref<10240x128xf32, #tpu.memory_space<vmem_shared>>) offsets(%dma_start3A_126 : memref<128xi32, #tpu.memory_space<vmem>>) semaphore(%arg14 : memref<!tpu.dma_semaphore, #tpu.memory_space<semaphore_mem>>) {add = true}
        %scan3A_130 = arith.constant 0 : i32
        scf.yield %scan3A_130 : i32
      }
      %scan3A_71 = arith.constant 4 : i32
      %dma_wait3A = arith.constant 0 : i32
      %dma_wait3A_72 = arith.constant 0 : i32
      %dma_wait3A_73 = tpu.memref_slice %arg7[%dma_wait3A, %dma_wait3A_72] : memref<8x128xi32, #tpu.memory_space<vmem>> -> memref<1x128xi32, #tpu.memory_space<vmem>>
      %dma_wait3A_74 = tpu.memref_squeeze %dma_wait3A_73 : memref<1x128xi32, #tpu.memory_space<vmem>> -> memref<128xi32, #tpu.memory_space<vmem>>
      %dma_wait3A_75 = arith.constant 0 : i32
      %dma_wait3A_76 = arith.constant 0 : i32
      %dma_wait3A_77 = tpu.memref_slice %arg10[%dma_wait3A_75, %dma_wait3A_76] : memref<10240x128xf32, #tpu.memory_space<vmem_shared>> -> memref<10240x128xf32, #tpu.memory_space<vmem_shared>>
      tpu.wait_indirect_dma semaphore(%arg13 : memref<!tpu.dma_semaphore, #tpu.memory_space<semaphore_mem>>) src(%arg8 : memref<128x128xf32, #tpu.memory_space<vmem>>) dst(%dma_wait3A_77 : memref<10240x128xf32, #tpu.memory_space<vmem_shared>>)
      %dma_wait3A_78 = arith.constant 0 : i32
      %dma_wait3A_79 = arith.constant 0 : i32
      %dma_wait3A_80 = tpu.memref_slice %arg7[%dma_wait3A_78, %dma_wait3A_79] : memref<8x128xi32, #tpu.memory_space<vmem>> -> memref<1x128xi32, #tpu.memory_space<vmem>>
      %dma_wait3A_81 = tpu.memref_squeeze %dma_wait3A_80 : memref<1x128xi32, #tpu.memory_space<vmem>> -> memref<128xi32, #tpu.memory_space<vmem>>
      %dma_wait3A_82 = arith.constant 0 : i32
      %dma_wait3A_83 = arith.constant 0 : i32
      %dma_wait3A_84 = tpu.memref_slice %arg10[%dma_wait3A_82, %dma_wait3A_83] : memref<10240x128xf32, #tpu.memory_space<vmem_shared>> -> memref<10240x128xf32, #tpu.memory_space<vmem_shared>>
      tpu.wait_indirect_dma semaphore(%arg14 : memref<!tpu.dma_semaphore, #tpu.memory_space<semaphore_mem>>) src(%arg9 : memref<128x128xf32, #tpu.memory_space<vmem>>) dst(%dma_wait3A_84 : memref<10240x128xf32, #tpu.memory_space<vmem_shared>>)
      %while3A_85 = arith.constant 0 : i32
      scf.yield %while3A_85 : i32
    }
    %while3A_44 = arith.constant 1 : i32
    %while3A_45 = scf.for %while3A_54 = %while3A_41 to %while3A_37 step %while3A_44 iter_args(%while3A_55 = %while3A_43) -> (i32)  : i32 {
      %mul3A_56 = arith.constant 8 : i32
      %mul3A_57 = arith.muli %while3A_54, %mul3A_56 : i32
      %add3A_58 = arith.addi %select_n3A, %mul3A_57 : i32
      "tpu.region"() ({
        %run_scoped3A = tpu.sem_alloc : memref<!tpu.dma_semaphore, #tpu.memory_space<semaphore_mem>>
        %dma_start3A_86 = arith.constant 0 : i32
        %dma_start3A_87 = tpu.memref_slice %arg2[%add3A_58, %dma_start3A_86] : memref<2560x128xi32, #tpu.memory_space<hbm>> -> memref<8x128xi32, #tpu.memory_space<hbm>>
        %dma_start3A_88 = arith.constant 0 : i32
        %dma_start3A_89 = tpu.memref_slice %arg2[%add3A_58, %dma_start3A_88] : memref<2560x128xi32, #tpu.memory_space<hbm>> -> memref<8x128xi32, #tpu.memory_space<hbm>>
        tpu.enqueue_dma source(%dma_start3A_89 : memref<8x128xi32, #tpu.memory_space<hbm>>) target(%arg6 : memref<8x128xi32, #tpu.memory_space<vmem>>) target_semaphore(%run_scoped3A : memref<!tpu.dma_semaphore, #tpu.memory_space<semaphore_mem>>)
        %dma_wait3A_90 = arith.constant 0 : i32
        %dma_wait3A_91 = tpu.memref_slice %arg2[%add3A_58, %dma_wait3A_90] : memref<2560x128xi32, #tpu.memory_space<hbm>> -> memref<8x128xi32, #tpu.memory_space<hbm>>
        %dma_wait3A_92 = arith.constant 0 : i32
        %dma_wait3A_93 = tpu.memref_slice %arg2[%add3A_58, %dma_wait3A_92] : memref<2560x128xi32, #tpu.memory_space<hbm>> -> memref<8x128xi32, #tpu.memory_space<hbm>>
        tpu.wait_dma2 semaphore(%run_scoped3A : memref<!tpu.dma_semaphore, #tpu.memory_space<semaphore_mem>>) src(%dma_wait3A_93 : memref<8x128xi32, #tpu.memory_space<hbm>>) dst(%arg6 : memref<8x128xi32, #tpu.memory_space<vmem>>)
        tpu.yield
      }) : () -> ()
      "tpu.region"() ({
        %run_scoped3A = tpu.sem_alloc : memref<!tpu.dma_semaphore, #tpu.memory_space<semaphore_mem>>
        %dma_start3A_86 = arith.constant 0 : i32
        %dma_start3A_87 = tpu.memref_slice %arg3[%add3A_58, %dma_start3A_86] : memref<2560x128xi32, #tpu.memory_space<hbm>> -> memref<8x128xi32, #tpu.memory_space<hbm>>
        %dma_start3A_88 = arith.constant 0 : i32
        %dma_start3A_89 = tpu.memref_slice %arg3[%add3A_58, %dma_start3A_88] : memref<2560x128xi32, #tpu.memory_space<hbm>> -> memref<8x128xi32, #tpu.memory_space<hbm>>
        tpu.enqueue_dma source(%dma_start3A_89 : memref<8x128xi32, #tpu.memory_space<hbm>>) target(%arg7 : memref<8x128xi32, #tpu.memory_space<vmem>>) target_semaphore(%run_scoped3A : memref<!tpu.dma_semaphore, #tpu.memory_space<semaphore_mem>>)
        %dma_wait3A_90 = arith.constant 0 : i32
        %dma_wait3A_91 = tpu.memref_slice %arg3[%add3A_58, %dma_wait3A_90] : memref<2560x128xi32, #tpu.memory_space<hbm>> -> memref<8x128xi32, #tpu.memory_space<hbm>>
        %dma_wait3A_92 = arith.constant 0 : i32
        %dma_wait3A_93 = tpu.memref_slice %arg3[%add3A_58, %dma_wait3A_92] : memref<2560x128xi32, #tpu.memory_space<hbm>> -> memref<8x128xi32, #tpu.memory_space<hbm>>
        tpu.wait_dma2 semaphore(%run_scoped3A : memref<!tpu.dma_semaphore, #tpu.memory_space<semaphore_mem>>) src(%dma_wait3A_93 : memref<8x128xi32, #tpu.memory_space<hbm>>) dst(%arg7 : memref<8x128xi32, #tpu.memory_space<vmem>>)
        tpu.yield
      }) : () -> ()
      %dma_start3A = arith.constant 0 : i32
      %dma_start3A_59 = arith.constant 0 : i32
      %dma_start3A_60 = tpu.memref_slice %arg6[%dma_start3A, %dma_start3A_59] : memref<8x128xi32, #tpu.memory_space<vmem>> -> memref<1x128xi32, #tpu.memory_space<vmem>>
      %dma_start3A_61 = tpu.memref_squeeze %dma_start3A_60 : memref<1x128xi32, #tpu.memory_space<vmem>> -> memref<128xi32, #tpu.memory_space<vmem>>
      %dma_start3A_62 = arith.constant 0 : i32
      %dma_start3A_63 = arith.constant 0 : i32
      %dma_start3A_64 = tpu.memref_slice %arg4[%dma_start3A_62, %dma_start3A_63] : memref<10240x128xf32, #tpu.memory_space<hbm>> -> memref<10240x128xf32, #tpu.memory_space<hbm>>
      tpu.enqueue_indirect_dma source(%dma_start3A_64 : memref<10240x128xf32, #tpu.memory_space<hbm>>) target(%arg8 : memref<128x128xf32, #tpu.memory_space<vmem>>) offsets(%dma_start3A_61 : memref<128xi32, #tpu.memory_space<vmem>>) semaphore(%arg11 : memref<!tpu.dma_semaphore, #tpu.memory_space<semaphore_mem>>)
      %scan3A_65 = arith.constant 0 : i32
      %scan3A_66 = arith.constant 0 : i32
      %scan3A_67 = arith.constant 4 : i32
      %scan3A_68 = arith.addi %scan3A_66, %scan3A_67 : i32
      %scan3A_69 = arith.constant 1 : i32
      %scan3A_70 = scf.for %scan3A_86 = %scan3A_66 to %scan3A_68 step %scan3A_69 iter_args(%scan3A_87 = %scan3A_65) -> (i32)  : i32 {
        %mul3A_88 = arith.constant 2 : i32
        %mul3A_89 = arith.muli %mul3A_88, %scan3A_86 : i32
        %mul3A_90 = arith.constant 2 : i32
        %mul3A_91 = arith.muli %mul3A_90, %scan3A_86 : i32
        %add3A_92 = arith.constant 1 : i32
        %add3A_93 = arith.addi %mul3A_91, %add3A_92 : i32
        %gt3A = arith.constant 0 : i32
        %gt3A_94 = arith.cmpi sgt, %scan3A_86, %gt3A : i32
        %convert_element_type3A = arith.extui %gt3A_94 : i1 to i32
        %cond3A = arith.constant 0 : i32
        %cond3A_95 = arith.cmpi ne, %convert_element_type3A, %cond3A : i32
        scf.if %cond3A_95 {
          %dma_wait3A_131 = arith.constant 0 : i32
          %dma_wait3A_132 = tpu.memref_slice %arg7[%add3A_93, %dma_wait3A_131] : memref<8x128xi32, #tpu.memory_space<vmem>> -> memref<1x128xi32, #tpu.memory_space<vmem>>
          %dma_wait3A_133 = tpu.memref_squeeze %dma_wait3A_132 : memref<1x128xi32, #tpu.memory_space<vmem>> -> memref<128xi32, #tpu.memory_space<vmem>>
          %dma_wait3A_134 = arith.constant 0 : i32
          %dma_wait3A_135 = arith.constant 0 : i32
          %dma_wait3A_136 = tpu.memref_slice %arg10[%dma_wait3A_134, %dma_wait3A_135] : memref<10240x128xf32, #tpu.memory_space<vmem_shared>> -> memref<10240x128xf32, #tpu.memory_space<vmem_shared>>
          tpu.wait_indirect_dma semaphore(%arg14 : memref<!tpu.dma_semaphore, #tpu.memory_space<semaphore_mem>>) src(%arg9 : memref<128x128xf32, #tpu.memory_space<vmem>>) dst(%dma_wait3A_136 : memref<10240x128xf32, #tpu.memory_space<vmem_shared>>)
        } else {
        }
        %dma_start3A_96 = arith.constant 0 : i32
        %dma_start3A_97 = tpu.memref_slice %arg6[%add3A_93, %dma_start3A_96] : memref<8x128xi32, #tpu.memory_space<vmem>> -> memref<1x128xi32, #tpu.memory_space<vmem>>
        %dma_start3A_98 = tpu.memref_squeeze %dma_start3A_97 : memref<1x128xi32, #tpu.memory_space<vmem>> -> memref<128xi32, #tpu.memory_space<vmem>>
        %dma_start3A_99 = arith.constant 0 : i32
        %dma_start3A_100 = arith.constant 0 : i32
        %dma_start3A_101 = tpu.memref_slice %arg4[%dma_start3A_99, %dma_start3A_100] : memref<10240x128xf32, #tpu.memory_space<hbm>> -> memref<10240x128xf32, #tpu.memory_space<hbm>>
        tpu.enqueue_indirect_dma source(%dma_start3A_101 : memref<10240x128xf32, #tpu.memory_space<hbm>>) target(%arg9 : memref<128x128xf32, #tpu.memory_space<vmem>>) offsets(%dma_start3A_98 : memref<128xi32, #tpu.memory_space<vmem>>) semaphore(%arg12 : memref<!tpu.dma_semaphore, #tpu.memory_space<semaphore_mem>>)
        %dma_wait3A_102 = arith.constant 0 : i32
        %dma_wait3A_103 = tpu.memref_slice %arg6[%mul3A_89, %dma_wait3A_102] : memref<8x128xi32, #tpu.memory_space<vmem>> -> memref<1x128xi32, #tpu.memory_space<vmem>>
        %dma_wait3A_104 = tpu.memref_squeeze %dma_wait3A_103 : memref<1x128xi32, #tpu.memory_space<vmem>> -> memref<128xi32, #tpu.memory_space<vmem>>
        %dma_wait3A_105 = arith.constant 0 : i32
        %dma_wait3A_106 = arith.constant 0 : i32
        %dma_wait3A_107 = tpu.memref_slice %arg4[%dma_wait3A_105, %dma_wait3A_106] : memref<10240x128xf32, #tpu.memory_space<hbm>> -> memref<10240x128xf32, #tpu.memory_space<hbm>>
        tpu.wait_indirect_dma semaphore(%arg11 : memref<!tpu.dma_semaphore, #tpu.memory_space<semaphore_mem>>) src(%dma_wait3A_107 : memref<10240x128xf32, #tpu.memory_space<hbm>>) dst(%arg8 : memref<128x128xf32, #tpu.memory_space<vmem>>)
        %dma_start3A_108 = arith.constant 0 : i32
        %dma_start3A_109 = tpu.memref_slice %arg7[%mul3A_89, %dma_start3A_108] : memref<8x128xi32, #tpu.memory_space<vmem>> -> memref<1x128xi32, #tpu.memory_space<vmem>>
        %dma_start3A_110 = tpu.memref_squeeze %dma_start3A_109 : memref<1x128xi32, #tpu.memory_space<vmem>> -> memref<128xi32, #tpu.memory_space<vmem>>
        %dma_start3A_111 = arith.constant 0 : i32
        %dma_start3A_112 = arith.constant 0 : i32
        %dma_start3A_113 = tpu.memref_slice %arg10[%dma_start3A_111, %dma_start3A_112] : memref<10240x128xf32, #tpu.memory_space<vmem_shared>> -> memref<10240x128xf32, #tpu.memory_space<vmem_shared>>
        tpu.enqueue_indirect_dma source(%arg8 : memref<128x128xf32, #tpu.memory_space<vmem>>) target(%dma_start3A_113 : memref<10240x128xf32, #tpu.memory_space<vmem_shared>>) offsets(%dma_start3A_110 : memref<128xi32, #tpu.memory_space<vmem>>) semaphore(%arg13 : memref<!tpu.dma_semaphore, #tpu.memory_space<semaphore_mem>>) {add = true}
        %lt3A = arith.constant 3 : i32
        %lt3A_114 = arith.cmpi slt, %scan3A_86, %lt3A : i32
        %convert_element_type3A_115 = arith.extui %lt3A_114 : i1 to i32
        %cond3A_116 = arith.constant 0 : i32
        %cond3A_117 = arith.cmpi ne, %convert_element_type3A_115, %cond3A_116 : i32
        scf.if %cond3A_117 {
          %dma_wait3A_131 = arith.constant 0 : i32
          %dma_wait3A_132 = tpu.memref_slice %arg7[%mul3A_89, %dma_wait3A_131] : memref<8x128xi32, #tpu.memory_space<vmem>> -> memref<1x128xi32, #tpu.memory_space<vmem>>
          %dma_wait3A_133 = tpu.memref_squeeze %dma_wait3A_132 : memref<1x128xi32, #tpu.memory_space<vmem>> -> memref<128xi32, #tpu.memory_space<vmem>>
          %dma_wait3A_134 = arith.constant 0 : i32
          %dma_wait3A_135 = arith.constant 0 : i32
          %dma_wait3A_136 = tpu.memref_slice %arg10[%dma_wait3A_134, %dma_wait3A_135] : memref<10240x128xf32, #tpu.memory_space<vmem_shared>> -> memref<10240x128xf32, #tpu.memory_space<vmem_shared>>
          tpu.wait_indirect_dma semaphore(%arg13 : memref<!tpu.dma_semaphore, #tpu.memory_space<semaphore_mem>>) src(%arg8 : memref<128x128xf32, #tpu.memory_space<vmem>>) dst(%dma_wait3A_136 : memref<10240x128xf32, #tpu.memory_space<vmem_shared>>)
          %add3A_137 = arith.constant 2 : i32
          %add3A_138 = arith.addi %mul3A_89, %add3A_137 : i32
          %dma_start3A_139 = arith.constant 0 : i32
          %dma_start3A_140 = tpu.memref_slice %arg6[%add3A_138, %dma_start3A_139] : memref<8x128xi32, #tpu.memory_space<vmem>> -> memref<1x128xi32, #tpu.memory_space<vmem>>
          %dma_start3A_141 = tpu.memref_squeeze %dma_start3A_140 : memref<1x128xi32, #tpu.memory_space<vmem>> -> memref<128xi32, #tpu.memory_space<vmem>>
          %dma_start3A_142 = arith.constant 0 : i32
          %dma_start3A_143 = arith.constant 0 : i32
          %dma_start3A_144 = tpu.memref_slice %arg4[%dma_start3A_142, %dma_start3A_143] : memref<10240x128xf32, #tpu.memory_space<hbm>> -> memref<10240x128xf32, #tpu.memory_space<hbm>>
          tpu.enqueue_indirect_dma source(%dma_start3A_144 : memref<10240x128xf32, #tpu.memory_space<hbm>>) target(%arg8 : memref<128x128xf32, #tpu.memory_space<vmem>>) offsets(%dma_start3A_141 : memref<128xi32, #tpu.memory_space<vmem>>) semaphore(%arg11 : memref<!tpu.dma_semaphore, #tpu.memory_space<semaphore_mem>>)
        } else {
        }
        %dma_wait3A_118 = arith.constant 0 : i32
        %dma_wait3A_119 = tpu.memref_slice %arg6[%add3A_93, %dma_wait3A_118] : memref<8x128xi32, #tpu.memory_space<vmem>> -> memref<1x128xi32, #tpu.memory_space<vmem>>
        %dma_wait3A_120 = tpu.memref_squeeze %dma_wait3A_119 : memref<1x128xi32, #tpu.memory_space<vmem>> -> memref<128xi32, #tpu.memory_space<vmem>>
        %dma_wait3A_121 = arith.constant 0 : i32
        %dma_wait3A_122 = arith.constant 0 : i32
        %dma_wait3A_123 = tpu.memref_slice %arg4[%dma_wait3A_121, %dma_wait3A_122] : memref<10240x128xf32, #tpu.memory_space<hbm>> -> memref<10240x128xf32, #tpu.memory_space<hbm>>
        tpu.wait_indirect_dma semaphore(%arg12 : memref<!tpu.dma_semaphore, #tpu.memory_space<semaphore_mem>>) src(%dma_wait3A_123 : memref<10240x128xf32, #tpu.memory_space<hbm>>) dst(%arg9 : memref<128x128xf32, #tpu.memory_space<vmem>>)
        %dma_start3A_124 = arith.constant 0 : i32
        %dma_start3A_125 = tpu.memref_slice %arg7[%add3A_93, %dma_start3A_124] : memref<8x128xi32, #tpu.memory_space<vmem>> -> memref<1x128xi32, #tpu.memory_space<vmem>>
        %dma_start3A_126 = tpu.memref_squeeze %dma_start3A_125 : memref<1x128xi32, #tpu.memory_space<vmem>> -> memref<128xi32, #tpu.memory_space<vmem>>
        %dma_start3A_127 = arith.constant 0 : i32
        %dma_start3A_128 = arith.constant 0 : i32
        %dma_start3A_129 = tpu.memref_slice %arg10[%dma_start3A_127, %dma_start3A_128] : memref<10240x128xf32, #tpu.memory_space<vmem_shared>> -> memref<10240x128xf32, #tpu.memory_space<vmem_shared>>
        tpu.enqueue_indirect_dma source(%arg9 : memref<128x128xf32, #tpu.memory_space<vmem>>) target(%dma_start3A_129 : memref<10240x128xf32, #tpu.memory_space<vmem_shared>>) offsets(%dma_start3A_126 : memref<128xi32, #tpu.memory_space<vmem>>) semaphore(%arg14 : memref<!tpu.dma_semaphore, #tpu.memory_space<semaphore_mem>>) {add = true}
        %scan3A_130 = arith.constant 0 : i32
        scf.yield %scan3A_130 : i32
      }
      %scan3A_71 = arith.constant 4 : i32
      %dma_wait3A = arith.constant 0 : i32
      %dma_wait3A_72 = arith.constant 0 : i32
      %dma_wait3A_73 = tpu.memref_slice %arg7[%dma_wait3A, %dma_wait3A_72] : memref<8x128xi32, #tpu.memory_space<vmem>> -> memref<1x128xi32, #tpu.memory_space<vmem>>
      %dma_wait3A_74 = tpu.memref_squeeze %dma_wait3A_73 : memref<1x128xi32, #tpu.memory_space<vmem>> -> memref<128xi32, #tpu.memory_space<vmem>>
      %dma_wait3A_75 = arith.constant 0 : i32
      %dma_wait3A_76 = arith.constant 0 : i32
      %dma_wait3A_77 = tpu.memref_slice %arg10[%dma_wait3A_75, %dma_wait3A_76] : memref<10240x128xf32, #tpu.memory_space<vmem_shared>> -> memref<10240x128xf32, #tpu.memory_space<vmem_shared>>
      tpu.wait_indirect_dma semaphore(%arg13 : memref<!tpu.dma_semaphore, #tpu.memory_space<semaphore_mem>>) src(%arg8 : memref<128x128xf32, #tpu.memory_space<vmem>>) dst(%dma_wait3A_77 : memref<10240x128xf32, #tpu.memory_space<vmem_shared>>)
      %dma_wait3A_78 = arith.constant 0 : i32
      %dma_wait3A_79 = arith.constant 0 : i32
      %dma_wait3A_80 = tpu.memref_slice %arg7[%dma_wait3A_78, %dma_wait3A_79] : memref<8x128xi32, #tpu.memory_space<vmem>> -> memref<1x128xi32, #tpu.memory_space<vmem>>
      %dma_wait3A_81 = tpu.memref_squeeze %dma_wait3A_80 : memref<1x128xi32, #tpu.memory_space<vmem>> -> memref<128xi32, #tpu.memory_space<vmem>>
      %dma_wait3A_82 = arith.constant 0 : i32
      %dma_wait3A_83 = arith.constant 0 : i32
      %dma_wait3A_84 = tpu.memref_slice %arg10[%dma_wait3A_82, %dma_wait3A_83] : memref<10240x128xf32, #tpu.memory_space<vmem_shared>> -> memref<10240x128xf32, #tpu.memory_space<vmem_shared>>
      tpu.wait_indirect_dma semaphore(%arg14 : memref<!tpu.dma_semaphore, #tpu.memory_space<semaphore_mem>>) src(%arg9 : memref<128x128xf32, #tpu.memory_space<vmem>>) dst(%dma_wait3A_84 : memref<10240x128xf32, #tpu.memory_space<vmem_shared>>)
      %while3A_85 = arith.constant 0 : i32
      scf.yield %while3A_85 : i32
    }
    %barrier3A_46 = arith.constant 0 : index
    tpu.barrier barrier_id(%barrier3A_46)
    %mul3A_47 = arith.constant 10240 : i32
    %mul3A_48 = arith.muli %arg0, %mul3A_47 : i32
    %mul3A_49 = arith.constant 640 : i32
    %mul3A_50 = arith.muli %arg1, %mul3A_49 : i32
    %add3A_51 = arith.addi %mul3A_48, %mul3A_50 : i32
    %mul3A_52 = arith.constant 640 : i32
    %mul3A_53 = arith.muli %arg1, %mul3A_52 : i32
    "tpu.region"() ({
      %run_scoped3A = tpu.sem_alloc : memref<!tpu.dma_semaphore, #tpu.memory_space<semaphore_mem>>
      %dma_start3A = arith.constant 0 : i32
      %dma_start3A_54 = tpu.memref_slice %arg5[%add3A_51, %dma_start3A] : memref<20480x128xf32, #tpu.memory_space<hbm>> -> memref<640x128xf32, #tpu.memory_space<hbm>>
      %dma_start3A_55 = arith.constant 0 : i32
      %dma_start3A_56 = tpu.memref_slice %arg10[%mul3A_53, %dma_start3A_55] : memref<10240x128xf32, #tpu.memory_space<vmem_shared>> -> memref<640x128xf32, #tpu.memory_space<vmem_shared>>
      tpu.enqueue_dma source(%dma_start3A_56 : memref<640x128xf32, #tpu.memory_space<vmem_shared>>) target(%dma_start3A_54 : memref<640x128xf32, #tpu.memory_space<hbm>>) target_semaphore(%run_scoped3A : memref<!tpu.dma_semaphore, #tpu.memory_space<semaphore_mem>>)
      %dma_wait3A = arith.constant 0 : i32
      %dma_wait3A_57 = tpu.memref_slice %arg5[%add3A_51, %dma_wait3A] : memref<20480x128xf32, #tpu.memory_space<hbm>> -> memref<640x128xf32, #tpu.memory_space<hbm>>
      %dma_wait3A_58 = arith.constant 0 : i32
      %dma_wait3A_59 = tpu.memref_slice %arg10[%mul3A_53, %dma_wait3A_58] : memref<10240x128xf32, #tpu.memory_space<vmem_shared>> -> memref<640x128xf32, #tpu.memory_space<vmem_shared>>
      tpu.wait_dma2 semaphore(%run_scoped3A : memref<!tpu.dma_semaphore, #tpu.memory_space<semaphore_mem>>) src(%dma_wait3A_59 : memref<640x128xf32, #tpu.memory_space<vmem_shared>>) dst(%dma_wait3A_57 : memref<640x128xf32, #tpu.memory_space<hbm>>)
      tpu.yield
    }) : () -> ()
    return
  }
}

module attributes {stable_mosaic.version = 14 : i64} {
  func.func @_tc1_body(%arg0: i32, %arg1: memref<128x128xf32, #tpu.memory_space<vmem>>, %arg2: memref<128x128xf32, #tpu.memory_space<vmem>>, %arg3: memref<128x1xf32, #tpu.memory_space<vmem>>, %arg4: memref<128x1xf32, #tpu.memory_space<vmem>>, %arg5: memref<128x128xf32, #tpu.memory_space<vmem>>, %arg6: memref<128x1xf32, #tpu.memory_space<vmem>>, %arg7: memref<128x1xf32, #tpu.memory_space<vmem>>) attributes {dimension_semantics = [#tpu.dimension_semantics<arbitrary>], iteration_bounds = array<i64: 80>, scalar_prefetch = 0 : i64, scratch_operands = 0 : i64, tpu.core_type = #tpu.core_type<tc>, window_params = [{transform_indices = @transform_0, window_bounds = array<i64: 128, 128>}, {pipeline_mode = #tpu.pipeline_mode<synchronous>, transform_indices = @transform_1, window_bounds = array<i64: 128, 128>}, {pipeline_mode = #tpu.pipeline_mode<synchronous>, transform_indices = @transform_2, window_bounds = array<i64: 128, 1>}, {pipeline_mode = #tpu.pipeline_mode<synchronous>, transform_indices = @transform_3, window_bounds = array<i64: 128, 1>}, {transform_indices = @transform_4, window_bounds = array<i64: 128, 128>}, {transform_indices = @transform_5, window_bounds = array<i64: 128, 1>}, {transform_indices = @transform_6, window_bounds = array<i64: 128, 1>}]} {
    %get3A = arith.constant 0 : index
    %get3A_0 = arith.constant 0 : index
    %get3A_1 = vector.load %arg1[%get3A, %get3A_0] : memref<128x128xf32, #tpu.memory_space<vmem>>, vector<128x128xf32>
    %get3A_2 = arith.constant 0 : index
    %get3A_3 = arith.constant 0 : index
    %get3A_4 = vector.load %arg2[%get3A_2, %get3A_3] : memref<128x128xf32, #tpu.memory_space<vmem>>, vector<128x128xf32>
    %dot_general3A = arith.constant dense<0.000000e+00> : vector<128x128xf32>
    %dot_general3A_5 = tpu.matmul %get3A_1, %get3A_4, %dot_general3A {dimension_numbers = #tpu.dot_dimension_numbers<[1], [0], [0], [1], [0, 0, 1, 1], [], []>, transpose_lhs_hint = false} : vector<128x128xf32>, vector<128x128xf32>, vector<128x128xf32> -> vector<128x128xf32>
    %swap3A = arith.constant 0 : index
    %swap3A_6 = arith.constant 0 : index
    %swap3A_7 = vector.load %arg5[%swap3A, %swap3A_6] : memref<128x128xf32, #tpu.memory_space<vmem>>, vector<128x128xf32>
    tpu.vector_store %arg5[%swap3A, %swap3A_6], %dot_general3A_5 {strides = array<i32>} : memref<128x128xf32, #tpu.memory_space<vmem>>, vector<128x128xf32>,
    %get3A_8 = arith.constant 0 : index
    %get3A_9 = arith.constant 0 : index
    %get3A_10 = vector.load %arg3[%get3A_8, %get3A_9] : memref<128x1xf32, #tpu.memory_space<vmem>>, vector<128x1xf32>
    %dot_general3A_11 = arith.constant dense<0.000000e+00> : vector<128x1xf32>
    %dot_general3A_12 = tpu.matmul %dot_general3A_5, %get3A_10, %dot_general3A_11 {dimension_numbers = #tpu.dot_dimension_numbers<[1], [0], [0], [1], [0, 0, 1, 1], [], []>, transpose_lhs_hint = false} : vector<128x128xf32>, vector<128x1xf32>, vector<128x1xf32> -> vector<128x1xf32>
    %swap3A_13 = arith.constant 0 : index
    %swap3A_14 = arith.constant 0 : index
    %swap3A_15 = vector.load %arg6[%swap3A_13, %swap3A_14] : memref<128x1xf32, #tpu.memory_space<vmem>>, vector<128x1xf32>
    tpu.vector_store %arg6[%swap3A_13, %swap3A_14], %dot_general3A_12 {strides = array<i32>} : memref<128x1xf32, #tpu.memory_space<vmem>>, vector<128x1xf32>,
    %get3A_16 = arith.constant 0 : index
    %get3A_17 = arith.constant 0 : index
    %get3A_18 = vector.load %arg4[%get3A_16, %get3A_17] : memref<128x1xf32, #tpu.memory_space<vmem>>, vector<128x1xf32>
    %dot_general3A_19 = arith.constant dense<0.000000e+00> : vector<128x1xf32>
    %dot_general3A_20 = tpu.matmul %dot_general3A_5, %get3A_18, %dot_general3A_19 {dimension_numbers = #tpu.dot_dimension_numbers<[1], [0], [0], [1], [0, 0, 1, 1], [], []>, transpose_lhs_hint = false} : vector<128x128xf32>, vector<128x1xf32>, vector<128x1xf32> -> vector<128x1xf32>
    %swap3A_21 = arith.constant 0 : index
    %swap3A_22 = arith.constant 0 : index
    %swap3A_23 = vector.load %arg7[%swap3A_21, %swap3A_22] : memref<128x1xf32, #tpu.memory_space<vmem>>, vector<128x1xf32>
    tpu.vector_store %arg7[%swap3A_21, %swap3A_22], %dot_general3A_20 {strides = array<i32>} : memref<128x1xf32, #tpu.memory_space<vmem>>, vector<128x1xf32>,
    return
  }
  func.func @transform_0(%arg0: i32) -> (i32, i32) {
    %c0_i32 = arith.constant 0 : i32
    %c0_i32_0 = arith.constant 0 : i32
    return %arg0, %c0_i32 : i32, i32
  }
  func.func @transform_1(%arg0: i32) -> (i32, i32) {
    %c0_i32 = arith.constant 0 : i32
    %c0_i32_0 = arith.constant 0 : i32
    %c0_i32_1 = arith.constant 0 : i32
    return %c0_i32, %c0_i32_0 : i32, i32
  }
  func.func @transform_2(%arg0: i32) -> (i32, i32) {
    %c0_i32 = arith.constant 0 : i32
    %c0_i32_0 = arith.constant 0 : i32
    %c0_i32_1 = arith.constant 0 : i32
    return %c0_i32, %c0_i32_0 : i32, i32
  }
  func.func @transform_3(%arg0: i32) -> (i32, i32) {
    %c0_i32 = arith.constant 0 : i32
    %c0_i32_0 = arith.constant 0 : i32
    %c0_i32_1 = arith.constant 0 : i32
    return %c0_i32, %c0_i32_0 : i32, i32
  }
  func.func @transform_4(%arg0: i32) -> (i32, i32) {
    %c0_i32 = arith.constant 0 : i32
    %c0_i32_0 = arith.constant 0 : i32
    return %arg0, %c0_i32 : i32, i32
  }
  func.func @transform_5(%arg0: i32) -> (i32, i32) {
    %c0_i32 = arith.constant 0 : i32
    %c0_i32_0 = arith.constant 0 : i32
    return %arg0, %c0_i32 : i32, i32
  }
  func.func @transform_6(%arg0: i32) -> (i32, i32) {
    %c0_i32 = arith.constant 0 : i32
    %c0_i32_0 = arith.constant 0 : i32
    return %arg0, %c0_i32 : i32, i32
  }
}

module attributes {stable_mosaic.version = 14 : i64} {
  func.func @_tc2_body(%arg0: i32, %arg1: memref<1x128x128xf32, #tpu.memory_space<vmem>>, %arg2: memref<1x128x128xf32, #tpu.memory_space<vmem>>, %arg3: memref<128x128xf32, #tpu.memory_space<vmem>>, %arg4: memref<128x1xf32, #tpu.memory_space<vmem>>, %arg5: memref<128x1xf32, #tpu.memory_space<vmem>>, %arg6: memref<1x128x1xf32, #tpu.memory_space<vmem>>, %arg7: memref<1x128x1xf32, #tpu.memory_space<vmem>>, %arg8: memref<1x128x1xf32, #tpu.memory_space<vmem>>, %arg9: memref<1x128x1xf32, #tpu.memory_space<vmem>>, %arg10: memref<1x128xf32, #tpu.memory_space<vmem>>, %arg11: memref<128x64xf32, #tpu.memory_space<vmem>>, %arg12: memref<128x128xf32, #tpu.memory_space<vmem>>, %arg13: memref<128x1xf32, #tpu.memory_space<vmem>>) attributes {dimension_semantics = [#tpu.dimension_semantics<arbitrary>], iteration_bounds = array<i64: 80>, scalar_prefetch = 0 : i64, scratch_operands = 0 : i64, tpu.core_type = #tpu.core_type<tc>, window_params = [{transform_indices = @transform_0, window_bounds = array<i64: 1, 128, 128>}, {transform_indices = @transform_1, window_bounds = array<i64: 1, 128, 128>}, {transform_indices = @transform_2, window_bounds = array<i64: 128, 128>}, {transform_indices = @transform_3, window_bounds = array<i64: 128, 1>}, {transform_indices = @transform_4, window_bounds = array<i64: 128, 1>}, {transform_indices = @transform_5, window_bounds = array<i64: 1, 128, 1>}, {transform_indices = @transform_6, window_bounds = array<i64: 1, 128, 1>}, {transform_indices = @transform_7, window_bounds = array<i64: 1, 128, 1>}, {transform_indices = @transform_8, window_bounds = array<i64: 1, 128, 1>}, {pipeline_mode = #tpu.pipeline_mode<synchronous>, transform_indices = @transform_9, window_bounds = array<i64: 1, 128>}, {pipeline_mode = #tpu.pipeline_mode<synchronous>, transform_indices = @transform_10, window_bounds = array<i64: 128, 64>}, {transform_indices = @transform_11, window_bounds = array<i64: 128, 128>}, {transform_indices = @transform_12, window_bounds = array<i64: 128, 1>}]} {
    %get3A = arith.constant 0 : index
    %get3A_0 = arith.constant 0 : index
    %get3A_1 = vector.load %arg4[%get3A, %get3A_0] : memref<128x1xf32, #tpu.memory_space<vmem>>, vector<128x1xf32>
    %get3A_2 = arith.constant 0 : index
    %get3A_3 = arith.constant 0 : index
    %get3A_4 = vector.load %arg5[%get3A_2, %get3A_3] : memref<128x1xf32, #tpu.memory_space<vmem>>, vector<128x1xf32>
    %add3A = arith.addf %get3A_1, %get3A_4 : vector<128x1xf32>
    %gt3A = arith.constant 0.000000e+00 : f32
    %gt3A_5 = vector.broadcast %gt3A : f32 to vector<128x1xf32>
    %gt3A_6 = arith.cmpf ogt, %add3A, %gt3A_5 : vector<128x1xf32>
    %mul3A = arith.constant 2.000000e-01 : f32
    %mul3A_7 = vector.broadcast %mul3A : f32 to vector<128x1xf32>
    %mul3A_8 = arith.mulf %mul3A_7, %add3A : vector<128x1xf32>
    %select_n3A = arith.select %gt3A_6, %add3A, %mul3A_8 : vector<128x1xi1>, vector<128x1xf32>
    %exp3A = math.exp %select_n3A : vector<128x1xf32>
    %get3A_9 = arith.constant 0 : index
    %get3A_10 = arith.constant 0 : index
    %get3A_11 = arith.constant 0 : index
    %get3A_12 = vector.load %arg1[%get3A_9, %get3A_10, %get3A_11] : memref<1x128x128xf32, #tpu.memory_space<vmem>>, vector<1x128x128xf32>
    %get3A_13 = vector.shape_cast %get3A_12 : vector<1x128x128xf32> to vector<128x128xf32>
    %get3A_14 = arith.constant 0 : index
    %get3A_15 = arith.constant 0 : index
    %get3A_16 = arith.constant 0 : index
    %get3A_17 = vector.load %arg2[%get3A_14, %get3A_15, %get3A_16] : memref<1x128x128xf32, #tpu.memory_space<vmem>>, vector<1x128x128xf32>
    %get3A_18 = vector.shape_cast %get3A_17 : vector<1x128x128xf32> to vector<128x128xf32>
    %add3A_19 = arith.addf %get3A_13, %get3A_18 : vector<128x128xf32>
    %get3A_20 = arith.constant 0 : index
    %get3A_21 = arith.constant 0 : index
    %get3A_22 = vector.load %arg3[%get3A_20, %get3A_21] : memref<128x128xf32, #tpu.memory_space<vmem>>, vector<128x128xf32>
    %mul3A_23 = vector.broadcast %exp3A : vector<128x1xf32> to vector<128x128xf32>
    %mul3A_24 = arith.mulf %mul3A_23, %get3A_22 : vector<128x128xf32>
    %add3A_25 = arith.addf %add3A_19, %mul3A_24 : vector<128x128xf32>
    %get3A_26 = arith.constant 0 : index
    %get3A_27 = arith.constant 0 : index
    %get3A_28 = arith.constant 0 : index
    %get3A_29 = vector.load %arg6[%get3A_26, %get3A_27, %get3A_28] : memref<1x128x1xf32, #tpu.memory_space<vmem>>, vector<1x128x1xf32>
    %get3A_30 = vector.shape_cast %get3A_29 : vector<1x128x1xf32> to vector<128x1xf32>
    %get3A_31 = arith.constant 0 : index
    %get3A_32 = arith.constant 0 : index
    %get3A_33 = arith.constant 0 : index
    %get3A_34 = vector.load %arg7[%get3A_31, %get3A_32, %get3A_33] : memref<1x128x1xf32, #tpu.memory_space<vmem>>, vector<1x128x1xf32>
    %get3A_35 = vector.shape_cast %get3A_34 : vector<1x128x1xf32> to vector<128x1xf32>
    %add3A_36 = arith.addf %get3A_30, %get3A_35 : vector<128x1xf32>
    %add3A_37 = arith.addf %add3A_36, %exp3A : vector<128x1xf32>
    %add3A_38 = arith.constant 1.000000e-16 : f32
    %add3A_39 = vector.broadcast %add3A_38 : f32 to vector<128x1xf32>
    %add3A_40 = arith.addf %add3A_37, %add3A_39 : vector<128x1xf32>
    %div3A = vector.broadcast %add3A_40 : vector<128x1xf32> to vector<128x128xf32>
    %div3A_41 = arith.divf %add3A_25, %div3A : vector<128x128xf32>
    %get3A_42 = arith.constant 0 : index
    %get3A_43 = arith.constant 0 : index
    %get3A_44 = vector.load %arg10[%get3A_42, %get3A_43] : memref<1x128xf32, #tpu.memory_space<vmem>>, vector<1x128xf32>
    %add3A_45 = vector.broadcast %get3A_44 : vector<1x128xf32> to vector<128x128xf32>
    %add3A_46 = arith.addf %div3A_41, %add3A_45 : vector<128x128xf32>
    %max3A = arith.constant 0.000000e+00 : f32
    %max3A_47 = vector.broadcast %max3A : f32 to vector<128x128xf32>
    %max3A_48 = arith.maximumf %add3A_46, %max3A_47 : vector<128x128xf32>
    %get3A_49 = arith.constant 0 : index
    %get3A_50 = arith.constant 0 : index
    %get3A_51 = vector.load %arg11[%get3A_49, %get3A_50] : memref<128x64xf32, #tpu.memory_space<vmem>>, vector<128x64xf32>
    %dot_general3A = arith.constant dense<0.000000e+00> : vector<128x64xf32>
    %dot_general3A_52 = tpu.matmul %max3A_48, %get3A_51, %dot_general3A {dimension_numbers = #tpu.dot_dimension_numbers<[1], [0], [0], [1], [0, 0, 1, 1], [], []>, transpose_lhs_hint = false} : vector<128x128xf32>, vector<128x64xf32>, vector<128x64xf32> -> vector<128x64xf32>
    %get3A_53 = arith.constant 0 : index
    %get3A_54 = arith.constant 0 : index
    %get3A_55 = arith.constant 0 : index
    %get3A_56 = vector.load %arg8[%get3A_53, %get3A_54, %get3A_55] : memref<1x128x1xf32, #tpu.memory_space<vmem>>, vector<1x128x1xf32>
    %get3A_57 = vector.shape_cast %get3A_56 : vector<1x128x1xf32> to vector<128x1xf32>
    %get3A_58 = arith.constant 0 : index
    %get3A_59 = arith.constant 0 : index
    %get3A_60 = arith.constant 0 : index
    %get3A_61 = vector.load %arg9[%get3A_58, %get3A_59, %get3A_60] : memref<1x128x1xf32, #tpu.memory_space<vmem>>, vector<1x128x1xf32>
    %get3A_62 = vector.shape_cast %get3A_61 : vector<1x128x1xf32> to vector<128x1xf32>
    %add3A_63 = arith.addf %get3A_57, %get3A_62 : vector<128x1xf32>
    %add3A_64 = arith.constant 1.000000e+00 : f32
    %add3A_65 = vector.broadcast %add3A_64 : f32 to vector<128x1xf32>
    %add3A_66 = arith.addf %add3A_63, %add3A_65 : vector<128x1xf32>
    %rsqrt3A = math.rsqrt %add3A_66 : vector<128x1xf32>
    %mul3A_67 = vector.broadcast %rsqrt3A : vector<128x1xf32> to vector<128x64xf32>
    %mul3A_68 = arith.mulf %dot_general3A_52, %mul3A_67 : vector<128x64xf32>
    %broadcast_in_dim3A = arith.constant 0.000000e+00 : f32
    %broadcast_in_dim3A_69 = vector.broadcast %broadcast_in_dim3A : f32 to vector<128x64xf32>
    %concatenate3A = tpu.concatenate %mul3A_68, %broadcast_in_dim3A_69 in 1 : vector<128x64xf32>, vector<128x64xf32> -> vector<128x128xf32>
    %swap3A = arith.constant 0 : index
    %swap3A_70 = arith.constant 0 : index
    %swap3A_71 = vector.load %arg12[%swap3A, %swap3A_70] : memref<128x128xf32, #tpu.memory_space<vmem>>, vector<128x128xf32>
    tpu.vector_store %arg12[%swap3A, %swap3A_70], %concatenate3A {strides = array<i32>} : memref<128x128xf32, #tpu.memory_space<vmem>>, vector<128x128xf32>,
    %swap3A_72 = arith.constant 0 : index
    %swap3A_73 = arith.constant 0 : index
    %swap3A_74 = vector.load %arg13[%swap3A_72, %swap3A_73] : memref<128x1xf32, #tpu.memory_space<vmem>>, vector<128x1xf32>
    tpu.vector_store %arg13[%swap3A_72, %swap3A_73], %rsqrt3A {strides = array<i32>} : memref<128x1xf32, #tpu.memory_space<vmem>>, vector<128x1xf32>,
    return
  }
  func.func @transform_0(%arg0: i32) -> (i32, i32, i32) {
    %c0_i32 = arith.constant 0 : i32
    %c0_i32_0 = arith.constant 0 : i32
    %c0_i32_1 = arith.constant 0 : i32
    return %c0_i32, %arg0, %c0_i32_0 : i32, i32, i32
  }
  func.func @transform_1(%arg0: i32) -> (i32, i32, i32) {
    %c1_i32 = arith.constant 1 : i32
    %c0_i32 = arith.constant 0 : i32
    %c0_i32_0 = arith.constant 0 : i32
    return %c1_i32, %arg0, %c0_i32 : i32, i32, i32
  }
  func.func @transform_2(%arg0: i32) -> (i32, i32) {
    %c0_i32 = arith.constant 0 : i32
    %c0_i32_0 = arith.constant 0 : i32
    return %arg0, %c0_i32 : i32, i32
  }
  func.func @transform_3(%arg0: i32) -> (i32, i32) {
    %c0_i32 = arith.constant 0 : i32
    %c0_i32_0 = arith.constant 0 : i32
    return %arg0, %c0_i32 : i32, i32
  }
  func.func @transform_4(%arg0: i32) -> (i32, i32) {
    %c0_i32 = arith.constant 0 : i32
    %c0_i32_0 = arith.constant 0 : i32
    return %arg0, %c0_i32 : i32, i32
  }
  func.func @transform_5(%arg0: i32) -> (i32, i32, i32) {
    %c0_i32 = arith.constant 0 : i32
    %c0_i32_0 = arith.constant 0 : i32
    %c0_i32_1 = arith.constant 0 : i32
    return %c0_i32, %arg0, %c0_i32_0 : i32, i32, i32
  }
  func.func @transform_6(%arg0: i32) -> (i32, i32, i32) {
    %c1_i32 = arith.constant 1 : i32
    %c0_i32 = arith.constant 0 : i32
    %c0_i32_0 = arith.constant 0 : i32
    return %c1_i32, %arg0, %c0_i32 : i32, i32, i32
  }
  func.func @transform_7(%arg0: i32) -> (i32, i32, i32) {
    %c0_i32 = arith.constant 0 : i32
    %c0_i32_0 = arith.constant 0 : i32
    %c0_i32_1 = arith.constant 0 : i32
    return %c0_i32, %arg0, %c0_i32_0 : i32, i32, i32
  }
  func.func @transform_8(%arg0: i32) -> (i32, i32, i32) {
    %c1_i32 = arith.constant 1 : i32
    %c0_i32 = arith.constant 0 : i32
    %c0_i32_0 = arith.constant 0 : i32
    return %c1_i32, %arg0, %c0_i32 : i32, i32, i32
  }
  func.func @transform_9(%arg0: i32) -> (i32, i32) {
    %c0_i32 = arith.constant 0 : i32
    %c0_i32_0 = arith.constant 0 : i32
    %c0_i32_1 = arith.constant 0 : i32
    return %c0_i32, %c0_i32_0 : i32, i32
  }
  func.func @transform_10(%arg0: i32) -> (i32, i32) {
    %c0_i32 = arith.constant 0 : i32
    %c0_i32_0 = arith.constant 0 : i32
    %c0_i32_1 = arith.constant 0 : i32
    return %c0_i32, %c0_i32_0 : i32, i32
  }
  func.func @transform_11(%arg0: i32) -> (i32, i32) {
    %c0_i32 = arith.constant 0 : i32
    %c0_i32_0 = arith.constant 0 : i32
    return %arg0, %c0_i32 : i32, i32
  }
  func.func @transform_12(%arg0: i32) -> (i32, i32) {
    %c0_i32 = arith.constant 0 : i32
    %c0_i32_0 = arith.constant 0 : i32
    return %arg0, %c0_i32 : i32, i32
  }
}

module attributes {stable_mosaic.version = 14 : i64} {
  func.func @_tc3_body(%arg0: i32, %arg1: memref<1x128x128xf32, #tpu.memory_space<vmem>>, %arg2: memref<1x128x128xf32, #tpu.memory_space<vmem>>, %arg3: memref<128x128xf32, #tpu.memory_space<vmem>>, %arg4: memref<128x1xf32, #tpu.memory_space<vmem>>, %arg5: memref<1x64xf32, #tpu.memory_space<vmem>>, %arg6: memref<128x64xf32, #tpu.memory_space<vmem>>) attributes {dimension_semantics = [#tpu.dimension_semantics<arbitrary>], iteration_bounds = array<i64: 80>, scalar_prefetch = 0 : i64, scratch_operands = 0 : i64, tpu.core_type = #tpu.core_type<tc>, window_params = [{transform_indices = @transform_0, window_bounds = array<i64: 1, 128, 128>}, {transform_indices = @transform_1, window_bounds = array<i64: 1, 128, 128>}, {transform_indices = @transform_2, window_bounds = array<i64: 128, 128>}, {transform_indices = @transform_3, window_bounds = array<i64: 128, 1>}, {pipeline_mode = #tpu.pipeline_mode<synchronous>, transform_indices = @transform_4, window_bounds = array<i64: 1, 64>}, {transform_indices = @transform_5, window_bounds = array<i64: 128, 64>}]} {
    %get3A = arith.constant 0 : index
    %get3A_0 = arith.constant 0 : index
    %get3A_1 = arith.constant 0 : index
    %get3A_2 = vector.load %arg1[%get3A, %get3A_0, %get3A_1] : memref<1x128x128xf32, #tpu.memory_space<vmem>>, vector<1x128x128xf32>
    %get3A_3 = vector.shape_cast %get3A_2 : vector<1x128x128xf32> to vector<128x128xf32>
    %get3A_4 = arith.constant 0 : index
    %get3A_5 = arith.constant 0 : index
    %get3A_6 = arith.constant 0 : index
    %get3A_7 = vector.load %arg2[%get3A_4, %get3A_5, %get3A_6] : memref<1x128x128xf32, #tpu.memory_space<vmem>>, vector<1x128x128xf32>
    %get3A_8 = vector.shape_cast %get3A_7 : vector<1x128x128xf32> to vector<128x128xf32>
    %add3A = arith.addf %get3A_3, %get3A_8 : vector<128x128xf32>
    %get3A_9 = arith.constant 0 : index
    %get3A_10 = arith.constant 0 : index
    %get3A_11 = vector.load %arg3[%get3A_9, %get3A_10] : memref<128x128xf32, #tpu.memory_space<vmem>>, vector<128x128xf32>
    %add3A_12 = arith.addf %add3A, %get3A_11 : vector<128x128xf32>
    %slice3A = vector.extract_strided_slice %add3A_12 {offsets = [0, 0], sizes = [128, 64], strides = [1, 1]} : vector<128x128xf32> to vector<128x64xf32>
    %get3A_13 = arith.constant 0 : index
    %get3A_14 = arith.constant 0 : index
    %get3A_15 = vector.load %arg4[%get3A_13, %get3A_14] : memref<128x1xf32, #tpu.memory_space<vmem>>, vector<128x1xf32>
    %mul3A = vector.broadcast %get3A_15 : vector<128x1xf32> to vector<128x64xf32>
    %mul3A_16 = arith.mulf %mul3A, %slice3A : vector<128x64xf32>
    %get3A_17 = arith.constant 0 : index
    %get3A_18 = arith.constant 0 : index
    %get3A_19 = vector.load %arg5[%get3A_17, %get3A_18] : memref<1x64xf32, #tpu.memory_space<vmem>>, vector<1x64xf32>
    %add3A_20 = vector.broadcast %get3A_19 : vector<1x64xf32> to vector<128x64xf32>
    %add3A_21 = arith.addf %mul3A_16, %add3A_20 : vector<128x64xf32>
    %swap3A = arith.constant 0 : index
    %swap3A_22 = arith.constant 0 : index
    %swap3A_23 = vector.load %arg6[%swap3A, %swap3A_22] : memref<128x64xf32, #tpu.memory_space<vmem>>, vector<128x64xf32>
    tpu.vector_store %arg6[%swap3A, %swap3A_22], %add3A_21 {strides = array<i32>} : memref<128x64xf32, #tpu.memory_space<vmem>>, vector<128x64xf32>,
    return
  }
  func.func @transform_0(%arg0: i32) -> (i32, i32, i32) {
    %c0_i32 = arith.constant 0 : i32
    %c0_i32_0 = arith.constant 0 : i32
    %c0_i32_1 = arith.constant 0 : i32
    return %c0_i32, %arg0, %c0_i32_0 : i32, i32, i32
  }
  func.func @transform_1(%arg0: i32) -> (i32, i32, i32) {
    %c1_i32 = arith.constant 1 : i32
    %c0_i32 = arith.constant 0 : i32
    %c0_i32_0 = arith.constant 0 : i32
    return %c1_i32, %arg0, %c0_i32 : i32, i32, i32
  }
  func.func @transform_2(%arg0: i32) -> (i32, i32) {
    %c0_i32 = arith.constant 0 : i32
    %c0_i32_0 = arith.constant 0 : i32
    return %arg0, %c0_i32 : i32, i32
  }
  func.func @transform_3(%arg0: i32) -> (i32, i32) {
    %c0_i32 = arith.constant 0 : i32
    %c0_i32_0 = arith.constant 0 : i32
    return %arg0, %c0_i32 : i32, i32
  }
  func.func @transform_4(%arg0: i32) -> (i32, i32) {
    %c0_i32 = arith.constant 0 : i32
    %c0_i32_0 = arith.constant 0 : i32
    %c0_i32_1 = arith.constant 0 : i32
    return %c0_i32, %c0_i32_0 : i32, i32
  }
  func.func @transform_5(%arg0: i32) -> (i32, i32) {
    %c0_i32 = arith.constant 0 : i32
    %c0_i32_0 = arith.constant 0 : i32
    return %arg0, %c0_i32 : i32, i32
  }
}

</mosaic_0001>

<sc_bundles>
// kernel: kernel.10.cloned.1.call-start
scs
__scs_entry_jumppad:
0x0: {  	(pc) =	sbr.rel $0x88, $3  }
0x1: {  	(tag) =	ssettag $0x0;
	lr =	simm.s32 $0x1  }
0x2: {  	[smem:$0x3F99] =	sst lr;
	_ =	strace $0xD0000000  }
0x3: {  	_ = 	snop  }
0x4: {  	_ = 	snop  }
0x5: {  	_ = 	snop  }
0x6: {  	_ = 	snop  }
0x7: {  	_ = 	snop  }
__scs_overlays_trampoline_lowered:
0x8: {  	[smem:$0x3FA8] =	sst s0  }
0x9: {  	[smem:$0x3FA9] =	sst s1  }
0xa: {  	[smem:$0x3FAA] =	sst s2  }
0xb: {  	[smem:$0x3FAB] =	sst s3  }
0xc: {  	[smem:$0x3FAC] =	sst s4  }
0xd: {  	[smem:$0x3FAD] =	sst s5  }
0xe: {  	[smem:$0x3FAE] =	sst s6  }
0xf: {  	[smem:$0x3FAF] =	sst s7  }
0x10: {  	[smem:$0x3FB0] =	sst s8  }
0x11: {  	[smem:$0x3FB1] =	sst s9;
	s0 =	simm.s32 @!p0 $0x0  }
0x12: {  	s1 =	sld [smem:$0x3F97];
	s0 =	simm.s32 @p0 $0x1  }
0x13: {  	[smem:$0x3FB2] =	sst s0;
	s0 =	simm.s32 @!p1 $0x0  }
0x14: {  	s2 =	sld [smem:$0x3F96];
	s0 =	simm.s32 @p1 $0x1  }
0x15: {  	[smem:$0x3FB3] =	sst s0;
	s0 =	simm.s32 @!p2 $0x0  }
0x16: {  	s3 =	sld [smem:$0x3FDB];
	s0 =	simm.s32 @p2 $0x1  }
0x17: {  	s4 =	simm.s32 $0x1BF5;
	[smem:$0x3FB5] =	sst s0  }
0x18: {  	s0 =	sld [smem:$0x3F98];
	_ =	swait.ge [sflag:s4], $0x0  }
0x19: {  	s7 =	sld [smem:$0x3F99]  }
0x1a: {  	s8 =	sadd.s32 $0xFFFFE003, lr  }
0x1b: {  	s9 =	sadd.s32 $0xFFFFFEF7, lr;
	s5 =	simm.s32 $0xFFFFFFFF;
	p2 =	slt.u32 s8, $0xFFFFF086  }
0x1c: {  	p1 =	slt.u32 s9, $0xF7A;
	s5 =	simm.s32 @!p2 $0x0  }
0x1d: {  	s5 =	simm.s32 @p1 $0x1;
	p0 =	seq.s32 s7, s2  }
0x1e: {  	s7 =	smul.u32 @!p0 $0xF7A, s2;
	p2 =	seq.s32 @!p0 s5, $0x0  }
0x1f: {  	s9 =	smul.u32 $0xF7A, s1;
	s8 =	simm.s32 @!p0 $0x1BF5;
	p2 =	por !p2, p0  }
0x20: {  	[sflag:s8] =	ssyncset.s32 @!p0 $0xFFFFF086;
	s6 =	sadd.s32 @!p0 s3, s7;
	s7 =	simm.s32 @!p0 $0x108  }
0x21: {  	s3 =	sadd.s32 s3, s9;
	s6 =	sadd.s32 @!p0 $0x88, s6;
	s7 =	simm.s32 @p2 $0x1082  }
0x22: {  	[simem:s7], [sflag:s8] =	dma.local @!p0 [hbm:s6], $0xF7A  }
0x23: {  	s9 =	sor.u32 $0xD0000000, s2;
	s6 =	simm.s32 $0x108;
	_ =	swait.ge @!p0 [sflag:s8], $0x0  }
0x24: {  	s3 =	sadd.s32 $0x88, s3;
	s6 =	simm.s32 @!p1 $0x1082;
	[sflag:s4] =	ssyncset.s32 $0xFFFFF086  }
0x25: {  	[simem:s6], [sflag:s4] =	dma.local [hbm:s3], $0xF7A  }
0x26: {  	[smem:$0x3F99] =	sst s1;
	(tag) =	ssettag s2;
	_ =	strace s9  }
0x27: {  	s1 =	sld [smem:$0x3FA9]  }
0x28: {  	s2 =	sld [smem:$0x3FAA]  }
0x29: {  	s4 =	sld [smem:$0x3FAC]  }
0x2a: {  	p0 =	seq.s32 s5, $0x0;
	s5 =	sld [smem:$0x3FAD]  }
0x2b: {  	s6 =	sld [smem:$0x3FAE]  }
0x2c: {  	s7 =	sld [smem:$0x3FAF]  }
0x2d: {  	s3 =	simm.s32 $0x108;
	s8 =	sld [smem:$0x3FB0]  }
0x2e: {  	s3 =	simm.s32 @!p0 $0x1082;
	s9 =	sld [smem:$0x3FB1]  }
0x2f: {  	lr =	sadd.s32 s0, s3;
	s0 =	sld [smem:$0x3FA8]  }
0x30: {  	s3 =	sld [smem:$0x3FAB]  }
0x31: {  	[smem:$0x3FB4] =	sst s10  }
0x32: {  	s10 =	sld [smem:$0x3FB2];
	_ =	sdelay $0x3  }
0x33: {  	p0 =	seq.s32 s10, $0x1;
	s10 =	sld [smem:$0x3FB4];
	_ =	sdelay $0x3  }
0x34: {  	[smem:$0x3FB4] =	sst s10  }
0x35: {  	s10 =	sld [smem:$0x3FB3];
	_ =	sdelay $0x3  }
0x36: {  	p1 =	seq.s32 s10, $0x1;
	s10 =	sld [smem:$0x3FB4];
	_ =	sdelay $0x3  }
0x37: {  	[smem:$0x3FB4] =	sst s10  }
0x38: {  	s10 =	sld [smem:$0x3FB5]  }
0x39: {  	_ = 	snop;
	(pc) =	sbr.ind lr, $3  }
0x3a: {  	_ = 	snop  }
0x3b: {  	_ = 	snop  }
0x3c: {  	p2 =	seq.s32 s10, $0x1;
	s10 =	sld [smem:$0x3FB4]  }
0x3d: {  	_ =	shalt  }
0x3e: {  	_ =	shalt  }
0x3f: {  	_ =	shalt  }
0x40: {  	_ =	shalt  }
0x41: {  	_ =	shalt  }
0x42: {  	_ =	shalt  }
0x43: {  	_ =	shalt  }
0x44: {  	_ =	shalt  }
0x45: {  	_ =	shalt  }
0x46: {  	_ =	shalt  }
0x47: {  	_ =	shalt  }
0x48: {  	_ =	shalt  }
0x49: {  	_ =	shalt  }
0x4a: {  	_ =	shalt  }
0x4b: {  	_ =	shalt  }
0x4c: {  	_ =	shalt  }
0x4d: {  	_ =	shalt  }
0x4e: {  	_ =	shalt  }
0x4f: {  	_ =	shalt  }
0x50: {  	_ =	shalt  }
0x51: {  	_ =	shalt  }
0x52: {  	_ =	shalt  }
0x53: {  	_ =	shalt  }
0x54: {  	_ =	shalt  }
0x55: {  	_ =	shalt  }
0x56: {  	_ =	shalt  }
0x57: {  	_ =	shalt  }
0x58: {  	_ =	shalt  }
0x59: {  	_ =	shalt  }
0x5a: {  	_ =	shalt  }
0x5b: {  	_ =	shalt  }
0x5c: {  	_ =	shalt  }
0x5d: {  	_ =	shalt  }
0x5e: {  	_ =	shalt  }
0x5f: {  	_ =	shalt  }
0x60: {  	_ =	shalt  }
0x61: {  	_ =	shalt  }
0x62: {  	_ =	shalt  }
0x63: {  	_ =	shalt  }
0x64: {  	_ =	shalt  }
0x65: {  	_ =	shalt  }
0x66: {  	_ =	shalt  }
0x67: {  	_ =	shalt  }
0x68: {  	_ =	shalt  }
0x69: {  	_ =	shalt  }
0x6a: {  	_ =	shalt  }
0x6b: {  	_ =	shalt  }
0x6c: {  	_ =	shalt  }
0x6d: {  	_ =	shalt  }
0x6e: {  	_ =	shalt  }
0x6f: {  	_ =	shalt  }
0x70: {  	_ =	shalt  }
0x71: {  	_ =	shalt  }
0x72: {  	_ =	shalt  }
0x73: {  	_ =	shalt  }
0x74: {  	_ =	shalt  }
0x75: {  	_ =	shalt  }
0x76: {  	_ =	shalt  }
0x77: {  	_ =	shalt  }
0x78: {  	_ =	shalt  }
0x79: {  	_ =	shalt  }
0x7a: {  	_ =	shalt  }
0x7b: {  	_ =	shalt  }
0x7c: {  	_ =	shalt  }
0x7d: {  	_ =	shalt  }
0x7e: {  	_ =	shalt  }
0x7f: {  	_ =	shalt  }
0x80: {  	_ =	shalt  }
0x81: {  	_ =	shalt  }
0x82: {  	_ =	shalt  }
0x83: {  	_ =	shalt  }
0x84: {  	_ =	shalt  }
0x85: {  	_ =	shalt  }
0x86: {  	_ =	shalt  }
0x87: {  	_ =	shalt  }
.Lfunc_end0:
.L_simem_size_0:
called_computation.1_lowered:
.L_overlay_start_0:
0x88: {  	s2 =	sld [smem:$0x3FD9]  }
0x89: {  	s3 =	sld [smem:$0x3FFE];
	_ =	sdelay $0x1  }
0x8a: {  	s1 =	srdreg.scid  }
0x8b: {  	s0 =	sand.u32 $0x1, s1  }
0x8c: {  	s16 =	sshll.u32 s0, $0xA;
	s2 =	sadd.s32 s3, s2  }
0x8d: {  	s2 =	sadd.s32 s2, s16  }
0x8e: {  	[smem:$0x3FC0] =	sst s2  }
0x8f: {  	_ = 	snop  }
0x90: {  	(tm) =	ssettm $0x1  }
0x91: {  	s17 =	sld [smem:$0x3FFB];
	_ =	sdelay $0x3  }
0x92: {  	_ =	strace s17  }
0x93: {  	s2 =	sld [smem:$0x3FFC];
	_ =	sdelay $0x3  }
0x94: {  	_ =	strace s2  }
0x95: {  	s2 =	sld [smem:$0x3FFD];
	_ =	sdelay $0x3  }
0x96: {  	_ =	strace s2  }
0x97: {  	_ =	strace $0x8FFFFFFF  }
0x98: {  	s18 =	sld [smem:$0x3FDB];
	_ =	sdelay $0x1  }
0x99: {  	s19 =	simm.s32 $_scs_section_size  }
0x9a: {  	s4 =	simm.s32 $_size__tile_overlayer_lowered;
	s5 =	simm.s32 $_tile_overlayer_lowered  }
0x9b: {  	s22 =	simm.s32 $0x1BFF;
	s21 =	sshll.u32 s5, $0x1;
	s2 =	sadd.s32 s19, s18  }
0x9c: {  	s6 =	simm.s32 $0x0;
	s20 =	sshll.u32 s4, $0x1;
	s4 =	sadd.s32 s21, s2  }
0x9d: {  	[timem:s6], [sflag:s22] =	dma.local [hbm:s4], s20  }
0x9e: {  	_ =	swait.ge [sflag:s22], s20  }
0x9f: {  	s3 =	ssub.s32 $0x0, s20;
	[sflag:s22] =	ssyncset.done $0x0  }
0xa0: {  	[sflag:s22] =	ssyncadd.s32 s3;
	_ =	sdelay $0x1  }
0xa1: {  	s23 =	simm.s32 $0x1B8B  }
0xa2: {  	_ =	swait.ge [sflag:s23], $0x1  }
0xa3: {  	[sflag:s23] =	ssyncset.done $0x0  }
0xa4: {  	s25 =	simm.s32 $0x1B8E;
	s24 =	sld [smem:$0x3FFE];
	[sflag:s23] =	ssyncadd.s32 $0xFFFFFFFF  }
0xa5: {  	s26 =	simm.s32 $execute0_lowered;
	[smem:$0x3FD2] =	sst s25  }
0xa6: {  	s4 =	sshll.u32 s26, $0x1;
	_ =	strace $0x80000049;
	[dreg:$0x1] =	wrdreg $0xFFFFFFFF  }
0xa7: {  	s28 =	simm.s32 $_size_execute0_lowered;
	s2 =	sadd.s32 s2, s4;
	[dreg:$0x0] =	wrdreg $0x0  }
0xa8: {  	s4 =	sshll.u32 s28, $0x1;
	[dreg:$0x2] =	wrdreg s2  }
0xa9: {  	[dreg:$0x3] =	wrdreg s4  }
0xaa: {  	[dreg:$0x4] =	wrdreg $0xC0  }
0xab: {  	_ =	task [dreg:s6], $0x5FFFF  }
0xac: {  	[dreg:$0x1] =	wrdreg $0xFFFFFFFF  }
0xad: {  	[dreg:$0x0] =	wrdreg $0x60  }
0xae: {  	[dreg:$0x2] =	wrdreg s24  }
0xaf: {  	[dreg:$0x3] =	wrdreg $0x88000  }
0xb0: {  	[dreg:$0x4] =	wrdreg $0x9  }
0xb1: {  	_ =	task.clear_ibuf [dreg:s6], $0x5FFFF;
	_ =	strace $0x90000049  }
0xb2: {  	s29 =	simm.s32 $0x9;
	_ =	strace $0x8000004B  }
0xb3: {  	_ =	swait.ge [sflag:s29], $0x1  }
0xb4: {  	[sflag:s29] =	ssyncadd.s32 $0xFFFFFFFF  }
0xb5: {  	_ =	strace $0x9000004B  }
0xb6: {  	_ =	sfence  }
0xb7: {  	s30 =	sld [smem:$0x0];
	_ =	sdelay $0x2  }
0xb8: {  	s31 =	sshll.u32 s1, $0xD;
	s1 =	sshrl.u32 s1, $0x2  }
0xb9: {  	s3 =	sand.u32 $0x4000, s31;
	s1 =	sadd.s32 s1, s30  }
0xba: {  	s0 =	sor.u32 s3, s0;
	s1 =	sshll.u32 s1, $0x11  }
0xbb: {  	s0 =	sor.u32 s1, s0  }
0xbc: {  	s0 =	sadd.s32 $0x8F2B, s0  }
0xbd: {  	[sflag:s0] =	ssyncadd.remote.s32 $0x1  }
0xbe: {  	_ =	sfence.sel $0xFFFF  }
0xbf: {  	[dreg:$0x0] =	wrdreg $0xFFFFFFFF;
	(pc) =	sbr.abs _section_cstart, $3  }
0xc0: {  	[dreg:$0x1] =	wrdreg $0xFFFFFFFF  }
0xc1: {  	_ =	task.clear_ibuf [dreg:s6], $0x2FFFF;
	_ =	strace $0x9FFFFFFF  }
0xc2: {  	(tm) =	ssettm $0x7FFFFFFF  }
0xc3: {  	_ =	shalt  }
tec
execute0_lowered:
.L_overlay_start_1:
0x0: {  	(tag) =	ssettag $0x1  }
0x1: {  	s0 =	rddreg [dreg:$0x0];
	s7 =	stileid.u32  }
0x2: {  	s1 =	srdreg.scid;
	s2 =	rddreg [dreg:$0x1];
	s9 =	simm.s32 $0x11  }
0x3: {  	s15 =	simm.s32 $0x800;
	s26 =	simm.s32 $0x100;
	s3 =	smul.u32 $0x18, s7  }
0x4: {  	s28 =	simm.s32 $0x200;
	s29 =	simm.s32 $0x580;
	s4 =	smul.u32 $0x88, s7  }
0x5: {  	s30 =	simm.s32 $0x280;
	s31 =	simm.s32 $0x600;
	s6 =	smul.u32 $0x2800, s7  }
0x6: {  	s10 =	simm.s32 $0x0;
	s1 =	sand.u32 $0x1, s1;
	s16 =	smul.u32 $0x50000, s7  }
0x7: {  	s7 =	simm.s32 $0x700;
	p0 =	seq.s32 s1, $0x0;
	s8 =	smul.u32 $0x28000, s1  }
0x8: {  	s1 =	ssub.s32 $0x2, s1;
	s5 =	sadd.s32 $0x880, s3;
	s3 =	simm.s32 $0x0  }
0x9: {  	s18 =	sshrl.u32 s1, $0x1;
	s9 =	simm.s32 @!p0 $0x3;
	s5 =	smov.u32 @p0 s4  }
0xa: {  	[smem:$0x7FF] =	sst s3;
	s6 =	sadd.s32 s6, s8;
	s1 =	ssub.s32 s1, s18  }
0xb: {  	s18 =	simm.s32 $0x80;
	s8 =	simm.s32 $0x780;
	s4 =	sshll.u32 s5, $0x4  }
0xc: {  	_ =	strace $0x8000004A;
	s5 =	sshrl.u32 s16, $0x2;
	s23 =	smax.u32 s1, $0x1  }
0xd: {  	s16 =	simm.s32 $0x5;
	[dreg:$0x3] =	wrdreg s26;
	s5 =	sadd.s32 s5, s2  }
0xe: {  	s26 =	simm.s32 $0x500;
	[dreg:$0x9] =	wrdreg s23;
	s19 =	sadd.s32 $0x4000, s5  }
0xf: {  	s17 =	sadd.s32 s4, s0;
	s20 =	sadd.s32 $0x8000, s5;
	[dreg:$0x4] =	wrdreg s19  }
0x10: {  	s4 =	sadd.s32 $0x16600, s0;
	s21 =	sadd.s32 $0xC000, s5;
	[dreg:$0x5] =	wrdreg s20  }
0x11: {  	s0 =	sadd.s32 s6, s0;
	s22 =	sadd.s32 $0x10000, s5;
	[dreg:$0x6] =	wrdreg s21  }
0x12: {  	s1 =	simm.s32 $0x300;
	s0 =	sadd.s32 $0x3E600, s0;
	[dreg:$0x7] =	wrdreg s22  }
0x13: {  	s23 =	simm.s32 $0x480;
	s24 =	sadd.s32 $0x2600, s17;
	[dreg:$0x8] =	wrdreg s0  }
0x14: {  	s6 =	simm.s32 $0x380;
	s25 =	sadd.s32 $0xC600, s17;
	[dreg:$0xa] =	wrdreg s24  }
0x15: {  	s17 =	simm.s32 $0x400;
	[dreg:$0xb] =	wrdreg s25;
	s19 =	simm.s32 $0x4800  }
0x16: {  	s20 =	simm.s32 $0x1;
	s21 =	simm.s32 $0x3;
	s22 =	simm.s32 $0x2  }
0x17: {  	v0 =	vimm.f32 $0.0e+00;
	s24 =	simm.s32 $0x4;
	s25 =	simm.s32 $0x180;
	s0 =	simm.s32 $0x680  }
.LBB2_1:
0x18: {  	s11 =	simm.s32 $0x0;
	s13 =	simm.s32 $0x200  }
.LBB2_2:
0x19: {  	p0 =	sne.s32 s13, $0xFE00;
	[tilespmem:s11+$0x870] =	vst v0  }
0x1a: {  	[tilespmem:s11+$0x800] =	vst v0  }
0x1b: {  	[tilespmem:s11+$0x810] =	vst v0  }
.Ltmp0:
0x1c: {  	[tilespmem:s11+$0x820] =	vst v0;
	(pc) =	sbr.rel @p0 .LBB2_2-.Ltmp0, $4  }
0x1d: {  	[tilespmem:s11+$0x830] =	vst v0  }
0x1e: {  	[tilespmem:s11+$0x840] =	vst v0  }
0x1f: {  	[tilespmem:s11+$0x850] =	vst v0  }
0x20: {  	[tilespmem:s11+$0x860] =	vst v0;
	s11 =	sshra.s32 s13, $0x2;
	s13 =	sadd.s32 $0x200, s13  }
0x21: {  	[tilespmem:s11+$0x870] =	vst v0  }
0x22: {  	[tilespmem:s11+$0x800] =	vst v0  }
0x23: {  	[tilespmem:s11+$0x810] =	vst v0  }
0x24: {  	[tilespmem:s11+$0x820] =	vst v0  }
0x25: {  	[tilespmem:s11+$0x830] =	vst v0  }
0x26: {  	[tilespmem:s11+$0x840] =	vst v0  }
0x27: {  	[tilespmem:s11+$0x850] =	vst v0  }
0x28: {  	[tilespmem:s11+$0x860] =	vst v0  }
0x29: {  	[spmem:s5] =	stream.linear.scatter [tilespmem:s15], [sflag:$0x5], $0x4000, $0x38;
	[tilespmem:$0x1C800] =	vst v63  }
0x2a: {  	_ =	swait.ge [sflag:s16], $0x4000  }
0x2b: {  	[sflag:s16] =	ssyncset.done $0x0  }
0x2c: {  	s14 =	rddreg [dreg:$0x4];
	[sflag:s16] =	ssyncadd.s32 $0xFFFFC000  }
0x2d: {  	[spmem:s14] =	stream.linear.scatter [tilespmem:s15], [sflag:$0x5], $0x4000, $0x38;
	[tilespmem:$0x1C800] =	vst v63  }
0x2e: {  	_ =	swait.ge [sflag:s16], $0x4000  }
0x2f: {  	[sflag:s16] =	ssyncset.done $0x0  }
0x30: {  	s12 =	rddreg [dreg:$0x5];
	[sflag:s16] =	ssyncadd.s32 $0xFFFFC000  }
0x31: {  	[spmem:s12] =	stream.linear.scatter [tilespmem:s15], [sflag:$0x5], $0x4000, $0x38;
	[tilespmem:$0x1C800] =	vst v63  }
0x32: {  	_ =	swait.ge [sflag:s16], $0x4000  }
0x33: {  	[sflag:s16] =	ssyncset.done $0x0  }
0x34: {  	s13 =	rddreg [dreg:$0x6];
	[sflag:s16] =	ssyncadd.s32 $0xFFFFC000  }
0x35: {  	[spmem:s13] =	stream.linear.scatter [tilespmem:s15], [sflag:$0x5], $0x4000, $0x38;
	[tilespmem:$0x1C800] =	vst v63  }
0x36: {  	_ =	swait.ge [sflag:s16], $0x4000  }
0x37: {  	[sflag:s16] =	ssyncset.done $0x0  }
0x38: {  	s14 =	rddreg [dreg:$0x7];
	[sflag:s16] =	ssyncadd.s32 $0xFFFFC000  }
0x39: {  	[spmem:s14] =	stream.linear.scatter [tilespmem:s15], [sflag:$0x5], $0x4000, $0x38;
	[tilespmem:$0x1C800] =	vst v63  }
0x3a: {  	_ =	swait.ge [sflag:s16], $0x4000  }
0x3b: {  	[sflag:s16] =	ssyncset.done $0x0  }
0x3c: {  	[sflag:s16] =	ssyncadd.s32 $0xFFFFC000  }
0x3d: {  	[bflag:$0x0] =	sbarrier.arrive $0xFFFF  }
0x3e: {  	s14 =	rddreg [dreg:$0xb]  }
0x3f: {  	[tilespmem:s3], [sflag:$0x5] =	stream.linear.gather [hbm4b:s14+s3], $0x400, $0x38;
	[tilespmem:$0x1C800] =	vst v63  }
0x40: {  	_ =	swait.ge [sflag:s16], $0x400  }
0x41: {  	[sflag:s16] =	ssyncset.done $0x0  }
0x42: {  	s13 =	rddreg [dreg:$0xa];
	[sflag:s16] =	ssyncadd.s32 $0xFFFFFC00  }
0x43: {  	[tilespmem:s17], [sflag:$0x5] =	stream.linear.gather [hbm4b:s13+s3], $0x400, $0x38;
	[tilespmem:$0x1C800] =	vst v63  }
0x44: {  	_ =	swait.ge [sflag:s16], $0x400  }
0x45: {  	[sflag:s16] =	ssyncset.done $0x0  }
0x46: {  	[sflag:s16] =	ssyncadd.s32 $0xFFFFFC00  }
0x47: {  	[tilespmem:s15], [sflag:$0x1] =	stream.indirect.gather [hbm4b:s4+s18], $0x80, s3, s18, $0xb8;
	[tilespmem:$0x1C800] =	vst v63  }
0x48: {  	_ = 	snop  }
0x49: {  	[tilespmem:s19], [sflag:$0x2] =	stream.indirect.gather [hbm4b:s4+s18], $0x80, s18, s18, $0xb8;
	[tilespmem:$0x1C800] =	vst v63  }
0x4a: {  	_ =	swait.ge [sflag:s20], $0x4000  }
0x4b: {  	[sflag:s20] =	ssyncset.done $0x0  }
0x4c: {  	[sflag:s20] =	ssyncadd.s32 $0xFFFFC000  }
0x4d: {  	[spmem:s2] =	stream.indirect.scatter.add.f32 [tilespmem:s15], [sflag:$0x3], $0x80, s17, s18, $0xb8;
	[tilespmem:$0x1C800] =	vst v63  }
0x4e: {  	_ =	swait.ge [sflag:s21], $0x4000  }
0x4f: {  	[sflag:s21] =	ssyncset.done $0x0  }
0x50: {  	s12 =	rddreg [dreg:$0x3];
	[sflag:s21] =	ssyncadd.s32 $0xFFFFC000  }
0x51: {  	[tilespmem:s15], [sflag:$0x1] =	stream.indirect.gather [hbm4b:s4+s18], $0x80, s12, s18, $0xb8;
	[tilespmem:$0x1C800] =	vst v63  }
0x52: {  	_ =	swait.ge [sflag:s22], $0x4000  }
0x53: {  	[sflag:s22] =	ssyncset.done $0x0  }
0x54: {  	[sflag:s22] =	ssyncadd.s32 $0xFFFFC000  }
0x55: {  	[spmem:s2] =	stream.indirect.scatter.add.f32 [tilespmem:s19], [sflag:$0x4], $0x80, s23, s18, $0xb8;
	[tilespmem:$0x1C800] =	vst v63  }
0x56: {  	_ =	swait.ge [sflag:s24], $0x4000  }
0x57: {  	[sflag:s24] =	ssyncset.done $0x0  }
0x58: {  	[sflag:s24] =	ssyncadd.s32 $0xFFFFC000  }
0x59: {  	[tilespmem:s19], [sflag:$0x2] =	stream.indirect.gather [hbm4b:s4+s18], $0x80, s25, s18, $0xb8;
	[tilespmem:$0x1C800] =	vst v63  }
0x5a: {  	_ =	swait.ge [sflag:s20], $0x4000  }
0x5b: {  	[sflag:s20] =	ssyncset.done $0x0  }
0x5c: {  	[sflag:s20] =	ssyncadd.s32 $0xFFFFC000  }
0x5d: {  	[spmem:s2] =	stream.indirect.scatter.add.f32 [tilespmem:s15], [sflag:$0x3], $0x80, s26, s18, $0xb8;
	[tilespmem:$0x1C800] =	vst v63  }
0x5e: {  	_ =	swait.ge [sflag:s21], $0x4000  }
0x5f: {  	[sflag:s21] =	ssyncset.done $0x0  }
0x60: {  	[sflag:s21] =	ssyncadd.s32 $0xFFFFC000  }
0x61: {  	[tilespmem:s15], [sflag:$0x1] =	stream.indirect.gather [hbm4b:s4+s18], $0x80, s28, s18, $0xb8;
	[tilespmem:$0x1C800] =	vst v63  }
0x62: {  	_ =	swait.ge [sflag:s22], $0x4000  }
0x63: {  	[sflag:s22] =	ssyncset.done $0x0  }
0x64: {  	[sflag:s22] =	ssyncadd.s32 $0xFFFFC000  }
0x65: {  	[spmem:s2] =	stream.indirect.scatter.add.f32 [tilespmem:s19], [sflag:$0x4], $0x80, s29, s18, $0xb8;
	[tilespmem:$0x1C800] =	vst v63  }
0x66: {  	_ =	swait.ge [sflag:s24], $0x4000  }
0x67: {  	[sflag:s24] =	ssyncset.done $0x0  }
0x68: {  	[sflag:s24] =	ssyncadd.s32 $0xFFFFC000  }
0x69: {  	[tilespmem:s19], [sflag:$0x2] =	stream.indirect.gather [hbm4b:s4+s18], $0x80, s30, s18, $0xb8;
	[tilespmem:$0x1C800] =	vst v63  }
0x6a: {  	_ =	swait.ge [sflag:s20], $0x4000  }
0x6b: {  	[sflag:s20] =	ssyncset.done $0x0  }
0x6c: {  	[sflag:s20] =	ssyncadd.s32 $0xFFFFC000  }
0x6d: {  	[spmem:s2] =	stream.indirect.scatter.add.f32 [tilespmem:s15], [sflag:$0x3], $0x80, s31, s18, $0xb8;
	[tilespmem:$0x1C800] =	vst v63  }
0x6e: {  	_ =	swait.ge [sflag:s21], $0x4000  }
0x6f: {  	[sflag:s21] =	ssyncset.done $0x0  }
0x70: {  	[sflag:s21] =	ssyncadd.s32 $0xFFFFC000  }
0x71: {  	[tilespmem:s15], [sflag:$0x1] =	stream.indirect.gather [hbm4b:s4+s18], $0x80, s1, s18, $0xb8;
	[tilespmem:$0x1C800] =	vst v63  }
0x72: {  	_ =	swait.ge [sflag:s22], $0x4000  }
0x73: {  	[sflag:s22] =	ssyncset.done $0x0  }
0x74: {  	[sflag:s22] =	ssyncadd.s32 $0xFFFFC000  }
0x75: {  	[spmem:s2] =	stream.indirect.scatter.add.f32 [tilespmem:s19], [sflag:$0x4], $0x80, s0, s18, $0xb8;
	[tilespmem:$0x1C800] =	vst v63  }
0x76: {  	_ =	swait.ge [sflag:s24], $0x4000  }
0x77: {  	[sflag:s24] =	ssyncset.done $0x0  }
0x78: {  	[sflag:s24] =	ssyncadd.s32 $0xFFFFC000  }
0x79: {  	[tilespmem:s19], [sflag:$0x2] =	stream.indirect.gather [hbm4b:s4+s18], $0x80, s6, s18, $0xb8;
	[tilespmem:$0x1C800] =	vst v63  }
0x7a: {  	_ =	swait.ge [sflag:s20], $0x4000  }
0x7b: {  	[sflag:s20] =	ssyncset.done $0x0  }
0x7c: {  	[sflag:s20] =	ssyncadd.s32 $0xFFFFC000  }
0x7d: {  	[spmem:s2] =	stream.indirect.scatter.add.f32 [tilespmem:s15], [sflag:$0x3], $0x80, s7, s18, $0xb8;
	[tilespmem:$0x1C800] =	vst v63  }
0x7e: {  	_ =	swait.ge [sflag:s22], $0x4000  }
0x7f: {  	[sflag:s22] =	ssyncset.done $0x0  }
0x80: {  	p0 =	sne.s32 s9, $0x1;
	[sflag:s22] =	ssyncadd.s32 $0xFFFFC000  }
0x81: {  	[spmem:s2] =	stream.indirect.scatter.add.f32 [tilespmem:s19], [sflag:$0x4], $0x80, s8, s18, $0xb8;
	[tilespmem:$0x1C800] =	vst v63  }
.Ltmp1:
0x82: {  	_ =	swait.ge [sflag:s21], $0x4000;
	(pc) =	sbr.rel @!p0 .LBB2_5-.Ltmp1, $4  }
0x83: {  	[sflag:s21] =	ssyncset.done $0x0  }
0x84: {  	[sflag:s21] =	ssyncadd.s32 $0xFFFFC000  }
0x85: {  	_ =	swait.ge [sflag:s24], $0x4000  }
0x86: {  	s11 =	sadd.s32 $0xFFFFFFFF, s9;
	[sflag:s24] =	ssyncset.done $0x0  }
.LBB2_4:
0x87: {  	[sflag:s24] =	ssyncadd.s32 $0xFFFFC000;
	s14 =	sadd.s32 $0x80, s14  }
0x88: {  	[tilespmem:s3], [sflag:$0x5] =	stream.linear.gather [hbm4b:s14+s3], $0x400, $0x38;
	[tilespmem:$0x1C800] =	vst v63  }
0x89: {  	_ =	swait.ge [sflag:s16], $0x400  }
0x8a: {  	[sflag:s16] =	ssyncset.done $0x0  }
0x8b: {  	s13 =	sadd.s32 $0x80, s13;
	[sflag:s16] =	ssyncadd.s32 $0xFFFFFC00  }
0x8c: {  	[tilespmem:s17], [sflag:$0x5] =	stream.linear.gather [hbm4b:s13+s3], $0x400, $0x38;
	[tilespmem:$0x1C800] =	vst v63  }
0x8d: {  	_ =	swait.ge [sflag:s16], $0x400  }
0x8e: {  	[sflag:s16] =	ssyncset.done $0x0  }
0x8f: {  	[sflag:s16] =	ssyncadd.s32 $0xFFFFFC00  }
0x90: {  	[tilespmem:s15], [sflag:$0x1] =	stream.indirect.gather [hbm4b:s4+s18], $0x80, s3, s18, $0xb8;
	[tilespmem:$0x1C800] =	vst v63  }
0x91: {  	_ = 	snop  }
0x92: {  	[tilespmem:s19], [sflag:$0x2] =	stream.indirect.gather [hbm4b:s4+s18], $0x80, s18, s18, $0xb8;
	[tilespmem:$0x1C800] =	vst v63  }
0x93: {  	_ =	swait.ge [sflag:s20], $0x4000  }
0x94: {  	[sflag:s20] =	ssyncset.done $0x0  }
0x95: {  	[sflag:s20] =	ssyncadd.s32 $0xFFFFC000  }
0x96: {  	[spmem:s2] =	stream.indirect.scatter.add.f32 [tilespmem:s15], [sflag:$0x3], $0x80, s17, s18, $0xb8;
	[tilespmem:$0x1C800] =	vst v63  }
0x97: {  	_ =	swait.ge [sflag:s21], $0x4000  }
0x98: {  	[sflag:s21] =	ssyncset.done $0x0  }
0x99: {  	s12 =	rddreg [dreg:$0x3];
	[sflag:s21] =	ssyncadd.s32 $0xFFFFC000  }
0x9a: {  	[tilespmem:s15], [sflag:$0x1] =	stream.indirect.gather [hbm4b:s4+s18], $0x80, s12, s18, $0xb8;
	[tilespmem:$0x1C800] =	vst v63  }
0x9b: {  	_ =	swait.ge [sflag:s22], $0x4000  }
0x9c: {  	[sflag:s22] =	ssyncset.done $0x0  }
0x9d: {  	[sflag:s22] =	ssyncadd.s32 $0xFFFFC000  }
0x9e: {  	[spmem:s2] =	stream.indirect.scatter.add.f32 [tilespmem:s19], [sflag:$0x4], $0x80, s23, s18, $0xb8;
	[tilespmem:$0x1C800] =	vst v63  }
0x9f: {  	_ =	swait.ge [sflag:s24], $0x4000  }
0xa0: {  	[sflag:s24] =	ssyncset.done $0x0  }
0xa1: {  	[sflag:s24] =	ssyncadd.s32 $0xFFFFC000  }
0xa2: {  	[tilespmem:s19], [sflag:$0x2] =	stream.indirect.gather [hbm4b:s4+s18], $0x80, s25, s18, $0xb8;
	[tilespmem:$0x1C800] =	vst v63  }
0xa3: {  	_ =	swait.ge [sflag:s20], $0x4000  }
0xa4: {  	[sflag:s20] =	ssyncset.done $0x0  }
0xa5: {  	[sflag:s20] =	ssyncadd.s32 $0xFFFFC000  }
0xa6: {  	[spmem:s2] =	stream.indirect.scatter.add.f32 [tilespmem:s15], [sflag:$0x3], $0x80, s26, s18, $0xb8;
	[tilespmem:$0x1C800] =	vst v63  }
0xa7: {  	_ =	swait.ge [sflag:s21], $0x4000  }
0xa8: {  	[sflag:s21] =	ssyncset.done $0x0  }
0xa9: {  	[sflag:s21] =	ssyncadd.s32 $0xFFFFC000  }
0xaa: {  	[tilespmem:s15], [sflag:$0x1] =	stream.indirect.gather [hbm4b:s4+s18], $0x80, s28, s18, $0xb8;
	[tilespmem:$0x1C800] =	vst v63  }
0xab: {  	_ =	swait.ge [sflag:s22], $0x4000  }
0xac: {  	[sflag:s22] =	ssyncset.done $0x0  }
0xad: {  	[sflag:s22] =	ssyncadd.s32 $0xFFFFC000  }
0xae: {  	[spmem:s2] =	stream.indirect.scatter.add.f32 [tilespmem:s19], [sflag:$0x4], $0x80, s29, s18, $0xb8;
	[tilespmem:$0x1C800] =	vst v63  }
0xaf: {  	_ =	swait.ge [sflag:s24], $0x4000  }
0xb0: {  	[sflag:s24] =	ssyncset.done $0x0  }
0xb1: {  	[sflag:s24] =	ssyncadd.s32 $0xFFFFC000  }
0xb2: {  	[tilespmem:s19], [sflag:$0x2] =	stream.indirect.gather [hbm4b:s4+s18], $0x80, s30, s18, $0xb8;
	[tilespmem:$0x1C800] =	vst v63  }
0xb3: {  	_ =	swait.ge [sflag:s20], $0x4000  }
0xb4: {  	[sflag:s20] =	ssyncset.done $0x0  }
0xb5: {  	[sflag:s20] =	ssyncadd.s32 $0xFFFFC000  }
0xb6: {  	[spmem:s2] =	stream.indirect.scatter.add.f32 [tilespmem:s15], [sflag:$0x3], $0x80, s31, s18, $0xb8;
	[tilespmem:$0x1C800] =	vst v63  }
0xb7: {  	_ =	swait.ge [sflag:s21], $0x4000  }
0xb8: {  	[sflag:s21] =	ssyncset.done $0x0  }
0xb9: {  	[sflag:s21] =	ssyncadd.s32 $0xFFFFC000  }
0xba: {  	[tilespmem:s15], [sflag:$0x1] =	stream.indirect.gather [hbm4b:s4+s18], $0x80, s1, s18, $0xb8;
	[tilespmem:$0x1C800] =	vst v63  }
0xbb: {  	_ =	swait.ge [sflag:s22], $0x4000  }
0xbc: {  	[sflag:s22] =	ssyncset.done $0x0  }
0xbd: {  	[sflag:s22] =	ssyncadd.s32 $0xFFFFC000  }
0xbe: {  	[spmem:s2] =	stream.indirect.scatter.add.f32 [tilespmem:s19], [sflag:$0x4], $0x80, s0, s18, $0xb8;
	[tilespmem:$0x1C800] =	vst v63  }
0xbf: {  	_ =	swait.ge [sflag:s24], $0x4000  }
0xc0: {  	[sflag:s24] =	ssyncset.done $0x0  }
0xc1: {  	[sflag:s24] =	ssyncadd.s32 $0xFFFFC000  }
0xc2: {  	[tilespmem:s19], [sflag:$0x2] =	stream.indirect.gather [hbm4b:s4+s18], $0x80, s6, s18, $0xb8;
	[tilespmem:$0x1C800] =	vst v63  }
0xc3: {  	_ =	swait.ge [sflag:s20], $0x4000  }
0xc4: {  	[sflag:s20] =	ssyncset.done $0x0  }
0xc5: {  	[sflag:s20] =	ssyncadd.s32 $0xFFFFC000  }
0xc6: {  	[spmem:s2] =	stream.indirect.scatter.add.f32 [tilespmem:s15], [sflag:$0x3], $0x80, s7, s18, $0xb8;
	[tilespmem:$0x1C800] =	vst v63  }
0xc7: {  	_ =	swait.ge [sflag:s22], $0x4000  }
0xc8: {  	[sflag:s22] =	ssyncset.done $0x0  }
0xc9: {  	p0 =	sne.s32 s11, $0x1;
	[sflag:s22] =	ssyncadd.s32 $0xFFFFC000  }
0xca: {  	[spmem:s2] =	stream.indirect.scatter.add.f32 [tilespmem:s19], [sflag:$0x4], $0x80, s8, s18, $0xb8;
	[tilespmem:$0x1C800] =	vst v63  }
.Ltmp2:
0xcb: {  	_ =	swait.ge [sflag:s21], $0x4000;
	(pc) =	sbr.rel @p0 .LBB2_4-.Ltmp2, $4  }
0xcc: {  	[sflag:s21] =	ssyncset.done $0x0  }
0xcd: {  	[sflag:s21] =	ssyncadd.s32 $0xFFFFC000  }
0xce: {  	_ =	swait.ge [sflag:s24], $0x4000  }
0xcf: {  	s11 =	sadd.s32 $0xFFFFFFFF, s11;
	[sflag:s24] =	ssyncset.done $0x0  }
.LBB2_5:
0xd0: {  	[sflag:s24] =	ssyncadd.s32 $0xFFFFC000;
	s11 =	stileid.u32  }
0xd1: {  	s11 =	sshll.u32 s11, $0x6;
	[bflag:$0x0] =	sbarrier.arrive $0xFFFF  }
0xd2: {  	s12 =	sshrl.u32 s5, $0x3;
	s11 =	sor.u32 $0x1C05, s11;
	s13 =	rddreg [dreg:$0x8]  }
0xd3: {  	[hbm:s13], [sflag:s11] =	dma.local [spmem:s12], $0x2800  }
0xd4: {  	_ =	swait.ge [sflag:s16], $0x2800  }
0xd5: {  	s10 =	sadd.s32 $0x1, s10;
	s14 =	rddreg [dreg:$0x9]  }
0xd6: {  	p0 =	sne.s32 s10, s14  }
.Ltmp3:
0xd7: {  	_ = 	snop;
	(pc) =	sbr.rel @p0 .LBB2_1-.Ltmp3, $3  }
0xd8: {  	_ =	sdelay $0x1  }
0xd9: {  	[sflag:s16] =	ssyncset.done $0x0  }
0xda: {  	[sflag:s16] =	ssyncadd.s32 $0xFFFFD800  }
0xdb: {  	_ =	sfence.sel $0x180000  }
0xdc: {  	[bflag:$0x0] =	sbarrier.arrive $0xFFFF  }
0xdd: {  	_ =	strace $0x9000004A  }
0xde: {  	s0 =	stileid.u32;
	[bflag:$0x2] =	sbarrier.arrive $0xFFFF  }
0xdf: {  	p0 =	sne.s32 s0, $0x0;
	s0 =	rddreg [dreg:$0x2]  }
0xe0: {  	s0 =	sadd.s32 @!p0 $0x100000, s0  }
0xe1: {  	[sflag:s0] =	ssyncadd.tile.s32 @!p0 $0x1;
	_ =	shalt  }
.Lfunc_end2:
_tile_overlayer_lowered:
.L_overlay_start_2:
0xe2: {  	(tag) =	ssettag $0x2  }
0xe3: {  	s0 =	rddreg [dreg:$0x0];
	s2 =	stileid.u32  }
0xe4: {  	s1 =	rddreg [dreg:$0x1];
	p0 =	sne.s32 s2, $0x0  }
0xe5: {  	s3 =	rddreg [dreg:$0x2];
	[bflag:$0x3] =	sbarrier.arrive $0xFFFF;
	s2 =	simm.s32 @!p0 $0x1C05  }
0xe6: {  	[timem:s3], [sflag:s2] =	dma.local @!p0 [hbm:s0], s1  }
0xe7: {  	s0 =	simm.s32 @!p0 $0x5  }
0xe8: {  	_ =	swait.ge @!p0 [sflag:s0], s1  }
0xe9: {  	s1 =	ssub.s32 @!p0 $0x0, s1;
	[sflag:s0] =	ssyncset.done @!p0 $0x0  }
0xea: {  	[sflag:s0] =	ssyncadd.s32 @!p0 s1  }
0xeb: {  	[bflag:$0x3] =	sbarrier.arrive $0xFFFF  }
0xec: {  	_ =	shalt  }

// kernel: kernel.7.cloned.1.call-start
scs
__scs_entry_jumppad:
0x0: {  	(pc) =	sbr.rel $0x88, $3  }
0x1: {  	(tag) =	ssettag $0x0;
	lr =	simm.s32 $0x1  }
0x2: {  	[smem:$0x3F99] =	sst lr;
	_ =	strace $0xD0000000  }
0x3: {  	_ = 	snop  }
0x4: {  	_ = 	snop  }
0x5: {  	_ = 	snop  }
0x6: {  	_ = 	snop  }
0x7: {  	_ = 	snop  }
__scs_overlays_trampoline_lowered:
0x8: {  	[smem:$0x3FA8] =	sst s0  }
0x9: {  	[smem:$0x3FA9] =	sst s1  }
0xa: {  	[smem:$0x3FAA] =	sst s2  }
0xb: {  	[smem:$0x3FAB] =	sst s3  }
0xc: {  	[smem:$0x3FAC] =	sst s4  }
0xd: {  	[smem:$0x3FAD] =	sst s5  }
0xe: {  	[smem:$0x3FAE] =	sst s6  }
0xf: {  	[smem:$0x3FAF] =	sst s7  }
0x10: {  	[smem:$0x3FB0] =	sst s8  }
0x11: {  	[smem:$0x3FB1] =	sst s9;
	s0 =	simm.s32 @!p0 $0x0  }
0x12: {  	s1 =	sld [smem:$0x3F97];
	s0 =	simm.s32 @p0 $0x1  }
0x13: {  	[smem:$0x3FB2] =	sst s0;
	s0 =	simm.s32 @!p1 $0x0  }
0x14: {  	s2 =	sld [smem:$0x3F96];
	s0 =	simm.s32 @p1 $0x1  }
0x15: {  	[smem:$0x3FB3] =	sst s0;
	s0 =	simm.s32 @!p2 $0x0  }
0x16: {  	s3 =	sld [smem:$0x3FDB];
	s0 =	simm.s32 @p2 $0x1  }
0x17: {  	s4 =	simm.s32 $0x1BF5;
	[smem:$0x3FB5] =	sst s0  }
0x18: {  	s0 =	sld [smem:$0x3F98];
	_ =	swait.ge [sflag:s4], $0x0  }
0x19: {  	s7 =	sld [smem:$0x3F99]  }
0x1a: {  	s8 =	sadd.s32 $0xFFFFE003, lr  }
0x1b: {  	s9 =	sadd.s32 $0xFFFFFEF7, lr;
	s5 =	simm.s32 $0xFFFFFFFF;
	p2 =	slt.u32 s8, $0xFFFFF086  }
0x1c: {  	p1 =	slt.u32 s9, $0xF7A;
	s5 =	simm.s32 @!p2 $0x0  }
0x1d: {  	s5 =	simm.s32 @p1 $0x1;
	p0 =	seq.s32 s7, s2  }
0x1e: {  	s7 =	smul.u32 @!p0 $0xF7A, s2;
	p2 =	seq.s32 @!p0 s5, $0x0  }
0x1f: {  	s9 =	smul.u32 $0xF7A, s1;
	s8 =	simm.s32 @!p0 $0x1BF5;
	p2 =	por !p2, p0  }
0x20: {  	[sflag:s8] =	ssyncset.s32 @!p0 $0xFFFFF086;
	s6 =	sadd.s32 @!p0 s3, s7;
	s7 =	simm.s32 @!p0 $0x108  }
0x21: {  	s3 =	sadd.s32 s3, s9;
	s6 =	sadd.s32 @!p0 $0x88, s6;
	s7 =	simm.s32 @p2 $0x1082  }
0x22: {  	[simem:s7], [sflag:s8] =	dma.local @!p0 [hbm:s6], $0xF7A  }
0x23: {  	s9 =	sor.u32 $0xD0000000, s2;
	s6 =	simm.s32 $0x108;
	_ =	swait.ge @!p0 [sflag:s8], $0x0  }
0x24: {  	s3 =	sadd.s32 $0x88, s3;
	s6 =	simm.s32 @!p1 $0x1082;
	[sflag:s4] =	ssyncset.s32 $0xFFFFF086  }
0x25: {  	[simem:s6], [sflag:s4] =	dma.local [hbm:s3], $0xF7A  }
0x26: {  	[smem:$0x3F99] =	sst s1;
	(tag) =	ssettag s2;
	_ =	strace s9  }
0x27: {  	s1 =	sld [smem:$0x3FA9]  }
0x28: {  	s2 =	sld [smem:$0x3FAA]  }
0x29: {  	s4 =	sld [smem:$0x3FAC]  }
0x2a: {  	p0 =	seq.s32 s5, $0x0;
	s5 =	sld [smem:$0x3FAD]  }
0x2b: {  	s6 =	sld [smem:$0x3FAE]  }
0x2c: {  	s7 =	sld [smem:$0x3FAF]  }
0x2d: {  	s3 =	simm.s32 $0x108;
	s8 =	sld [smem:$0x3FB0]  }
0x2e: {  	s3 =	simm.s32 @!p0 $0x1082;
	s9 =	sld [smem:$0x3FB1]  }
0x2f: {  	lr =	sadd.s32 s0, s3;
	s0 =	sld [smem:$0x3FA8]  }
0x30: {  	s3 =	sld [smem:$0x3FAB]  }
0x31: {  	[smem:$0x3FB4] =	sst s10  }
0x32: {  	s10 =	sld [smem:$0x3FB2];
	_ =	sdelay $0x3  }
0x33: {  	p0 =	seq.s32 s10, $0x1;
	s10 =	sld [smem:$0x3FB4];
	_ =	sdelay $0x3  }
0x34: {  	[smem:$0x3FB4] =	sst s10  }
0x35: {  	s10 =	sld [smem:$0x3FB3];
	_ =	sdelay $0x3  }
0x36: {  	p1 =	seq.s32 s10, $0x1;
	s10 =	sld [smem:$0x3FB4];
	_ =	sdelay $0x3  }
0x37: {  	[smem:$0x3FB4] =	sst s10  }
0x38: {  	s10 =	sld [smem:$0x3FB5]  }
0x39: {  	_ = 	snop;
	(pc) =	sbr.ind lr, $3  }
0x3a: {  	_ = 	snop  }
0x3b: {  	_ = 	snop  }
0x3c: {  	p2 =	seq.s32 s10, $0x1;
	s10 =	sld [smem:$0x3FB4]  }
0x3d: {  	_ =	shalt  }
0x3e: {  	_ =	shalt  }
0x3f: {  	_ =	shalt  }
0x40: {  	_ =	shalt  }
0x41: {  	_ =	shalt  }
0x42: {  	_ =	shalt  }
0x43: {  	_ =	shalt  }
0x44: {  	_ =	shalt  }
0x45: {  	_ =	shalt  }
0x46: {  	_ =	shalt  }
0x47: {  	_ =	shalt  }
0x48: {  	_ =	shalt  }
0x49: {  	_ =	shalt  }
0x4a: {  	_ =	shalt  }
0x4b: {  	_ =	shalt  }
0x4c: {  	_ =	shalt  }
0x4d: {  	_ =	shalt  }
0x4e: {  	_ =	shalt  }
0x4f: {  	_ =	shalt  }
0x50: {  	_ =	shalt  }
0x51: {  	_ =	shalt  }
0x52: {  	_ =	shalt  }
0x53: {  	_ =	shalt  }
0x54: {  	_ =	shalt  }
0x55: {  	_ =	shalt  }
0x56: {  	_ =	shalt  }
0x57: {  	_ =	shalt  }
0x58: {  	_ =	shalt  }
0x59: {  	_ =	shalt  }
0x5a: {  	_ =	shalt  }
0x5b: {  	_ =	shalt  }
0x5c: {  	_ =	shalt  }
0x5d: {  	_ =	shalt  }
0x5e: {  	_ =	shalt  }
0x5f: {  	_ =	shalt  }
0x60: {  	_ =	shalt  }
0x61: {  	_ =	shalt  }
0x62: {  	_ =	shalt  }
0x63: {  	_ =	shalt  }
0x64: {  	_ =	shalt  }
0x65: {  	_ =	shalt  }
0x66: {  	_ =	shalt  }
0x67: {  	_ =	shalt  }
0x68: {  	_ =	shalt  }
0x69: {  	_ =	shalt  }
0x6a: {  	_ =	shalt  }
0x6b: {  	_ =	shalt  }
0x6c: {  	_ =	shalt  }
0x6d: {  	_ =	shalt  }
0x6e: {  	_ =	shalt  }
0x6f: {  	_ =	shalt  }
0x70: {  	_ =	shalt  }
0x71: {  	_ =	shalt  }
0x72: {  	_ =	shalt  }
0x73: {  	_ =	shalt  }
0x74: {  	_ =	shalt  }
0x75: {  	_ =	shalt  }
0x76: {  	_ =	shalt  }
0x77: {  	_ =	shalt  }
0x78: {  	_ =	shalt  }
0x79: {  	_ =	shalt  }
0x7a: {  	_ =	shalt  }
0x7b: {  	_ =	shalt  }
0x7c: {  	_ =	shalt  }
0x7d: {  	_ =	shalt  }
0x7e: {  	_ =	shalt  }
0x7f: {  	_ =	shalt  }
0x80: {  	_ =	shalt  }
0x81: {  	_ =	shalt  }
0x82: {  	_ =	shalt  }
0x83: {  	_ =	shalt  }
0x84: {  	_ =	shalt  }
0x85: {  	_ =	shalt  }
0x86: {  	_ =	shalt  }
0x87: {  	_ =	shalt  }
.Lfunc_end0:
.L_simem_size_0:
called_computation_lowered:
.L_overlay_start_0:
0x88: {  	s2 =	sld [smem:$0x3FD9]  }
0x89: {  	s3 =	sld [smem:$0x3FFE];
	_ =	sdelay $0x1  }
0x8a: {  	s1 =	srdreg.scid  }
0x8b: {  	s0 =	sand.u32 $0x1, s1  }
0x8c: {  	s17 =	sshll.u32 s0, $0xA;
	s2 =	sadd.s32 s3, s2  }
0x8d: {  	s2 =	sadd.s32 s2, s17  }
0x8e: {  	[smem:$0x3FC0] =	sst s2  }
0x8f: {  	_ = 	snop  }
0x90: {  	s2 =	sld [smem:$0x3FD0];
	(tm) =	ssettm $0x1  }
0x91: {  	s18 =	sld [smem:$0x3FFB];
	_ =	sdelay $0x3  }
0x92: {  	_ =	strace s18  }
0x93: {  	s3 =	sld [smem:$0x3FFC];
	_ =	sdelay $0x3  }
0x94: {  	_ =	strace s3  }
0x95: {  	s3 =	sld [smem:$0x3FFD];
	_ =	sdelay $0x3  }
0x96: {  	_ =	strace s3  }
0x97: {  	_ =	strace $0x8FFFFFFF  }
0x98: {  	s19 =	sld [smem:$0x3FDB];
	_ =	sdelay $0x1  }
0x99: {  	s4 =	simm.s32 $_scs_section_size  }
0x9a: {  	s5 =	simm.s32 $_size__tile_overlayer_lowered;
	s6 =	simm.s32 $_tile_overlayer_lowered  }
0x9b: {  	s22 =	simm.s32 $0x1BFF;
	s21 =	sshll.u32 s6, $0x1;
	s3 =	sadd.s32 s4, s19  }
0x9c: {  	s7 =	simm.s32 $0x0;
	s20 =	sshll.u32 s5, $0x1;
	s5 =	sadd.s32 s21, s3  }
0x9d: {  	[timem:s7], [sflag:s22] =	dma.local [hbm:s5], s20  }
0x9e: {  	_ =	swait.ge [sflag:s22], s20  }
0x9f: {  	s4 =	ssub.s32 $0x0, s20;
	[sflag:s22] =	ssyncset.done $0x0  }
0xa0: {  	[sflag:s22] =	ssyncadd.s32 s4;
	_ =	sdelay $0x1  }
0xa1: {  	s23 =	simm.s32 $0x1B8B  }
0xa2: {  	_ =	swait.ge [sflag:s23], $0x1  }
0xa3: {  	[sflag:s23] =	ssyncset.done $0x0  }
0xa4: {  	s25 =	simm.s32 $0x1B8E;
	s24 =	sld [smem:$0x3FFE];
	[sflag:s23] =	ssyncadd.s32 $0xFFFFFFFF  }
0xa5: {  	s26 =	simm.s32 $execute0_lowered;
	[smem:$0x3FD2] =	sst s25  }
0xa6: {  	s5 =	sshll.u32 s26, $0x1;
	_ =	strace $0x80000046;
	[dreg:$0x1] =	wrdreg $0xFFFFFFFF  }
0xa7: {  	s28 =	simm.s32 $_size_execute0_lowered;
	s3 =	sadd.s32 s3, s5;
	[dreg:$0x0] =	wrdreg $0x0  }
0xa8: {  	s5 =	sshll.u32 s28, $0x1;
	[dreg:$0x2] =	wrdreg s3  }
0xa9: {  	[dreg:$0x3] =	wrdreg s5  }
0xaa: {  	[dreg:$0x4] =	wrdreg $0xC0  }
0xab: {  	_ =	task [dreg:s7], $0x5FFFF  }
0xac: {  	[dreg:$0x1] =	wrdreg $0xFFFFFFFF  }
0xad: {  	[dreg:$0x0] =	wrdreg $0x60  }
0xae: {  	[dreg:$0x2] =	wrdreg s2  }
0xaf: {  	[dreg:$0x3] =	wrdreg s24  }
0xb0: {  	[dreg:$0x4] =	wrdreg $0xA9800  }
0xb1: {  	[dreg:$0x5] =	wrdreg $0x1E9800  }
0xb2: {  	[dreg:$0x6] =	wrdreg $0x1EC000  }
0xb3: {  	[dreg:$0x7] =	wrdreg $0x9  }
0xb4: {  	_ =	task.clear_ibuf [dreg:s7], $0x8FFFF;
	_ =	strace $0x90000046  }
0xb5: {  	s29 =	simm.s32 $0x9;
	_ =	strace $0x80000048  }
0xb6: {  	_ =	swait.ge [sflag:s29], $0x1  }
0xb7: {  	[sflag:s29] =	ssyncadd.s32 $0xFFFFFFFF  }
0xb8: {  	_ =	strace $0x90000048  }
0xb9: {  	_ =	sfence  }
0xba: {  	s30 =	sld [smem:$0x0];
	_ =	sdelay $0x2  }
0xbb: {  	s31 =	sshll.u32 s1, $0xD;
	s1 =	sshrl.u32 s1, $0x2  }
0xbc: {  	s3 =	sand.u32 $0x4000, s31;
	s1 =	sadd.s32 s1, s30  }
0xbd: {  	s0 =	sor.u32 s3, s0;
	s1 =	sshll.u32 s1, $0x11  }
0xbe: {  	s0 =	sor.u32 s1, s0  }
0xbf: {  	s0 =	sadd.s32 $0x8F2B, s0  }
0xc0: {  	[sflag:s0] =	ssyncadd.remote.s32 $0x1  }
0xc1: {  	_ =	sfence.sel $0xFFFF  }
0xc2: {  	[dreg:$0x0] =	wrdreg $0xFFFFFFFF;
	(pc) =	sbr.abs _section_cstart, $3  }
0xc3: {  	[dreg:$0x1] =	wrdreg $0xFFFFFFFF  }
0xc4: {  	_ =	task.clear_ibuf [dreg:s7], $0x2FFFF;
	_ =	strace $0x9FFFFFFF  }
0xc5: {  	(tm) =	ssettm $0x7FFFFFFF  }
tec
execute0_lowered:
.L_overlay_start_1:
0x0: {  	(tag) =	ssettag $0x1  }
0x1: {  	s0 =	rddreg [dreg:$0x1]  }
0x2: {  	s2 =	rddreg [dreg:$0x2]  }
0x3: {  	s4 =	rddreg [dreg:$0x3]  }
0x4: {  	s5 =	rddreg [dreg:$0x4]  }
0x5: {  	s1 =	srdreg.scid;
	s13 =	stileid.u32  }
0x6: {  	s14 =	simm.s32 $0x0;
	s28 =	simm.s32 $0x1;
	s31 =	simm.s32 $0x5880  }
0x7: {  	s1 =	sand.u32 $0x1, s1;
	s3 =	smul.u32 $0x280, s13;
	[smem:$0x7FF] =	sst s14  }
0x8: {  	s7 =	sadd.s32 $0x16600, s0;
	s8 =	sadd.s32 $0x76600, s0;
	s11 =	smul.u32 $0x50000, s13  }
0x9: {  	s29 =	sadd.s32 $0x76C00, s0;
	s10 =	sadd.s32 $0x26600, s0;
	s20 =	smul.u32 $0x30, s13  }
0xa: {  	s6 =	smul.u32 $0x2800, s1;
	_ =	strace $0x80000047;
	[dreg:$0x7] =	wrdreg s8  }
0xb: {  	[dreg:$0x8] =	wrdreg s29;
	s9 =	ssub.s32 $0x2, s1;
	p0 =	seq.s32 s1, $0x0  }
0xc: {  	s12 =	sshrl.u32 s9, $0x1;
	s15 =	sshrl.u32 s11, $0x2;
	s16 =	sor.u32 $0x50, s3  }
0xd: {  	s23 =	sadd.s32 $0xF0, s3;
	s1 =	sadd.s32 $0xD00, s20;
	s25 =	sadd.s32 $0x140, s3  }
0xe: {  	s6 =	sadd.s32 s3, s6;
	s15 =	sadd.s32 s15, s2;
	s18 =	sadd.s32 s16, s4  }
0xf: {  	s17 =	sshll.u32 s16, $0x7;
	s11 =	sadd.s32 s16, s5;
	[dreg:$0xb] =	wrdreg s18  }
0x10: {  	s24 =	sshll.u32 s23, $0x7;
	s26 =	sadd.s32 s23, s4;
	[dreg:$0xc] =	wrdreg s11  }
0x11: {  	s30 =	sshll.u32 s6, $0x4;
	s6 =	sshrl.u32 s6, $0x3;
	[dreg:$0x11] =	wrdreg s26  }
0x12: {  	s11 =	smul.u32 $0xD0, s13;
	s13 =	sadd.s32 s25, s4;
	[dreg:$0x9] =	wrdreg s15  }
0x13: {  	s8 =	sadd.s32 s30, s0;
	s0 =	sadd.s32 s6, s0;
	s6 =	ssub.s32 s9, s12  }
0x14: {  	s12 =	sadd.s32 $0xA0, s3;
	s9 =	sadd.s32 s17, s2;
	[dreg:$0x14] =	wrdreg s13  }
0x15: {  	s29 =	sshll.u32 s25, $0x7;
	[dreg:$0xa] =	wrdreg s9;
	s21 =	sadd.s32 s12, s4  }
0x16: {  	s30 =	sadd.s32 $0x190, s3;
	s22 =	sadd.s32 s12, s5;
	[dreg:$0xe] =	wrdreg s21  }
0x17: {  	s19 =	sshll.u32 s12, $0x7;
	s12 =	sadd.s32 s23, s5;
	[dreg:$0xf] =	wrdreg s22  }
0x18: {  	s1 =	smov.u32 @p0 s11;
	s11 =	sadd.s32 s25, s5;
	[dreg:$0x12] =	wrdreg s12  }
0x19: {  	s17 =	sadd.s32 $0x1E0, s3;
	s20 =	sadd.s32 s30, s4;
	[dreg:$0x15] =	wrdreg s11  }
0x1a: {  	s16 =	sshll.u32 s30, $0x7;
	s23 =	sadd.s32 s17, s5;
	[dreg:$0x17] =	wrdreg s20  }
0x1b: {  	s26 =	sadd.s32 $0x78600, s8;
	s8 =	simm.s32 $0x4;
	[dreg:$0x1d] =	wrdreg s23  }
0x1c: {  	s9 =	sadd.s32 s19, s2;
	s18 =	sadd.s32 s16, s2;
	[smem:$0x7FA] =	sst s26  }
0x1d: {  	s19 =	sshll.u32 s17, $0x7;
	s11 =	sadd.s32 s3, s4;
	[dreg:$0xd] =	wrdreg s9  }
0x1e: {  	s12 =	sadd.s32 s3, s5;
	s22 =	sadd.s32 s17, s4;
	[dreg:$0x16] =	wrdreg s18  }
0x1f: {  	s3 =	sadd.s32 $0x230, s3;
	s13 =	sshrl.u32 s1, $0x3;
	[dreg:$0x1c] =	wrdreg s22  }
0x20: {  	s20 =	simm.s32 $0x5800;
	s23 =	simm.s32 $0x400;
	[dreg:$0x1a] =	wrdreg s11  }
0x21: {  	s26 =	simm.s32 $0x5900;
	s9 =	sadd.s32 s24, s2;
	[dreg:$0x1b] =	wrdreg s12  }
0x22: {  	s21 =	sadd.s32 s19, s2;
	s24 =	sshll.u32 s3, $0x7;
	[dreg:$0x10] =	wrdreg s9  }
0x23: {  	s25 =	sadd.s32 s3, s4;
	s3 =	sadd.s32 s3, s5;
	[dreg:$0x19] =	wrdreg s21  }
0x24: {  	s18 =	simm.s32 $0x5980;
	s19 =	simm.s32 $0x5;
	[dreg:$0x1f] =	wrdreg s25  }
0x25: {  	s22 =	simm.s32 $0x3000;
	s9 =	sadd.s32 s29, s2;
	[smem:$0x7F9] =	sst s3  }
0x26: {  	s29 =	sadd.s32 $0x77200, s0;
	s0 =	sadd.s32 $0x77C00, s0;
	[dreg:$0x13] =	wrdreg s9  }
0x27: {  	s21 =	simm.s32 $0x800;
	s25 =	simm.s32 $0x8180;
	[smem:$0x7FB] =	sst s29  }
0x28: {  	s3 =	simm.s32 $0x3;
	s9 =	sadd.s32 s30, s5;
	[smem:$0x7FC] =	sst s0  }
0x29: {  	s30 =	smax.u32 s6, $0x1;
	[dreg:$0x18] =	wrdreg s9;
	s9 =	sadd.s32 s24, s2  }
0x2a: {  	s0 =	simm.s32 $0x2;
	[dreg:$0x1e] =	wrdreg s9;
	s9 =	simm.s32 $0x1A  }
0x2b: {  	v0 =	vimm.f32 $0.0e+00;
	v1 =	vimm.f32 $1.000000000e+00;
	[smem:$0x7FD] =	sst s30;
	s24 =	simm.s32 $0x50;
	s9 =	simm.s32 @!p0 $0x6  }
.LBB2_1:
0x2c: {  	[dreg:$0x6] =	wrdreg s14;
	s1 =	simm.s32 $0x0;
	s6 =	simm.s32 $0x200  }
.LBB2_2:
0x2d: {  	p0 =	sne.s32 s6, $0x9E00;
	[tilespmem:s1+$0x59F0] =	vst v0  }
0x2e: {  	[tilespmem:s1+$0x5980] =	vst v0  }
0x2f: {  	[tilespmem:s1+$0x5990] =	vst v0  }
.Ltmp0:
0x30: {  	[tilespmem:s1+$0x59A0] =	vst v0;
	(pc) =	sbr.rel @p0 .LBB2_2-.Ltmp0, $4  }
0x31: {  	[tilespmem:s1+$0x59B0] =	vst v0  }
0x32: {  	[tilespmem:s1+$0x59C0] =	vst v0  }
0x33: {  	[tilespmem:s1+$0x59D0] =	vst v0  }
0x34: {  	[tilespmem:s1+$0x59E0] =	vst v0;
	s1 =	sshra.s32 s6, $0x2;
	s6 =	sadd.s32 $0x200, s6  }
0x35: {  	[tilespmem:s1+$0x59F0] =	vst v0  }
0x36: {  	[tilespmem:s1+$0x5980] =	vst v0  }
0x37: {  	[tilespmem:s1+$0x5990] =	vst v0  }
0x38: {  	[tilespmem:s1+$0x59A0] =	vst v0  }
0x39: {  	[tilespmem:s1+$0x59B0] =	vst v0  }
0x3a: {  	[tilespmem:s1+$0x59C0] =	vst v0  }
0x3b: {  	[tilespmem:s1+$0x59D0] =	vst v0  }
0x3c: {  	[tilespmem:s1+$0x59E0] =	vst v0  }
0x3d: {  	[tilespmem:$0x5800] =	vst v0  }
0x3e: {  	[tilespmem:$0x5900] =	vst v1  }
0x3f: {  	[tilespmem:$0x5810] =	vst v0  }
0x40: {  	[tilespmem:$0x5910] =	vst v1  }
0x41: {  	[tilespmem:$0x5820] =	vst v0  }
0x42: {  	[tilespmem:$0x5920] =	vst v1  }
0x43: {  	[tilespmem:$0x5830] =	vst v0  }
0x44: {  	[tilespmem:$0x5930] =	vst v1  }
0x45: {  	[tilespmem:$0x5840] =	vst v0  }
0x46: {  	[tilespmem:$0x5940] =	vst v1  }
0x47: {  	[spmem:s15] =	stream.linear.scatter [tilespmem:s18], [sflag:$0x5], $0x2800, $0x38;
	[tilespmem:$0x1EE80] =	vst v63  }
0x48: {  	_ =	swait.ge [sflag:s19], $0x2800  }
0x49: {  	[sflag:s19] =	ssyncset.done $0x0  }
0x4a: {  	[sflag:s19] =	ssyncadd.s32 $0xFFFFD800  }
0x4b: {  	[spmem:s11] =	stream.linear.scatter [tilespmem:s20], [sflag:$0x5], $0x50, $0x38;
	[tilespmem:$0x1EE80] =	vst v63  }
0x4c: {  	_ =	swait.ge [sflag:s19], $0x50  }
0x4d: {  	[sflag:s19] =	ssyncset.done $0x0  }
0x4e: {  	[sflag:s19] =	ssyncadd.s32 $0xFFFFFFB0  }
0x4f: {  	[spmem:s12] =	stream.linear.scatter [tilespmem:s20], [sflag:$0x5], $0x50, $0x38;
	[tilespmem:$0x1EE80] =	vst v63  }
0x50: {  	_ =	swait.ge [sflag:s19], $0x50  }
0x51: {  	[sflag:s19] =	ssyncset.done $0x0  }
0x52: {  	s15 =	rddreg [dreg:$0xa];
	[sflag:s19] =	ssyncadd.s32 $0xFFFFFFB0  }
0x53: {  	[spmem:s15] =	stream.linear.scatter [tilespmem:s18], [sflag:$0x5], $0x2800, $0x38;
	[tilespmem:$0x1EE80] =	vst v63  }
0x54: {  	_ =	swait.ge [sflag:s19], $0x2800  }
0x55: {  	[sflag:s19] =	ssyncset.done $0x0  }
0x56: {  	s16 =	rddreg [dreg:$0xb];
	[sflag:s19] =	ssyncadd.s32 $0xFFFFD800  }
0x57: {  	[spmem:s16] =	stream.linear.scatter [tilespmem:s20], [sflag:$0x5], $0x50, $0x38;
	[tilespmem:$0x1EE80] =	vst v63  }
0x58: {  	_ =	swait.ge [sflag:s19], $0x50  }
0x59: {  	[sflag:s19] =	ssyncset.done $0x0  }
0x5a: {  	s17 =	rddreg [dreg:$0xc];
	[sflag:s19] =	ssyncadd.s32 $0xFFFFFFB0  }
0x5b: {  	[spmem:s17] =	stream.linear.scatter [tilespmem:s20], [sflag:$0x5], $0x50, $0x38;
	[tilespmem:$0x1EE80] =	vst v63  }
0x5c: {  	_ =	swait.ge [sflag:s19], $0x50  }
0x5d: {  	[sflag:s19] =	ssyncset.done $0x0  }
0x5e: {  	s29 =	rddreg [dreg:$0xd];
	[sflag:s19] =	ssyncadd.s32 $0xFFFFFFB0  }
0x5f: {  	[spmem:s29] =	stream.linear.scatter [tilespmem:s18], [sflag:$0x5], $0x2800, $0x38;
	[tilespmem:$0x1EE80] =	vst v63  }
0x60: {  	_ =	swait.ge [sflag:s19], $0x2800  }
0x61: {  	[sflag:s19] =	ssyncset.done $0x0  }
0x62: {  	s30 =	rddreg [dreg:$0xe];
	[sflag:s19] =	ssyncadd.s32 $0xFFFFD800  }
0x63: {  	[spmem:s30] =	stream.linear.scatter [tilespmem:s20], [sflag:$0x5], $0x50, $0x38;
	[tilespmem:$0x1EE80] =	vst v63  }
0x64: {  	_ =	swait.ge [sflag:s19], $0x50  }
0x65: {  	[sflag:s19] =	ssyncset.done $0x0  }
0x66: {  	s6 =	rddreg [dreg:$0xf];
	[sflag:s19] =	ssyncadd.s32 $0xFFFFFFB0  }
0x67: {  	[spmem:s6] =	stream.linear.scatter [tilespmem:s20], [sflag:$0x5], $0x50, $0x38;
	[tilespmem:$0x1EE80] =	vst v63  }
0x68: {  	_ =	swait.ge [sflag:s19], $0x50  }
0x69: {  	[sflag:s19] =	ssyncset.done $0x0  }
0x6a: {  	s11 =	rddreg [dreg:$0x10];
	[sflag:s19] =	ssyncadd.s32 $0xFFFFFFB0  }
0x6b: {  	[spmem:s11] =	stream.linear.scatter [tilespmem:s18], [sflag:$0x5], $0x2800, $0x38;
	[tilespmem:$0x1EE80] =	vst v63  }
0x6c: {  	_ =	swait.ge [sflag:s19], $0x2800  }
0x6d: {  	[sflag:s19] =	ssyncset.done $0x0  }
0x6e: {  	s12 =	rddreg [dreg:$0x11];
	[sflag:s19] =	ssyncadd.s32 $0xFFFFD800  }
0x6f: {  	[spmem:s12] =	stream.linear.scatter [tilespmem:s20], [sflag:$0x5], $0x50, $0x38;
	[tilespmem:$0x1EE80] =	vst v63  }
0x70: {  	_ =	swait.ge [sflag:s19], $0x50  }
0x71: {  	[sflag:s19] =	ssyncset.done $0x0  }
0x72: {  	s14 =	rddreg [dreg:$0x12];
	[sflag:s19] =	ssyncadd.s32 $0xFFFFFFB0  }
0x73: {  	[spmem:s14] =	stream.linear.scatter [tilespmem:s20], [sflag:$0x5], $0x50, $0x38;
	[tilespmem:$0x1EE80] =	vst v63  }
0x74: {  	_ =	swait.ge [sflag:s19], $0x50  }
0x75: {  	[sflag:s19] =	ssyncset.done $0x0  }
0x76: {  	s15 =	rddreg [dreg:$0x13];
	[sflag:s19] =	ssyncadd.s32 $0xFFFFFFB0  }
0x77: {  	[spmem:s15] =	stream.linear.scatter [tilespmem:s18], [sflag:$0x5], $0x2800, $0x38;
	[tilespmem:$0x1EE80] =	vst v63  }
0x78: {  	_ =	swait.ge [sflag:s19], $0x2800  }
0x79: {  	[sflag:s19] =	ssyncset.done $0x0  }
0x7a: {  	s16 =	rddreg [dreg:$0x14];
	[sflag:s19] =	ssyncadd.s32 $0xFFFFD800  }
0x7b: {  	[spmem:s16] =	stream.linear.scatter [tilespmem:s20], [sflag:$0x5], $0x50, $0x38;
	[tilespmem:$0x1EE80] =	vst v63  }
0x7c: {  	_ =	swait.ge [sflag:s19], $0x50  }
0x7d: {  	[sflag:s19] =	ssyncset.done $0x0  }
0x7e: {  	s17 =	rddreg [dreg:$0x15];
	[sflag:s19] =	ssyncadd.s32 $0xFFFFFFB0  }
0x7f: {  	[spmem:s17] =	stream.linear.scatter [tilespmem:s20], [sflag:$0x5], $0x50, $0x38;
	[tilespmem:$0x1EE80] =	vst v63  }
0x80: {  	_ =	swait.ge [sflag:s19], $0x50  }
0x81: {  	[sflag:s19] =	ssyncset.done $0x0  }
0x82: {  	s29 =	rddreg [dreg:$0x16];
	[sflag:s19] =	ssyncadd.s32 $0xFFFFFFB0  }
0x83: {  	[spmem:s29] =	stream.linear.scatter [tilespmem:s18], [sflag:$0x5], $0x2800, $0x38;
	[tilespmem:$0x1EE80] =	vst v63  }
0x84: {  	_ =	swait.ge [sflag:s19], $0x2800  }
0x85: {  	[sflag:s19] =	ssyncset.done $0x0  }
0x86: {  	s30 =	rddreg [dreg:$0x17];
	[sflag:s19] =	ssyncadd.s32 $0xFFFFD800  }
0x87: {  	[spmem:s30] =	stream.linear.scatter [tilespmem:s20], [sflag:$0x5], $0x50, $0x38;
	[tilespmem:$0x1EE80] =	vst v63  }
0x88: {  	_ =	swait.ge [sflag:s19], $0x50  }
0x89: {  	[sflag:s19] =	ssyncset.done $0x0  }
0x8a: {  	s6 =	rddreg [dreg:$0x18];
	[sflag:s19] =	ssyncadd.s32 $0xFFFFFFB0  }
0x8b: {  	[spmem:s6] =	stream.linear.scatter [tilespmem:s20], [sflag:$0x5], $0x50, $0x38;
	[tilespmem:$0x1EE80] =	vst v63  }
0x8c: {  	_ =	swait.ge [sflag:s19], $0x50  }
0x8d: {  	[sflag:s19] =	ssyncset.done $0x0  }
0x8e: {  	s11 =	rddreg [dreg:$0x19];
	[sflag:s19] =	ssyncadd.s32 $0xFFFFFFB0  }
0x8f: {  	[spmem:s11] =	stream.linear.scatter [tilespmem:s18], [sflag:$0x5], $0x2800, $0x38;
	[tilespmem:$0x1EE80] =	vst v63  }
0x90: {  	_ =	swait.ge [sflag:s19], $0x2800  }
0x91: {  	[sflag:s19] =	ssyncset.done $0x0  }
0x92: {  	s12 =	rddreg [dreg:$0x1c];
	[sflag:s19] =	ssyncadd.s32 $0xFFFFD800  }
0x93: {  	[spmem:s12] =	stream.linear.scatter [tilespmem:s20], [sflag:$0x5], $0x50, $0x38;
	[tilespmem:$0x1EE80] =	vst v63  }
0x94: {  	_ =	swait.ge [sflag:s19], $0x50  }
0x95: {  	[sflag:s19] =	ssyncset.done $0x0  }
0x96: {  	s14 =	rddreg [dreg:$0x1d];
	[sflag:s19] =	ssyncadd.s32 $0xFFFFFFB0  }
0x97: {  	[spmem:s14] =	stream.linear.scatter [tilespmem:s20], [sflag:$0x5], $0x50, $0x38;
	[tilespmem:$0x1EE80] =	vst v63  }
0x98: {  	_ =	swait.ge [sflag:s19], $0x50  }
0x99: {  	[sflag:s19] =	ssyncset.done $0x0  }
0x9a: {  	s15 =	rddreg [dreg:$0x1e];
	[sflag:s19] =	ssyncadd.s32 $0xFFFFFFB0  }
0x9b: {  	[spmem:s15] =	stream.linear.scatter [tilespmem:s18], [sflag:$0x5], $0x2800, $0x38;
	[tilespmem:$0x1EE80] =	vst v63  }
0x9c: {  	_ =	swait.ge [sflag:s19], $0x2800  }
0x9d: {  	[sflag:s19] =	ssyncset.done $0x0  }
0x9e: {  	s16 =	rddreg [dreg:$0x1f];
	[sflag:s19] =	ssyncadd.s32 $0xFFFFD800  }
0x9f: {  	[spmem:s16] =	stream.linear.scatter [tilespmem:s20], [sflag:$0x5], $0x50, $0x38;
	[tilespmem:$0x1EE80] =	vst v63  }
0xa0: {  	_ =	swait.ge [sflag:s19], $0x50  }
0xa1: {  	s17 =	sld [smem:$0x7F9]  }
0xa2: {  	[sflag:s19] =	ssyncset.done $0x0  }
0xa3: {  	[sflag:s19] =	ssyncadd.s32 $0xFFFFFFB0  }
0xa4: {  	[spmem:s17] =	stream.linear.scatter [tilespmem:s20], [sflag:$0x5], $0x50, $0x38;
	[tilespmem:$0x1EE80] =	vst v63  }
0xa5: {  	_ =	swait.ge [sflag:s19], $0x50  }
0xa6: {  	[sflag:s19] =	ssyncset.done $0x0  }
0xa7: {  	[sflag:s19] =	ssyncadd.s32 $0xFFFFFFB0  }
0xa8: {  	[bflag:$0x0] =	sbarrier.arrive $0xFFFF  }
0xa9: {  	s12 =	simm.s32 $0x0;
	s29 =	rddreg [dreg:$0x7]  }
0xaa: {  	[tilespmem:s21], [sflag:$0x5] =	stream.linear.gather [hbm4b:s29+s12], $0x2800, $0x38;
	[tilespmem:$0x1EE80] =	vst v63  }
0xab: {  	_ =	swait.ge [sflag:s19], $0x2800  }
0xac: {  	[sflag:s19] =	ssyncset.done $0x0  }
0xad: {  	s30 =	rddreg [dreg:$0x8];
	[sflag:s19] =	ssyncadd.s32 $0xFFFFD800  }
0xae: {  	[tilespmem:s22], [sflag:$0x5] =	stream.linear.gather [hbm4b:s30+s12], $0x2800, $0x38;
	[tilespmem:$0x1EE80] =	vst v63  }
0xaf: {  	_ =	swait.ge [sflag:s19], $0x2800  }
0xb0: {  	[sflag:s19] =	ssyncset.done $0x0  }
0xb1: {  	s14 =	simm.s32 $0x0;
	[sflag:s19] =	ssyncadd.s32 $0xFFFFD800  }
.LBB2_4:
0xb2: {  	s1 =	sadd.s32 s13, s14  }
0xb3: {  	s6 =	rddreg [dreg:$0x0];
	s1 =	sshll.u32 s1, $0x7  }
0xb4: {  	s6 =	sadd.s32 s6, s1  }
0xb5: {  	[tilespmem:s12], [sflag:$0x5] =	stream.linear.gather [hbm4b:s6+s12], $0x400, $0x38;
	[tilespmem:$0x1EE80] =	vst v63  }
0xb6: {  	_ =	swait.ge [sflag:s19], $0x400  }
0xb7: {  	[sflag:s19] =	ssyncset.done $0x0  }
0xb8: {  	s1 =	sadd.s32 s7, s1;
	[sflag:s19] =	ssyncadd.s32 $0xFFFFFC00  }
0xb9: {  	[tilespmem:s23], [sflag:$0x5] =	stream.linear.gather [hbm4b:s1+s12], $0x400, $0x38;
	[tilespmem:$0x1EE80] =	vst v63  }
0xba: {  	_ =	swait.ge [sflag:s19], $0x400  }
0xbb: {  	[sflag:s19] =	ssyncset.done $0x0  }
0xbc: {  	s15 =	simm.s32 $0x0;
	[sflag:s19] =	ssyncadd.s32 $0xFFFFFC00  }
0xbd: {  	[tilespmem:s18], [sflag:$0x1] =	stream.indirect.gather [hbm4b:s10+s24], $0x80, s12, s24, $0xb8;
	[tilespmem:$0x1EE80] =	vst v63  }
.LBB2_5:
0xbe: {  	p0 =	seq.s32 s15, $0x0  }
0xbf: {  	s1 =	simm.s32 @!p0 $0x4  }
0xc0: {  	_ =	swait.ge @!p0 [sflag:s1], $0x2800  }
0xc1: {  	s17 =	sshll.u32 s15, $0x8;
	[sflag:s1] =	ssyncset.done @!p0 $0x0  }
0xc2: {  	s16 =	sor.u32 $0x80, s17;
	[sflag:s1] =	ssyncadd.s32 @!p0 $0xFFFFD800  }
0xc3: {  	[tilespmem:s25], [sflag:$0x2] =	stream.indirect.gather [hbm4b:s10+s24], $0x80, s16, s24, $0xb8;
	[tilespmem:$0x1EE80] =	vst v63  }
0xc4: {  	v2 =	vld [tilespmem:s17+$0x0]  }
0xc5: {  	v3 =	vld [tilespmem:s17+$0x400];
	_ =	sdelay $0x6  }
0xc6: {  	v2 =	vld.idx.msk [tilespmem:v2+s21+$0x0], $0xffff  }
0xc7: {  	v3 =	vld.idx.msk [tilespmem:v3+s22+$0x0], $0xffff;
	_ =	sdelay $0x4  }
0xc8: {  	v2 =	vadd.f32 v3, v2;
	_ =	sdelay $0x1  }
0xc9: {  	v3 =	vmul.f32 $2.000000030e-01, v2  }
0xca: {  	vm0 =	vgt.f32 v2, $0.0e+00  }
0xcb: {  	v2 =	vsel vm0, v2, v3  }
0xcc: {  	v2 =	vmul.f32 $1.442695020e+00, v2;
	_ =	sdelay $0x1  }
0xcd: {  	(erf) = vpow2.f32 v2;
	_ =	sdelay $0x8  }
0xce: {  	v2 =	vpop (erf)  }
0xcf: {  	[tilespmem:$0x5800] =	vst v2  }
0xd0: {  	v2 =	vld [tilespmem:s17+$0x10]  }
0xd1: {  	v3 =	vld [tilespmem:s17+$0x410];
	_ =	sdelay $0x6  }
0xd2: {  	v2 =	vld.idx.msk [tilespmem:v2+s21+$0x0], $0xffff  }
0xd3: {  	v3 =	vld.idx.msk [tilespmem:v3+s22+$0x0], $0xffff;
	_ =	sdelay $0x4  }
0xd4: {  	v2 =	vadd.f32 v3, v2;
	_ =	sdelay $0x1  }
0xd5: {  	v3 =	vmul.f32 $2.000000030e-01, v2  }
0xd6: {  	vm12 =	vgt.f32 v2, $0.0e+00  }
0xd7: {  	v2 =	vsel vm12, v2, v3  }
0xd8: {  	v2 =	vmul.f32 $1.442695020e+00, v2;
	_ =	sdelay $0x1  }
0xd9: {  	(erf) = vpow2.f32 v2;
	_ =	sdelay $0x8  }
0xda: {  	v2 =	vpop (erf)  }
0xdb: {  	[tilespmem:$0x5810] =	vst v2  }
0xdc: {  	v2 =	vld [tilespmem:s17+$0x20]  }
0xdd: {  	v3 =	vld [tilespmem:s17+$0x420];
	_ =	sdelay $0x6  }
0xde: {  	v2 =	vld.idx.msk [tilespmem:v2+s21+$0x0], $0xffff  }
0xdf: {  	v3 =	vld.idx.msk [tilespmem:v3+s22+$0x0], $0xffff;
	_ =	sdelay $0x4  }
0xe0: {  	v2 =	vadd.f32 v3, v2;
	_ =	sdelay $0x1  }
0xe1: {  	v3 =	vmul.f32 $2.000000030e-01, v2  }
0xe2: {  	vm13 =	vgt.f32 v2, $0.0e+00  }
0xe3: {  	v2 =	vsel vm13, v2, v3  }
0xe4: {  	v2 =	vmul.f32 $1.442695020e+00, v2;
	_ =	sdelay $0x1  }
0xe5: {  	(erf) = vpow2.f32 v2;
	_ =	sdelay $0x8  }
0xe6: {  	v2 =	vpop (erf)  }
0xe7: {  	[tilespmem:$0x5820] =	vst v2  }
0xe8: {  	v2 =	vld [tilespmem:s17+$0x30]  }
0xe9: {  	v3 =	vld [tilespmem:s17+$0x430];
	_ =	sdelay $0x6  }
0xea: {  	v2 =	vld.idx.msk [tilespmem:v2+s21+$0x0], $0xffff  }
0xeb: {  	v3 =	vld.idx.msk [tilespmem:v3+s22+$0x0], $0xffff;
	_ =	sdelay $0x4  }
0xec: {  	v2 =	vadd.f32 v3, v2;
	_ =	sdelay $0x1  }
0xed: {  	v3 =	vmul.f32 $2.000000030e-01, v2  }
0xee: {  	vm14 =	vgt.f32 v2, $0.0e+00  }
0xef: {  	v2 =	vsel vm14, v2, v3  }
0xf0: {  	v2 =	vmul.f32 $1.442695020e+00, v2;
	_ =	sdelay $0x1  }
0xf1: {  	(erf) = vpow2.f32 v2;
	_ =	sdelay $0x8  }
0xf2: {  	v2 =	vpop (erf)  }
0xf3: {  	[tilespmem:$0x5830] =	vst v2  }
0xf4: {  	v2 =	vld [tilespmem:s17+$0x40]  }
0xf5: {  	v3 =	vld [tilespmem:s17+$0x440];
	_ =	sdelay $0x6  }
0xf6: {  	v2 =	vld.idx.msk [tilespmem:v2+s21+$0x0], $0xffff  }
0xf7: {  	v3 =	vld.idx.msk [tilespmem:v3+s22+$0x0], $0xffff;
	_ =	sdelay $0x4  }
0xf8: {  	v2 =	vadd.f32 v3, v2;
	_ =	sdelay $0x1  }
0xf9: {  	v3 =	vmul.f32 $2.000000030e-01, v2  }
0xfa: {  	vm15 =	vgt.f32 v2, $0.0e+00  }
0xfb: {  	v2 =	vsel vm15, v2, v3  }
0xfc: {  	v2 =	vmul.f32 $1.442695020e+00, v2;
	_ =	sdelay $0x1  }
0xfd: {  	(erf) = vpow2.f32 v2;
	_ =	sdelay $0x8  }
0xfe: {  	v2 =	vpop (erf)  }
0xff: {  	s11 =	sadd.s32 $0x400, s17;
	[tilespmem:$0x5840] =	vst v2  }
0x100: {  	[spmem:s4] =	stream.indirect.scatter.add.f32 [tilespmem:s20], [sflag:$0x5], $0x1, s11, s24, $0xb8;
	[tilespmem:$0x1EE80] =	vst v63  }
0x101: {  	_ =	swait.ge [sflag:s19], $0x50  }
0x102: {  	[sflag:s19] =	ssyncset.done $0x0  }
0x103: {  	s6 =	simm.s32 $0x0;
	[sflag:s19] =	ssyncadd.s32 $0xFFFFFFB0  }
0x104: {  	v2 =	vmov s6;
	[spmem:s5] =	stream.indirect.scatter.add.f32 [tilespmem:s26], [sflag:$0x5], $0x1, s11, s24, $0xb8;
	[tilespmem:$0x1EE80] =	vst v63  }
0x105: {  	v2 =	vand.u32 $0xFFFFFFFE, v2;
	_ =	swait.ge [sflag:s19], $0x50  }
0x106: {  	v3 =	vbroadcast v2, $0x0;
	[sflag:s19] =	ssyncset.done $0x0  }
0x107: {  	[sflag:s19] =	ssyncadd.s32 $0xFFFFFFB0  }
0x108: {  	_ =	swait.ge [sflag:s28], $0x2800  }
0x109: {  	[sflag:s28] =	ssyncset.done $0x0  }
0x10a: {  	s29 =	simm.s32 $0x5A00;
	[sflag:s28] =	ssyncadd.s32 $0xFFFFD800  }
0x10b: {  	v6 =	vld [tilespmem:s29+$0xFFFFFFF0]  }
0x10c: {  	v7 =	vld.idx.msk [tilespmem:v3+s20+$0x0], $0xffff  }
0x10d: {  	v8 =	vld [tilespmem:s29+$0xFFFFFF80]  }
0x10e: {  	v9 =	vld [tilespmem:s29+$0xFFFFFFA0]  }
0x10f: {  	v5 =	vld [tilespmem:s29+$0xFFFFFFB0]  }
0x110: {  	v4 =	vld [tilespmem:s29+$0xFFFFFFD0]  }
0x111: {  	v11 =	vld [tilespmem:s29+$0xFFFFFF90];
	v6 =	vmul.f32 v6, v7  }
0x112: {  	v10 =	vld [tilespmem:s29+$0xFFFFFFE0];
	v8 =	vmul.f32 v8, v7  }
0x113: {  	v12 =	vld [tilespmem:s29+$0xFFFFFFC0];
	v9 =	vmul.f32 v9, v7;
	[tilespmem:s29+$0xFFFFFFF0] =	vst v6  }
0x114: {  	v5 =	vmul.f32 v5, v7;
	[tilespmem:s29+$0xFFFFFF80] =	vst v8  }
0x115: {  	s6 =	simm.s32 $0x1;
	v4 =	vmul.f32 v4, v7;
	[tilespmem:s29+$0xFFFFFFA0] =	vst v9  }
0x116: {  	v6 =	vmul.f32 v11, v7;
	[tilespmem:s29+$0xFFFFFFB0] =	vst v5;
	v8 =	vmov s6  }
0x117: {  	v2 =	vld [tilespmem:s29+$0x0];
	v5 =	vmul.f32 v10, v7;
	[tilespmem:s29+$0xFFFFFFD0] =	vst v4  }
0x118: {  	v3 =	vld [tilespmem:s29+$0x10];
	v4 =	vmul.f32 v12, v7;
	[tilespmem:s29+$0xFFFFFF90] =	vst v6  }
0x119: {  	[tilespmem:s29+$0xFFFFFFE0] =	vst v5;
	v6 =	vld [tilespmem:s29+$0x30]  }
0x11a: {  	[tilespmem:s29+$0xFFFFFFC0] =	vst v4;
	v5 =	vld [tilespmem:s29+$0x70]  }
0x11b: {  	s30 =	simm.s32 $0x2;
	s6 =	simm.s32 $0x5A00;
	v4 =	vld.idx.msk [tilespmem:v8+s20+$0x0], $0xffff  }
.LBB2_6:
0x11c: {  	p0 =	slt.u32 s30, $0x4E  }
0x11d: {  	v7 =	vld [tilespmem:s29+$0x20];
	s6 =	sadd.s32 $0x100, s6;
	s1 =	smov.u32 s30;
	s30 =	sadd.s32 $0x2, s30  }
0x11e: {  	v8 =	vld [tilespmem:s29+$0x40]  }
0x11f: {  	v9 =	vld [tilespmem:s29+$0x50]  }
0x120: {  	v10 =	vld [tilespmem:s29+$0x60];
	_ =	sdelay $0x1  }
0x121: {  	v2 =	vmul.f32 v2, v4;
	v3 =	vmul.f32 v3, v4  }
0x122: {  	v6 =	vmul.f32 v6, v4;
	v7 =	vmul.f32 v7, v4  }
0x123: {  	v11 =	vmov s1;
	v8 =	vmul.f32 v8, v4;
	[tilespmem:s29+$0x0] =	vst v2;
	v9 =	vmul.f32 v9, v4  }
0x124: {  	v11 =	vand.u32 $0xFFFFFFFE, v11;
	v2 =	vld [tilespmem:s6+$0x0];
	[tilespmem:s29+$0x30] =	vst v6;
	v6 =	vmul.f32 v10, v4;
	v4 =	vmul.f32 v5, v4  }
0x125: {  	v5 =	vbroadcast v11, $0x0;
	[tilespmem:s29+$0x10] =	vst v3  }
0x126: {  	[tilespmem:s29+$0x70] =	vst v4  }
0x127: {  	v4 =	vld [tilespmem:s6+$0xFFFFFFD0];
	[tilespmem:s29+$0x20] =	vst v7  }
0x128: {  	v7 =	vld [tilespmem:s6+$0xFFFFFFB0];
	[tilespmem:s29+$0x60] =	vst v6  }
0x129: {  	v6 =	vld [tilespmem:s6+$0xFFFFFFE0];
	[tilespmem:s29+$0x40] =	vst v8  }
0x12a: {  	v8 =	vld [tilespmem:s6+$0xFFFFFFF0];
	[tilespmem:s29+$0x50] =	vst v9;
	s29 =	smov.u32 s6  }
0x12b: {  	v5 =	vld.idx.msk [tilespmem:v5+s20+$0x0], $0xffff  }
0x12c: {  	v9 =	vld [tilespmem:s6+$0xFFFFFF80]  }
0x12d: {  	v10 =	vld [tilespmem:s6+$0xFFFFFFA0]  }
0x12e: {  	v11 =	vld [tilespmem:s6+$0xFFFFFF90]  }
0x12f: {  	v12 =	vld [tilespmem:s6+$0xFFFFFFC0]  }
0x130: {  	v3 =	vld [tilespmem:s6+$0x10]  }
0x131: {  	v8 =	vmul.f32 v8, v5;
	v9 =	vmul.f32 v9, v5  }
0x132: {  	v6 =	vmul.f32 v6, v5;
	v10 =	vmul.f32 v10, v5  }
0x133: {  	v7 =	vmul.f32 v7, v5;
	v11 =	vmul.f32 v11, v5;
	[tilespmem:s6+$0xFFFFFFF0] =	vst v8  }
0x134: {  	v4 =	vmul.f32 v4, v5;
	[tilespmem:s6+$0xFFFFFF80] =	vst v9;
	v8 =	vmul.f32 v12, v5  }
0x135: {  	s1 =	sadd.s32 $0x1, s1;
	[tilespmem:s6+$0xFFFFFFA0] =	vst v10  }
0x136: {  	[tilespmem:s6+$0xFFFFFFB0] =	vst v7;
	v7 =	vmov s1  }
.Ltmp1:
0x137: {  	[tilespmem:s6+$0xFFFFFFD0] =	vst v4;
	(pc) =	sbr.rel @p0 .LBB2_6-.Ltmp1, $4  }
0x138: {  	[tilespmem:s6+$0xFFFFFF90] =	vst v11  }
0x139: {  	[tilespmem:s6+$0xFFFFFFE0] =	vst v6;
	v6 =	vld [tilespmem:s6+$0x30]  }
0x13a: {  	[tilespmem:s6+$0xFFFFFFC0] =	vst v8;
	v5 =	vld [tilespmem:s6+$0x70]  }
0x13b: {  	v4 =	vld.idx.msk [tilespmem:v7+s20+$0x0], $0xffff  }
0x13c: {  	_ =	sdelay $0x2  }
0x13d: {  	v7 =	vld [tilespmem:s29+$0x20]  }
0x13e: {  	v8 =	vld [tilespmem:s29+$0x60];
	v2 =	vmul.f32 v2, v4  }
0x13f: {  	v9 =	vld [tilespmem:s29+$0x40];
	v6 =	vmul.f32 v6, v4  }
0x140: {  	v10 =	vld [tilespmem:s29+$0x50];
	v3 =	vmul.f32 v3, v4;
	[tilespmem:s29+$0x0] =	vst v2  }
0x141: {  	[tilespmem:s29+$0x30] =	vst v6;
	v2 =	vmul.f32 v5, v4  }
0x142: {  	v5 =	vmul.f32 v7, v4;
	[tilespmem:s29+$0x10] =	vst v3  }
0x143: {  	v3 =	vmul.f32 v8, v4;
	[tilespmem:s29+$0x70] =	vst v2  }
0x144: {  	v2 =	vmul.f32 v9, v4;
	[tilespmem:s29+$0x20] =	vst v5  }
0x145: {  	v4 =	vmul.f32 v10, v4;
	[tilespmem:s29+$0x60] =	vst v3  }
0x146: {  	[tilespmem:s29+$0x40] =	vst v2  }
0x147: {  	[tilespmem:s29+$0x50] =	vst v4  }
0x148: {  	[spmem:s2] =	stream.indirect.scatter.add.f32 [tilespmem:s18], [sflag:$0x3], $0x80, s11, s24, $0xb8;
	[tilespmem:$0x1EE80] =	vst v63  }
0x149: {  	v2 =	vld [tilespmem:s16+$0x0]  }
0x14a: {  	v3 =	vld [tilespmem:s16+$0x400];
	_ =	sdelay $0x6  }
0x14b: {  	v2 =	vld.idx.msk [tilespmem:v2+s21+$0x0], $0xffff  }
0x14c: {  	v3 =	vld.idx.msk [tilespmem:v3+s22+$0x0], $0xffff;
	_ =	sdelay $0x4  }
0x14d: {  	v2 =	vadd.f32 v3, v2;
	_ =	sdelay $0x1  }
0x14e: {  	v3 =	vmul.f32 $2.000000030e-01, v2  }
0x14f: {  	vm0 =	vgt.f32 v2, $0.0e+00  }
0x150: {  	v2 =	vsel vm0, v2, v3  }
0x151: {  	v2 =	vmul.f32 $1.442695020e+00, v2;
	_ =	sdelay $0x1  }
0x152: {  	(erf) = vpow2.f32 v2;
	_ =	sdelay $0x8  }
0x153: {  	v2 =	vpop (erf)  }
0x154: {  	s1 =	sor.u32 $0x90, s17;
	[tilespmem:$0x5880] =	vst v2  }
0x155: {  	v2 =	vld [tilespmem:s1+$0x0]  }
0x156: {  	v3 =	vld [tilespmem:s17+$0x490];
	_ =	sdelay $0x6  }
0x157: {  	v2 =	vld.idx.msk [tilespmem:v2+s21+$0x0], $0xffff  }
0x158: {  	v3 =	vld.idx.msk [tilespmem:v3+s22+$0x0], $0xffff;
	_ =	sdelay $0x4  }
0x159: {  	v2 =	vadd.f32 v3, v2;
	_ =	sdelay $0x1  }
0x15a: {  	v3 =	vmul.f32 $2.000000030e-01, v2  }
0x15b: {  	vm12 =	vgt.f32 v2, $0.0e+00  }
0x15c: {  	v2 =	vsel vm12, v2, v3  }
0x15d: {  	v2 =	vmul.f32 $1.442695020e+00, v2;
	_ =	sdelay $0x1  }
0x15e: {  	(erf) = vpow2.f32 v2;
	_ =	sdelay $0x8  }
0x15f: {  	v2 =	vpop (erf)  }
0x160: {  	s30 =	sor.u32 $0xA0, s17;
	[tilespmem:$0x5890] =	vst v2  }
0x161: {  	v2 =	vld [tilespmem:s30+$0x0]  }
0x162: {  	v3 =	vld [tilespmem:s17+$0x4A0];
	_ =	sdelay $0x6  }
0x163: {  	v2 =	vld.idx.msk [tilespmem:v2+s21+$0x0], $0xffff  }
0x164: {  	v3 =	vld.idx.msk [tilespmem:v3+s22+$0x0], $0xffff;
	_ =	sdelay $0x4  }
0x165: {  	v2 =	vadd.f32 v3, v2;
	_ =	sdelay $0x1  }
0x166: {  	v3 =	vmul.f32 $2.000000030e-01, v2  }
0x167: {  	vm13 =	vgt.f32 v2, $0.0e+00  }
0x168: {  	v2 =	vsel vm13, v2, v3  }
0x169: {  	v2 =	vmul.f32 $1.442695020e+00, v2;
	_ =	sdelay $0x1  }
0x16a: {  	(erf) = vpow2.f32 v2;
	_ =	sdelay $0x8  }
0x16b: {  	v2 =	vpop (erf)  }
0x16c: {  	s6 =	sor.u32 $0xB0, s17;
	[tilespmem:$0x58A0] =	vst v2  }
0x16d: {  	v2 =	vld [tilespmem:s6+$0x0]  }
0x16e: {  	v3 =	vld [tilespmem:s17+$0x4B0];
	_ =	sdelay $0x6  }
0x16f: {  	v2 =	vld.idx.msk [tilespmem:v2+s21+$0x0], $0xffff  }
0x170: {  	v3 =	vld.idx.msk [tilespmem:v3+s22+$0x0], $0xffff;
	_ =	sdelay $0x4  }
0x171: {  	v2 =	vadd.f32 v3, v2;
	_ =	sdelay $0x1  }
0x172: {  	v3 =	vmul.f32 $2.000000030e-01, v2  }
0x173: {  	vm14 =	vgt.f32 v2, $0.0e+00  }
0x174: {  	v2 =	vsel vm14, v2, v3  }
0x175: {  	v2 =	vmul.f32 $1.442695020e+00, v2;
	_ =	sdelay $0x1  }
0x176: {  	(erf) = vpow2.f32 v2;
	_ =	sdelay $0x8  }
0x177: {  	v2 =	vpop (erf)  }
0x178: {  	s11 =	sor.u32 $0xC0, s17;
	[tilespmem:$0x58B0] =	vst v2  }
0x179: {  	v2 =	vld [tilespmem:s11+$0x0]  }
0x17a: {  	v3 =	vld [tilespmem:s17+$0x4C0];
	_ =	sdelay $0x6  }
0x17b: {  	v2 =	vld.idx.msk [tilespmem:v2+s21+$0x0], $0xffff  }
0x17c: {  	v3 =	vld.idx.msk [tilespmem:v3+s22+$0x0], $0xffff;
	_ =	sdelay $0x4  }
0x17d: {  	v2 =	vadd.f32 v3, v2;
	_ =	sdelay $0x1  }
0x17e: {  	v3 =	vmul.f32 $2.000000030e-01, v2  }
0x17f: {  	vm15 =	vgt.f32 v2, $0.0e+00  }
0x180: {  	v2 =	vsel vm15, v2, v3  }
0x181: {  	v2 =	vmul.f32 $1.442695020e+00, v2;
	_ =	sdelay $0x1  }
0x182: {  	(erf) = vpow2.f32 v2;
	_ =	sdelay $0x8  }
0x183: {  	v2 =	vpop (erf)  }
0x184: {  	s16 =	sadd.s32 $0x400, s16;
	[tilespmem:$0x58C0] =	vst v2  }
0x185: {  	[spmem:s4] =	stream.indirect.scatter.add.f32 [tilespmem:s31], [sflag:$0x5], $0x1, s16, s24, $0xb8;
	[tilespmem:$0x1EE80] =	vst v63  }
0x186: {  	_ =	swait.ge [sflag:s19], $0x50  }
0x187: {  	[sflag:s19] =	ssyncset.done $0x0  }
0x188: {  	[sflag:s19] =	ssyncadd.s32 $0xFFFFFFB0  }
0x189: {  	[spmem:s5] =	stream.indirect.scatter.add.f32 [tilespmem:s26], [sflag:$0x5], $0x1, s16, s24, $0xb8;
	[tilespmem:$0x1EE80] =	vst v63  }
0x18a: {  	_ =	swait.ge [sflag:s19], $0x50  }
0x18b: {  	p0 =	seq.s32 s15, $0x3;
	[sflag:s19] =	ssyncset.done $0x0  }
0x18c: {  	s29 =	simm.s32 $0x0;
	s1 =	simm.s32 @!p0 $0x3;
	[sflag:s19] =	ssyncadd.s32 $0xFFFFFFB0  }
0x18d: {  	s6 =	sshll.u32 @!p0 s15, $0x8;
	v2 =	vmov s29;
	_ =	swait.ge @!p0 [sflag:s1], $0x2800  }
0x18e: {  	s6 =	sand.u32 @!p0 $0x3FFFFF00, s6;
	s11 =	simm.s32 @!p0 $0x5980;
	v2 =	vand.u32 $0xFFFFFFFE, v2;
	[sflag:s1] =	ssyncset.done @!p0 $0x0  }
0x18f: {  	v3 =	vbroadcast v2, $0x0;
	[sflag:s1] =	ssyncadd.s32 @!p0 $0xFFFFD800;
	s1 =	sadd.s32 @!p0 $0x100, s6;
	s6 =	simm.s32 @!p0 $0x50  }
0x190: {  	[tilespmem:s11], [sflag:$0x1] =	stream.indirect.gather @!p0 [hbm4b:s10+s6], $0x80, s1, s6, $0xb8;
	[tilespmem:$0x1EE80] =	vst v63  }
0x191: {  	_ =	swait.ge [sflag:s0], $0x2800  }
0x192: {  	[sflag:s0] =	ssyncset.done $0x0  }
0x193: {  	s11 =	simm.s32 $0x8200;
	[sflag:s0] =	ssyncadd.s32 $0xFFFFD800  }
0x194: {  	v6 =	vld [tilespmem:s11+$0xFFFFFFF0]  }
0x195: {  	v7 =	vld.idx.msk [tilespmem:v3+s31+$0x0], $0xffff  }
0x196: {  	v8 =	vld [tilespmem:s11+$0xFFFFFF80]  }
0x197: {  	v62 =	vld [tilespmem:s11+$0xFFFFFFA0]  }
0x198: {  	v5 =	vld [tilespmem:s11+$0xFFFFFFB0]  }
0x199: {  	v4 =	vld [tilespmem:s11+$0xFFFFFFD0]  }
0x19a: {  	v11 =	vld [tilespmem:s11+$0xFFFFFF90];
	v6 =	vmul.f32 v6, v7  }
0x19b: {  	v63 =	vld [tilespmem:s11+$0xFFFFFFE0];
	v8 =	vmul.f32 v8, v7  }
0x19c: {  	v12 =	vld [tilespmem:s11+$0xFFFFFFC0];
	v9 =	vmul.f32 v62, v7;
	[tilespmem:s11+$0xFFFFFFF0] =	vst v6  }
0x19d: {  	v5 =	vmul.f32 v5, v7;
	[tilespmem:s11+$0xFFFFFF80] =	vst v8  }
0x19e: {  	s30 =	simm.s32 $0x1;
	v4 =	vmul.f32 v4, v7;
	[tilespmem:s11+$0xFFFFFFA0] =	vst v9  }
0x19f: {  	v6 =	vmul.f32 v11, v7;
	[tilespmem:s11+$0xFFFFFFB0] =	vst v5;
	v8 =	vmov s30  }
0x1a0: {  	v2 =	vld [tilespmem:s11+$0x0];
	v5 =	vmul.f32 v63, v7;
	[tilespmem:s11+$0xFFFFFFD0] =	vst v4  }
0x1a1: {  	v3 =	vld [tilespmem:s11+$0x10];
	v4 =	vmul.f32 v12, v7;
	[tilespmem:s11+$0xFFFFFF90] =	vst v6  }
0x1a2: {  	[tilespmem:s11+$0xFFFFFFE0] =	vst v5;
	v6 =	vld [tilespmem:s11+$0x30]  }
0x1a3: {  	[tilespmem:s11+$0xFFFFFFC0] =	vst v4;
	v5 =	vld [tilespmem:s11+$0x70]  }
0x1a4: {  	s17 =	simm.s32 $0x2;
	s6 =	simm.s32 $0x8200;
	v4 =	vld.idx.msk [tilespmem:v8+s31+$0x0], $0xffff  }
.LBB2_8:
0x1a5: {  	p0 =	slt.u32 s17, $0x4E  }
0x1a6: {  	v7 =	vld [tilespmem:s11+$0x20];
	s6 =	sadd.s32 $0x100, s6;
	s1 =	smov.u32 s17;
	s17 =	sadd.s32 $0x2, s17  }
0x1a7: {  	v8 =	vld [tilespmem:s11+$0x40]  }
0x1a8: {  	v9 =	vld [tilespmem:s11+$0x50]  }
0x1a9: {  	v10 =	vld [tilespmem:s11+$0x60];
	_ =	sdelay $0x1  }
0x1aa: {  	v2 =	vmul.f32 v2, v4;
	v3 =	vmul.f32 v3, v4  }
0x1ab: {  	v6 =	vmul.f32 v6, v4;
	v7 =	vmul.f32 v7, v4  }
0x1ac: {  	v11 =	vmov s1;
	v8 =	vmul.f32 v8, v4;
	[tilespmem:s11+$0x0] =	vst v2;
	v9 =	vmul.f32 v9, v4  }
0x1ad: {  	v11 =	vand.u32 $0xFFFFFFFE, v11;
	v2 =	vld [tilespmem:s6+$0x0];
	[tilespmem:s11+$0x30] =	vst v6;
	v6 =	vmul.f32 v10, v4;
	v4 =	vmul.f32 v5, v4  }
0x1ae: {  	v5 =	vbroadcast v11, $0x0;
	[tilespmem:s11+$0x10] =	vst v3  }
0x1af: {  	[tilespmem:s11+$0x70] =	vst v4  }
0x1b0: {  	v4 =	vld [tilespmem:s6+$0xFFFFFFD0];
	[tilespmem:s11+$0x20] =	vst v7  }
0x1b1: {  	v7 =	vld [tilespmem:s6+$0xFFFFFFB0];
	[tilespmem:s11+$0x60] =	vst v6  }
0x1b2: {  	v6 =	vld [tilespmem:s6+$0xFFFFFFE0];
	[tilespmem:s11+$0x40] =	vst v8  }
0x1b3: {  	v8 =	vld [tilespmem:s6+$0xFFFFFFF0];
	[tilespmem:s11+$0x50] =	vst v9;
	s11 =	smov.u32 s6  }
0x1b4: {  	v5 =	vld.idx.msk [tilespmem:v5+s31+$0x0], $0xffff  }
0x1b5: {  	v9 =	vld [tilespmem:s6+$0xFFFFFF80]  }
0x1b6: {  	v10 =	vld [tilespmem:s6+$0xFFFFFFA0]  }
0x1b7: {  	v11 =	vld [tilespmem:s6+$0xFFFFFF90]  }
0x1b8: {  	v12 =	vld [tilespmem:s6+$0xFFFFFFC0]  }
0x1b9: {  	v3 =	vld [tilespmem:s6+$0x10]  }
0x1ba: {  	v8 =	vmul.f32 v8, v5;
	v9 =	vmul.f32 v9, v5  }
0x1bb: {  	v6 =	vmul.f32 v6, v5;
	v10 =	vmul.f32 v10, v5  }
0x1bc: {  	v7 =	vmul.f32 v7, v5;
	v11 =	vmul.f32 v11, v5;
	[tilespmem:s6+$0xFFFFFFF0] =	vst v8  }
0x1bd: {  	v4 =	vmul.f32 v4, v5;
	[tilespmem:s6+$0xFFFFFF80] =	vst v9;
	v8 =	vmul.f32 v12, v5  }
0x1be: {  	s1 =	sadd.s32 $0x1, s1;
	[tilespmem:s6+$0xFFFFFFA0] =	vst v10  }
0x1bf: {  	[tilespmem:s6+$0xFFFFFFB0] =	vst v7;
	v7 =	vmov s1  }
.Ltmp2:
0x1c0: {  	[tilespmem:s6+$0xFFFFFFD0] =	vst v4;
	(pc) =	sbr.rel @p0 .LBB2_8-.Ltmp2, $4  }
0x1c1: {  	[tilespmem:s6+$0xFFFFFF90] =	vst v11  }
0x1c2: {  	[tilespmem:s6+$0xFFFFFFE0] =	vst v6;
	v6 =	vld [tilespmem:s6+$0x30]  }
0x1c3: {  	[tilespmem:s6+$0xFFFFFFC0] =	vst v8;
	v5 =	vld [tilespmem:s6+$0x70]  }
0x1c4: {  	v4 =	vld.idx.msk [tilespmem:v7+s31+$0x0], $0xffff  }
0x1c5: {  	_ =	sdelay $0x1  }
0x1c6: {  	v7 =	vld [tilespmem:s11+$0x20]  }
0x1c7: {  	v10 =	vld [tilespmem:s11+$0x50]  }
0x1c8: {  	v2 =	vmul.f32 v2, v4  }
0x1c9: {  	v8 =	vld [tilespmem:s11+$0x60];
	v6 =	vmul.f32 v6, v4  }
0x1ca: {  	v9 =	vld [tilespmem:s11+$0x40];
	v3 =	vmul.f32 v3, v4;
	[tilespmem:s11+$0x0] =	vst v2  }
0x1cb: {  	v62 =	vmul.f32 v7, v4;
	[tilespmem:s11+$0x30] =	vst v6  }
0x1cc: {  	s15 =	sadd.s32 $0x1, s15;
	v63 =	vmul.f32 v10, v4;
	[tilespmem:s11+$0x10] =	vst v3  }
0x1cd: {  	p0 =	sne.s32 s15, $0x4;
	v2 =	vmul.f32 v5, v4;
	[tilespmem:s11+$0x20] =	vst v62  }
.Ltmp3:
0x1ce: {  	v3 =	vmul.f32 v8, v4;
	[tilespmem:s11+$0x50] =	vst v63;
	(pc) =	sbr.rel @p0 .LBB2_5-.Ltmp3, $4  }
0x1cf: {  	[tilespmem:s11+$0x70] =	vst v2;
	v2 =	vmul.f32 v9, v4  }
0x1d0: {  	[tilespmem:s11+$0x60] =	vst v3  }
0x1d1: {  	[tilespmem:s11+$0x40] =	vst v2  }
0x1d2: {  	[spmem:s2] =	stream.indirect.scatter.add.f32 [tilespmem:s25], [sflag:$0x4], $0x80, s16, s24, $0xb8;
	[tilespmem:$0x1EE80] =	vst v63  }
0x1d3: {  	s14 =	sadd.s32 $0x1, s14  }
0x1d4: {  	_ =	swait.ge [sflag:s3], $0x2800;
	p0 =	sne.s32 s14, s9  }
.Ltmp4:
0x1d5: {  	[sflag:s3] =	ssyncset.done $0x0;
	(pc) =	sbr.rel @p0 .LBB2_4-.Ltmp4, $4  }
0x1d6: {  	[sflag:s3] =	ssyncadd.s32 $0xFFFFD800  }
0x1d7: {  	_ =	swait.ge [sflag:s8], $0x2800  }
0x1d8: {  	[sflag:s8] =	ssyncset.done $0x0  }
0x1d9: {  	[sflag:s8] =	ssyncadd.s32 $0xFFFFD800  }
0x1da: {  	[bflag:$0x0] =	sbarrier.arrive $0xFFFF  }
0x1db: {  	s1 =	stileid.u32;
	s11 =	sld [smem:$0x7FA]  }
0x1dc: {  	s1 =	sshll.u32 s1, $0x6;
	s15 =	rddreg [dreg:$0x9]  }
0x1dd: {  	s1 =	sor.u32 $0x1C05, s1;
	s6 =	sshrl.u32 s15, $0x3  }
0x1de: {  	[hbm:s11], [sflag:s1] =	dma.local [spmem:s6], $0x2800  }
0x1df: {  	_ =	swait.ge [sflag:s19], $0x2800  }
0x1e0: {  	s12 =	sld [smem:$0x7FB]  }
0x1e1: {  	[sflag:s19] =	ssyncset.done $0x0;
	s11 =	rddreg [dreg:$0x1a]  }
0x1e2: {  	[sflag:s19] =	ssyncadd.s32 $0xFFFFD800;
	s16 =	sshrl.u32 s11, $0x3  }
0x1e3: {  	[hbm:s12], [sflag:s1] =	dma.local [spmem:s16], $0x50  }
0x1e4: {  	_ =	swait.ge [sflag:s19], $0x50  }
0x1e5: {  	s14 =	sld [smem:$0x7FC]  }
0x1e6: {  	[sflag:s19] =	ssyncset.done $0x0;
	s12 =	rddreg [dreg:$0x1b]  }
0x1e7: {  	[sflag:s19] =	ssyncadd.s32 $0xFFFFFFB0;
	s17 =	sshrl.u32 s12, $0x3  }
0x1e8: {  	[hbm:s14], [sflag:s1] =	dma.local [spmem:s17], $0x50  }
0x1e9: {  	_ =	swait.ge [sflag:s19], $0x50  }
0x1ea: {  	s30 =	sld [smem:$0x7FD]  }
0x1eb: {  	s29 =	rddreg [dreg:$0x6]  }
0x1ec: {  	s14 =	sadd.s32 $0x1, s29  }
0x1ed: {  	p0 =	sne.s32 s14, s30  }
.Ltmp5:
0x1ee: {  	_ = 	snop;
	(pc) =	sbr.rel @p0 .LBB2_1-.Ltmp5, $3  }
0x1ef: {  	_ =	sdelay $0x1  }
0x1f0: {  	[sflag:s19] =	ssyncset.done $0x0  }
0x1f1: {  	[sflag:s19] =	ssyncadd.s32 $0xFFFFFFB0  }
0x1f2: {  	_ =	sfence.sel $0x180000  }
0x1f3: {  	[bflag:$0x0] =	sbarrier.arrive $0xFFFF  }
0x1f4: {  	_ =	strace $0x90000047  }
0x1f5: {  	s0 =	stileid.u32;
	[bflag:$0x2] =	sbarrier.arrive $0xFFFF  }
0x1f6: {  	p0 =	sne.s32 s0, $0x0;
	s0 =	rddreg [dreg:$0x5]  }
0x1f7: {  	s0 =	sadd.s32 @!p0 $0x100000, s0  }
0x1f8: {  	[sflag:s0] =	ssyncadd.tile.s32 @!p0 $0x1;
	_ =	shalt  }
.Lfunc_end2:
_tile_overlayer_lowered:
.L_overlay_start_2:
0x1f9: {  	(tag) =	ssettag $0x2  }
0x1fa: {  	s0 =	rddreg [dreg:$0x0];
	s2 =	stileid.u32  }
0x1fb: {  	s1 =	rddreg [dreg:$0x1];
	p0 =	sne.s32 s2, $0x0  }
0x1fc: {  	s3 =	rddreg [dreg:$0x2];
	[bflag:$0x3] =	sbarrier.arrive $0xFFFF;
	s2 =	simm.s32 @!p0 $0x1C05  }
0x1fd: {  	[timem:s3], [sflag:s2] =	dma.local @!p0 [hbm:s0], s1  }
0x1fe: {  	s0 =	simm.s32 @!p0 $0x5  }
0x1ff: {  	_ =	swait.ge @!p0 [sflag:s0], s1  }
0x200: {  	s1 =	ssub.s32 @!p0 $0x0, s1;
	[sflag:s0] =	ssyncset.done @!p0 $0x0  }
0x201: {  	[sflag:s0] =	ssyncadd.s32 @!p0 s1  }
0x202: {  	[bflag:$0x3] =	sbarrier.arrive $0xFFFF  }
0x203: {  	_ =	shalt  }

</sc_bundles>
